<compile_context>
chip_gen: v7x
topology: tpu7x:2x2x1
jax: 0.10.2.dev20260603
libtpu: 0.0.44.dev20260713+nightly
codegen_flags: <defaults>
</compile_context>

<pallas_src>
import functools

import jax
import jax.numpy as jnp
from jax import lax
from jax.experimental import pallas as pl
from jax.experimental.pallas import tpu as pltpu
from jax.experimental.pallas import tpu_sc as plsc

N = 10000
E = 320000
D = 128
H = 128
C = 40
NCOMM = 100

NP = 10240
NCORE = 2
NSUB = 16
NWORK = NCORE * NSUB
CHUNK = 128
NCHS = 160
HALF = NCHS // 2
EPAD = NSUB * NCHS * CHUNK
ROWS_PER_SUB = NP // NSUB
DUMP_ROW = N + 64
WH1 = D // 2
WH2 = 32

_f32 = jnp.float32
_i32 = jnp.int32


def _h0_body(x_ref, comm_ref, wlin_ref, blin_ref):
    x = x_ref[...]
    comm = comm_ref[...]
    ids = lax.broadcasted_iota(_i32, (N, NCOMM), 1)
    onehot = (comm == ids).astype(_f32)
    csum = lax.dot_general(onehot, x, (((0,), (0,)), ((), ())),
                           preferred_element_type=_f32)
    cnt = jnp.sum(onehot, axis=0)[:, None]
    cmean = csum / jnp.maximum(cnt, 1.0)
    xc = jnp.dot(onehot, cmean, preferred_element_type=_f32)
    wlin = wlin_ref[...]
    h0 = x @ wlin[0:D] + xc @ wlin[D:2 * D] + blin_ref[...]
    return jnp.maximum(h0, 0.0)


def _deg_body(dst_hbm, out_hbm, idx_v, acc_v):
    cid = lax.axis_index("c")
    sid = lax.axis_index("s")
    wid = sid * NCORE + cid
    pltpu.sync_copy(dst_hbm.at[sid, pl.ds(cid * HALF, HALF)], idx_v)

    def _zero(i, _):
        acc_v[pl.ds(i * 16, 16)] = jnp.zeros((16,), _f32)
        return 0
    lax.fori_loop(0, NP // 16, _zero, 0)

    ones16 = jnp.full((16,), 1.0, _f32)

    def _edges(c, _):
        def _sub(j, __):
            idx = idx_v[c, pl.ds(j * 16, 16)]
            plsc.addupdate_scatter(acc_v, [idx], ones16)
            return 0
        lax.fori_loop(0, 8, _sub, 0)
        return 0
    lax.fori_loop(0, HALF, _edges, 0)
    pltpu.sync_copy(acc_v, out_hbm.at[wid])


_deg_call = functools.partial(
    pl.kernel,
    out_type=jax.ShapeDtypeStruct((NWORK, NP), _f32),
    mesh=plsc.VectorSubcoreMesh(core_axis_name="c", subcore_axis_name="s"),
    compiler_params=pltpu.CompilerParams(needs_layout_passes=False),
    scratch_types=[
        pltpu.VMEM((HALF, CHUNK), _i32),
        pltpu.VMEM((NP,), _f32),
    ],
)(_deg_body)


def _prep_body(degp_ref, x_ref, comm_ref, wlin_ref, blin_ref,
               dinv_ref, dinv1_ref, g_ref):
    h0 = _h0_body(x_ref, comm_ref, wlin_ref, blin_ref)
    deg = jnp.sum(degp_ref[...], axis=0) + 1.0
    dinv1 = lax.rsqrt(deg)
    dinv = dinv1[:, None]
    dinv_ref[...] = dinv
    dinv1_ref[...] = dinv1
    g = h0 * dinv[0:N]
    zpad = jnp.zeros((NP - N, WH1), _f32)
    g_ref[0, 0:N, :] = g[:, 0:WH1]
    g_ref[0, N:NP, :] = zpad
    g_ref[1, 0:N, :] = g[:, WH1:D]
    g_ref[1, N:NP, :] = zpad


def _prep_call(degp, x, comm2d, W_lin, blin2d):
    return pl.pallas_call(
        _prep_body,
        out_shape=(
            jax.ShapeDtypeStruct((NP, 1), _f32),
            jax.ShapeDtypeStruct((NP,), _f32),
            jax.ShapeDtypeStruct((NCORE, NP, WH1), _f32),
        ),
    )(degp, x, comm2d, W_lin, blin2d)


def _make_agg(wh, final=False):
    def _body(*refs):
        if final:
            (g_hbm, src_hbm, dst_hbm, dinv_hbm, b2_hbm, out_hbm,
             src_v, dst_v, buf0, buf1, buf2, dinv_v, b2_v, tab_sh, acc_sh,
             gsem0, gsem1, gsem2, ssem0, ssem1, ssem2) = refs
        else:
            (g_hbm, src_hbm, dst_hbm, out_hbm,
             src_v, dst_v, buf0, buf1, buf2, tab_sh, acc_sh,
             gsem0, gsem1, gsem2, ssem0, ssem1, ssem2) = refs
        bufs = (buf0, buf1, buf2)
        gsem = (gsem0, gsem1, gsem2)
        ssem = (ssem0, ssem1, ssem2)
        cid = lax.axis_index("c")
        sid = lax.axis_index("s")
        r0 = sid * ROWS_PER_SUB

        def _zrow(i, _):
            def _zf(f, __):
                bufs[0][i, pl.ds(f * 16, 16)] = jnp.zeros((16,), _f32)
                return 0
            lax.fori_loop(0, wh // 16, _zf, 0)
            return 0
        lax.fori_loop(0, CHUNK, _zrow, 0)
        for k in range(ROWS_PER_SUB // CHUNK):
            pltpu.sync_copy(bufs[0], acc_sh.at[pl.ds(r0 + k * CHUNK, CHUNK), :])
        pltpu.sync_copy(g_hbm.at[cid, pl.ds(r0, ROWS_PER_SUB), :],
                        tab_sh.at[pl.ds(r0, ROWS_PER_SUB), :])
        plsc.subcore_barrier()

        def _gwait(b):
            pltpu.make_async_copy(tab_sh.at[src_v.at[0]], bufs[b], gsem[b]).wait()

        def _swait(b):
            pltpu.make_async_copy(bufs[b], acc_sh.at[dst_v.at[0]], ssem[b]).wait()

        for h in range(2):
            pltpu.sync_copy(src_hbm.at[sid, pl.ds(h * HALF, HALF)], src_v)
            pltpu.sync_copy(dst_hbm.at[sid, pl.ds(h * HALF, HALF)], dst_v)
            pltpu.async_copy(tab_sh.at[src_v.at[0]], bufs[0], gsem[0])
            pltpu.async_copy(tab_sh.at[src_v.at[1]], bufs[1], gsem[1])
            _gwait(0)
            pltpu.async_copy(bufs[0], acc_sh.at[dst_v.at[0]], ssem[0], add=True)
            pltpu.async_copy(tab_sh.at[src_v.at[2]], bufs[2], gsem[2])
            _gwait(1)
            pltpu.async_copy(bufs[1], acc_sh.at[dst_v.at[1]], ssem[1], add=True)
            _swait(0)
            pltpu.async_copy(tab_sh.at[src_v.at[3]], bufs[0], gsem[0])

            def _step(s, _):
                for u in range(3):
                    j = s * 3 + u + 2
                    b = (u + 2) % 3
                    _gwait(b)
                    pltpu.async_copy(bufs[b], acc_sh.at[dst_v.at[j]], ssem[b], add=True)
                    _swait((b + 2) % 3)
                    pltpu.async_copy(tab_sh.at[src_v.at[j + 2]], bufs[(b + 2) % 3],
                                     gsem[(b + 2) % 3])
                return 0
            lax.fori_loop(0, (HALF - 4) // 3, _step, 0)

            j = HALF - 3
            b = j % 3
            _gwait(b)
            pltpu.async_copy(bufs[b], acc_sh.at[dst_v.at[j]], ssem[b], add=True)
            _swait((b + 2) % 3)
            pltpu.async_copy(tab_sh.at[src_v.at[j + 2]], bufs[(b + 2) % 3],
                             gsem[(b + 2) % 3])
            for j in range(HALF - 2, HALF):
                b = j % 3
                _gwait(b)
                pltpu.async_copy(bufs[b], acc_sh.at[dst_v.at[j]], ssem[b], add=True)
                _swait((b + 2) % 3)
            _swait((HALF - 1) % 3)

        plsc.subcore_barrier()
        if not final:
            pltpu.sync_copy(acc_sh.at[pl.ds(r0, ROWS_PER_SUB), :],
                            out_hbm.at[cid, pl.ds(r0, ROWS_PER_SUB), :])
        else:
            pltpu.sync_copy(dinv_hbm.at[pl.ds(r0, ROWS_PER_SUB)], dinv_v)
            pltpu.sync_copy(b2_hbm.at[cid], b2_v)
            bias = [b2_v[pl.ds(f * 16, 16)] for f in range(wh // 16)]
            for k in range(ROWS_PER_SUB // CHUNK):
                pltpu.sync_copy(acc_sh.at[pl.ds(r0 + k * CHUNK, CHUNK), :], buf0)
                pltpu.sync_copy(tab_sh.at[pl.ds(r0 + k * CHUNK, CHUNK), :], buf1)

                def _row(i, _, k=k):
                    dv = plsc.load_gather(
                        dinv_v, [jnp.broadcast_to(k * CHUNK + i, (16,))])
                    for f in range(wh // 16):
                        cs = pl.ds(f * 16, 16)
                        buf2[i, cs] = (buf0[i, cs] + buf1[i, cs]) * dv + bias[f]
                    return 0
                lax.fori_loop(0, CHUNK, _row, 0)

                rowg = r0 + k * CHUNK

                @pl.when(jnp.logical_and(rowg + CHUNK <= N, cid == 0))
                def _():
                    pltpu.sync_copy(buf2, out_hbm.at[pl.ds(rowg, CHUNK), pl.ds(0, WH2)])

                @pl.when(jnp.logical_and(rowg + CHUNK <= N, cid == 1))
                def _():
                    pltpu.sync_copy(buf2.at[:, pl.ds(0, C - WH2)],
                                    out_hbm.at[pl.ds(rowg, CHUNK), pl.ds(WH2, C - WH2)])

                @pl.when(jnp.logical_and(rowg == (N // CHUNK) * CHUNK, cid == 0))
                def _():
                    pltpu.sync_copy(buf2.at[pl.ds(0, N % CHUNK), :],
                                    out_hbm.at[pl.ds(rowg, N % CHUNK), pl.ds(0, WH2)])

                @pl.when(jnp.logical_and(rowg == (N // CHUNK) * CHUNK, cid == 1))
                def _():
                    pltpu.sync_copy(buf2.at[pl.ds(0, N % CHUNK), pl.ds(0, C - WH2)],
                                    out_hbm.at[pl.ds(rowg, N % CHUNK), pl.ds(WH2, C - WH2)])

    if final:
        out_type = jax.ShapeDtypeStruct((N, C), _f32)
        extra_scr = [pltpu.VMEM((ROWS_PER_SUB,), _f32), pltpu.VMEM((wh,), _f32)]
    else:
        out_type = jax.ShapeDtypeStruct((NCORE, NP, wh), _f32)
        extra_scr = []
    return functools.partial(
        pl.kernel,
        out_type=out_type,
        mesh=plsc.VectorSubcoreMesh(core_axis_name="c", subcore_axis_name="s"),
        compiler_params=pltpu.CompilerParams(
            needs_layout_passes=False,
            use_tc_tiling_on_sc=False,
        ),
        scratch_types=(
            [pltpu.VMEM((HALF, CHUNK), _i32)] * 2
            + [pltpu.VMEM((CHUNK, wh), _f32)] * 3
            + extra_scr
            + [pltpu.VMEM_SHARED((NP, wh), _f32)] * 2
            + [pltpu.SemaphoreType.DMA] * 6
        ),
    )(_body)


_agg_d = _make_agg(WH1)
_agg_w = _make_agg(WH2, final=True)


def _mid_body(agg_ref, g_ref, dinv_ref, w1_ref, b1_ref, w2_ref, q_ref):
    s = jnp.concatenate([agg_ref[0], agg_ref[1]], axis=-1)
    gg = jnp.concatenate([g_ref[0], g_ref[1]], axis=-1)
    dinv = dinv_ref[...]
    agg1 = dinv * (s + gg)
    h1 = jnp.maximum(agg1 @ w1_ref[...] + b1_ref[...], 0.0)
    q = dinv * (h1 @ w2_ref[...])
    q_ref[0, :, :] = q[:, 0:WH2]
    q_ref[1, :, :] = q[:, WH2:2 * WH2]


def _mid_call(agg, g, dinv, W1, b1_2d, W2p):
    return pl.pallas_call(
        _mid_body,
        out_shape=jax.ShapeDtypeStruct((NCORE, NP, WH2), _f32),
    )(agg, g, dinv, W1, b1_2d, W2p)


def kernel(x, edge_index, community, W_lin, b_lin, W1, b1, W2, b2):
    src = edge_index[0]
    dst = edge_index[1]
    pad = EPAD - E
    src3 = jnp.concatenate([src, jnp.zeros((pad,), _i32)]).reshape(NSUB, NCHS, CHUNK)
    dst3 = jnp.concatenate([dst, jnp.full((pad,), DUMP_ROW, _i32)]).reshape(NSUB, NCHS, CHUNK)
    W2p = jnp.pad(W2, ((0, 0), (0, 2 * WH2 - C)))
    b2p = jnp.stack([b2[0:WH2], jnp.pad(b2[WH2:C], (0, 2 * WH2 - C))])

    degp = _deg_call(dst3)
    dinv, dinv1, g = _prep_call(degp, x, community.reshape(N, 1), W_lin,
                                b_lin.reshape(1, H))
    aggp = _agg_d(g, src3, dst3)
    q = _mid_call(aggp, g, dinv, W1, b1.reshape(1, H), W2p)
    return _agg_w(q, src3, dst3, dinv1, b2p)

# --- scband reference (transcript-rebuilt; emitter-appended) ---
"""Pipeline reference for scband-community-gcn-489626272082 (READ-ONLY COPY).

The authoritative reference and input builder live on the scoring server;
editing this copy changes nothing except your own understanding.
"""

import jax, jax.numpy as jnp
import numpy as np

N = 10000
E = 320000
D = 128
H = 128
C = 40
NCOMM = 100


def _gcn_conv(h, src, dst, W, b, n):
    # add self-loops
    loops = jnp.arange(n, dtype=src.dtype)
    src2 = jnp.concatenate([src, loops])
    dst2 = jnp.concatenate([dst, loops])
    deg = jax.ops.segment_sum(jnp.ones(src2.shape[0], dtype=h.dtype), dst2, num_segments=n)
    dinv = 1.0 / jnp.sqrt(jnp.maximum(deg, 1.0))
    norm = dinv[src2] * dinv[dst2]
    msgs = h[src2] * norm[:, None]
    agg = jax.ops.segment_sum(msgs, dst2, num_segments=n)
    return agg @ W + b


def setup_inputs(seed: int = 0) -> dict:
    key = jax.random.key(seed)
    ks = jax.random.split(key, 10)
    x = jax.random.normal(ks[0], (N, D), dtype=jnp.float32)
    edge_index = jax.random.randint(ks[1], (2, E), 0, N, dtype=jnp.int32)
    community = jax.random.randint(ks[2], (N,), 0, NCOMM, dtype=jnp.int32)
    W_lin = jax.random.normal(ks[3], (2 * D, H), dtype=jnp.float32) * (1.0 / np.sqrt(2 * D))
    b_lin = jnp.zeros((H,), dtype=jnp.float32)
    W1 = jax.random.normal(ks[4], (H, H), dtype=jnp.float32) * (1.0 / np.sqrt(H))
    b1 = jnp.zeros((H,), dtype=jnp.float32)
    W2 = jax.random.normal(ks[5], (H, C), dtype=jnp.float32) * (1.0 / np.sqrt(H))
    b2 = jnp.zeros((C,), dtype=jnp.float32)
    return {"x": x, "edge_index": edge_index, "community": community,
            "W_lin": W_lin, "b_lin": b_lin, "W1": W1, "b1": b1, "W2": W2, "b2": b2}


def reference(x, edge_index, community, W_lin, b_lin, W1, b1, W2, b2):
    # CommunityPassing(aggr='mean'): per-community mean, gathered back to nodes
    ones = jnp.ones((N,), dtype=x.dtype)
    comm_sum = jax.ops.segment_sum(x, community, num_segments=NCOMM)
    comm_cnt = jax.ops.segment_sum(ones, community, num_segments=NCOMM)
    comm_mean = comm_sum / jnp.maximum(comm_cnt, 1.0)[:, None]
    x_comm = comm_mean[community]
    h = jnp.concatenate([x, x_comm], axis=-1)
    h = jax.nn.relu(h @ W_lin + b_lin)
    # dropout is identity in eval mode
    src, dst = edge_index[0], edge_index[1]
    h = jax.nn.relu(_gcn_conv(h, src, dst, W1, b1, N))
    out = _gcn_conv(h, src, dst, W2, b2, N)
    return out

if __name__ == "__main__":
    import jax
    _d = setup_inputs()
    print(jax.jit(kernel)(*tuple(_d.values())))

</pallas_src>

<mosaic_0001>
#map = affine_map<(d0, d1) -> (0, 0, 0)>
#map1 = affine_map<(d0, d1) -> (0, 0)>
module attributes {stable_mosaic.version = 14 : i64} {
  func.func @_deg_body(%arg0: i32, %arg1: i32, %arg2: memref<16x160x128xi32, #tpu.memory_space<hbm>>, %arg3: memref<32x10240xf32, #tpu.memory_space<hbm>>, %arg4: memref<80x128xi32, #tpu.memory_space<vmem>>, %arg5: memref<10240xf32, #tpu.memory_space<vmem>>) attributes {dimension_semantics = [#tpu.dimension_semantics<core_parallel>, #tpu.dimension_semantics<subcore_parallel>], iteration_bounds = array<i64: 2, 16>, scalar_prefetch = 0 : i64, scratch_operands = 2 : i64, tpu.core_type = #tpu.core_type<sc_vector_subcore>, window_params = [{transform_indices = #map}, {transform_indices = #map1}]} {
    %mul3A = arith.constant 2 : i32
    %mul3A_0 = arith.muli %arg1, %mul3A : i32
    %add3A = arith.addi %mul3A_0, %arg0 : i32
    %mul3A_1 = arith.constant 80 : i32
    %mul3A_2 = arith.muli %arg0, %mul3A_1 : i32
    "tpu.region"() ({
      %run_scoped3A = tpu.sem_alloc : memref<!tpu.dma_semaphore, #tpu.memory_space<semaphore_mem>>
      %dma_start3A = arith.constant 0 : i32
      %dma_start3A_17 = tpu.memref_slice %arg2[%arg1, %mul3A_2, %dma_start3A] : memref<16x160x128xi32, #tpu.memory_space<hbm>> -> memref<1x80x128xi32, #tpu.memory_space<hbm>>
      %dma_start3A_18 = tpu.memref_squeeze %dma_start3A_17 : memref<1x80x128xi32, #tpu.memory_space<hbm>> -> memref<80x128xi32, #tpu.memory_space<hbm>>
      %dma_start3A_19 = arith.constant 0 : i32
      %dma_start3A_20 = tpu.memref_slice %arg2[%arg1, %mul3A_2, %dma_start3A_19] : memref<16x160x128xi32, #tpu.memory_space<hbm>> -> memref<1x80x128xi32, #tpu.memory_space<hbm>>
      %dma_start3A_21 = tpu.memref_squeeze %dma_start3A_20 : memref<1x80x128xi32, #tpu.memory_space<hbm>> -> memref<80x128xi32, #tpu.memory_space<hbm>>
      tpu.enqueue_dma source(%dma_start3A_21 : memref<80x128xi32, #tpu.memory_space<hbm>>) target(%arg4 : memref<80x128xi32, #tpu.memory_space<vmem>>) target_semaphore(%run_scoped3A : memref<!tpu.dma_semaphore, #tpu.memory_space<semaphore_mem>>)
      %dma_wait3A = arith.constant 0 : i32
      %dma_wait3A_22 = tpu.memref_slice %arg2[%arg1, %mul3A_2, %dma_wait3A] : memref<16x160x128xi32, #tpu.memory_space<hbm>> -> memref<1x80x128xi32, #tpu.memory_space<hbm>>
      %dma_wait3A_23 = tpu.memref_squeeze %dma_wait3A_22 : memref<1x80x128xi32, #tpu.memory_space<hbm>> -> memref<80x128xi32, #tpu.memory_space<hbm>>
      %dma_wait3A_24 = arith.constant 0 : i32
      %dma_wait3A_25 = tpu.memref_slice %arg2[%arg1, %mul3A_2, %dma_wait3A_24] : memref<16x160x128xi32, #tpu.memory_space<hbm>> -> memref<1x80x128xi32, #tpu.memory_space<hbm>>
      %dma_wait3A_26 = tpu.memref_squeeze %dma_wait3A_25 : memref<1x80x128xi32, #tpu.memory_space<hbm>> -> memref<80x128xi32, #tpu.memory_space<hbm>>
      tpu.wait_dma2 semaphore(%run_scoped3A : memref<!tpu.dma_semaphore, #tpu.memory_space<semaphore_mem>>) src(%dma_wait3A_26 : memref<80x128xi32, #tpu.memory_space<hbm>>) dst(%arg4 : memref<80x128xi32, #tpu.memory_space<vmem>>)
      tpu.yield
    }) : () -> ()
    %scan3A = arith.constant 0 : i32
    %scan3A_3 = arith.constant 0 : i32
    %scan3A_4 = arith.constant 640 : i32
    %scan3A_5 = arith.addi %scan3A_3, %scan3A_4 : i32
    %scan3A_6 = arith.constant 1 : i32
    %scan3A_7 = scf.for %scan3A_17 = %scan3A_3 to %scan3A_5 step %scan3A_6 iter_args(%scan3A_18 = %scan3A) -> (i32)  : i32 {
      %broadcast_in_dim3A_19 = arith.constant 0.000000e+00 : f32
      %broadcast_in_dim3A_20 = vector.broadcast %broadcast_in_dim3A_19 : f32 to vector<16xf32>
      %mul3A_21 = arith.constant 16 : i32
      %mul3A_22 = arith.muli %scan3A_17, %mul3A_21 : i32
      %swap3A = arith.index_cast %mul3A_22 : i32 to index
      %swap3A_23 = tpu.vector_load %arg5[%swap3A] {strides = array<i32>} : memref<10240xf32, #tpu.memory_space<vmem>>, vector<16xf32>,
      tpu.vector_store %arg5[%swap3A], %broadcast_in_dim3A_20 {strides = array<i32>} : memref<10240xf32, #tpu.memory_space<vmem>>, vector<16xf32>,
      %scan3A_24 = arith.constant 0 : i32
      scf.yield %scan3A_24 : i32
    }
    %scan3A_8 = arith.constant 640 : i32
    %broadcast_in_dim3A = arith.constant 1.000000e+00 : f32
    %broadcast_in_dim3A_9 = vector.broadcast %broadcast_in_dim3A : f32 to vector<16xf32>
    %scan3A_10 = arith.constant 0 : i32
    %scan3A_11 = arith.constant 0 : i32
    %scan3A_12 = arith.constant 80 : i32
    %scan3A_13 = arith.addi %scan3A_11, %scan3A_12 : i32
    %scan3A_14 = arith.constant 1 : i32
    %scan3A_15 = scf.for %scan3A_17 = %scan3A_11 to %scan3A_13 step %scan3A_14 iter_args(%scan3A_18 = %scan3A_10) -> (i32)  : i32 {
      %scan3A_19 = arith.constant 0 : i32
      %scan3A_20 = arith.constant 0 : i32
      %scan3A_21 = arith.constant 8 : i32
      %scan3A_22 = arith.addi %scan3A_20, %scan3A_21 : i32
      %scan3A_23 = arith.constant 1 : i32
      %scan3A_24 = scf.for %scan3A_27 = %scan3A_20 to %scan3A_22 step %scan3A_23 iter_args(%scan3A_28 = %scan3A_19) -> (i32)  : i32 {
        %mul3A_29 = arith.constant 16 : i32
        %mul3A_30 = arith.muli %scan3A_27, %mul3A_29 : i32
        %get3A = arith.index_cast %scan3A_17 : i32 to index
        %get3A_31 = arith.index_cast %mul3A_30 : i32 to index
        %get3A_32 = tpu.vector_load %arg4[%get3A, %get3A_31] {strides = array<i32>} : memref<80x128xi32, #tpu.memory_space<vmem>>, vector<16xi32>,
        tpu.vector_store_idx %arg5[%get3A_32], %broadcast_in_dim3A_9 {add = true} : memref<10240xf32, #tpu.memory_space<vmem>>[vector<16xi32>], vector<16xf32>,
        %scan3A_33 = arith.constant 0 : i32
        scf.yield %scan3A_33 : i32
      }
      %scan3A_25 = arith.constant 8 : i32
      %scan3A_26 = arith.constant 0 : i32
      scf.yield %scan3A_26 : i32
    }
    %scan3A_16 = arith.constant 80 : i32
    "tpu.region"() ({
      %run_scoped3A = tpu.sem_alloc : memref<!tpu.dma_semaphore, #tpu.memory_space<semaphore_mem>>
      %dma_start3A = arith.constant 0 : i32
      %dma_start3A_17 = tpu.memref_slice %arg3[%add3A, %dma_start3A] : memref<32x10240xf32, #tpu.memory_space<hbm>> -> memref<1x10240xf32, #tpu.memory_space<hbm>>
      %dma_start3A_18 = tpu.memref_squeeze %dma_start3A_17 : memref<1x10240xf32, #tpu.memory_space<hbm>> -> memref<10240xf32, #tpu.memory_space<hbm>>
      %dma_start3A_19 = arith.constant 0 : i32
      %dma_start3A_20 = tpu.memref_slice %arg3[%add3A, %dma_start3A_19] : memref<32x10240xf32, #tpu.memory_space<hbm>> -> memref<1x10240xf32, #tpu.memory_space<hbm>>
      %dma_start3A_21 = tpu.memref_squeeze %dma_start3A_20 : memref<1x10240xf32, #tpu.memory_space<hbm>> -> memref<10240xf32, #tpu.memory_space<hbm>>
      tpu.enqueue_dma source(%arg5 : memref<10240xf32, #tpu.memory_space<vmem>>) target(%dma_start3A_21 : memref<10240xf32, #tpu.memory_space<hbm>>) target_semaphore(%run_scoped3A : memref<!tpu.dma_semaphore, #tpu.memory_space<semaphore_mem>>)
      %dma_wait3A = arith.constant 0 : i32
      %dma_wait3A_22 = tpu.memref_slice %arg3[%add3A, %dma_wait3A] : memref<32x10240xf32, #tpu.memory_space<hbm>> -> memref<1x10240xf32, #tpu.memory_space<hbm>>
      %dma_wait3A_23 = tpu.memref_squeeze %dma_wait3A_22 : memref<1x10240xf32, #tpu.memory_space<hbm>> -> memref<10240xf32, #tpu.memory_space<hbm>>
      %dma_wait3A_24 = arith.constant 0 : i32
      %dma_wait3A_25 = tpu.memref_slice %arg3[%add3A, %dma_wait3A_24] : memref<32x10240xf32, #tpu.memory_space<hbm>> -> memref<1x10240xf32, #tpu.memory_space<hbm>>
      %dma_wait3A_26 = tpu.memref_squeeze %dma_wait3A_25 : memref<1x10240xf32, #tpu.memory_space<hbm>> -> memref<10240xf32, #tpu.memory_space<hbm>>
      tpu.wait_dma2 semaphore(%run_scoped3A : memref<!tpu.dma_semaphore, #tpu.memory_space<semaphore_mem>>) src(%arg5 : memref<10240xf32, #tpu.memory_space<vmem>>) dst(%dma_wait3A_26 : memref<10240xf32, #tpu.memory_space<hbm>>)
      tpu.yield
    }) : () -> ()
    return
  }
}

#map = affine_map<(d0, d1) -> (0, 0, 0)>
module attributes {stable_mosaic.version = 14 : i64} {
  func.func @_body(%arg0: i32, %arg1: i32, %arg2: memref<2x10240x64xf32, #tpu.memory_space<hbm>>, %arg3: memref<16x160x128xi32, #tpu.memory_space<hbm>>, %arg4: memref<16x160x128xi32, #tpu.memory_space<hbm>>, %arg5: memref<2x10240x64xf32, #tpu.memory_space<hbm>>, %arg6: memref<80x128xi32, #tpu.memory_space<vmem>>, %arg7: memref<80x128xi32, #tpu.memory_space<vmem>>, %arg8: memref<128x64xf32, #tpu.memory_space<vmem>>, %arg9: memref<128x64xf32, #tpu.memory_space<vmem>>, %arg10: memref<128x64xf32, #tpu.memory_space<vmem>>, %arg11: memref<10240x64xf32, #tpu.memory_space<vmem_shared>>, %arg12: memref<10240x64xf32, #tpu.memory_space<vmem_shared>>, %arg13: memref<!tpu.dma_semaphore, #tpu.memory_space<semaphore_mem>>, %arg14: memref<!tpu.dma_semaphore, #tpu.memory_space<semaphore_mem>>, %arg15: memref<!tpu.dma_semaphore, #tpu.memory_space<semaphore_mem>>, %arg16: memref<!tpu.dma_semaphore, #tpu.memory_space<semaphore_mem>>, %arg17: memref<!tpu.dma_semaphore, #tpu.memory_space<semaphore_mem>>, %arg18: memref<!tpu.dma_semaphore, #tpu.memory_space<semaphore_mem>>) attributes {dimension_semantics = [#tpu.dimension_semantics<core_parallel>, #tpu.dimension_semantics<subcore_parallel>], iteration_bounds = array<i64: 2, 16>, scalar_prefetch = 0 : i64, scratch_operands = 13 : i64, tpu.core_type = #tpu.core_type<sc_vector_subcore>, window_params = [{transform_indices = #map}, {transform_indices = #map}, {transform_indices = #map}, {transform_indices = #map}]} {
    %mul3A = arith.constant 640 : i32
    %mul3A_0 = arith.muli %arg1, %mul3A : i32
    %scan3A = arith.constant 0 : i32
    %scan3A_1 = arith.constant 0 : i32
    %scan3A_2 = arith.constant 128 : i32
    %scan3A_3 = arith.addi %scan3A_1, %scan3A_2 : i32
    %scan3A_4 = arith.constant 1 : i32
    %scan3A_5 = scf.for %scan3A_309 = %scan3A_1 to %scan3A_3 step %scan3A_4 iter_args(%scan3A_310 = %scan3A) -> (i32)  : i32 {
      %scan3A_311 = arith.constant 0 : i32
      %scan3A_312 = arith.constant 0 : i32
      %scan3A_313 = arith.constant 4 : i32
      %scan3A_314 = arith.addi %scan3A_312, %scan3A_313 : i32
      %scan3A_315 = arith.constant 1 : i32
      %scan3A_316 = scf.for %scan3A_319 = %scan3A_312 to %scan3A_314 step %scan3A_315 iter_args(%scan3A_320 = %scan3A_311) -> (i32)  : i32 {
        %broadcast_in_dim3A = arith.constant 0.000000e+00 : f32
        %broadcast_in_dim3A_321 = vector.broadcast %broadcast_in_dim3A : f32 to vector<16xf32>
        %mul3A_322 = arith.constant 16 : i32
        %mul3A_323 = arith.muli %scan3A_319, %mul3A_322 : i32
        %swap3A = arith.index_cast %scan3A_309 : i32 to index
        %swap3A_324 = arith.index_cast %mul3A_323 : i32 to index
        %swap3A_325 = tpu.vector_load %arg8[%swap3A, %swap3A_324] {strides = array<i32>} : memref<128x64xf32, #tpu.memory_space<vmem>>, vector<16xf32>,
        tpu.vector_store %arg8[%swap3A, %swap3A_324], %broadcast_in_dim3A_321 {strides = array<i32>} : memref<128x64xf32, #tpu.memory_space<vmem>>, vector<16xf32>,
        %scan3A_326 = arith.constant 0 : i32
        scf.yield %scan3A_326 : i32
      }
      %scan3A_317 = arith.constant 4 : i32
      %scan3A_318 = arith.constant 0 : i32
      scf.yield %scan3A_318 : i32
    }
    %scan3A_6 = arith.constant 128 : i32
    %add3A = arith.constant 0 : i32
    %add3A_7 = arith.addi %mul3A_0, %add3A : i32
    "tpu.region"() ({
      %run_scoped3A = tpu.sem_alloc : memref<!tpu.dma_semaphore, #tpu.memory_space<semaphore_mem>>
      %dma_start3A_309 = arith.constant 0 : i32
      %dma_start3A_310 = tpu.memref_slice %arg12[%add3A_7, %dma_start3A_309] : memref<10240x64xf32, #tpu.memory_space<vmem_shared>> -> memref<128x64xf32, #tpu.memory_space<vmem_shared>>
      %dma_start3A_311 = arith.constant 0 : i32
      %dma_start3A_312 = tpu.memref_slice %arg12[%add3A_7, %dma_start3A_311] : memref<10240x64xf32, #tpu.memory_space<vmem_shared>> -> memref<128x64xf32, #tpu.memory_space<vmem_shared>>
      tpu.enqueue_dma source(%arg8 : memref<128x64xf32, #tpu.memory_space<vmem>>) target(%dma_start3A_312 : memref<128x64xf32, #tpu.memory_space<vmem_shared>>) target_semaphore(%run_scoped3A : memref<!tpu.dma_semaphore, #tpu.memory_space<semaphore_mem>>)
      %dma_wait3A_313 = arith.constant 0 : i32
      %dma_wait3A_314 = tpu.memref_slice %arg12[%add3A_7, %dma_wait3A_313] : memref<10240x64xf32, #tpu.memory_space<vmem_shared>> -> memref<128x64xf32, #tpu.memory_space<vmem_shared>>
      %dma_wait3A_315 = arith.constant 0 : i32
      %dma_wait3A_316 = tpu.memref_slice %arg12[%add3A_7, %dma_wait3A_315] : memref<10240x64xf32, #tpu.memory_space<vmem_shared>> -> memref<128x64xf32, #tpu.memory_space<vmem_shared>>
      tpu.wait_dma2 semaphore(%run_scoped3A : memref<!tpu.dma_semaphore, #tpu.memory_space<semaphore_mem>>) src(%arg8 : memref<128x64xf32, #tpu.memory_space<vmem>>) dst(%dma_wait3A_316 : memref<128x64xf32, #tpu.memory_space<vmem_shared>>)
      tpu.yield
    }) : () -> ()
    %add3A_8 = arith.constant 128 : i32
    %add3A_9 = arith.addi %mul3A_0, %add3A_8 : i32
    "tpu.region"() ({
      %run_scoped3A = tpu.sem_alloc : memref<!tpu.dma_semaphore, #tpu.memory_space<semaphore_mem>>
      %dma_start3A_309 = arith.constant 0 : i32
      %dma_start3A_310 = tpu.memref_slice %arg12[%add3A_9, %dma_start3A_309] : memref<10240x64xf32, #tpu.memory_space<vmem_shared>> -> memref<128x64xf32, #tpu.memory_space<vmem_shared>>
      %dma_start3A_311 = arith.constant 0 : i32
      %dma_start3A_312 = tpu.memref_slice %arg12[%add3A_9, %dma_start3A_311] : memref<10240x64xf32, #tpu.memory_space<vmem_shared>> -> memref<128x64xf32, #tpu.memory_space<vmem_shared>>
      tpu.enqueue_dma source(%arg8 : memref<128x64xf32, #tpu.memory_space<vmem>>) target(%dma_start3A_312 : memref<128x64xf32, #tpu.memory_space<vmem_shared>>) target_semaphore(%run_scoped3A : memref<!tpu.dma_semaphore, #tpu.memory_space<semaphore_mem>>)
      %dma_wait3A_313 = arith.constant 0 : i32
      %dma_wait3A_314 = tpu.memref_slice %arg12[%add3A_9, %dma_wait3A_313] : memref<10240x64xf32, #tpu.memory_space<vmem_shared>> -> memref<128x64xf32, #tpu.memory_space<vmem_shared>>
      %dma_wait3A_315 = arith.constant 0 : i32
      %dma_wait3A_316 = tpu.memref_slice %arg12[%add3A_9, %dma_wait3A_315] : memref<10240x64xf32, #tpu.memory_space<vmem_shared>> -> memref<128x64xf32, #tpu.memory_space<vmem_shared>>
      tpu.wait_dma2 semaphore(%run_scoped3A : memref<!tpu.dma_semaphore, #tpu.memory_space<semaphore_mem>>) src(%arg8 : memref<128x64xf32, #tpu.memory_space<vmem>>) dst(%dma_wait3A_316 : memref<128x64xf32, #tpu.memory_space<vmem_shared>>)
      tpu.yield
    }) : () -> ()
    %add3A_10 = arith.constant 256 : i32
    %add3A_11 = arith.addi %mul3A_0, %add3A_10 : i32
    "tpu.region"() ({
      %run_scoped3A = tpu.sem_alloc : memref<!tpu.dma_semaphore, #tpu.memory_space<semaphore_mem>>
      %dma_start3A_309 = arith.constant 0 : i32
      %dma_start3A_310 = tpu.memref_slice %arg12[%add3A_11, %dma_start3A_309] : memref<10240x64xf32, #tpu.memory_space<vmem_shared>> -> memref<128x64xf32, #tpu.memory_space<vmem_shared>>
      %dma_start3A_311 = arith.constant 0 : i32
      %dma_start3A_312 = tpu.memref_slice %arg12[%add3A_11, %dma_start3A_311] : memref<10240x64xf32, #tpu.memory_space<vmem_shared>> -> memref<128x64xf32, #tpu.memory_space<vmem_shared>>
      tpu.enqueue_dma source(%arg8 : memref<128x64xf32, #tpu.memory_space<vmem>>) target(%dma_start3A_312 : memref<128x64xf32, #tpu.memory_space<vmem_shared>>) target_semaphore(%run_scoped3A : memref<!tpu.dma_semaphore, #tpu.memory_space<semaphore_mem>>)
      %dma_wait3A_313 = arith.constant 0 : i32
      %dma_wait3A_314 = tpu.memref_slice %arg12[%add3A_11, %dma_wait3A_313] : memref<10240x64xf32, #tpu.memory_space<vmem_shared>> -> memref<128x64xf32, #tpu.memory_space<vmem_shared>>
      %dma_wait3A_315 = arith.constant 0 : i32
      %dma_wait3A_316 = tpu.memref_slice %arg12[%add3A_11, %dma_wait3A_315] : memref<10240x64xf32, #tpu.memory_space<vmem_shared>> -> memref<128x64xf32, #tpu.memory_space<vmem_shared>>
      tpu.wait_dma2 semaphore(%run_scoped3A : memref<!tpu.dma_semaphore, #tpu.memory_space<semaphore_mem>>) src(%arg8 : memref<128x64xf32, #tpu.memory_space<vmem>>) dst(%dma_wait3A_316 : memref<128x64xf32, #tpu.memory_space<vmem_shared>>)
      tpu.yield
    }) : () -> ()
    %add3A_12 = arith.constant 384 : i32
    %add3A_13 = arith.addi %mul3A_0, %add3A_12 : i32
    "tpu.region"() ({
      %run_scoped3A = tpu.sem_alloc : memref<!tpu.dma_semaphore, #tpu.memory_space<semaphore_mem>>
      %dma_start3A_309 = arith.constant 0 : i32
      %dma_start3A_310 = tpu.memref_slice %arg12[%add3A_13, %dma_start3A_309] : memref<10240x64xf32, #tpu.memory_space<vmem_shared>> -> memref<128x64xf32, #tpu.memory_space<vmem_shared>>
      %dma_start3A_311 = arith.constant 0 : i32
      %dma_start3A_312 = tpu.memref_slice %arg12[%add3A_13, %dma_start3A_311] : memref<10240x64xf32, #tpu.memory_space<vmem_shared>> -> memref<128x64xf32, #tpu.memory_space<vmem_shared>>
      tpu.enqueue_dma source(%arg8 : memref<128x64xf32, #tpu.memory_space<vmem>>) target(%dma_start3A_312 : memref<128x64xf32, #tpu.memory_space<vmem_shared>>) target_semaphore(%run_scoped3A : memref<!tpu.dma_semaphore, #tpu.memory_space<semaphore_mem>>)
      %dma_wait3A_313 = arith.constant 0 : i32
      %dma_wait3A_314 = tpu.memref_slice %arg12[%add3A_13, %dma_wait3A_313] : memref<10240x64xf32, #tpu.memory_space<vmem_shared>> -> memref<128x64xf32, #tpu.memory_space<vmem_shared>>
      %dma_wait3A_315 = arith.constant 0 : i32
      %dma_wait3A_316 = tpu.memref_slice %arg12[%add3A_13, %dma_wait3A_315] : memref<10240x64xf32, #tpu.memory_space<vmem_shared>> -> memref<128x64xf32, #tpu.memory_space<vmem_shared>>
      tpu.wait_dma2 semaphore(%run_scoped3A : memref<!tpu.dma_semaphore, #tpu.memory_space<semaphore_mem>>) src(%arg8 : memref<128x64xf32, #tpu.memory_space<vmem>>) dst(%dma_wait3A_316 : memref<128x64xf32, #tpu.memory_space<vmem_shared>>)
      tpu.yield
    }) : () -> ()
    %add3A_14 = arith.constant 512 : i32
    %add3A_15 = arith.addi %mul3A_0, %add3A_14 : i32
    "tpu.region"() ({
      %run_scoped3A = tpu.sem_alloc : memref<!tpu.dma_semaphore, #tpu.memory_space<semaphore_mem>>
      %dma_start3A_309 = arith.constant 0 : i32
      %dma_start3A_310 = tpu.memref_slice %arg12[%add3A_15, %dma_start3A_309] : memref<10240x64xf32, #tpu.memory_space<vmem_shared>> -> memref<128x64xf32, #tpu.memory_space<vmem_shared>>
      %dma_start3A_311 = arith.constant 0 : i32
      %dma_start3A_312 = tpu.memref_slice %arg12[%add3A_15, %dma_start3A_311] : memref<10240x64xf32, #tpu.memory_space<vmem_shared>> -> memref<128x64xf32, #tpu.memory_space<vmem_shared>>
      tpu.enqueue_dma source(%arg8 : memref<128x64xf32, #tpu.memory_space<vmem>>) target(%dma_start3A_312 : memref<128x64xf32, #tpu.memory_space<vmem_shared>>) target_semaphore(%run_scoped3A : memref<!tpu.dma_semaphore, #tpu.memory_space<semaphore_mem>>)
      %dma_wait3A_313 = arith.constant 0 : i32
      %dma_wait3A_314 = tpu.memref_slice %arg12[%add3A_15, %dma_wait3A_313] : memref<10240x64xf32, #tpu.memory_space<vmem_shared>> -> memref<128x64xf32, #tpu.memory_space<vmem_shared>>
      %dma_wait3A_315 = arith.constant 0 : i32
      %dma_wait3A_316 = tpu.memref_slice %arg12[%add3A_15, %dma_wait3A_315] : memref<10240x64xf32, #tpu.memory_space<vmem_shared>> -> memref<128x64xf32, #tpu.memory_space<vmem_shared>>
      tpu.wait_dma2 semaphore(%run_scoped3A : memref<!tpu.dma_semaphore, #tpu.memory_space<semaphore_mem>>) src(%arg8 : memref<128x64xf32, #tpu.memory_space<vmem>>) dst(%dma_wait3A_316 : memref<128x64xf32, #tpu.memory_space<vmem_shared>>)
      tpu.yield
    }) : () -> ()
    "tpu.region"() ({
      %run_scoped3A = tpu.sem_alloc : memref<!tpu.dma_semaphore, #tpu.memory_space<semaphore_mem>>
      %dma_start3A_309 = arith.constant 0 : i32
      %dma_start3A_310 = tpu.memref_slice %arg11[%mul3A_0, %dma_start3A_309] : memref<10240x64xf32, #tpu.memory_space<vmem_shared>> -> memref<640x64xf32, #tpu.memory_space<vmem_shared>>
      %dma_start3A_311 = arith.constant 0 : i32
      %dma_start3A_312 = tpu.memref_slice %arg2[%arg0, %mul3A_0, %dma_start3A_311] : memref<2x10240x64xf32, #tpu.memory_space<hbm>> -> memref<1x640x64xf32, #tpu.memory_space<hbm>>
      %dma_start3A_313 = tpu.memref_squeeze %dma_start3A_312 : memref<1x640x64xf32, #tpu.memory_space<hbm>> -> memref<640x64xf32, #tpu.memory_space<hbm>>
      tpu.enqueue_dma source(%dma_start3A_313 : memref<640x64xf32, #tpu.memory_space<hbm>>) target(%dma_start3A_310 : memref<640x64xf32, #tpu.memory_space<vmem_shared>>) target_semaphore(%run_scoped3A : memref<!tpu.dma_semaphore, #tpu.memory_space<semaphore_mem>>)
      %dma_wait3A_314 = arith.constant 0 : i32
      %dma_wait3A_315 = tpu.memref_slice %arg11[%mul3A_0, %dma_wait3A_314] : memref<10240x64xf32, #tpu.memory_space<vmem_shared>> -> memref<640x64xf32, #tpu.memory_space<vmem_shared>>
      %dma_wait3A_316 = arith.constant 0 : i32
      %dma_wait3A_317 = tpu.memref_slice %arg2[%arg0, %mul3A_0, %dma_wait3A_316] : memref<2x10240x64xf32, #tpu.memory_space<hbm>> -> memref<1x640x64xf32, #tpu.memory_space<hbm>>
      %dma_wait3A_318 = tpu.memref_squeeze %dma_wait3A_317 : memref<1x640x64xf32, #tpu.memory_space<hbm>> -> memref<640x64xf32, #tpu.memory_space<hbm>>
      tpu.wait_dma2 semaphore(%run_scoped3A : memref<!tpu.dma_semaphore, #tpu.memory_space<semaphore_mem>>) src(%dma_wait3A_318 : memref<640x64xf32, #tpu.memory_space<hbm>>) dst(%dma_wait3A_315 : memref<640x64xf32, #tpu.memory_space<vmem_shared>>)
      tpu.yield
    }) : () -> ()
    %barrier3A = arith.constant 0 : index
    tpu.barrier barrier_id(%barrier3A)
    "tpu.region"() ({
      %run_scoped3A = tpu.sem_alloc : memref<!tpu.dma_semaphore, #tpu.memory_space<semaphore_mem>>
      %dma_start3A_309 = arith.constant 0 : i32
      %dma_start3A_310 = arith.constant 0 : i32
      %dma_start3A_311 = tpu.memref_slice %arg3[%arg1, %dma_start3A_309, %dma_start3A_310] : memref<16x160x128xi32, #tpu.memory_space<hbm>> -> memref<1x80x128xi32, #tpu.memory_space<hbm>>
      %dma_start3A_312 = tpu.memref_squeeze %dma_start3A_311 : memref<1x80x128xi32, #tpu.memory_space<hbm>> -> memref<80x128xi32, #tpu.memory_space<hbm>>
      %dma_start3A_313 = arith.constant 0 : i32
      %dma_start3A_314 = arith.constant 0 : i32
      %dma_start3A_315 = tpu.memref_slice %arg3[%arg1, %dma_start3A_313, %dma_start3A_314] : memref<16x160x128xi32, #tpu.memory_space<hbm>> -> memref<1x80x128xi32, #tpu.memory_space<hbm>>
      %dma_start3A_316 = tpu.memref_squeeze %dma_start3A_315 : memref<1x80x128xi32, #tpu.memory_space<hbm>> -> memref<80x128xi32, #tpu.memory_space<hbm>>
      tpu.enqueue_dma source(%dma_start3A_316 : memref<80x128xi32, #tpu.memory_space<hbm>>) target(%arg6 : memref<80x128xi32, #tpu.memory_space<vmem>>) target_semaphore(%run_scoped3A : memref<!tpu.dma_semaphore, #tpu.memory_space<semaphore_mem>>)
      %dma_wait3A_317 = arith.constant 0 : i32
      %dma_wait3A_318 = arith.constant 0 : i32
      %dma_wait3A_319 = tpu.memref_slice %arg3[%arg1, %dma_wait3A_317, %dma_wait3A_318] : memref<16x160x128xi32, #tpu.memory_space<hbm>> -> memref<1x80x128xi32, #tpu.memory_space<hbm>>
      %dma_wait3A_320 = tpu.memref_squeeze %dma_wait3A_319 : memref<1x80x128xi32, #tpu.memory_space<hbm>> -> memref<80x128xi32, #tpu.memory_space<hbm>>
      %dma_wait3A_321 = arith.constant 0 : i32
      %dma_wait3A_322 = arith.constant 0 : i32
      %dma_wait3A_323 = tpu.memref_slice %arg3[%arg1, %dma_wait3A_321, %dma_wait3A_322] : memref<16x160x128xi32, #tpu.memory_space<hbm>> -> memref<1x80x128xi32, #tpu.memory_space<hbm>>
      %dma_wait3A_324 = tpu.memref_squeeze %dma_wait3A_323 : memref<1x80x128xi32, #tpu.memory_space<hbm>> -> memref<80x128xi32, #tpu.memory_space<hbm>>
      tpu.wait_dma2 semaphore(%run_scoped3A : memref<!tpu.dma_semaphore, #tpu.memory_space<semaphore_mem>>) src(%dma_wait3A_324 : memref<80x128xi32, #tpu.memory_space<hbm>>) dst(%arg6 : memref<80x128xi32, #tpu.memory_space<vmem>>)
      tpu.yield
    }) : () -> ()
    "tpu.region"() ({
      %run_scoped3A = tpu.sem_alloc : memref<!tpu.dma_semaphore, #tpu.memory_space<semaphore_mem>>
      %dma_start3A_309 = arith.constant 0 : i32
      %dma_start3A_310 = arith.constant 0 : i32
      %dma_start3A_311 = tpu.memref_slice %arg4[%arg1, %dma_start3A_309, %dma_start3A_310] : memref<16x160x128xi32, #tpu.memory_space<hbm>> -> memref<1x80x128xi32, #tpu.memory_space<hbm>>
      %dma_start3A_312 = tpu.memref_squeeze %dma_start3A_311 : memref<1x80x128xi32, #tpu.memory_space<hbm>> -> memref<80x128xi32, #tpu.memory_space<hbm>>
      %dma_start3A_313 = arith.constant 0 : i32
      %dma_start3A_314 = arith.constant 0 : i32
      %dma_start3A_315 = tpu.memref_slice %arg4[%arg1, %dma_start3A_313, %dma_start3A_314] : memref<16x160x128xi32, #tpu.memory_space<hbm>> -> memref<1x80x128xi32, #tpu.memory_space<hbm>>
      %dma_start3A_316 = tpu.memref_squeeze %dma_start3A_315 : memref<1x80x128xi32, #tpu.memory_space<hbm>> -> memref<80x128xi32, #tpu.memory_space<hbm>>
      tpu.enqueue_dma source(%dma_start3A_316 : memref<80x128xi32, #tpu.memory_space<hbm>>) target(%arg7 : memref<80x128xi32, #tpu.memory_space<vmem>>) target_semaphore(%run_scoped3A : memref<!tpu.dma_semaphore, #tpu.memory_space<semaphore_mem>>)
      %dma_wait3A_317 = arith.constant 0 : i32
      %dma_wait3A_318 = arith.constant 0 : i32
      %dma_wait3A_319 = tpu.memref_slice %arg4[%arg1, %dma_wait3A_317, %dma_wait3A_318] : memref<16x160x128xi32, #tpu.memory_space<hbm>> -> memref<1x80x128xi32, #tpu.memory_space<hbm>>
      %dma_wait3A_320 = tpu.memref_squeeze %dma_wait3A_319 : memref<1x80x128xi32, #tpu.memory_space<hbm>> -> memref<80x128xi32, #tpu.memory_space<hbm>>
      %dma_wait3A_321 = arith.constant 0 : i32
      %dma_wait3A_322 = arith.constant 0 : i32
      %dma_wait3A_323 = tpu.memref_slice %arg4[%arg1, %dma_wait3A_321, %dma_wait3A_322] : memref<16x160x128xi32, #tpu.memory_space<hbm>> -> memref<1x80x128xi32, #tpu.memory_space<hbm>>
      %dma_wait3A_324 = tpu.memref_squeeze %dma_wait3A_323 : memref<1x80x128xi32, #tpu.memory_space<hbm>> -> memref<80x128xi32, #tpu.memory_space<hbm>>
      tpu.wait_dma2 semaphore(%run_scoped3A : memref<!tpu.dma_semaphore, #tpu.memory_space<semaphore_mem>>) src(%dma_wait3A_324 : memref<80x128xi32, #tpu.memory_space<hbm>>) dst(%arg7 : memref<80x128xi32, #tpu.memory_space<vmem>>)
      tpu.yield
    }) : () -> ()
    %dma_start3A = arith.constant 0 : i32
    %dma_start3A_16 = arith.constant 0 : i32
    %dma_start3A_17 = tpu.memref_slice %arg6[%dma_start3A, %dma_start3A_16] : memref<80x128xi32, #tpu.memory_space<vmem>> -> memref<1x128xi32, #tpu.memory_space<vmem>>
    %dma_start3A_18 = tpu.memref_squeeze %dma_start3A_17 : memref<1x128xi32, #tpu.memory_space<vmem>> -> memref<128xi32, #tpu.memory_space<vmem>>
    %dma_start3A_19 = arith.constant 0 : i32
    %dma_start3A_20 = arith.constant 0 : i32
    %dma_start3A_21 = tpu.memref_slice %arg11[%dma_start3A_19, %dma_start3A_20] : memref<10240x64xf32, #tpu.memory_space<vmem_shared>> -> memref<10240x64xf32, #tpu.memory_space<vmem_shared>>
    tpu.enqueue_indirect_dma source(%dma_start3A_21 : memref<10240x64xf32, #tpu.memory_space<vmem_shared>>) target(%arg8 : memref<128x64xf32, #tpu.memory_space<vmem>>) offsets(%dma_start3A_18 : memref<128xi32, #tpu.memory_space<vmem>>) semaphore(%arg13 : memref<!tpu.dma_semaphore, #tpu.memory_space<semaphore_mem>>)
    %dma_start3A_22 = arith.constant 1 : i32
    %dma_start3A_23 = arith.constant 0 : i32
    %dma_start3A_24 = tpu.memref_slice %arg6[%dma_start3A_22, %dma_start3A_23] : memref<80x128xi32, #tpu.memory_space<vmem>> -> memref<1x128xi32, #tpu.memory_space<vmem>>
    %dma_start3A_25 = tpu.memref_squeeze %dma_start3A_24 : memref<1x128xi32, #tpu.memory_space<vmem>> -> memref<128xi32, #tpu.memory_space<vmem>>
    %dma_start3A_26 = arith.constant 0 : i32
    %dma_start3A_27 = arith.constant 0 : i32
    %dma_start3A_28 = tpu.memref_slice %arg11[%dma_start3A_26, %dma_start3A_27] : memref<10240x64xf32, #tpu.memory_space<vmem_shared>> -> memref<10240x64xf32, #tpu.memory_space<vmem_shared>>
    tpu.enqueue_indirect_dma source(%dma_start3A_28 : memref<10240x64xf32, #tpu.memory_space<vmem_shared>>) target(%arg9 : memref<128x64xf32, #tpu.memory_space<vmem>>) offsets(%dma_start3A_25 : memref<128xi32, #tpu.memory_space<vmem>>) semaphore(%arg14 : memref<!tpu.dma_semaphore, #tpu.memory_space<semaphore_mem>>)
    %dma_wait3A = arith.constant 0 : i32
    %dma_wait3A_29 = arith.constant 0 : i32
    %dma_wait3A_30 = tpu.memref_slice %arg6[%dma_wait3A, %dma_wait3A_29] : memref<80x128xi32, #tpu.memory_space<vmem>> -> memref<1x128xi32, #tpu.memory_space<vmem>>
    %dma_wait3A_31 = tpu.memref_squeeze %dma_wait3A_30 : memref<1x128xi32, #tpu.memory_space<vmem>> -> memref<128xi32, #tpu.memory_space<vmem>>
    %dma_wait3A_32 = arith.constant 0 : i32
    %dma_wait3A_33 = arith.constant 0 : i32
    %dma_wait3A_34 = tpu.memref_slice %arg11[%dma_wait3A_32, %dma_wait3A_33] : memref<10240x64xf32, #tpu.memory_space<vmem_shared>> -> memref<10240x64xf32, #tpu.memory_space<vmem_shared>>
    tpu.wait_indirect_dma semaphore(%arg13 : memref<!tpu.dma_semaphore, #tpu.memory_space<semaphore_mem>>) src(%dma_wait3A_34 : memref<10240x64xf32, #tpu.memory_space<vmem_shared>>) dst(%arg8 : memref<128x64xf32, #tpu.memory_space<vmem>>)
    %dma_start3A_35 = arith.constant 0 : i32
    %dma_start3A_36 = arith.constant 0 : i32
    %dma_start3A_37 = tpu.memref_slice %arg7[%dma_start3A_35, %dma_start3A_36] : memref<80x128xi32, #tpu.memory_space<vmem>> -> memref<1x128xi32, #tpu.memory_space<vmem>>
    %dma_start3A_38 = tpu.memref_squeeze %dma_start3A_37 : memref<1x128xi32, #tpu.memory_space<vmem>> -> memref<128xi32, #tpu.memory_space<vmem>>
    %dma_start3A_39 = arith.constant 0 : i32
    %dma_start3A_40 = arith.constant 0 : i32
    %dma_start3A_41 = tpu.memref_slice %arg12[%dma_start3A_39, %dma_start3A_40] : memref<10240x64xf32, #tpu.memory_space<vmem_shared>> -> memref<10240x64xf32, #tpu.memory_space<vmem_shared>>
    tpu.enqueue_indirect_dma source(%arg8 : memref<128x64xf32, #tpu.memory_space<vmem>>) target(%dma_start3A_41 : memref<10240x64xf32, #tpu.memory_space<vmem_shared>>) offsets(%dma_start3A_38 : memref<128xi32, #tpu.memory_space<vmem>>) semaphore(%arg16 : memref<!tpu.dma_semaphore, #tpu.memory_space<semaphore_mem>>) {add = true}
    %dma_start3A_42 = arith.constant 2 : i32
    %dma_start3A_43 = arith.constant 0 : i32
    %dma_start3A_44 = tpu.memref_slice %arg6[%dma_start3A_42, %dma_start3A_43] : memref<80x128xi32, #tpu.memory_space<vmem>> -> memref<1x128xi32, #tpu.memory_space<vmem>>
    %dma_start3A_45 = tpu.memref_squeeze %dma_start3A_44 : memref<1x128xi32, #tpu.memory_space<vmem>> -> memref<128xi32, #tpu.memory_space<vmem>>
    %dma_start3A_46 = arith.constant 0 : i32
    %dma_start3A_47 = arith.constant 0 : i32
    %dma_start3A_48 = tpu.memref_slice %arg11[%dma_start3A_46, %dma_start3A_47] : memref<10240x64xf32, #tpu.memory_space<vmem_shared>> -> memref<10240x64xf32, #tpu.memory_space<vmem_shared>>
    tpu.enqueue_indirect_dma source(%dma_start3A_48 : memref<10240x64xf32, #tpu.memory_space<vmem_shared>>) target(%arg10 : memref<128x64xf32, #tpu.memory_space<vmem>>) offsets(%dma_start3A_45 : memref<128xi32, #tpu.memory_space<vmem>>) semaphore(%arg15 : memref<!tpu.dma_semaphore, #tpu.memory_space<semaphore_mem>>)
    %dma_wait3A_49 = arith.constant 0 : i32
    %dma_wait3A_50 = arith.constant 0 : i32
    %dma_wait3A_51 = tpu.memref_slice %arg6[%dma_wait3A_49, %dma_wait3A_50] : memref<80x128xi32, #tpu.memory_space<vmem>> -> memref<1x128xi32, #tpu.memory_space<vmem>>
    %dma_wait3A_52 = tpu.memref_squeeze %dma_wait3A_51 : memref<1x128xi32, #tpu.memory_space<vmem>> -> memref<128xi32, #tpu.memory_space<vmem>>
    %dma_wait3A_53 = arith.constant 0 : i32
    %dma_wait3A_54 = arith.constant 0 : i32
    %dma_wait3A_55 = tpu.memref_slice %arg11[%dma_wait3A_53, %dma_wait3A_54] : memref<10240x64xf32, #tpu.memory_space<vmem_shared>> -> memref<10240x64xf32, #tpu.memory_space<vmem_shared>>
    tpu.wait_indirect_dma semaphore(%arg14 : memref<!tpu.dma_semaphore, #tpu.memory_space<semaphore_mem>>) src(%dma_wait3A_55 : memref<10240x64xf32, #tpu.memory_space<vmem_shared>>) dst(%arg9 : memref<128x64xf32, #tpu.memory_space<vmem>>)
    %dma_start3A_56 = arith.constant 1 : i32
    %dma_start3A_57 = arith.constant 0 : i32
    %dma_start3A_58 = tpu.memref_slice %arg7[%dma_start3A_56, %dma_start3A_57] : memref<80x128xi32, #tpu.memory_space<vmem>> -> memref<1x128xi32, #tpu.memory_space<vmem>>
    %dma_start3A_59 = tpu.memref_squeeze %dma_start3A_58 : memref<1x128xi32, #tpu.memory_space<vmem>> -> memref<128xi32, #tpu.memory_space<vmem>>
    %dma_start3A_60 = arith.constant 0 : i32
    %dma_start3A_61 = arith.constant 0 : i32
    %dma_start3A_62 = tpu.memref_slice %arg12[%dma_start3A_60, %dma_start3A_61] : memref<10240x64xf32, #tpu.memory_space<vmem_shared>> -> memref<10240x64xf32, #tpu.memory_space<vmem_shared>>
    tpu.enqueue_indirect_dma source(%arg9 : memref<128x64xf32, #tpu.memory_space<vmem>>) target(%dma_start3A_62 : memref<10240x64xf32, #tpu.memory_space<vmem_shared>>) offsets(%dma_start3A_59 : memref<128xi32, #tpu.memory_space<vmem>>) semaphore(%arg17 : memref<!tpu.dma_semaphore, #tpu.memory_space<semaphore_mem>>) {add = true}
    %dma_wait3A_63 = arith.constant 0 : i32
    %dma_wait3A_64 = arith.constant 0 : i32
    %dma_wait3A_65 = tpu.memref_slice %arg7[%dma_wait3A_63, %dma_wait3A_64] : memref<80x128xi32, #tpu.memory_space<vmem>> -> memref<1x128xi32, #tpu.memory_space<vmem>>
    %dma_wait3A_66 = tpu.memref_squeeze %dma_wait3A_65 : memref<1x128xi32, #tpu.memory_space<vmem>> -> memref<128xi32, #tpu.memory_space<vmem>>
    %dma_wait3A_67 = arith.constant 0 : i32
    %dma_wait3A_68 = arith.constant 0 : i32
    %dma_wait3A_69 = tpu.memref_slice %arg12[%dma_wait3A_67, %dma_wait3A_68] : memref<10240x64xf32, #tpu.memory_space<vmem_shared>> -> memref<10240x64xf32, #tpu.memory_space<vmem_shared>>
    tpu.wait_indirect_dma semaphore(%arg16 : memref<!tpu.dma_semaphore, #tpu.memory_space<semaphore_mem>>) src(%arg8 : memref<128x64xf32, #tpu.memory_space<vmem>>) dst(%dma_wait3A_69 : memref<10240x64xf32, #tpu.memory_space<vmem_shared>>)
    %dma_start3A_70 = arith.constant 3 : i32
    %dma_start3A_71 = arith.constant 0 : i32
    %dma_start3A_72 = tpu.memref_slice %arg6[%dma_start3A_70, %dma_start3A_71] : memref<80x128xi32, #tpu.memory_space<vmem>> -> memref<1x128xi32, #tpu.memory_space<vmem>>
    %dma_start3A_73 = tpu.memref_squeeze %dma_start3A_72 : memref<1x128xi32, #tpu.memory_space<vmem>> -> memref<128xi32, #tpu.memory_space<vmem>>
    %dma_start3A_74 = arith.constant 0 : i32
    %dma_start3A_75 = arith.constant 0 : i32
    %dma_start3A_76 = tpu.memref_slice %arg11[%dma_start3A_74, %dma_start3A_75] : memref<10240x64xf32, #tpu.memory_space<vmem_shared>> -> memref<10240x64xf32, #tpu.memory_space<vmem_shared>>
    tpu.enqueue_indirect_dma source(%dma_start3A_76 : memref<10240x64xf32, #tpu.memory_space<vmem_shared>>) target(%arg8 : memref<128x64xf32, #tpu.memory_space<vmem>>) offsets(%dma_start3A_73 : memref<128xi32, #tpu.memory_space<vmem>>) semaphore(%arg13 : memref<!tpu.dma_semaphore, #tpu.memory_space<semaphore_mem>>)
    %scan3A_77 = arith.constant 0 : i32
    %scan3A_78 = arith.constant 0 : i32
    %scan3A_79 = arith.constant 25 : i32
    %scan3A_80 = arith.addi %scan3A_78, %scan3A_79 : i32
    %scan3A_81 = arith.constant 1 : i32
    %scan3A_82 = scf.for %scan3A_309 = %scan3A_78 to %scan3A_80 step %scan3A_81 iter_args(%scan3A_310 = %scan3A_77) -> (i32)  : i32 {
      %mul3A_311 = arith.constant 3 : i32
      %mul3A_312 = arith.muli %scan3A_309, %mul3A_311 : i32
      %add3A_313 = arith.constant 0 : i32
      %add3A_314 = arith.addi %mul3A_312, %add3A_313 : i32
      %add3A_315 = arith.constant 2 : i32
      %add3A_316 = arith.addi %add3A_314, %add3A_315 : i32
      %dma_wait3A_317 = arith.constant 0 : i32
      %dma_wait3A_318 = arith.constant 0 : i32
      %dma_wait3A_319 = tpu.memref_slice %arg6[%dma_wait3A_317, %dma_wait3A_318] : memref<80x128xi32, #tpu.memory_space<vmem>> -> memref<1x128xi32, #tpu.memory_space<vmem>>
      %dma_wait3A_320 = tpu.memref_squeeze %dma_wait3A_319 : memref<1x128xi32, #tpu.memory_space<vmem>> -> memref<128xi32, #tpu.memory_space<vmem>>
      %dma_wait3A_321 = arith.constant 0 : i32
      %dma_wait3A_322 = arith.constant 0 : i32
      %dma_wait3A_323 = tpu.memref_slice %arg11[%dma_wait3A_321, %dma_wait3A_322] : memref<10240x64xf32, #tpu.memory_space<vmem_shared>> -> memref<10240x64xf32, #tpu.memory_space<vmem_shared>>
      tpu.wait_indirect_dma semaphore(%arg15 : memref<!tpu.dma_semaphore, #tpu.memory_space<semaphore_mem>>) src(%dma_wait3A_323 : memref<10240x64xf32, #tpu.memory_space<vmem_shared>>) dst(%arg10 : memref<128x64xf32, #tpu.memory_space<vmem>>)
      %dma_start3A_324 = arith.constant 0 : i32
      %dma_start3A_325 = tpu.memref_slice %arg7[%add3A_316, %dma_start3A_324] : memref<80x128xi32, #tpu.memory_space<vmem>> -> memref<1x128xi32, #tpu.memory_space<vmem>>
      %dma_start3A_326 = tpu.memref_squeeze %dma_start3A_325 : memref<1x128xi32, #tpu.memory_space<vmem>> -> memref<128xi32, #tpu.memory_space<vmem>>
      %dma_start3A_327 = arith.constant 0 : i32
      %dma_start3A_328 = arith.constant 0 : i32
      %dma_start3A_329 = tpu.memref_slice %arg12[%dma_start3A_327, %dma_start3A_328] : memref<10240x64xf32, #tpu.memory_space<vmem_shared>> -> memref<10240x64xf32, #tpu.memory_space<vmem_shared>>
      tpu.enqueue_indirect_dma source(%arg10 : memref<128x64xf32, #tpu.memory_space<vmem>>) target(%dma_start3A_329 : memref<10240x64xf32, #tpu.memory_space<vmem_shared>>) offsets(%dma_start3A_326 : memref<128xi32, #tpu.memory_space<vmem>>) semaphore(%arg18 : memref<!tpu.dma_semaphore, #tpu.memory_space<semaphore_mem>>) {add = true}
      %dma_wait3A_330 = arith.constant 0 : i32
      %dma_wait3A_331 = arith.constant 0 : i32
      %dma_wait3A_332 = tpu.memref_slice %arg7[%dma_wait3A_330, %dma_wait3A_331] : memref<80x128xi32, #tpu.memory_space<vmem>> -> memref<1x128xi32, #tpu.memory_space<vmem>>
      %dma_wait3A_333 = tpu.memref_squeeze %dma_wait3A_332 : memref<1x128xi32, #tpu.memory_space<vmem>> -> memref<128xi32, #tpu.memory_space<vmem>>
      %dma_wait3A_334 = arith.constant 0 : i32
      %dma_wait3A_335 = arith.constant 0 : i32
      %dma_wait3A_336 = tpu.memref_slice %arg12[%dma_wait3A_334, %dma_wait3A_335] : memref<10240x64xf32, #tpu.memory_space<vmem_shared>> -> memref<10240x64xf32, #tpu.memory_space<vmem_shared>>
      tpu.wait_indirect_dma semaphore(%arg17 : memref<!tpu.dma_semaphore, #tpu.memory_space<semaphore_mem>>) src(%arg9 : memref<128x64xf32, #tpu.memory_space<vmem>>) dst(%dma_wait3A_336 : memref<10240x64xf32, #tpu.memory_space<vmem_shared>>)
      %add3A_337 = arith.constant 2 : i32
      %add3A_338 = arith.addi %add3A_316, %add3A_337 : i32
      %dma_start3A_339 = arith.constant 0 : i32
      %dma_start3A_340 = tpu.memref_slice %arg6[%add3A_338, %dma_start3A_339] : memref<80x128xi32, #tpu.memory_space<vmem>> -> memref<1x128xi32, #tpu.memory_space<vmem>>
      %dma_start3A_341 = tpu.memref_squeeze %dma_start3A_340 : memref<1x128xi32, #tpu.memory_space<vmem>> -> memref<128xi32, #tpu.memory_space<vmem>>
      %dma_start3A_342 = arith.constant 0 : i32
      %dma_start3A_343 = arith.constant 0 : i32
      %dma_start3A_344 = tpu.memref_slice %arg11[%dma_start3A_342, %dma_start3A_343] : memref<10240x64xf32, #tpu.memory_space<vmem_shared>> -> memref<10240x64xf32, #tpu.memory_space<vmem_shared>>
      tpu.enqueue_indirect_dma source(%dma_start3A_344 : memref<10240x64xf32, #tpu.memory_space<vmem_shared>>) target(%arg9 : memref<128x64xf32, #tpu.memory_space<vmem>>) offsets(%dma_start3A_341 : memref<128xi32, #tpu.memory_space<vmem>>) semaphore(%arg14 : memref<!tpu.dma_semaphore, #tpu.memory_space<semaphore_mem>>)
      %mul3A_345 = arith.constant 3 : i32
      %mul3A_346 = arith.muli %scan3A_309, %mul3A_345 : i32
      %add3A_347 = arith.constant 1 : i32
      %add3A_348 = arith.addi %mul3A_346, %add3A_347 : i32
      %add3A_349 = arith.constant 2 : i32
      %add3A_350 = arith.addi %add3A_348, %add3A_349 : i32
      %dma_wait3A_351 = arith.constant 0 : i32
      %dma_wait3A_352 = arith.constant 0 : i32
      %dma_wait3A_353 = tpu.memref_slice %arg6[%dma_wait3A_351, %dma_wait3A_352] : memref<80x128xi32, #tpu.memory_space<vmem>> -> memref<1x128xi32, #tpu.memory_space<vmem>>
      %dma_wait3A_354 = tpu.memref_squeeze %dma_wait3A_353 : memref<1x128xi32, #tpu.memory_space<vmem>> -> memref<128xi32, #tpu.memory_space<vmem>>
      %dma_wait3A_355 = arith.constant 0 : i32
      %dma_wait3A_356 = arith.constant 0 : i32
      %dma_wait3A_357 = tpu.memref_slice %arg11[%dma_wait3A_355, %dma_wait3A_356] : memref<10240x64xf32, #tpu.memory_space<vmem_shared>> -> memref<10240x64xf32, #tpu.memory_space<vmem_shared>>
      tpu.wait_indirect_dma semaphore(%arg13 : memref<!tpu.dma_semaphore, #tpu.memory_space<semaphore_mem>>) src(%dma_wait3A_357 : memref<10240x64xf32, #tpu.memory_space<vmem_shared>>) dst(%arg8 : memref<128x64xf32, #tpu.memory_space<vmem>>)
      %dma_start3A_358 = arith.constant 0 : i32
      %dma_start3A_359 = tpu.memref_slice %arg7[%add3A_350, %dma_start3A_358] : memref<80x128xi32, #tpu.memory_space<vmem>> -> memref<1x128xi32, #tpu.memory_space<vmem>>
      %dma_start3A_360 = tpu.memref_squeeze %dma_start3A_359 : memref<1x128xi32, #tpu.memory_space<vmem>> -> memref<128xi32, #tpu.memory_space<vmem>>
      %dma_start3A_361 = arith.constant 0 : i32
      %dma_start3A_362 = arith.constant 0 : i32
      %dma_start3A_363 = tpu.memref_slice %arg12[%dma_start3A_361, %dma_start3A_362] : memref<10240x64xf32, #tpu.memory_space<vmem_shared>> -> memref<10240x64xf32, #tpu.memory_space<vmem_shared>>
      tpu.enqueue_indirect_dma source(%arg8 : memref<128x64xf32, #tpu.memory_space<vmem>>) target(%dma_start3A_363 : memref<10240x64xf32, #tpu.memory_space<vmem_shared>>) offsets(%dma_start3A_360 : memref<128xi32, #tpu.memory_space<vmem>>) semaphore(%arg16 : memref<!tpu.dma_semaphore, #tpu.memory_space<semaphore_mem>>) {add = true}
      %dma_wait3A_364 = arith.constant 0 : i32
      %dma_wait3A_365 = arith.constant 0 : i32
      %dma_wait3A_366 = tpu.memref_slice %arg7[%dma_wait3A_364, %dma_wait3A_365] : memref<80x128xi32, #tpu.memory_space<vmem>> -> memref<1x128xi32, #tpu.memory_space<vmem>>
      %dma_wait3A_367 = tpu.memref_squeeze %dma_wait3A_366 : memref<1x128xi32, #tpu.memory_space<vmem>> -> memref<128xi32, #tpu.memory_space<vmem>>
      %dma_wait3A_368 = arith.constant 0 : i32
      %dma_wait3A_369 = arith.constant 0 : i32
      %dma_wait3A_370 = tpu.memref_slice %arg12[%dma_wait3A_368, %dma_wait3A_369] : memref<10240x64xf32, #tpu.memory_space<vmem_shared>> -> memref<10240x64xf32, #tpu.memory_space<vmem_shared>>
      tpu.wait_indirect_dma semaphore(%arg18 : memref<!tpu.dma_semaphore, #tpu.memory_space<semaphore_mem>>) src(%arg10 : memref<128x64xf32, #tpu.memory_space<vmem>>) dst(%dma_wait3A_370 : memref<10240x64xf32, #tpu.memory_space<vmem_shared>>)
      %add3A_371 = arith.constant 2 : i32
      %add3A_372 = arith.addi %add3A_350, %add3A_371 : i32
      %dma_start3A_373 = arith.constant 0 : i32
      %dma_start3A_374 = tpu.memref_slice %arg6[%add3A_372, %dma_start3A_373] : memref<80x128xi32, #tpu.memory_space<vmem>> -> memref<1x128xi32, #tpu.memory_space<vmem>>
      %dma_start3A_375 = tpu.memref_squeeze %dma_start3A_374 : memref<1x128xi32, #tpu.memory_space<vmem>> -> memref<128xi32, #tpu.memory_space<vmem>>
      %dma_start3A_376 = arith.constant 0 : i32
      %dma_start3A_377 = arith.constant 0 : i32
      %dma_start3A_378 = tpu.memref_slice %arg11[%dma_start3A_376, %dma_start3A_377] : memref<10240x64xf32, #tpu.memory_space<vmem_shared>> -> memref<10240x64xf32, #tpu.memory_space<vmem_shared>>
      tpu.enqueue_indirect_dma source(%dma_start3A_378 : memref<10240x64xf32, #tpu.memory_space<vmem_shared>>) target(%arg10 : memref<128x64xf32, #tpu.memory_space<vmem>>) offsets(%dma_start3A_375 : memref<128xi32, #tpu.memory_space<vmem>>) semaphore(%arg15 : memref<!tpu.dma_semaphore, #tpu.memory_space<semaphore_mem>>)
      %mul3A_379 = arith.constant 3 : i32
      %mul3A_380 = arith.muli %scan3A_309, %mul3A_379 : i32
      %add3A_381 = arith.constant 2 : i32
      %add3A_382 = arith.addi %mul3A_380, %add3A_381 : i32
      %add3A_383 = arith.constant 2 : i32
      %add3A_384 = arith.addi %add3A_382, %add3A_383 : i32
      %dma_wait3A_385 = arith.constant 0 : i32
      %dma_wait3A_386 = arith.constant 0 : i32
      %dma_wait3A_387 = tpu.memref_slice %arg6[%dma_wait3A_385, %dma_wait3A_386] : memref<80x128xi32, #tpu.memory_space<vmem>> -> memref<1x128xi32, #tpu.memory_space<vmem>>
      %dma_wait3A_388 = tpu.memref_squeeze %dma_wait3A_387 : memref<1x128xi32, #tpu.memory_space<vmem>> -> memref<128xi32, #tpu.memory_space<vmem>>
      %dma_wait3A_389 = arith.constant 0 : i32
      %dma_wait3A_390 = arith.constant 0 : i32
      %dma_wait3A_391 = tpu.memref_slice %arg11[%dma_wait3A_389, %dma_wait3A_390] : memref<10240x64xf32, #tpu.memory_space<vmem_shared>> -> memref<10240x64xf32, #tpu.memory_space<vmem_shared>>
      tpu.wait_indirect_dma semaphore(%arg14 : memref<!tpu.dma_semaphore, #tpu.memory_space<semaphore_mem>>) src(%dma_wait3A_391 : memref<10240x64xf32, #tpu.memory_space<vmem_shared>>) dst(%arg9 : memref<128x64xf32, #tpu.memory_space<vmem>>)
      %dma_start3A_392 = arith.constant 0 : i32
      %dma_start3A_393 = tpu.memref_slice %arg7[%add3A_384, %dma_start3A_392] : memref<80x128xi32, #tpu.memory_space<vmem>> -> memref<1x128xi32, #tpu.memory_space<vmem>>
      %dma_start3A_394 = tpu.memref_squeeze %dma_start3A_393 : memref<1x128xi32, #tpu.memory_space<vmem>> -> memref<128xi32, #tpu.memory_space<vmem>>
      %dma_start3A_395 = arith.constant 0 : i32
      %dma_start3A_396 = arith.constant 0 : i32
      %dma_start3A_397 = tpu.memref_slice %arg12[%dma_start3A_395, %dma_start3A_396] : memref<10240x64xf32, #tpu.memory_space<vmem_shared>> -> memref<10240x64xf32, #tpu.memory_space<vmem_shared>>
      tpu.enqueue_indirect_dma source(%arg9 : memref<128x64xf32, #tpu.memory_space<vmem>>) target(%dma_start3A_397 : memref<10240x64xf32, #tpu.memory_space<vmem_shared>>) offsets(%dma_start3A_394 : memref<128xi32, #tpu.memory_space<vmem>>) semaphore(%arg17 : memref<!tpu.dma_semaphore, #tpu.memory_space<semaphore_mem>>) {add = true}
      %dma_wait3A_398 = arith.constant 0 : i32
      %dma_wait3A_399 = arith.constant 0 : i32
      %dma_wait3A_400 = tpu.memref_slice %arg7[%dma_wait3A_398, %dma_wait3A_399] : memref<80x128xi32, #tpu.memory_space<vmem>> -> memref<1x128xi32, #tpu.memory_space<vmem>>
      %dma_wait3A_401 = tpu.memref_squeeze %dma_wait3A_400 : memref<1x128xi32, #tpu.memory_space<vmem>> -> memref<128xi32, #tpu.memory_space<vmem>>
      %dma_wait3A_402 = arith.constant 0 : i32
      %dma_wait3A_403 = arith.constant 0 : i32
      %dma_wait3A_404 = tpu.memref_slice %arg12[%dma_wait3A_402, %dma_wait3A_403] : memref<10240x64xf32, #tpu.memory_space<vmem_shared>> -> memref<10240x64xf32, #tpu.memory_space<vmem_shared>>
      tpu.wait_indirect_dma semaphore(%arg16 : memref<!tpu.dma_semaphore, #tpu.memory_space<semaphore_mem>>) src(%arg8 : memref<128x64xf32, #tpu.memory_space<vmem>>) dst(%dma_wait3A_404 : memref<10240x64xf32, #tpu.memory_space<vmem_shared>>)
      %add3A_405 = arith.constant 2 : i32
      %add3A_406 = arith.addi %add3A_384, %add3A_405 : i32
      %dma_start3A_407 = arith.constant 0 : i32
      %dma_start3A_408 = tpu.memref_slice %arg6[%add3A_406, %dma_start3A_407] : memref<80x128xi32, #tpu.memory_space<vmem>> -> memref<1x128xi32, #tpu.memory_space<vmem>>
      %dma_start3A_409 = tpu.memref_squeeze %dma_start3A_408 : memref<1x128xi32, #tpu.memory_space<vmem>> -> memref<128xi32, #tpu.memory_space<vmem>>
      %dma_start3A_410 = arith.constant 0 : i32
      %dma_start3A_411 = arith.constant 0 : i32
      %dma_start3A_412 = tpu.memref_slice %arg11[%dma_start3A_410, %dma_start3A_411] : memref<10240x64xf32, #tpu.memory_space<vmem_shared>> -> memref<10240x64xf32, #tpu.memory_space<vmem_shared>>
      tpu.enqueue_indirect_dma source(%dma_start3A_412 : memref<10240x64xf32, #tpu.memory_space<vmem_shared>>) target(%arg8 : memref<128x64xf32, #tpu.memory_space<vmem>>) offsets(%dma_start3A_409 : memref<128xi32, #tpu.memory_space<vmem>>) semaphore(%arg13 : memref<!tpu.dma_semaphore, #tpu.memory_space<semaphore_mem>>)
      %scan3A_413 = arith.constant 0 : i32
      scf.yield %scan3A_413 : i32
    }
    %scan3A_83 = arith.constant 25 : i32
    %dma_wait3A_84 = arith.constant 0 : i32
    %dma_wait3A_85 = arith.constant 0 : i32
    %dma_wait3A_86 = tpu.memref_slice %arg6[%dma_wait3A_84, %dma_wait3A_85] : memref<80x128xi32, #tpu.memory_space<vmem>> -> memref<1x128xi32, #tpu.memory_space<vmem>>
    %dma_wait3A_87 = tpu.memref_squeeze %dma_wait3A_86 : memref<1x128xi32, #tpu.memory_space<vmem>> -> memref<128xi32, #tpu.memory_space<vmem>>
    %dma_wait3A_88 = arith.constant 0 : i32
    %dma_wait3A_89 = arith.constant 0 : i32
    %dma_wait3A_90 = tpu.memref_slice %arg11[%dma_wait3A_88, %dma_wait3A_89] : memref<10240x64xf32, #tpu.memory_space<vmem_shared>> -> memref<10240x64xf32, #tpu.memory_space<vmem_shared>>
    tpu.wait_indirect_dma semaphore(%arg15 : memref<!tpu.dma_semaphore, #tpu.memory_space<semaphore_mem>>) src(%dma_wait3A_90 : memref<10240x64xf32, #tpu.memory_space<vmem_shared>>) dst(%arg10 : memref<128x64xf32, #tpu.memory_space<vmem>>)
    %dma_start3A_91 = arith.constant 77 : i32
    %dma_start3A_92 = arith.constant 0 : i32
    %dma_start3A_93 = tpu.memref_slice %arg7[%dma_start3A_91, %dma_start3A_92] : memref<80x128xi32, #tpu.memory_space<vmem>> -> memref<1x128xi32, #tpu.memory_space<vmem>>
    %dma_start3A_94 = tpu.memref_squeeze %dma_start3A_93 : memref<1x128xi32, #tpu.memory_space<vmem>> -> memref<128xi32, #tpu.memory_space<vmem>>
    %dma_start3A_95 = arith.constant 0 : i32
    %dma_start3A_96 = arith.constant 0 : i32
    %dma_start3A_97 = tpu.memref_slice %arg12[%dma_start3A_95, %dma_start3A_96] : memref<10240x64xf32, #tpu.memory_space<vmem_shared>> -> memref<10240x64xf32, #tpu.memory_space<vmem_shared>>
    tpu.enqueue_indirect_dma source(%arg10 : memref<128x64xf32, #tpu.memory_space<vmem>>) target(%dma_start3A_97 : memref<10240x64xf32, #tpu.memory_space<vmem_shared>>) offsets(%dma_start3A_94 : memref<128xi32, #tpu.memory_space<vmem>>) semaphore(%arg18 : memref<!tpu.dma_semaphore, #tpu.memory_space<semaphore_mem>>) {add = true}
    %dma_wait3A_98 = arith.constant 0 : i32
    %dma_wait3A_99 = arith.constant 0 : i32
    %dma_wait3A_100 = tpu.memref_slice %arg7[%dma_wait3A_98, %dma_wait3A_99] : memref<80x128xi32, #tpu.memory_space<vmem>> -> memref<1x128xi32, #tpu.memory_space<vmem>>
    %dma_wait3A_101 = tpu.memref_squeeze %dma_wait3A_100 : memref<1x128xi32, #tpu.memory_space<vmem>> -> memref<128xi32, #tpu.memory_space<vmem>>
    %dma_wait3A_102 = arith.constant 0 : i32
    %dma_wait3A_103 = arith.constant 0 : i32
    %dma_wait3A_104 = tpu.memref_slice %arg12[%dma_wait3A_102, %dma_wait3A_103] : memref<10240x64xf32, #tpu.memory_space<vmem_shared>> -> memref<10240x64xf32, #tpu.memory_space<vmem_shared>>
    tpu.wait_indirect_dma semaphore(%arg17 : memref<!tpu.dma_semaphore, #tpu.memory_space<semaphore_mem>>) src(%arg9 : memref<128x64xf32, #tpu.memory_space<vmem>>) dst(%dma_wait3A_104 : memref<10240x64xf32, #tpu.memory_space<vmem_shared>>)
    %dma_start3A_105 = arith.constant 79 : i32
    %dma_start3A_106 = arith.constant 0 : i32
    %dma_start3A_107 = tpu.memref_slice %arg6[%dma_start3A_105, %dma_start3A_106] : memref<80x128xi32, #tpu.memory_space<vmem>> -> memref<1x128xi32, #tpu.memory_space<vmem>>
    %dma_start3A_108 = tpu.memref_squeeze %dma_start3A_107 : memref<1x128xi32, #tpu.memory_space<vmem>> -> memref<128xi32, #tpu.memory_space<vmem>>
    %dma_start3A_109 = arith.constant 0 : i32
    %dma_start3A_110 = arith.constant 0 : i32
    %dma_start3A_111 = tpu.memref_slice %arg11[%dma_start3A_109, %dma_start3A_110] : memref<10240x64xf32, #tpu.memory_space<vmem_shared>> -> memref<10240x64xf32, #tpu.memory_space<vmem_shared>>
    tpu.enqueue_indirect_dma source(%dma_start3A_111 : memref<10240x64xf32, #tpu.memory_space<vmem_shared>>) target(%arg9 : memref<128x64xf32, #tpu.memory_space<vmem>>) offsets(%dma_start3A_108 : memref<128xi32, #tpu.memory_space<vmem>>) semaphore(%arg14 : memref<!tpu.dma_semaphore, #tpu.memory_space<semaphore_mem>>)
    %dma_wait3A_112 = arith.constant 0 : i32
    %dma_wait3A_113 = arith.constant 0 : i32
    %dma_wait3A_114 = tpu.memref_slice %arg6[%dma_wait3A_112, %dma_wait3A_113] : memref<80x128xi32, #tpu.memory_space<vmem>> -> memref<1x128xi32, #tpu.memory_space<vmem>>
    %dma_wait3A_115 = tpu.memref_squeeze %dma_wait3A_114 : memref<1x128xi32, #tpu.memory_space<vmem>> -> memref<128xi32, #tpu.memory_space<vmem>>
    %dma_wait3A_116 = arith.constant 0 : i32
    %dma_wait3A_117 = arith.constant 0 : i32
    %dma_wait3A_118 = tpu.memref_slice %arg11[%dma_wait3A_116, %dma_wait3A_117] : memref<10240x64xf32, #tpu.memory_space<vmem_shared>> -> memref<10240x64xf32, #tpu.memory_space<vmem_shared>>
    tpu.wait_indirect_dma semaphore(%arg13 : memref<!tpu.dma_semaphore, #tpu.memory_space<semaphore_mem>>) src(%dma_wait3A_118 : memref<10240x64xf32, #tpu.memory_space<vmem_shared>>) dst(%arg8 : memref<128x64xf32, #tpu.memory_space<vmem>>)
    %dma_start3A_119 = arith.constant 78 : i32
    %dma_start3A_120 = arith.constant 0 : i32
    %dma_start3A_121 = tpu.memref_slice %arg7[%dma_start3A_119, %dma_start3A_120] : memref<80x128xi32, #tpu.memory_space<vmem>> -> memref<1x128xi32, #tpu.memory_space<vmem>>
    %dma_start3A_122 = tpu.memref_squeeze %dma_start3A_121 : memref<1x128xi32, #tpu.memory_space<vmem>> -> memref<128xi32, #tpu.memory_space<vmem>>
    %dma_start3A_123 = arith.constant 0 : i32
    %dma_start3A_124 = arith.constant 0 : i32
    %dma_start3A_125 = tpu.memref_slice %arg12[%dma_start3A_123, %dma_start3A_124] : memref<10240x64xf32, #tpu.memory_space<vmem_shared>> -> memref<10240x64xf32, #tpu.memory_space<vmem_shared>>
    tpu.enqueue_indirect_dma source(%arg8 : memref<128x64xf32, #tpu.memory_space<vmem>>) target(%dma_start3A_125 : memref<10240x64xf32, #tpu.memory_space<vmem_shared>>) offsets(%dma_start3A_122 : memref<128xi32, #tpu.memory_space<vmem>>) semaphore(%arg16 : memref<!tpu.dma_semaphore, #tpu.memory_space<semaphore_mem>>) {add = true}
    %dma_wait3A_126 = arith.constant 0 : i32
    %dma_wait3A_127 = arith.constant 0 : i32
    %dma_wait3A_128 = tpu.memref_slice %arg7[%dma_wait3A_126, %dma_wait3A_127] : memref<80x128xi32, #tpu.memory_space<vmem>> -> memref<1x128xi32, #tpu.memory_space<vmem>>
    %dma_wait3A_129 = tpu.memref_squeeze %dma_wait3A_128 : memref<1x128xi32, #tpu.memory_space<vmem>> -> memref<128xi32, #tpu.memory_space<vmem>>
    %dma_wait3A_130 = arith.constant 0 : i32
    %dma_wait3A_131 = arith.constant 0 : i32
    %dma_wait3A_132 = tpu.memref_slice %arg12[%dma_wait3A_130, %dma_wait3A_131] : memref<10240x64xf32, #tpu.memory_space<vmem_shared>> -> memref<10240x64xf32, #tpu.memory_space<vmem_shared>>
    tpu.wait_indirect_dma semaphore(%arg18 : memref<!tpu.dma_semaphore, #tpu.memory_space<semaphore_mem>>) src(%arg10 : memref<128x64xf32, #tpu.memory_space<vmem>>) dst(%dma_wait3A_132 : memref<10240x64xf32, #tpu.memory_space<vmem_shared>>)
    %dma_wait3A_133 = arith.constant 0 : i32
    %dma_wait3A_134 = arith.constant 0 : i32
    %dma_wait3A_135 = tpu.memref_slice %arg6[%dma_wait3A_133, %dma_wait3A_134] : memref<80x128xi32, #tpu.memory_space<vmem>> -> memref<1x128xi32, #tpu.memory_space<vmem>>
    %dma_wait3A_136 = tpu.memref_squeeze %dma_wait3A_135 : memref<1x128xi32, #tpu.memory_space<vmem>> -> memref<128xi32, #tpu.memory_space<vmem>>
    %dma_wait3A_137 = arith.constant 0 : i32
    %dma_wait3A_138 = arith.constant 0 : i32
    %dma_wait3A_139 = tpu.memref_slice %arg11[%dma_wait3A_137, %dma_wait3A_138] : memref<10240x64xf32, #tpu.memory_space<vmem_shared>> -> memref<10240x64xf32, #tpu.memory_space<vmem_shared>>
    tpu.wait_indirect_dma semaphore(%arg14 : memref<!tpu.dma_semaphore, #tpu.memory_space<semaphore_mem>>) src(%dma_wait3A_139 : memref<10240x64xf32, #tpu.memory_space<vmem_shared>>) dst(%arg9 : memref<128x64xf32, #tpu.memory_space<vmem>>)
    %dma_start3A_140 = arith.constant 79 : i32
    %dma_start3A_141 = arith.constant 0 : i32
    %dma_start3A_142 = tpu.memref_slice %arg7[%dma_start3A_140, %dma_start3A_141] : memref<80x128xi32, #tpu.memory_space<vmem>> -> memref<1x128xi32, #tpu.memory_space<vmem>>
    %dma_start3A_143 = tpu.memref_squeeze %dma_start3A_142 : memref<1x128xi32, #tpu.memory_space<vmem>> -> memref<128xi32, #tpu.memory_space<vmem>>
    %dma_start3A_144 = arith.constant 0 : i32
    %dma_start3A_145 = arith.constant 0 : i32
    %dma_start3A_146 = tpu.memref_slice %arg12[%dma_start3A_144, %dma_start3A_145] : memref<10240x64xf32, #tpu.memory_space<vmem_shared>> -> memref<10240x64xf32, #tpu.memory_space<vmem_shared>>
    tpu.enqueue_indirect_dma source(%arg9 : memref<128x64xf32, #tpu.memory_space<vmem>>) target(%dma_start3A_146 : memref<10240x64xf32, #tpu.memory_space<vmem_shared>>) offsets(%dma_start3A_143 : memref<128xi32, #tpu.memory_space<vmem>>) semaphore(%arg17 : memref<!tpu.dma_semaphore, #tpu.memory_space<semaphore_mem>>) {add = true}
    %dma_wait3A_147 = arith.constant 0 : i32
    %dma_wait3A_148 = arith.constant 0 : i32
    %dma_wait3A_149 = tpu.memref_slice %arg7[%dma_wait3A_147, %dma_wait3A_148] : memref<80x128xi32, #tpu.memory_space<vmem>> -> memref<1x128xi32, #tpu.memory_space<vmem>>
    %dma_wait3A_150 = tpu.memref_squeeze %dma_wait3A_149 : memref<1x128xi32, #tpu.memory_space<vmem>> -> memref<128xi32, #tpu.memory_space<vmem>>
    %dma_wait3A_151 = arith.constant 0 : i32
    %dma_wait3A_152 = arith.constant 0 : i32
    %dma_wait3A_153 = tpu.memref_slice %arg12[%dma_wait3A_151, %dma_wait3A_152] : memref<10240x64xf32, #tpu.memory_space<vmem_shared>> -> memref<10240x64xf32, #tpu.memory_space<vmem_shared>>
    tpu.wait_indirect_dma semaphore(%arg16 : memref<!tpu.dma_semaphore, #tpu.memory_space<semaphore_mem>>) src(%arg8 : memref<128x64xf32, #tpu.memory_space<vmem>>) dst(%dma_wait3A_153 : memref<10240x64xf32, #tpu.memory_space<vmem_shared>>)
    %dma_wait3A_154 = arith.constant 0 : i32
    %dma_wait3A_155 = arith.constant 0 : i32
    %dma_wait3A_156 = tpu.memref_slice %arg7[%dma_wait3A_154, %dma_wait3A_155] : memref<80x128xi32, #tpu.memory_space<vmem>> -> memref<1x128xi32, #tpu.memory_space<vmem>>
    %dma_wait3A_157 = tpu.memref_squeeze %dma_wait3A_156 : memref<1x128xi32, #tpu.memory_space<vmem>> -> memref<128xi32, #tpu.memory_space<vmem>>
    %dma_wait3A_158 = arith.constant 0 : i32
    %dma_wait3A_159 = arith.constant 0 : i32
    %dma_wait3A_160 = tpu.memref_slice %arg12[%dma_wait3A_158, %dma_wait3A_159] : memref<10240x64xf32, #tpu.memory_space<vmem_shared>> -> memref<10240x64xf32, #tpu.memory_space<vmem_shared>>
    tpu.wait_indirect_dma semaphore(%arg17 : memref<!tpu.dma_semaphore, #tpu.memory_space<semaphore_mem>>) src(%arg9 : memref<128x64xf32, #tpu.memory_space<vmem>>) dst(%dma_wait3A_160 : memref<10240x64xf32, #tpu.memory_space<vmem_shared>>)
    "tpu.region"() ({
      %run_scoped3A = tpu.sem_alloc : memref<!tpu.dma_semaphore, #tpu.memory_space<semaphore_mem>>
      %dma_start3A_309 = arith.constant 80 : i32
      %dma_start3A_310 = arith.constant 0 : i32
      %dma_start3A_311 = tpu.memref_slice %arg3[%arg1, %dma_start3A_309, %dma_start3A_310] : memref<16x160x128xi32, #tpu.memory_space<hbm>> -> memref<1x80x128xi32, #tpu.memory_space<hbm>>
      %dma_start3A_312 = tpu.memref_squeeze %dma_start3A_311 : memref<1x80x128xi32, #tpu.memory_space<hbm>> -> memref<80x128xi32, #tpu.memory_space<hbm>>
      %dma_start3A_313 = arith.constant 80 : i32
      %dma_start3A_314 = arith.constant 0 : i32
      %dma_start3A_315 = tpu.memref_slice %arg3[%arg1, %dma_start3A_313, %dma_start3A_314] : memref<16x160x128xi32, #tpu.memory_space<hbm>> -> memref<1x80x128xi32, #tpu.memory_space<hbm>>
      %dma_start3A_316 = tpu.memref_squeeze %dma_start3A_315 : memref<1x80x128xi32, #tpu.memory_space<hbm>> -> memref<80x128xi32, #tpu.memory_space<hbm>>
      tpu.enqueue_dma source(%dma_start3A_316 : memref<80x128xi32, #tpu.memory_space<hbm>>) target(%arg6 : memref<80x128xi32, #tpu.memory_space<vmem>>) target_semaphore(%run_scoped3A : memref<!tpu.dma_semaphore, #tpu.memory_space<semaphore_mem>>)
      %dma_wait3A_317 = arith.constant 80 : i32
      %dma_wait3A_318 = arith.constant 0 : i32
      %dma_wait3A_319 = tpu.memref_slice %arg3[%arg1, %dma_wait3A_317, %dma_wait3A_318] : memref<16x160x128xi32, #tpu.memory_space<hbm>> -> memref<1x80x128xi32, #tpu.memory_space<hbm>>
      %dma_wait3A_320 = tpu.memref_squeeze %dma_wait3A_319 : memref<1x80x128xi32, #tpu.memory_space<hbm>> -> memref<80x128xi32, #tpu.memory_space<hbm>>
      %dma_wait3A_321 = arith.constant 80 : i32
      %dma_wait3A_322 = arith.constant 0 : i32
      %dma_wait3A_323 = tpu.memref_slice %arg3[%arg1, %dma_wait3A_321, %dma_wait3A_322] : memref<16x160x128xi32, #tpu.memory_space<hbm>> -> memref<1x80x128xi32, #tpu.memory_space<hbm>>
      %dma_wait3A_324 = tpu.memref_squeeze %dma_wait3A_323 : memref<1x80x128xi32, #tpu.memory_space<hbm>> -> memref<80x128xi32, #tpu.memory_space<hbm>>
      tpu.wait_dma2 semaphore(%run_scoped3A : memref<!tpu.dma_semaphore, #tpu.memory_space<semaphore_mem>>) src(%dma_wait3A_324 : memref<80x128xi32, #tpu.memory_space<hbm>>) dst(%arg6 : memref<80x128xi32, #tpu.memory_space<vmem>>)
      tpu.yield
    }) : () -> ()
    "tpu.region"() ({
      %run_scoped3A = tpu.sem_alloc : memref<!tpu.dma_semaphore, #tpu.memory_space<semaphore_mem>>
      %dma_start3A_309 = arith.constant 80 : i32
      %dma_start3A_310 = arith.constant 0 : i32
      %dma_start3A_311 = tpu.memref_slice %arg4[%arg1, %dma_start3A_309, %dma_start3A_310] : memref<16x160x128xi32, #tpu.memory_space<hbm>> -> memref<1x80x128xi32, #tpu.memory_space<hbm>>
      %dma_start3A_312 = tpu.memref_squeeze %dma_start3A_311 : memref<1x80x128xi32, #tpu.memory_space<hbm>> -> memref<80x128xi32, #tpu.memory_space<hbm>>
      %dma_start3A_313 = arith.constant 80 : i32
      %dma_start3A_314 = arith.constant 0 : i32
      %dma_start3A_315 = tpu.memref_slice %arg4[%arg1, %dma_start3A_313, %dma_start3A_314] : memref<16x160x128xi32, #tpu.memory_space<hbm>> -> memref<1x80x128xi32, #tpu.memory_space<hbm>>
      %dma_start3A_316 = tpu.memref_squeeze %dma_start3A_315 : memref<1x80x128xi32, #tpu.memory_space<hbm>> -> memref<80x128xi32, #tpu.memory_space<hbm>>
      tpu.enqueue_dma source(%dma_start3A_316 : memref<80x128xi32, #tpu.memory_space<hbm>>) target(%arg7 : memref<80x128xi32, #tpu.memory_space<vmem>>) target_semaphore(%run_scoped3A : memref<!tpu.dma_semaphore, #tpu.memory_space<semaphore_mem>>)
      %dma_wait3A_317 = arith.constant 80 : i32
      %dma_wait3A_318 = arith.constant 0 : i32
      %dma_wait3A_319 = tpu.memref_slice %arg4[%arg1, %dma_wait3A_317, %dma_wait3A_318] : memref<16x160x128xi32, #tpu.memory_space<hbm>> -> memref<1x80x128xi32, #tpu.memory_space<hbm>>
      %dma_wait3A_320 = tpu.memref_squeeze %dma_wait3A_319 : memref<1x80x128xi32, #tpu.memory_space<hbm>> -> memref<80x128xi32, #tpu.memory_space<hbm>>
      %dma_wait3A_321 = arith.constant 80 : i32
      %dma_wait3A_322 = arith.constant 0 : i32
      %dma_wait3A_323 = tpu.memref_slice %arg4[%arg1, %dma_wait3A_321, %dma_wait3A_322] : memref<16x160x128xi32, #tpu.memory_space<hbm>> -> memref<1x80x128xi32, #tpu.memory_space<hbm>>
      %dma_wait3A_324 = tpu.memref_squeeze %dma_wait3A_323 : memref<1x80x128xi32, #tpu.memory_space<hbm>> -> memref<80x128xi32, #tpu.memory_space<hbm>>
      tpu.wait_dma2 semaphore(%run_scoped3A : memref<!tpu.dma_semaphore, #tpu.memory_space<semaphore_mem>>) src(%dma_wait3A_324 : memref<80x128xi32, #tpu.memory_space<hbm>>) dst(%arg7 : memref<80x128xi32, #tpu.memory_space<vmem>>)
      tpu.yield
    }) : () -> ()
    %dma_start3A_161 = arith.constant 0 : i32
    %dma_start3A_162 = arith.constant 0 : i32
    %dma_start3A_163 = tpu.memref_slice %arg6[%dma_start3A_161, %dma_start3A_162] : memref<80x128xi32, #tpu.memory_space<vmem>> -> memref<1x128xi32, #tpu.memory_space<vmem>>
    %dma_start3A_164 = tpu.memref_squeeze %dma_start3A_163 : memref<1x128xi32, #tpu.memory_space<vmem>> -> memref<128xi32, #tpu.memory_space<vmem>>
    %dma_start3A_165 = arith.constant 0 : i32
    %dma_start3A_166 = arith.constant 0 : i32
    %dma_start3A_167 = tpu.memref_slice %arg11[%dma_start3A_165, %dma_start3A_166] : memref<10240x64xf32, #tpu.memory_space<vmem_shared>> -> memref<10240x64xf32, #tpu.memory_space<vmem_shared>>
    tpu.enqueue_indirect_dma source(%dma_start3A_167 : memref<10240x64xf32, #tpu.memory_space<vmem_shared>>) target(%arg8 : memref<128x64xf32, #tpu.memory_space<vmem>>) offsets(%dma_start3A_164 : memref<128xi32, #tpu.memory_space<vmem>>) semaphore(%arg13 : memref<!tpu.dma_semaphore, #tpu.memory_space<semaphore_mem>>)
    %dma_start3A_168 = arith.constant 1 : i32
    %dma_start3A_169 = arith.constant 0 : i32
    %dma_start3A_170 = tpu.memref_slice %arg6[%dma_start3A_168, %dma_start3A_169] : memref<80x128xi32, #tpu.memory_space<vmem>> -> memref<1x128xi32, #tpu.memory_space<vmem>>
    %dma_start3A_171 = tpu.memref_squeeze %dma_start3A_170 : memref<1x128xi32, #tpu.memory_space<vmem>> -> memref<128xi32, #tpu.memory_space<vmem>>
    %dma_start3A_172 = arith.constant 0 : i32
    %dma_start3A_173 = arith.constant 0 : i32
    %dma_start3A_174 = tpu.memref_slice %arg11[%dma_start3A_172, %dma_start3A_173] : memref<10240x64xf32, #tpu.memory_space<vmem_shared>> -> memref<10240x64xf32, #tpu.memory_space<vmem_shared>>
    tpu.enqueue_indirect_dma source(%dma_start3A_174 : memref<10240x64xf32, #tpu.memory_space<vmem_shared>>) target(%arg9 : memref<128x64xf32, #tpu.memory_space<vmem>>) offsets(%dma_start3A_171 : memref<128xi32, #tpu.memory_space<vmem>>) semaphore(%arg14 : memref<!tpu.dma_semaphore, #tpu.memory_space<semaphore_mem>>)
    %dma_wait3A_175 = arith.constant 0 : i32
    %dma_wait3A_176 = arith.constant 0 : i32
    %dma_wait3A_177 = tpu.memref_slice %arg6[%dma_wait3A_175, %dma_wait3A_176] : memref<80x128xi32, #tpu.memory_space<vmem>> -> memref<1x128xi32, #tpu.memory_space<vmem>>
    %dma_wait3A_178 = tpu.memref_squeeze %dma_wait3A_177 : memref<1x128xi32, #tpu.memory_space<vmem>> -> memref<128xi32, #tpu.memory_space<vmem>>
    %dma_wait3A_179 = arith.constant 0 : i32
    %dma_wait3A_180 = arith.constant 0 : i32
    %dma_wait3A_181 = tpu.memref_slice %arg11[%dma_wait3A_179, %dma_wait3A_180] : memref<10240x64xf32, #tpu.memory_space<vmem_shared>> -> memref<10240x64xf32, #tpu.memory_space<vmem_shared>>
    tpu.wait_indirect_dma semaphore(%arg13 : memref<!tpu.dma_semaphore, #tpu.memory_space<semaphore_mem>>) src(%dma_wait3A_181 : memref<10240x64xf32, #tpu.memory_space<vmem_shared>>) dst(%arg8 : memref<128x64xf32, #tpu.memory_space<vmem>>)
    %dma_start3A_182 = arith.constant 0 : i32
    %dma_start3A_183 = arith.constant 0 : i32
    %dma_start3A_184 = tpu.memref_slice %arg7[%dma_start3A_182, %dma_start3A_183] : memref<80x128xi32, #tpu.memory_space<vmem>> -> memref<1x128xi32, #tpu.memory_space<vmem>>
    %dma_start3A_185 = tpu.memref_squeeze %dma_start3A_184 : memref<1x128xi32, #tpu.memory_space<vmem>> -> memref<128xi32, #tpu.memory_space<vmem>>
    %dma_start3A_186 = arith.constant 0 : i32
    %dma_start3A_187 = arith.constant 0 : i32
    %dma_start3A_188 = tpu.memref_slice %arg12[%dma_start3A_186, %dma_start3A_187] : memref<10240x64xf32, #tpu.memory_space<vmem_shared>> -> memref<10240x64xf32, #tpu.memory_space<vmem_shared>>
    tpu.enqueue_indirect_dma source(%arg8 : memref<128x64xf32, #tpu.memory_space<vmem>>) target(%dma_start3A_188 : memref<10240x64xf32, #tpu.memory_space<vmem_shared>>) offsets(%dma_start3A_185 : memref<128xi32, #tpu.memory_space<vmem>>) semaphore(%arg16 : memref<!tpu.dma_semaphore, #tpu.memory_space<semaphore_mem>>) {add = true}
    %dma_start3A_189 = arith.constant 2 : i32
    %dma_start3A_190 = arith.constant 0 : i32
    %dma_start3A_191 = tpu.memref_slice %arg6[%dma_start3A_189, %dma_start3A_190] : memref<80x128xi32, #tpu.memory_space<vmem>> -> memref<1x128xi32, #tpu.memory_space<vmem>>
    %dma_start3A_192 = tpu.memref_squeeze %dma_start3A_191 : memref<1x128xi32, #tpu.memory_space<vmem>> -> memref<128xi32, #tpu.memory_space<vmem>>
    %dma_start3A_193 = arith.constant 0 : i32
    %dma_start3A_194 = arith.constant 0 : i32
    %dma_start3A_195 = tpu.memref_slice %arg11[%dma_start3A_193, %dma_start3A_194] : memref<10240x64xf32, #tpu.memory_space<vmem_shared>> -> memref<10240x64xf32, #tpu.memory_space<vmem_shared>>
    tpu.enqueue_indirect_dma source(%dma_start3A_195 : memref<10240x64xf32, #tpu.memory_space<vmem_shared>>) target(%arg10 : memref<128x64xf32, #tpu.memory_space<vmem>>) offsets(%dma_start3A_192 : memref<128xi32, #tpu.memory_space<vmem>>) semaphore(%arg15 : memref<!tpu.dma_semaphore, #tpu.memory_space<semaphore_mem>>)
    %dma_wait3A_196 = arith.constant 0 : i32
    %dma_wait3A_197 = arith.constant 0 : i32
    %dma_wait3A_198 = tpu.memref_slice %arg6[%dma_wait3A_196, %dma_wait3A_197] : memref<80x128xi32, #tpu.memory_space<vmem>> -> memref<1x128xi32, #tpu.memory_space<vmem>>
    %dma_wait3A_199 = tpu.memref_squeeze %dma_wait3A_198 : memref<1x128xi32, #tpu.memory_space<vmem>> -> memref<128xi32, #tpu.memory_space<vmem>>
    %dma_wait3A_200 = arith.constant 0 : i32
    %dma_wait3A_201 = arith.constant 0 : i32
    %dma_wait3A_202 = tpu.memref_slice %arg11[%dma_wait3A_200, %dma_wait3A_201] : memref<10240x64xf32, #tpu.memory_space<vmem_shared>> -> memref<10240x64xf32, #tpu.memory_space<vmem_shared>>
    tpu.wait_indirect_dma semaphore(%arg14 : memref<!tpu.dma_semaphore, #tpu.memory_space<semaphore_mem>>) src(%dma_wait3A_202 : memref<10240x64xf32, #tpu.memory_space<vmem_shared>>) dst(%arg9 : memref<128x64xf32, #tpu.memory_space<vmem>>)
    %dma_start3A_203 = arith.constant 1 : i32
    %dma_start3A_204 = arith.constant 0 : i32
    %dma_start3A_205 = tpu.memref_slice %arg7[%dma_start3A_203, %dma_start3A_204] : memref<80x128xi32, #tpu.memory_space<vmem>> -> memref<1x128xi32, #tpu.memory_space<vmem>>
    %dma_start3A_206 = tpu.memref_squeeze %dma_start3A_205 : memref<1x128xi32, #tpu.memory_space<vmem>> -> memref<128xi32, #tpu.memory_space<vmem>>
    %dma_start3A_207 = arith.constant 0 : i32
    %dma_start3A_208 = arith.constant 0 : i32
    %dma_start3A_209 = tpu.memref_slice %arg12[%dma_start3A_207, %dma_start3A_208] : memref<10240x64xf32, #tpu.memory_space<vmem_shared>> -> memref<10240x64xf32, #tpu.memory_space<vmem_shared>>
    tpu.enqueue_indirect_dma source(%arg9 : memref<128x64xf32, #tpu.memory_space<vmem>>) target(%dma_start3A_209 : memref<10240x64xf32, #tpu.memory_space<vmem_shared>>) offsets(%dma_start3A_206 : memref<128xi32, #tpu.memory_space<vmem>>) semaphore(%arg17 : memref<!tpu.dma_semaphore, #tpu.memory_space<semaphore_mem>>) {add = true}
    %dma_wait3A_210 = arith.constant 0 : i32
    %dma_wait3A_211 = arith.constant 0 : i32
    %dma_wait3A_212 = tpu.memref_slice %arg7[%dma_wait3A_210, %dma_wait3A_211] : memref<80x128xi32, #tpu.memory_space<vmem>> -> memref<1x128xi32, #tpu.memory_space<vmem>>
    %dma_wait3A_213 = tpu.memref_squeeze %dma_wait3A_212 : memref<1x128xi32, #tpu.memory_space<vmem>> -> memref<128xi32, #tpu.memory_space<vmem>>
    %dma_wait3A_214 = arith.constant 0 : i32
    %dma_wait3A_215 = arith.constant 0 : i32
    %dma_wait3A_216 = tpu.memref_slice %arg12[%dma_wait3A_214, %dma_wait3A_215] : memref<10240x64xf32, #tpu.memory_space<vmem_shared>> -> memref<10240x64xf32, #tpu.memory_space<vmem_shared>>
    tpu.wait_indirect_dma semaphore(%arg16 : memref<!tpu.dma_semaphore, #tpu.memory_space<semaphore_mem>>) src(%arg8 : memref<128x64xf32, #tpu.memory_space<vmem>>) dst(%dma_wait3A_216 : memref<10240x64xf32, #tpu.memory_space<vmem_shared>>)
    %dma_start3A_217 = arith.constant 3 : i32
    %dma_start3A_218 = arith.constant 0 : i32
    %dma_start3A_219 = tpu.memref_slice %arg6[%dma_start3A_217, %dma_start3A_218] : memref<80x128xi32, #tpu.memory_space<vmem>> -> memref<1x128xi32, #tpu.memory_space<vmem>>
    %dma_start3A_220 = tpu.memref_squeeze %dma_start3A_219 : memref<1x128xi32, #tpu.memory_space<vmem>> -> memref<128xi32, #tpu.memory_space<vmem>>
    %dma_start3A_221 = arith.constant 0 : i32
    %dma_start3A_222 = arith.constant 0 : i32
    %dma_start3A_223 = tpu.memref_slice %arg11[%dma_start3A_221, %dma_start3A_222] : memref<10240x64xf32, #tpu.memory_space<vmem_shared>> -> memref<10240x64xf32, #tpu.memory_space<vmem_shared>>
    tpu.enqueue_indirect_dma source(%dma_start3A_223 : memref<10240x64xf32, #tpu.memory_space<vmem_shared>>) target(%arg8 : memref<128x64xf32, #tpu.memory_space<vmem>>) offsets(%dma_start3A_220 : memref<128xi32, #tpu.memory_space<vmem>>) semaphore(%arg13 : memref<!tpu.dma_semaphore, #tpu.memory_space<semaphore_mem>>)
    %scan3A_224 = arith.constant 0 : i32
    %scan3A_225 = arith.constant 0 : i32
    %scan3A_226 = arith.constant 25 : i32
    %scan3A_227 = arith.addi %scan3A_225, %scan3A_226 : i32
    %scan3A_228 = arith.constant 1 : i32
    %scan3A_229 = scf.for %scan3A_309 = %scan3A_225 to %scan3A_227 step %scan3A_228 iter_args(%scan3A_310 = %scan3A_224) -> (i32)  : i32 {
      %mul3A_311 = arith.constant 3 : i32
      %mul3A_312 = arith.muli %scan3A_309, %mul3A_311 : i32
      %add3A_313 = arith.constant 0 : i32
      %add3A_314 = arith.addi %mul3A_312, %add3A_313 : i32
      %add3A_315 = arith.constant 2 : i32
      %add3A_316 = arith.addi %add3A_314, %add3A_315 : i32
      %dma_wait3A_317 = arith.constant 0 : i32
      %dma_wait3A_318 = arith.constant 0 : i32
      %dma_wait3A_319 = tpu.memref_slice %arg6[%dma_wait3A_317, %dma_wait3A_318] : memref<80x128xi32, #tpu.memory_space<vmem>> -> memref<1x128xi32, #tpu.memory_space<vmem>>
      %dma_wait3A_320 = tpu.memref_squeeze %dma_wait3A_319 : memref<1x128xi32, #tpu.memory_space<vmem>> -> memref<128xi32, #tpu.memory_space<vmem>>
      %dma_wait3A_321 = arith.constant 0 : i32
      %dma_wait3A_322 = arith.constant 0 : i32
      %dma_wait3A_323 = tpu.memref_slice %arg11[%dma_wait3A_321, %dma_wait3A_322] : memref<10240x64xf32, #tpu.memory_space<vmem_shared>> -> memref<10240x64xf32, #tpu.memory_space<vmem_shared>>
      tpu.wait_indirect_dma semaphore(%arg15 : memref<!tpu.dma_semaphore, #tpu.memory_space<semaphore_mem>>) src(%dma_wait3A_323 : memref<10240x64xf32, #tpu.memory_space<vmem_shared>>) dst(%arg10 : memref<128x64xf32, #tpu.memory_space<vmem>>)
      %dma_start3A_324 = arith.constant 0 : i32
      %dma_start3A_325 = tpu.memref_slice %arg7[%add3A_316, %dma_start3A_324] : memref<80x128xi32, #tpu.memory_space<vmem>> -> memref<1x128xi32, #tpu.memory_space<vmem>>
      %dma_start3A_326 = tpu.memref_squeeze %dma_start3A_325 : memref<1x128xi32, #tpu.memory_space<vmem>> -> memref<128xi32, #tpu.memory_space<vmem>>
      %dma_start3A_327 = arith.constant 0 : i32
      %dma_start3A_328 = arith.constant 0 : i32
      %dma_start3A_329 = tpu.memref_slice %arg12[%dma_start3A_327, %dma_start3A_328] : memref<10240x64xf32, #tpu.memory_space<vmem_shared>> -> memref<10240x64xf32, #tpu.memory_space<vmem_shared>>
      tpu.enqueue_indirect_dma source(%arg10 : memref<128x64xf32, #tpu.memory_space<vmem>>) target(%dma_start3A_329 : memref<10240x64xf32, #tpu.memory_space<vmem_shared>>) offsets(%dma_start3A_326 : memref<128xi32, #tpu.memory_space<vmem>>) semaphore(%arg18 : memref<!tpu.dma_semaphore, #tpu.memory_space<semaphore_mem>>) {add = true}
      %dma_wait3A_330 = arith.constant 0 : i32
      %dma_wait3A_331 = arith.constant 0 : i32
      %dma_wait3A_332 = tpu.memref_slice %arg7[%dma_wait3A_330, %dma_wait3A_331] : memref<80x128xi32, #tpu.memory_space<vmem>> -> memref<1x128xi32, #tpu.memory_space<vmem>>
      %dma_wait3A_333 = tpu.memref_squeeze %dma_wait3A_332 : memref<1x128xi32, #tpu.memory_space<vmem>> -> memref<128xi32, #tpu.memory_space<vmem>>
      %dma_wait3A_334 = arith.constant 0 : i32
      %dma_wait3A_335 = arith.constant 0 : i32
      %dma_wait3A_336 = tpu.memref_slice %arg12[%dma_wait3A_334, %dma_wait3A_335] : memref<10240x64xf32, #tpu.memory_space<vmem_shared>> -> memref<10240x64xf32, #tpu.memory_space<vmem_shared>>
      tpu.wait_indirect_dma semaphore(%arg17 : memref<!tpu.dma_semaphore, #tpu.memory_space<semaphore_mem>>) src(%arg9 : memref<128x64xf32, #tpu.memory_space<vmem>>) dst(%dma_wait3A_336 : memref<10240x64xf32, #tpu.memory_space<vmem_shared>>)
      %add3A_337 = arith.constant 2 : i32
      %add3A_338 = arith.addi %add3A_316, %add3A_337 : i32
      %dma_start3A_339 = arith.constant 0 : i32
      %dma_start3A_340 = tpu.memref_slice %arg6[%add3A_338, %dma_start3A_339] : memref<80x128xi32, #tpu.memory_space<vmem>> -> memref<1x128xi32, #tpu.memory_space<vmem>>
      %dma_start3A_341 = tpu.memref_squeeze %dma_start3A_340 : memref<1x128xi32, #tpu.memory_space<vmem>> -> memref<128xi32, #tpu.memory_space<vmem>>
      %dma_start3A_342 = arith.constant 0 : i32
      %dma_start3A_343 = arith.constant 0 : i32
      %dma_start3A_344 = tpu.memref_slice %arg11[%dma_start3A_342, %dma_start3A_343] : memref<10240x64xf32, #tpu.memory_space<vmem_shared>> -> memref<10240x64xf32, #tpu.memory_space<vmem_shared>>
      tpu.enqueue_indirect_dma source(%dma_start3A_344 : memref<10240x64xf32, #tpu.memory_space<vmem_shared>>) target(%arg9 : memref<128x64xf32, #tpu.memory_space<vmem>>) offsets(%dma_start3A_341 : memref<128xi32, #tpu.memory_space<vmem>>) semaphore(%arg14 : memref<!tpu.dma_semaphore, #tpu.memory_space<semaphore_mem>>)
      %mul3A_345 = arith.constant 3 : i32
      %mul3A_346 = arith.muli %scan3A_309, %mul3A_345 : i32
      %add3A_347 = arith.constant 1 : i32
      %add3A_348 = arith.addi %mul3A_346, %add3A_347 : i32
      %add3A_349 = arith.constant 2 : i32
      %add3A_350 = arith.addi %add3A_348, %add3A_349 : i32
      %dma_wait3A_351 = arith.constant 0 : i32
      %dma_wait3A_352 = arith.constant 0 : i32
      %dma_wait3A_353 = tpu.memref_slice %arg6[%dma_wait3A_351, %dma_wait3A_352] : memref<80x128xi32, #tpu.memory_space<vmem>> -> memref<1x128xi32, #tpu.memory_space<vmem>>
      %dma_wait3A_354 = tpu.memref_squeeze %dma_wait3A_353 : memref<1x128xi32, #tpu.memory_space<vmem>> -> memref<128xi32, #tpu.memory_space<vmem>>
      %dma_wait3A_355 = arith.constant 0 : i32
      %dma_wait3A_356 = arith.constant 0 : i32
      %dma_wait3A_357 = tpu.memref_slice %arg11[%dma_wait3A_355, %dma_wait3A_356] : memref<10240x64xf32, #tpu.memory_space<vmem_shared>> -> memref<10240x64xf32, #tpu.memory_space<vmem_shared>>
      tpu.wait_indirect_dma semaphore(%arg13 : memref<!tpu.dma_semaphore, #tpu.memory_space<semaphore_mem>>) src(%dma_wait3A_357 : memref<10240x64xf32, #tpu.memory_space<vmem_shared>>) dst(%arg8 : memref<128x64xf32, #tpu.memory_space<vmem>>)
      %dma_start3A_358 = arith.constant 0 : i32
      %dma_start3A_359 = tpu.memref_slice %arg7[%add3A_350, %dma_start3A_358] : memref<80x128xi32, #tpu.memory_space<vmem>> -> memref<1x128xi32, #tpu.memory_space<vmem>>
      %dma_start3A_360 = tpu.memref_squeeze %dma_start3A_359 : memref<1x128xi32, #tpu.memory_space<vmem>> -> memref<128xi32, #tpu.memory_space<vmem>>
      %dma_start3A_361 = arith.constant 0 : i32
      %dma_start3A_362 = arith.constant 0 : i32
      %dma_start3A_363 = tpu.memref_slice %arg12[%dma_start3A_361, %dma_start3A_362] : memref<10240x64xf32, #tpu.memory_space<vmem_shared>> -> memref<10240x64xf32, #tpu.memory_space<vmem_shared>>
      tpu.enqueue_indirect_dma source(%arg8 : memref<128x64xf32, #tpu.memory_space<vmem>>) target(%dma_start3A_363 : memref<10240x64xf32, #tpu.memory_space<vmem_shared>>) offsets(%dma_start3A_360 : memref<128xi32, #tpu.memory_space<vmem>>) semaphore(%arg16 : memref<!tpu.dma_semaphore, #tpu.memory_space<semaphore_mem>>) {add = true}
      %dma_wait3A_364 = arith.constant 0 : i32
      %dma_wait3A_365 = arith.constant 0 : i32
      %dma_wait3A_366 = tpu.memref_slice %arg7[%dma_wait3A_364, %dma_wait3A_365] : memref<80x128xi32, #tpu.memory_space<vmem>> -> memref<1x128xi32, #tpu.memory_space<vmem>>
      %dma_wait3A_367 = tpu.memref_squeeze %dma_wait3A_366 : memref<1x128xi32, #tpu.memory_space<vmem>> -> memref<128xi32, #tpu.memory_space<vmem>>
      %dma_wait3A_368 = arith.constant 0 : i32
      %dma_wait3A_369 = arith.constant 0 : i32
      %dma_wait3A_370 = tpu.memref_slice %arg12[%dma_wait3A_368, %dma_wait3A_369] : memref<10240x64xf32, #tpu.memory_space<vmem_shared>> -> memref<10240x64xf32, #tpu.memory_space<vmem_shared>>
      tpu.wait_indirect_dma semaphore(%arg18 : memref<!tpu.dma_semaphore, #tpu.memory_space<semaphore_mem>>) src(%arg10 : memref<128x64xf32, #tpu.memory_space<vmem>>) dst(%dma_wait3A_370 : memref<10240x64xf32, #tpu.memory_space<vmem_shared>>)
      %add3A_371 = arith.constant 2 : i32
      %add3A_372 = arith.addi %add3A_350, %add3A_371 : i32
      %dma_start3A_373 = arith.constant 0 : i32
      %dma_start3A_374 = tpu.memref_slice %arg6[%add3A_372, %dma_start3A_373] : memref<80x128xi32, #tpu.memory_space<vmem>> -> memref<1x128xi32, #tpu.memory_space<vmem>>
      %dma_start3A_375 = tpu.memref_squeeze %dma_start3A_374 : memref<1x128xi32, #tpu.memory_space<vmem>> -> memref<128xi32, #tpu.memory_space<vmem>>
      %dma_start3A_376 = arith.constant 0 : i32
      %dma_start3A_377 = arith.constant 0 : i32
      %dma_start3A_378 = tpu.memref_slice %arg11[%dma_start3A_376, %dma_start3A_377] : memref<10240x64xf32, #tpu.memory_space<vmem_shared>> -> memref<10240x64xf32, #tpu.memory_space<vmem_shared>>
      tpu.enqueue_indirect_dma source(%dma_start3A_378 : memref<10240x64xf32, #tpu.memory_space<vmem_shared>>) target(%arg10 : memref<128x64xf32, #tpu.memory_space<vmem>>) offsets(%dma_start3A_375 : memref<128xi32, #tpu.memory_space<vmem>>) semaphore(%arg15 : memref<!tpu.dma_semaphore, #tpu.memory_space<semaphore_mem>>)
      %mul3A_379 = arith.constant 3 : i32
      %mul3A_380 = arith.muli %scan3A_309, %mul3A_379 : i32
      %add3A_381 = arith.constant 2 : i32
      %add3A_382 = arith.addi %mul3A_380, %add3A_381 : i32
      %add3A_383 = arith.constant 2 : i32
      %add3A_384 = arith.addi %add3A_382, %add3A_383 : i32
      %dma_wait3A_385 = arith.constant 0 : i32
      %dma_wait3A_386 = arith.constant 0 : i32
      %dma_wait3A_387 = tpu.memref_slice %arg6[%dma_wait3A_385, %dma_wait3A_386] : memref<80x128xi32, #tpu.memory_space<vmem>> -> memref<1x128xi32, #tpu.memory_space<vmem>>
      %dma_wait3A_388 = tpu.memref_squeeze %dma_wait3A_387 : memref<1x128xi32, #tpu.memory_space<vmem>> -> memref<128xi32, #tpu.memory_space<vmem>>
      %dma_wait3A_389 = arith.constant 0 : i32
      %dma_wait3A_390 = arith.constant 0 : i32
      %dma_wait3A_391 = tpu.memref_slice %arg11[%dma_wait3A_389, %dma_wait3A_390] : memref<10240x64xf32, #tpu.memory_space<vmem_shared>> -> memref<10240x64xf32, #tpu.memory_space<vmem_shared>>
      tpu.wait_indirect_dma semaphore(%arg14 : memref<!tpu.dma_semaphore, #tpu.memory_space<semaphore_mem>>) src(%dma_wait3A_391 : memref<10240x64xf32, #tpu.memory_space<vmem_shared>>) dst(%arg9 : memref<128x64xf32, #tpu.memory_space<vmem>>)
      %dma_start3A_392 = arith.constant 0 : i32
      %dma_start3A_393 = tpu.memref_slice %arg7[%add3A_384, %dma_start3A_392] : memref<80x128xi32, #tpu.memory_space<vmem>> -> memref<1x128xi32, #tpu.memory_space<vmem>>
      %dma_start3A_394 = tpu.memref_squeeze %dma_start3A_393 : memref<1x128xi32, #tpu.memory_space<vmem>> -> memref<128xi32, #tpu.memory_space<vmem>>
      %dma_start3A_395 = arith.constant 0 : i32
      %dma_start3A_396 = arith.constant 0 : i32
      %dma_start3A_397 = tpu.memref_slice %arg12[%dma_start3A_395, %dma_start3A_396] : memref<10240x64xf32, #tpu.memory_space<vmem_shared>> -> memref<10240x64xf32, #tpu.memory_space<vmem_shared>>
      tpu.enqueue_indirect_dma source(%arg9 : memref<128x64xf32, #tpu.memory_space<vmem>>) target(%dma_start3A_397 : memref<10240x64xf32, #tpu.memory_space<vmem_shared>>) offsets(%dma_start3A_394 : memref<128xi32, #tpu.memory_space<vmem>>) semaphore(%arg17 : memref<!tpu.dma_semaphore, #tpu.memory_space<semaphore_mem>>) {add = true}
      %dma_wait3A_398 = arith.constant 0 : i32
      %dma_wait3A_399 = arith.constant 0 : i32
      %dma_wait3A_400 = tpu.memref_slice %arg7[%dma_wait3A_398, %dma_wait3A_399] : memref<80x128xi32, #tpu.memory_space<vmem>> -> memref<1x128xi32, #tpu.memory_space<vmem>>
      %dma_wait3A_401 = tpu.memref_squeeze %dma_wait3A_400 : memref<1x128xi32, #tpu.memory_space<vmem>> -> memref<128xi32, #tpu.memory_space<vmem>>
      %dma_wait3A_402 = arith.constant 0 : i32
      %dma_wait3A_403 = arith.constant 0 : i32
      %dma_wait3A_404 = tpu.memref_slice %arg12[%dma_wait3A_402, %dma_wait3A_403] : memref<10240x64xf32, #tpu.memory_space<vmem_shared>> -> memref<10240x64xf32, #tpu.memory_space<vmem_shared>>
      tpu.wait_indirect_dma semaphore(%arg16 : memref<!tpu.dma_semaphore, #tpu.memory_space<semaphore_mem>>) src(%arg8 : memref<128x64xf32, #tpu.memory_space<vmem>>) dst(%dma_wait3A_404 : memref<10240x64xf32, #tpu.memory_space<vmem_shared>>)
      %add3A_405 = arith.constant 2 : i32
      %add3A_406 = arith.addi %add3A_384, %add3A_405 : i32
      %dma_start3A_407 = arith.constant 0 : i32
      %dma_start3A_408 = tpu.memref_slice %arg6[%add3A_406, %dma_start3A_407] : memref<80x128xi32, #tpu.memory_space<vmem>> -> memref<1x128xi32, #tpu.memory_space<vmem>>
      %dma_start3A_409 = tpu.memref_squeeze %dma_start3A_408 : memref<1x128xi32, #tpu.memory_space<vmem>> -> memref<128xi32, #tpu.memory_space<vmem>>
      %dma_start3A_410 = arith.constant 0 : i32
      %dma_start3A_411 = arith.constant 0 : i32
      %dma_start3A_412 = tpu.memref_slice %arg11[%dma_start3A_410, %dma_start3A_411] : memref<10240x64xf32, #tpu.memory_space<vmem_shared>> -> memref<10240x64xf32, #tpu.memory_space<vmem_shared>>
      tpu.enqueue_indirect_dma source(%dma_start3A_412 : memref<10240x64xf32, #tpu.memory_space<vmem_shared>>) target(%arg8 : memref<128x64xf32, #tpu.memory_space<vmem>>) offsets(%dma_start3A_409 : memref<128xi32, #tpu.memory_space<vmem>>) semaphore(%arg13 : memref<!tpu.dma_semaphore, #tpu.memory_space<semaphore_mem>>)
      %scan3A_413 = arith.constant 0 : i32
      scf.yield %scan3A_413 : i32
    }
    %scan3A_230 = arith.constant 25 : i32
    %dma_wait3A_231 = arith.constant 0 : i32
    %dma_wait3A_232 = arith.constant 0 : i32
    %dma_wait3A_233 = tpu.memref_slice %arg6[%dma_wait3A_231, %dma_wait3A_232] : memref<80x128xi32, #tpu.memory_space<vmem>> -> memref<1x128xi32, #tpu.memory_space<vmem>>
    %dma_wait3A_234 = tpu.memref_squeeze %dma_wait3A_233 : memref<1x128xi32, #tpu.memory_space<vmem>> -> memref<128xi32, #tpu.memory_space<vmem>>
    %dma_wait3A_235 = arith.constant 0 : i32
    %dma_wait3A_236 = arith.constant 0 : i32
    %dma_wait3A_237 = tpu.memref_slice %arg11[%dma_wait3A_235, %dma_wait3A_236] : memref<10240x64xf32, #tpu.memory_space<vmem_shared>> -> memref<10240x64xf32, #tpu.memory_space<vmem_shared>>
    tpu.wait_indirect_dma semaphore(%arg15 : memref<!tpu.dma_semaphore, #tpu.memory_space<semaphore_mem>>) src(%dma_wait3A_237 : memref<10240x64xf32, #tpu.memory_space<vmem_shared>>) dst(%arg10 : memref<128x64xf32, #tpu.memory_space<vmem>>)
    %dma_start3A_238 = arith.constant 77 : i32
    %dma_start3A_239 = arith.constant 0 : i32
    %dma_start3A_240 = tpu.memref_slice %arg7[%dma_start3A_238, %dma_start3A_239] : memref<80x128xi32, #tpu.memory_space<vmem>> -> memref<1x128xi32, #tpu.memory_space<vmem>>
    %dma_start3A_241 = tpu.memref_squeeze %dma_start3A_240 : memref<1x128xi32, #tpu.memory_space<vmem>> -> memref<128xi32, #tpu.memory_space<vmem>>
    %dma_start3A_242 = arith.constant 0 : i32
    %dma_start3A_243 = arith.constant 0 : i32
    %dma_start3A_244 = tpu.memref_slice %arg12[%dma_start3A_242, %dma_start3A_243] : memref<10240x64xf32, #tpu.memory_space<vmem_shared>> -> memref<10240x64xf32, #tpu.memory_space<vmem_shared>>
    tpu.enqueue_indirect_dma source(%arg10 : memref<128x64xf32, #tpu.memory_space<vmem>>) target(%dma_start3A_244 : memref<10240x64xf32, #tpu.memory_space<vmem_shared>>) offsets(%dma_start3A_241 : memref<128xi32, #tpu.memory_space<vmem>>) semaphore(%arg18 : memref<!tpu.dma_semaphore, #tpu.memory_space<semaphore_mem>>) {add = true}
    %dma_wait3A_245 = arith.constant 0 : i32
    %dma_wait3A_246 = arith.constant 0 : i32
    %dma_wait3A_247 = tpu.memref_slice %arg7[%dma_wait3A_245, %dma_wait3A_246] : memref<80x128xi32, #tpu.memory_space<vmem>> -> memref<1x128xi32, #tpu.memory_space<vmem>>
    %dma_wait3A_248 = tpu.memref_squeeze %dma_wait3A_247 : memref<1x128xi32, #tpu.memory_space<vmem>> -> memref<128xi32, #tpu.memory_space<vmem>>
    %dma_wait3A_249 = arith.constant 0 : i32
    %dma_wait3A_250 = arith.constant 0 : i32
    %dma_wait3A_251 = tpu.memref_slice %arg12[%dma_wait3A_249, %dma_wait3A_250] : memref<10240x64xf32, #tpu.memory_space<vmem_shared>> -> memref<10240x64xf32, #tpu.memory_space<vmem_shared>>
    tpu.wait_indirect_dma semaphore(%arg17 : memref<!tpu.dma_semaphore, #tpu.memory_space<semaphore_mem>>) src(%arg9 : memref<128x64xf32, #tpu.memory_space<vmem>>) dst(%dma_wait3A_251 : memref<10240x64xf32, #tpu.memory_space<vmem_shared>>)
    %dma_start3A_252 = arith.constant 79 : i32
    %dma_start3A_253 = arith.constant 0 : i32
    %dma_start3A_254 = tpu.memref_slice %arg6[%dma_start3A_252, %dma_start3A_253] : memref<80x128xi32, #tpu.memory_space<vmem>> -> memref<1x128xi32, #tpu.memory_space<vmem>>
    %dma_start3A_255 = tpu.memref_squeeze %dma_start3A_254 : memref<1x128xi32, #tpu.memory_space<vmem>> -> memref<128xi32, #tpu.memory_space<vmem>>
    %dma_start3A_256 = arith.constant 0 : i32
    %dma_start3A_257 = arith.constant 0 : i32
    %dma_start3A_258 = tpu.memref_slice %arg11[%dma_start3A_256, %dma_start3A_257] : memref<10240x64xf32, #tpu.memory_space<vmem_shared>> -> memref<10240x64xf32, #tpu.memory_space<vmem_shared>>
    tpu.enqueue_indirect_dma source(%dma_start3A_258 : memref<10240x64xf32, #tpu.memory_space<vmem_shared>>) target(%arg9 : memref<128x64xf32, #tpu.memory_space<vmem>>) offsets(%dma_start3A_255 : memref<128xi32, #tpu.memory_space<vmem>>) semaphore(%arg14 : memref<!tpu.dma_semaphore, #tpu.memory_space<semaphore_mem>>)
    %dma_wait3A_259 = arith.constant 0 : i32
    %dma_wait3A_260 = arith.constant 0 : i32
    %dma_wait3A_261 = tpu.memref_slice %arg6[%dma_wait3A_259, %dma_wait3A_260] : memref<80x128xi32, #tpu.memory_space<vmem>> -> memref<1x128xi32, #tpu.memory_space<vmem>>
    %dma_wait3A_262 = tpu.memref_squeeze %dma_wait3A_261 : memref<1x128xi32, #tpu.memory_space<vmem>> -> memref<128xi32, #tpu.memory_space<vmem>>
    %dma_wait3A_263 = arith.constant 0 : i32
    %dma_wait3A_264 = arith.constant 0 : i32
    %dma_wait3A_265 = tpu.memref_slice %arg11[%dma_wait3A_263, %dma_wait3A_264] : memref<10240x64xf32, #tpu.memory_space<vmem_shared>> -> memref<10240x64xf32, #tpu.memory_space<vmem_shared>>
    tpu.wait_indirect_dma semaphore(%arg13 : memref<!tpu.dma_semaphore, #tpu.memory_space<semaphore_mem>>) src(%dma_wait3A_265 : memref<10240x64xf32, #tpu.memory_space<vmem_shared>>) dst(%arg8 : memref<128x64xf32, #tpu.memory_space<vmem>>)
    %dma_start3A_266 = arith.constant 78 : i32
    %dma_start3A_267 = arith.constant 0 : i32
    %dma_start3A_268 = tpu.memref_slice %arg7[%dma_start3A_266, %dma_start3A_267] : memref<80x128xi32, #tpu.memory_space<vmem>> -> memref<1x128xi32, #tpu.memory_space<vmem>>
    %dma_start3A_269 = tpu.memref_squeeze %dma_start3A_268 : memref<1x128xi32, #tpu.memory_space<vmem>> -> memref<128xi32, #tpu.memory_space<vmem>>
    %dma_start3A_270 = arith.constant 0 : i32
    %dma_start3A_271 = arith.constant 0 : i32
    %dma_start3A_272 = tpu.memref_slice %arg12[%dma_start3A_270, %dma_start3A_271] : memref<10240x64xf32, #tpu.memory_space<vmem_shared>> -> memref<10240x64xf32, #tpu.memory_space<vmem_shared>>
    tpu.enqueue_indirect_dma source(%arg8 : memref<128x64xf32, #tpu.memory_space<vmem>>) target(%dma_start3A_272 : memref<10240x64xf32, #tpu.memory_space<vmem_shared>>) offsets(%dma_start3A_269 : memref<128xi32, #tpu.memory_space<vmem>>) semaphore(%arg16 : memref<!tpu.dma_semaphore, #tpu.memory_space<semaphore_mem>>) {add = true}
    %dma_wait3A_273 = arith.constant 0 : i32
    %dma_wait3A_274 = arith.constant 0 : i32
    %dma_wait3A_275 = tpu.memref_slice %arg7[%dma_wait3A_273, %dma_wait3A_274] : memref<80x128xi32, #tpu.memory_space<vmem>> -> memref<1x128xi32, #tpu.memory_space<vmem>>
    %dma_wait3A_276 = tpu.memref_squeeze %dma_wait3A_275 : memref<1x128xi32, #tpu.memory_space<vmem>> -> memref<128xi32, #tpu.memory_space<vmem>>
    %dma_wait3A_277 = arith.constant 0 : i32
    %dma_wait3A_278 = arith.constant 0 : i32
    %dma_wait3A_279 = tpu.memref_slice %arg12[%dma_wait3A_277, %dma_wait3A_278] : memref<10240x64xf32, #tpu.memory_space<vmem_shared>> -> memref<10240x64xf32, #tpu.memory_space<vmem_shared>>
    tpu.wait_indirect_dma semaphore(%arg18 : memref<!tpu.dma_semaphore, #tpu.memory_space<semaphore_mem>>) src(%arg10 : memref<128x64xf32, #tpu.memory_space<vmem>>) dst(%dma_wait3A_279 : memref<10240x64xf32, #tpu.memory_space<vmem_shared>>)
    %dma_wait3A_280 = arith.constant 0 : i32
    %dma_wait3A_281 = arith.constant 0 : i32
    %dma_wait3A_282 = tpu.memref_slice %arg6[%dma_wait3A_280, %dma_wait3A_281] : memref<80x128xi32, #tpu.memory_space<vmem>> -> memref<1x128xi32, #tpu.memory_space<vmem>>
    %dma_wait3A_283 = tpu.memref_squeeze %dma_wait3A_282 : memref<1x128xi32, #tpu.memory_space<vmem>> -> memref<128xi32, #tpu.memory_space<vmem>>
    %dma_wait3A_284 = arith.constant 0 : i32
    %dma_wait3A_285 = arith.constant 0 : i32
    %dma_wait3A_286 = tpu.memref_slice %arg11[%dma_wait3A_284, %dma_wait3A_285] : memref<10240x64xf32, #tpu.memory_space<vmem_shared>> -> memref<10240x64xf32, #tpu.memory_space<vmem_shared>>
    tpu.wait_indirect_dma semaphore(%arg14 : memref<!tpu.dma_semaphore, #tpu.memory_space<semaphore_mem>>) src(%dma_wait3A_286 : memref<10240x64xf32, #tpu.memory_space<vmem_shared>>) dst(%arg9 : memref<128x64xf32, #tpu.memory_space<vmem>>)
    %dma_start3A_287 = arith.constant 79 : i32
    %dma_start3A_288 = arith.constant 0 : i32
    %dma_start3A_289 = tpu.memref_slice %arg7[%dma_start3A_287, %dma_start3A_288] : memref<80x128xi32, #tpu.memory_space<vmem>> -> memref<1x128xi32, #tpu.memory_space<vmem>>
    %dma_start3A_290 = tpu.memref_squeeze %dma_start3A_289 : memref<1x128xi32, #tpu.memory_space<vmem>> -> memref<128xi32, #tpu.memory_space<vmem>>
    %dma_start3A_291 = arith.constant 0 : i32
    %dma_start3A_292 = arith.constant 0 : i32
    %dma_start3A_293 = tpu.memref_slice %arg12[%dma_start3A_291, %dma_start3A_292] : memref<10240x64xf32, #tpu.memory_space<vmem_shared>> -> memref<10240x64xf32, #tpu.memory_space<vmem_shared>>
    tpu.enqueue_indirect_dma source(%arg9 : memref<128x64xf32, #tpu.memory_space<vmem>>) target(%dma_start3A_293 : memref<10240x64xf32, #tpu.memory_space<vmem_shared>>) offsets(%dma_start3A_290 : memref<128xi32, #tpu.memory_space<vmem>>) semaphore(%arg17 : memref<!tpu.dma_semaphore, #tpu.memory_space<semaphore_mem>>) {add = true}
    %dma_wait3A_294 = arith.constant 0 : i32
    %dma_wait3A_295 = arith.constant 0 : i32
    %dma_wait3A_296 = tpu.memref_slice %arg7[%dma_wait3A_294, %dma_wait3A_295] : memref<80x128xi32, #tpu.memory_space<vmem>> -> memref<1x128xi32, #tpu.memory_space<vmem>>
    %dma_wait3A_297 = tpu.memref_squeeze %dma_wait3A_296 : memref<1x128xi32, #tpu.memory_space<vmem>> -> memref<128xi32, #tpu.memory_space<vmem>>
    %dma_wait3A_298 = arith.constant 0 : i32
    %dma_wait3A_299 = arith.constant 0 : i32
    %dma_wait3A_300 = tpu.memref_slice %arg12[%dma_wait3A_298, %dma_wait3A_299] : memref<10240x64xf32, #tpu.memory_space<vmem_shared>> -> memref<10240x64xf32, #tpu.memory_space<vmem_shared>>
    tpu.wait_indirect_dma semaphore(%arg16 : memref<!tpu.dma_semaphore, #tpu.memory_space<semaphore_mem>>) src(%arg8 : memref<128x64xf32, #tpu.memory_space<vmem>>) dst(%dma_wait3A_300 : memref<10240x64xf32, #tpu.memory_space<vmem_shared>>)
    %dma_wait3A_301 = arith.constant 0 : i32
    %dma_wait3A_302 = arith.constant 0 : i32
    %dma_wait3A_303 = tpu.memref_slice %arg7[%dma_wait3A_301, %dma_wait3A_302] : memref<80x128xi32, #tpu.memory_space<vmem>> -> memref<1x128xi32, #tpu.memory_space<vmem>>
    %dma_wait3A_304 = tpu.memref_squeeze %dma_wait3A_303 : memref<1x128xi32, #tpu.memory_space<vmem>> -> memref<128xi32, #tpu.memory_space<vmem>>
    %dma_wait3A_305 = arith.constant 0 : i32
    %dma_wait3A_306 = arith.constant 0 : i32
    %dma_wait3A_307 = tpu.memref_slice %arg12[%dma_wait3A_305, %dma_wait3A_306] : memref<10240x64xf32, #tpu.memory_space<vmem_shared>> -> memref<10240x64xf32, #tpu.memory_space<vmem_shared>>
    tpu.wait_indirect_dma semaphore(%arg17 : memref<!tpu.dma_semaphore, #tpu.memory_space<semaphore_mem>>) src(%arg9 : memref<128x64xf32, #tpu.memory_space<vmem>>) dst(%dma_wait3A_307 : memref<10240x64xf32, #tpu.memory_space<vmem_shared>>)
    %barrier3A_308 = arith.constant 0 : index
    tpu.barrier barrier_id(%barrier3A_308)
    "tpu.region"() ({
      %run_scoped3A = tpu.sem_alloc : memref<!tpu.dma_semaphore, #tpu.memory_space<semaphore_mem>>
      %dma_start3A_309 = arith.constant 0 : i32
      %dma_start3A_310 = tpu.memref_slice %arg5[%arg0, %mul3A_0, %dma_start3A_309] : memref<2x10240x64xf32, #tpu.memory_space<hbm>> -> memref<1x640x64xf32, #tpu.memory_space<hbm>>
      %dma_start3A_311 = tpu.memref_squeeze %dma_start3A_310 : memref<1x640x64xf32, #tpu.memory_space<hbm>> -> memref<640x64xf32, #tpu.memory_space<hbm>>
      %dma_start3A_312 = arith.constant 0 : i32
      %dma_start3A_313 = tpu.memref_slice %arg12[%mul3A_0, %dma_start3A_312] : memref<10240x64xf32, #tpu.memory_space<vmem_shared>> -> memref<640x64xf32, #tpu.memory_space<vmem_shared>>
      tpu.enqueue_dma source(%dma_start3A_313 : memref<640x64xf32, #tpu.memory_space<vmem_shared>>) target(%dma_start3A_311 : memref<640x64xf32, #tpu.memory_space<hbm>>) target_semaphore(%run_scoped3A : memref<!tpu.dma_semaphore, #tpu.memory_space<semaphore_mem>>)
      %dma_wait3A_314 = arith.constant 0 : i32
      %dma_wait3A_315 = tpu.memref_slice %arg5[%arg0, %mul3A_0, %dma_wait3A_314] : memref<2x10240x64xf32, #tpu.memory_space<hbm>> -> memref<1x640x64xf32, #tpu.memory_space<hbm>>
      %dma_wait3A_316 = tpu.memref_squeeze %dma_wait3A_315 : memref<1x640x64xf32, #tpu.memory_space<hbm>> -> memref<640x64xf32, #tpu.memory_space<hbm>>
      %dma_wait3A_317 = arith.constant 0 : i32
      %dma_wait3A_318 = tpu.memref_slice %arg12[%mul3A_0, %dma_wait3A_317] : memref<10240x64xf32, #tpu.memory_space<vmem_shared>> -> memref<640x64xf32, #tpu.memory_space<vmem_shared>>
      tpu.wait_dma2 semaphore(%run_scoped3A : memref<!tpu.dma_semaphore, #tpu.memory_space<semaphore_mem>>) src(%dma_wait3A_318 : memref<640x64xf32, #tpu.memory_space<vmem_shared>>) dst(%dma_wait3A_316 : memref<640x64xf32, #tpu.memory_space<hbm>>)
      tpu.yield
    }) : () -> ()
    return
  }
}

#map = affine_map<(d0, d1) -> (0, 0, 0)>
#map1 = affine_map<(d0, d1) -> (0)>
#map2 = affine_map<(d0, d1) -> (0, 0)>
module attributes {stable_mosaic.version = 14 : i64} {
  func.func @_body(%arg0: i32, %arg1: i32, %arg2: memref<2x10240x32xf32, #tpu.memory_space<hbm>>, %arg3: memref<16x160x128xi32, #tpu.memory_space<hbm>>, %arg4: memref<16x160x128xi32, #tpu.memory_space<hbm>>, %arg5: memref<10240xf32, #tpu.memory_space<hbm>>, %arg6: memref<2x32xf32, #tpu.memory_space<hbm>>, %arg7: memref<10000x40xf32, #tpu.memory_space<hbm>>, %arg8: memref<80x128xi32, #tpu.memory_space<vmem>>, %arg9: memref<80x128xi32, #tpu.memory_space<vmem>>, %arg10: memref<128x32xf32, #tpu.memory_space<vmem>>, %arg11: memref<128x32xf32, #tpu.memory_space<vmem>>, %arg12: memref<128x32xf32, #tpu.memory_space<vmem>>, %arg13: memref<640xf32, #tpu.memory_space<vmem>>, %arg14: memref<32xf32, #tpu.memory_space<vmem>>, %arg15: memref<10240x32xf32, #tpu.memory_space<vmem_shared>>, %arg16: memref<10240x32xf32, #tpu.memory_space<vmem_shared>>, %arg17: memref<!tpu.dma_semaphore, #tpu.memory_space<semaphore_mem>>, %arg18: memref<!tpu.dma_semaphore, #tpu.memory_space<semaphore_mem>>, %arg19: memref<!tpu.dma_semaphore, #tpu.memory_space<semaphore_mem>>, %arg20: memref<!tpu.dma_semaphore, #tpu.memory_space<semaphore_mem>>, %arg21: memref<!tpu.dma_semaphore, #tpu.memory_space<semaphore_mem>>, %arg22: memref<!tpu.dma_semaphore, #tpu.memory_space<semaphore_mem>>) attributes {dimension_semantics = [#tpu.dimension_semantics<core_parallel>, #tpu.dimension_semantics<subcore_parallel>], iteration_bounds = array<i64: 2, 16>, scalar_prefetch = 0 : i64, scratch_operands = 15 : i64, tpu.core_type = #tpu.core_type<sc_vector_subcore>, window_params = [{transform_indices = #map}, {transform_indices = #map}, {transform_indices = #map}, {transform_indices = #map1}, {transform_indices = #map2}, {transform_indices = #map2}]} {
    %mul3A = arith.constant 640 : i32
    %mul3A_0 = arith.muli %arg1, %mul3A : i32
    %scan3A = arith.constant 0 : i32
    %scan3A_1 = arith.constant 0 : i32
    %scan3A_2 = arith.constant 128 : i32
    %scan3A_3 = arith.addi %scan3A_1, %scan3A_2 : i32
    %scan3A_4 = arith.constant 1 : i32
    %scan3A_5 = scf.for %scan3A_552 = %scan3A_1 to %scan3A_3 step %scan3A_4 iter_args(%scan3A_553 = %scan3A) -> (i32)  : i32 {
      %scan3A_554 = arith.constant 0 : i32
      %scan3A_555 = arith.constant 0 : i32
      %scan3A_556 = arith.constant 2 : i32
      %scan3A_557 = arith.addi %scan3A_555, %scan3A_556 : i32
      %scan3A_558 = arith.constant 1 : i32
      %scan3A_559 = scf.for %scan3A_562 = %scan3A_555 to %scan3A_557 step %scan3A_558 iter_args(%scan3A_563 = %scan3A_554) -> (i32)  : i32 {
        %broadcast_in_dim3A = arith.constant 0.000000e+00 : f32
        %broadcast_in_dim3A_564 = vector.broadcast %broadcast_in_dim3A : f32 to vector<16xf32>
        %mul3A_565 = arith.constant 16 : i32
        %mul3A_566 = arith.muli %scan3A_562, %mul3A_565 : i32
        %swap3A = arith.index_cast %scan3A_552 : i32 to index
        %swap3A_567 = arith.index_cast %mul3A_566 : i32 to index
        %swap3A_568 = tpu.vector_load %arg10[%swap3A, %swap3A_567] {strides = array<i32>} : memref<128x32xf32, #tpu.memory_space<vmem>>, vector<16xf32>,
        tpu.vector_store %arg10[%swap3A, %swap3A_567], %broadcast_in_dim3A_564 {strides = array<i32>} : memref<128x32xf32, #tpu.memory_space<vmem>>, vector<16xf32>,
        %scan3A_569 = arith.constant 0 : i32
        scf.yield %scan3A_569 : i32
      }
      %scan3A_560 = arith.constant 2 : i32
      %scan3A_561 = arith.constant 0 : i32
      scf.yield %scan3A_561 : i32
    }
    %scan3A_6 = arith.constant 128 : i32
    %add3A = arith.constant 0 : i32
    %add3A_7 = arith.addi %mul3A_0, %add3A : i32
    "tpu.region"() ({
      %run_scoped3A = tpu.sem_alloc : memref<!tpu.dma_semaphore, #tpu.memory_space<semaphore_mem>>
      %dma_start3A_552 = arith.constant 0 : i32
      %dma_start3A_553 = tpu.memref_slice %arg16[%add3A_7, %dma_start3A_552] : memref<10240x32xf32, #tpu.memory_space<vmem_shared>> -> memref<128x32xf32, #tpu.memory_space<vmem_shared>>
      %dma_start3A_554 = arith.constant 0 : i32
      %dma_start3A_555 = tpu.memref_slice %arg16[%add3A_7, %dma_start3A_554] : memref<10240x32xf32, #tpu.memory_space<vmem_shared>> -> memref<128x32xf32, #tpu.memory_space<vmem_shared>>
      tpu.enqueue_dma source(%arg10 : memref<128x32xf32, #tpu.memory_space<vmem>>) target(%dma_start3A_555 : memref<128x32xf32, #tpu.memory_space<vmem_shared>>) target_semaphore(%run_scoped3A : memref<!tpu.dma_semaphore, #tpu.memory_space<semaphore_mem>>)
      %dma_wait3A_556 = arith.constant 0 : i32
      %dma_wait3A_557 = tpu.memref_slice %arg16[%add3A_7, %dma_wait3A_556] : memref<10240x32xf32, #tpu.memory_space<vmem_shared>> -> memref<128x32xf32, #tpu.memory_space<vmem_shared>>
      %dma_wait3A_558 = arith.constant 0 : i32
      %dma_wait3A_559 = tpu.memref_slice %arg16[%add3A_7, %dma_wait3A_558] : memref<10240x32xf32, #tpu.memory_space<vmem_shared>> -> memref<128x32xf32, #tpu.memory_space<vmem_shared>>
      tpu.wait_dma2 semaphore(%run_scoped3A : memref<!tpu.dma_semaphore, #tpu.memory_space<semaphore_mem>>) src(%arg10 : memref<128x32xf32, #tpu.memory_space<vmem>>) dst(%dma_wait3A_559 : memref<128x32xf32, #tpu.memory_space<vmem_shared>>)
      tpu.yield
    }) : () -> ()
    %add3A_8 = arith.constant 128 : i32
    %add3A_9 = arith.addi %mul3A_0, %add3A_8 : i32
    "tpu.region"() ({
      %run_scoped3A = tpu.sem_alloc : memref<!tpu.dma_semaphore, #tpu.memory_space<semaphore_mem>>
      %dma_start3A_552 = arith.constant 0 : i32
      %dma_start3A_553 = tpu.memref_slice %arg16[%add3A_9, %dma_start3A_552] : memref<10240x32xf32, #tpu.memory_space<vmem_shared>> -> memref<128x32xf32, #tpu.memory_space<vmem_shared>>
      %dma_start3A_554 = arith.constant 0 : i32
      %dma_start3A_555 = tpu.memref_slice %arg16[%add3A_9, %dma_start3A_554] : memref<10240x32xf32, #tpu.memory_space<vmem_shared>> -> memref<128x32xf32, #tpu.memory_space<vmem_shared>>
      tpu.enqueue_dma source(%arg10 : memref<128x32xf32, #tpu.memory_space<vmem>>) target(%dma_start3A_555 : memref<128x32xf32, #tpu.memory_space<vmem_shared>>) target_semaphore(%run_scoped3A : memref<!tpu.dma_semaphore, #tpu.memory_space<semaphore_mem>>)
      %dma_wait3A_556 = arith.constant 0 : i32
      %dma_wait3A_557 = tpu.memref_slice %arg16[%add3A_9, %dma_wait3A_556] : memref<10240x32xf32, #tpu.memory_space<vmem_shared>> -> memref<128x32xf32, #tpu.memory_space<vmem_shared>>
      %dma_wait3A_558 = arith.constant 0 : i32
      %dma_wait3A_559 = tpu.memref_slice %arg16[%add3A_9, %dma_wait3A_558] : memref<10240x32xf32, #tpu.memory_space<vmem_shared>> -> memref<128x32xf32, #tpu.memory_space<vmem_shared>>
      tpu.wait_dma2 semaphore(%run_scoped3A : memref<!tpu.dma_semaphore, #tpu.memory_space<semaphore_mem>>) src(%arg10 : memref<128x32xf32, #tpu.memory_space<vmem>>) dst(%dma_wait3A_559 : memref<128x32xf32, #tpu.memory_space<vmem_shared>>)
      tpu.yield
    }) : () -> ()
    %add3A_10 = arith.constant 256 : i32
    %add3A_11 = arith.addi %mul3A_0, %add3A_10 : i32
    "tpu.region"() ({
      %run_scoped3A = tpu.sem_alloc : memref<!tpu.dma_semaphore, #tpu.memory_space<semaphore_mem>>
      %dma_start3A_552 = arith.constant 0 : i32
      %dma_start3A_553 = tpu.memref_slice %arg16[%add3A_11, %dma_start3A_552] : memref<10240x32xf32, #tpu.memory_space<vmem_shared>> -> memref<128x32xf32, #tpu.memory_space<vmem_shared>>
      %dma_start3A_554 = arith.constant 0 : i32
      %dma_start3A_555 = tpu.memref_slice %arg16[%add3A_11, %dma_start3A_554] : memref<10240x32xf32, #tpu.memory_space<vmem_shared>> -> memref<128x32xf32, #tpu.memory_space<vmem_shared>>
      tpu.enqueue_dma source(%arg10 : memref<128x32xf32, #tpu.memory_space<vmem>>) target(%dma_start3A_555 : memref<128x32xf32, #tpu.memory_space<vmem_shared>>) target_semaphore(%run_scoped3A : memref<!tpu.dma_semaphore, #tpu.memory_space<semaphore_mem>>)
      %dma_wait3A_556 = arith.constant 0 : i32
      %dma_wait3A_557 = tpu.memref_slice %arg16[%add3A_11, %dma_wait3A_556] : memref<10240x32xf32, #tpu.memory_space<vmem_shared>> -> memref<128x32xf32, #tpu.memory_space<vmem_shared>>
      %dma_wait3A_558 = arith.constant 0 : i32
      %dma_wait3A_559 = tpu.memref_slice %arg16[%add3A_11, %dma_wait3A_558] : memref<10240x32xf32, #tpu.memory_space<vmem_shared>> -> memref<128x32xf32, #tpu.memory_space<vmem_shared>>
      tpu.wait_dma2 semaphore(%run_scoped3A : memref<!tpu.dma_semaphore, #tpu.memory_space<semaphore_mem>>) src(%arg10 : memref<128x32xf32, #tpu.memory_space<vmem>>) dst(%dma_wait3A_559 : memref<128x32xf32, #tpu.memory_space<vmem_shared>>)
      tpu.yield
    }) : () -> ()
    %add3A_12 = arith.constant 384 : i32
    %add3A_13 = arith.addi %mul3A_0, %add3A_12 : i32
    "tpu.region"() ({
      %run_scoped3A = tpu.sem_alloc : memref<!tpu.dma_semaphore, #tpu.memory_space<semaphore_mem>>
      %dma_start3A_552 = arith.constant 0 : i32
      %dma_start3A_553 = tpu.memref_slice %arg16[%add3A_13, %dma_start3A_552] : memref<10240x32xf32, #tpu.memory_space<vmem_shared>> -> memref<128x32xf32, #tpu.memory_space<vmem_shared>>
      %dma_start3A_554 = arith.constant 0 : i32
      %dma_start3A_555 = tpu.memref_slice %arg16[%add3A_13, %dma_start3A_554] : memref<10240x32xf32, #tpu.memory_space<vmem_shared>> -> memref<128x32xf32, #tpu.memory_space<vmem_shared>>
      tpu.enqueue_dma source(%arg10 : memref<128x32xf32, #tpu.memory_space<vmem>>) target(%dma_start3A_555 : memref<128x32xf32, #tpu.memory_space<vmem_shared>>) target_semaphore(%run_scoped3A : memref<!tpu.dma_semaphore, #tpu.memory_space<semaphore_mem>>)
      %dma_wait3A_556 = arith.constant 0 : i32
      %dma_wait3A_557 = tpu.memref_slice %arg16[%add3A_13, %dma_wait3A_556] : memref<10240x32xf32, #tpu.memory_space<vmem_shared>> -> memref<128x32xf32, #tpu.memory_space<vmem_shared>>
      %dma_wait3A_558 = arith.constant 0 : i32
      %dma_wait3A_559 = tpu.memref_slice %arg16[%add3A_13, %dma_wait3A_558] : memref<10240x32xf32, #tpu.memory_space<vmem_shared>> -> memref<128x32xf32, #tpu.memory_space<vmem_shared>>
      tpu.wait_dma2 semaphore(%run_scoped3A : memref<!tpu.dma_semaphore, #tpu.memory_space<semaphore_mem>>) src(%arg10 : memref<128x32xf32, #tpu.memory_space<vmem>>) dst(%dma_wait3A_559 : memref<128x32xf32, #tpu.memory_space<vmem_shared>>)
      tpu.yield
    }) : () -> ()
    %add3A_14 = arith.constant 512 : i32
    %add3A_15 = arith.addi %mul3A_0, %add3A_14 : i32
    "tpu.region"() ({
      %run_scoped3A = tpu.sem_alloc : memref<!tpu.dma_semaphore, #tpu.memory_space<semaphore_mem>>
      %dma_start3A_552 = arith.constant 0 : i32
      %dma_start3A_553 = tpu.memref_slice %arg16[%add3A_15, %dma_start3A_552] : memref<10240x32xf32, #tpu.memory_space<vmem_shared>> -> memref<128x32xf32, #tpu.memory_space<vmem_shared>>
      %dma_start3A_554 = arith.constant 0 : i32
      %dma_start3A_555 = tpu.memref_slice %arg16[%add3A_15, %dma_start3A_554] : memref<10240x32xf32, #tpu.memory_space<vmem_shared>> -> memref<128x32xf32, #tpu.memory_space<vmem_shared>>
      tpu.enqueue_dma source(%arg10 : memref<128x32xf32, #tpu.memory_space<vmem>>) target(%dma_start3A_555 : memref<128x32xf32, #tpu.memory_space<vmem_shared>>) target_semaphore(%run_scoped3A : memref<!tpu.dma_semaphore, #tpu.memory_space<semaphore_mem>>)
      %dma_wait3A_556 = arith.constant 0 : i32
      %dma_wait3A_557 = tpu.memref_slice %arg16[%add3A_15, %dma_wait3A_556] : memref<10240x32xf32, #tpu.memory_space<vmem_shared>> -> memref<128x32xf32, #tpu.memory_space<vmem_shared>>
      %dma_wait3A_558 = arith.constant 0 : i32
      %dma_wait3A_559 = tpu.memref_slice %arg16[%add3A_15, %dma_wait3A_558] : memref<10240x32xf32, #tpu.memory_space<vmem_shared>> -> memref<128x32xf32, #tpu.memory_space<vmem_shared>>
      tpu.wait_dma2 semaphore(%run_scoped3A : memref<!tpu.dma_semaphore, #tpu.memory_space<semaphore_mem>>) src(%arg10 : memref<128x32xf32, #tpu.memory_space<vmem>>) dst(%dma_wait3A_559 : memref<128x32xf32, #tpu.memory_space<vmem_shared>>)
      tpu.yield
    }) : () -> ()
    "tpu.region"() ({
      %run_scoped3A = tpu.sem_alloc : memref<!tpu.dma_semaphore, #tpu.memory_space<semaphore_mem>>
      %dma_start3A_552 = arith.constant 0 : i32
      %dma_start3A_553 = tpu.memref_slice %arg15[%mul3A_0, %dma_start3A_552] : memref<10240x32xf32, #tpu.memory_space<vmem_shared>> -> memref<640x32xf32, #tpu.memory_space<vmem_shared>>
      %dma_start3A_554 = arith.constant 0 : i32
      %dma_start3A_555 = tpu.memref_slice %arg2[%arg0, %mul3A_0, %dma_start3A_554] : memref<2x10240x32xf32, #tpu.memory_space<hbm>> -> memref<1x640x32xf32, #tpu.memory_space<hbm>>
      %dma_start3A_556 = tpu.memref_squeeze %dma_start3A_555 : memref<1x640x32xf32, #tpu.memory_space<hbm>> -> memref<640x32xf32, #tpu.memory_space<hbm>>
      tpu.enqueue_dma source(%dma_start3A_556 : memref<640x32xf32, #tpu.memory_space<hbm>>) target(%dma_start3A_553 : memref<640x32xf32, #tpu.memory_space<vmem_shared>>) target_semaphore(%run_scoped3A : memref<!tpu.dma_semaphore, #tpu.memory_space<semaphore_mem>>)
      %dma_wait3A_557 = arith.constant 0 : i32
      %dma_wait3A_558 = tpu.memref_slice %arg15[%mul3A_0, %dma_wait3A_557] : memref<10240x32xf32, #tpu.memory_space<vmem_shared>> -> memref<640x32xf32, #tpu.memory_space<vmem_shared>>
      %dma_wait3A_559 = arith.constant 0 : i32
      %dma_wait3A_560 = tpu.memref_slice %arg2[%arg0, %mul3A_0, %dma_wait3A_559] : memref<2x10240x32xf32, #tpu.memory_space<hbm>> -> memref<1x640x32xf32, #tpu.memory_space<hbm>>
      %dma_wait3A_561 = tpu.memref_squeeze %dma_wait3A_560 : memref<1x640x32xf32, #tpu.memory_space<hbm>> -> memref<640x32xf32, #tpu.memory_space<hbm>>
      tpu.wait_dma2 semaphore(%run_scoped3A : memref<!tpu.dma_semaphore, #tpu.memory_space<semaphore_mem>>) src(%dma_wait3A_561 : memref<640x32xf32, #tpu.memory_space<hbm>>) dst(%dma_wait3A_558 : memref<640x32xf32, #tpu.memory_space<vmem_shared>>)
      tpu.yield
    }) : () -> ()
    %barrier3A = arith.constant 0 : index
    tpu.barrier barrier_id(%barrier3A)
    "tpu.region"() ({
      %run_scoped3A = tpu.sem_alloc : memref<!tpu.dma_semaphore, #tpu.memory_space<semaphore_mem>>
      %dma_start3A_552 = arith.constant 0 : i32
      %dma_start3A_553 = arith.constant 0 : i32
      %dma_start3A_554 = tpu.memref_slice %arg3[%arg1, %dma_start3A_552, %dma_start3A_553] : memref<16x160x128xi32, #tpu.memory_space<hbm>> -> memref<1x80x128xi32, #tpu.memory_space<hbm>>
      %dma_start3A_555 = tpu.memref_squeeze %dma_start3A_554 : memref<1x80x128xi32, #tpu.memory_space<hbm>> -> memref<80x128xi32, #tpu.memory_space<hbm>>
      %dma_start3A_556 = arith.constant 0 : i32
      %dma_start3A_557 = arith.constant 0 : i32
      %dma_start3A_558 = tpu.memref_slice %arg3[%arg1, %dma_start3A_556, %dma_start3A_557] : memref<16x160x128xi32, #tpu.memory_space<hbm>> -> memref<1x80x128xi32, #tpu.memory_space<hbm>>
      %dma_start3A_559 = tpu.memref_squeeze %dma_start3A_558 : memref<1x80x128xi32, #tpu.memory_space<hbm>> -> memref<80x128xi32, #tpu.memory_space<hbm>>
      tpu.enqueue_dma source(%dma_start3A_559 : memref<80x128xi32, #tpu.memory_space<hbm>>) target(%arg8 : memref<80x128xi32, #tpu.memory_space<vmem>>) target_semaphore(%run_scoped3A : memref<!tpu.dma_semaphore, #tpu.memory_space<semaphore_mem>>)
      %dma_wait3A_560 = arith.constant 0 : i32
      %dma_wait3A_561 = arith.constant 0 : i32
      %dma_wait3A_562 = tpu.memref_slice %arg3[%arg1, %dma_wait3A_560, %dma_wait3A_561] : memref<16x160x128xi32, #tpu.memory_space<hbm>> -> memref<1x80x128xi32, #tpu.memory_space<hbm>>
      %dma_wait3A_563 = tpu.memref_squeeze %dma_wait3A_562 : memref<1x80x128xi32, #tpu.memory_space<hbm>> -> memref<80x128xi32, #tpu.memory_space<hbm>>
      %dma_wait3A_564 = arith.constant 0 : i32
      %dma_wait3A_565 = arith.constant 0 : i32
      %dma_wait3A_566 = tpu.memref_slice %arg3[%arg1, %dma_wait3A_564, %dma_wait3A_565] : memref<16x160x128xi32, #tpu.memory_space<hbm>> -> memref<1x80x128xi32, #tpu.memory_space<hbm>>
      %dma_wait3A_567 = tpu.memref_squeeze %dma_wait3A_566 : memref<1x80x128xi32, #tpu.memory_space<hbm>> -> memref<80x128xi32, #tpu.memory_space<hbm>>
      tpu.wait_dma2 semaphore(%run_scoped3A : memref<!tpu.dma_semaphore, #tpu.memory_space<semaphore_mem>>) src(%dma_wait3A_567 : memref<80x128xi32, #tpu.memory_space<hbm>>) dst(%arg8 : memref<80x128xi32, #tpu.memory_space<vmem>>)
      tpu.yield
    }) : () -> ()
    "tpu.region"() ({
      %run_scoped3A = tpu.sem_alloc : memref<!tpu.dma_semaphore, #tpu.memory_space<semaphore_mem>>
      %dma_start3A_552 = arith.constant 0 : i32
      %dma_start3A_553 = arith.constant 0 : i32
      %dma_start3A_554 = tpu.memref_slice %arg4[%arg1, %dma_start3A_552, %dma_start3A_553] : memref<16x160x128xi32, #tpu.memory_space<hbm>> -> memref<1x80x128xi32, #tpu.memory_space<hbm>>
      %dma_start3A_555 = tpu.memref_squeeze %dma_start3A_554 : memref<1x80x128xi32, #tpu.memory_space<hbm>> -> memref<80x128xi32, #tpu.memory_space<hbm>>
      %dma_start3A_556 = arith.constant 0 : i32
      %dma_start3A_557 = arith.constant 0 : i32
      %dma_start3A_558 = tpu.memref_slice %arg4[%arg1, %dma_start3A_556, %dma_start3A_557] : memref<16x160x128xi32, #tpu.memory_space<hbm>> -> memref<1x80x128xi32, #tpu.memory_space<hbm>>
      %dma_start3A_559 = tpu.memref_squeeze %dma_start3A_558 : memref<1x80x128xi32, #tpu.memory_space<hbm>> -> memref<80x128xi32, #tpu.memory_space<hbm>>
      tpu.enqueue_dma source(%dma_start3A_559 : memref<80x128xi32, #tpu.memory_space<hbm>>) target(%arg9 : memref<80x128xi32, #tpu.memory_space<vmem>>) target_semaphore(%run_scoped3A : memref<!tpu.dma_semaphore, #tpu.memory_space<semaphore_mem>>)
      %dma_wait3A_560 = arith.constant 0 : i32
      %dma_wait3A_561 = arith.constant 0 : i32
      %dma_wait3A_562 = tpu.memref_slice %arg4[%arg1, %dma_wait3A_560, %dma_wait3A_561] : memref<16x160x128xi32, #tpu.memory_space<hbm>> -> memref<1x80x128xi32, #tpu.memory_space<hbm>>
      %dma_wait3A_563 = tpu.memref_squeeze %dma_wait3A_562 : memref<1x80x128xi32, #tpu.memory_space<hbm>> -> memref<80x128xi32, #tpu.memory_space<hbm>>
      %dma_wait3A_564 = arith.constant 0 : i32
      %dma_wait3A_565 = arith.constant 0 : i32
      %dma_wait3A_566 = tpu.memref_slice %arg4[%arg1, %dma_wait3A_564, %dma_wait3A_565] : memref<16x160x128xi32, #tpu.memory_space<hbm>> -> memref<1x80x128xi32, #tpu.memory_space<hbm>>
      %dma_wait3A_567 = tpu.memref_squeeze %dma_wait3A_566 : memref<1x80x128xi32, #tpu.memory_space<hbm>> -> memref<80x128xi32, #tpu.memory_space<hbm>>
      tpu.wait_dma2 semaphore(%run_scoped3A : memref<!tpu.dma_semaphore, #tpu.memory_space<semaphore_mem>>) src(%dma_wait3A_567 : memref<80x128xi32, #tpu.memory_space<hbm>>) dst(%arg9 : memref<80x128xi32, #tpu.memory_space<vmem>>)
      tpu.yield
    }) : () -> ()
    %dma_start3A = arith.constant 0 : i32
    %dma_start3A_16 = arith.constant 0 : i32
    %dma_start3A_17 = tpu.memref_slice %arg8[%dma_start3A, %dma_start3A_16] : memref<80x128xi32, #tpu.memory_space<vmem>> -> memref<1x128xi32, #tpu.memory_space<vmem>>
    %dma_start3A_18 = tpu.memref_squeeze %dma_start3A_17 : memref<1x128xi32, #tpu.memory_space<vmem>> -> memref<128xi32, #tpu.memory_space<vmem>>
    %dma_start3A_19 = arith.constant 0 : i32
    %dma_start3A_20 = arith.constant 0 : i32
    %dma_start3A_21 = tpu.memref_slice %arg15[%dma_start3A_19, %dma_start3A_20] : memref<10240x32xf32, #tpu.memory_space<vmem_shared>> -> memref<10240x32xf32, #tpu.memory_space<vmem_shared>>
    tpu.enqueue_indirect_dma source(%dma_start3A_21 : memref<10240x32xf32, #tpu.memory_space<vmem_shared>>) target(%arg10 : memref<128x32xf32, #tpu.memory_space<vmem>>) offsets(%dma_start3A_18 : memref<128xi32, #tpu.memory_space<vmem>>) semaphore(%arg17 : memref<!tpu.dma_semaphore, #tpu.memory_space<semaphore_mem>>)
    %dma_start3A_22 = arith.constant 1 : i32
    %dma_start3A_23 = arith.constant 0 : i32
    %dma_start3A_24 = tpu.memref_slice %arg8[%dma_start3A_22, %dma_start3A_23] : memref<80x128xi32, #tpu.memory_space<vmem>> -> memref<1x128xi32, #tpu.memory_space<vmem>>
    %dma_start3A_25 = tpu.memref_squeeze %dma_start3A_24 : memref<1x128xi32, #tpu.memory_space<vmem>> -> memref<128xi32, #tpu.memory_space<vmem>>
    %dma_start3A_26 = arith.constant 0 : i32
    %dma_start3A_27 = arith.constant 0 : i32
    %dma_start3A_28 = tpu.memref_slice %arg15[%dma_start3A_26, %dma_start3A_27] : memref<10240x32xf32, #tpu.memory_space<vmem_shared>> -> memref<10240x32xf32, #tpu.memory_space<vmem_shared>>
    tpu.enqueue_indirect_dma source(%dma_start3A_28 : memref<10240x32xf32, #tpu.memory_space<vmem_shared>>) target(%arg11 : memref<128x32xf32, #tpu.memory_space<vmem>>) offsets(%dma_start3A_25 : memref<128xi32, #tpu.memory_space<vmem>>) semaphore(%arg18 : memref<!tpu.dma_semaphore, #tpu.memory_space<semaphore_mem>>)
    %dma_wait3A = arith.constant 0 : i32
    %dma_wait3A_29 = arith.constant 0 : i32
    %dma_wait3A_30 = tpu.memref_slice %arg8[%dma_wait3A, %dma_wait3A_29] : memref<80x128xi32, #tpu.memory_space<vmem>> -> memref<1x128xi32, #tpu.memory_space<vmem>>
    %dma_wait3A_31 = tpu.memref_squeeze %dma_wait3A_30 : memref<1x128xi32, #tpu.memory_space<vmem>> -> memref<128xi32, #tpu.memory_space<vmem>>
    %dma_wait3A_32 = arith.constant 0 : i32
    %dma_wait3A_33 = arith.constant 0 : i32
    %dma_wait3A_34 = tpu.memref_slice %arg15[%dma_wait3A_32, %dma_wait3A_33] : memref<10240x32xf32, #tpu.memory_space<vmem_shared>> -> memref<10240x32xf32, #tpu.memory_space<vmem_shared>>
    tpu.wait_indirect_dma semaphore(%arg17 : memref<!tpu.dma_semaphore, #tpu.memory_space<semaphore_mem>>) src(%dma_wait3A_34 : memref<10240x32xf32, #tpu.memory_space<vmem_shared>>) dst(%arg10 : memref<128x32xf32, #tpu.memory_space<vmem>>)
    %dma_start3A_35 = arith.constant 0 : i32
    %dma_start3A_36 = arith.constant 0 : i32
    %dma_start3A_37 = tpu.memref_slice %arg9[%dma_start3A_35, %dma_start3A_36] : memref<80x128xi32, #tpu.memory_space<vmem>> -> memref<1x128xi32, #tpu.memory_space<vmem>>
    %dma_start3A_38 = tpu.memref_squeeze %dma_start3A_37 : memref<1x128xi32, #tpu.memory_space<vmem>> -> memref<128xi32, #tpu.memory_space<vmem>>
    %dma_start3A_39 = arith.constant 0 : i32
    %dma_start3A_40 = arith.constant 0 : i32
    %dma_start3A_41 = tpu.memref_slice %arg16[%dma_start3A_39, %dma_start3A_40] : memref<10240x32xf32, #tpu.memory_space<vmem_shared>> -> memref<10240x32xf32, #tpu.memory_space<vmem_shared>>
    tpu.enqueue_indirect_dma source(%arg10 : memref<128x32xf32, #tpu.memory_space<vmem>>) target(%dma_start3A_41 : memref<10240x32xf32, #tpu.memory_space<vmem_shared>>) offsets(%dma_start3A_38 : memref<128xi32, #tpu.memory_space<vmem>>) semaphore(%arg20 : memref<!tpu.dma_semaphore, #tpu.memory_space<semaphore_mem>>) {add = true}
    %dma_start3A_42 = arith.constant 2 : i32
    %dma_start3A_43 = arith.constant 0 : i32
    %dma_start3A_44 = tpu.memref_slice %arg8[%dma_start3A_42, %dma_start3A_43] : memref<80x128xi32, #tpu.memory_space<vmem>> -> memref<1x128xi32, #tpu.memory_space<vmem>>
    %dma_start3A_45 = tpu.memref_squeeze %dma_start3A_44 : memref<1x128xi32, #tpu.memory_space<vmem>> -> memref<128xi32, #tpu.memory_space<vmem>>
    %dma_start3A_46 = arith.constant 0 : i32
    %dma_start3A_47 = arith.constant 0 : i32
    %dma_start3A_48 = tpu.memref_slice %arg15[%dma_start3A_46, %dma_start3A_47] : memref<10240x32xf32, #tpu.memory_space<vmem_shared>> -> memref<10240x32xf32, #tpu.memory_space<vmem_shared>>
    tpu.enqueue_indirect_dma source(%dma_start3A_48 : memref<10240x32xf32, #tpu.memory_space<vmem_shared>>) target(%arg12 : memref<128x32xf32, #tpu.memory_space<vmem>>) offsets(%dma_start3A_45 : memref<128xi32, #tpu.memory_space<vmem>>) semaphore(%arg19 : memref<!tpu.dma_semaphore, #tpu.memory_space<semaphore_mem>>)
    %dma_wait3A_49 = arith.constant 0 : i32
    %dma_wait3A_50 = arith.constant 0 : i32
    %dma_wait3A_51 = tpu.memref_slice %arg8[%dma_wait3A_49, %dma_wait3A_50] : memref<80x128xi32, #tpu.memory_space<vmem>> -> memref<1x128xi32, #tpu.memory_space<vmem>>
    %dma_wait3A_52 = tpu.memref_squeeze %dma_wait3A_51 : memref<1x128xi32, #tpu.memory_space<vmem>> -> memref<128xi32, #tpu.memory_space<vmem>>
    %dma_wait3A_53 = arith.constant 0 : i32
    %dma_wait3A_54 = arith.constant 0 : i32
    %dma_wait3A_55 = tpu.memref_slice %arg15[%dma_wait3A_53, %dma_wait3A_54] : memref<10240x32xf32, #tpu.memory_space<vmem_shared>> -> memref<10240x32xf32, #tpu.memory_space<vmem_shared>>
    tpu.wait_indirect_dma semaphore(%arg18 : memref<!tpu.dma_semaphore, #tpu.memory_space<semaphore_mem>>) src(%dma_wait3A_55 : memref<10240x32xf32, #tpu.memory_space<vmem_shared>>) dst(%arg11 : memref<128x32xf32, #tpu.memory_space<vmem>>)
    %dma_start3A_56 = arith.constant 1 : i32
    %dma_start3A_57 = arith.constant 0 : i32
    %dma_start3A_58 = tpu.memref_slice %arg9[%dma_start3A_56, %dma_start3A_57] : memref<80x128xi32, #tpu.memory_space<vmem>> -> memref<1x128xi32, #tpu.memory_space<vmem>>
    %dma_start3A_59 = tpu.memref_squeeze %dma_start3A_58 : memref<1x128xi32, #tpu.memory_space<vmem>> -> memref<128xi32, #tpu.memory_space<vmem>>
    %dma_start3A_60 = arith.constant 0 : i32
    %dma_start3A_61 = arith.constant 0 : i32
    %dma_start3A_62 = tpu.memref_slice %arg16[%dma_start3A_60, %dma_start3A_61] : memref<10240x32xf32, #tpu.memory_space<vmem_shared>> -> memref<10240x32xf32, #tpu.memory_space<vmem_shared>>
    tpu.enqueue_indirect_dma source(%arg11 : memref<128x32xf32, #tpu.memory_space<vmem>>) target(%dma_start3A_62 : memref<10240x32xf32, #tpu.memory_space<vmem_shared>>) offsets(%dma_start3A_59 : memref<128xi32, #tpu.memory_space<vmem>>) semaphore(%arg21 : memref<!tpu.dma_semaphore, #tpu.memory_space<semaphore_mem>>) {add = true}
    %dma_wait3A_63 = arith.constant 0 : i32
    %dma_wait3A_64 = arith.constant 0 : i32
    %dma_wait3A_65 = tpu.memref_slice %arg9[%dma_wait3A_63, %dma_wait3A_64] : memref<80x128xi32, #tpu.memory_space<vmem>> -> memref<1x128xi32, #tpu.memory_space<vmem>>
    %dma_wait3A_66 = tpu.memref_squeeze %dma_wait3A_65 : memref<1x128xi32, #tpu.memory_space<vmem>> -> memref<128xi32, #tpu.memory_space<vmem>>
    %dma_wait3A_67 = arith.constant 0 : i32
    %dma_wait3A_68 = arith.constant 0 : i32
    %dma_wait3A_69 = tpu.memref_slice %arg16[%dma_wait3A_67, %dma_wait3A_68] : memref<10240x32xf32, #tpu.memory_space<vmem_shared>> -> memref<10240x32xf32, #tpu.memory_space<vmem_shared>>
    tpu.wait_indirect_dma semaphore(%arg20 : memref<!tpu.dma_semaphore, #tpu.memory_space<semaphore_mem>>) src(%arg10 : memref<128x32xf32, #tpu.memory_space<vmem>>) dst(%dma_wait3A_69 : memref<10240x32xf32, #tpu.memory_space<vmem_shared>>)
    %dma_start3A_70 = arith.constant 3 : i32
    %dma_start3A_71 = arith.constant 0 : i32
    %dma_start3A_72 = tpu.memref_slice %arg8[%dma_start3A_70, %dma_start3A_71] : memref<80x128xi32, #tpu.memory_space<vmem>> -> memref<1x128xi32, #tpu.memory_space<vmem>>
    %dma_start3A_73 = tpu.memref_squeeze %dma_start3A_72 : memref<1x128xi32, #tpu.memory_space<vmem>> -> memref<128xi32, #tpu.memory_space<vmem>>
    %dma_start3A_74 = arith.constant 0 : i32
    %dma_start3A_75 = arith.constant 0 : i32
    %dma_start3A_76 = tpu.memref_slice %arg15[%dma_start3A_74, %dma_start3A_75] : memref<10240x32xf32, #tpu.memory_space<vmem_shared>> -> memref<10240x32xf32, #tpu.memory_space<vmem_shared>>
    tpu.enqueue_indirect_dma source(%dma_start3A_76 : memref<10240x32xf32, #tpu.memory_space<vmem_shared>>) target(%arg10 : memref<128x32xf32, #tpu.memory_space<vmem>>) offsets(%dma_start3A_73 : memref<128xi32, #tpu.memory_space<vmem>>) semaphore(%arg17 : memref<!tpu.dma_semaphore, #tpu.memory_space<semaphore_mem>>)
    %scan3A_77 = arith.constant 0 : i32
    %scan3A_78 = arith.constant 0 : i32
    %scan3A_79 = arith.constant 25 : i32
    %scan3A_80 = arith.addi %scan3A_78, %scan3A_79 : i32
    %scan3A_81 = arith.constant 1 : i32
    %scan3A_82 = scf.for %scan3A_552 = %scan3A_78 to %scan3A_80 step %scan3A_81 iter_args(%scan3A_553 = %scan3A_77) -> (i32)  : i32 {
      %mul3A_554 = arith.constant 3 : i32
      %mul3A_555 = arith.muli %scan3A_552, %mul3A_554 : i32
      %add3A_556 = arith.constant 0 : i32
      %add3A_557 = arith.addi %mul3A_555, %add3A_556 : i32
      %add3A_558 = arith.constant 2 : i32
      %add3A_559 = arith.addi %add3A_557, %add3A_558 : i32
      %dma_wait3A_560 = arith.constant 0 : i32
      %dma_wait3A_561 = arith.constant 0 : i32
      %dma_wait3A_562 = tpu.memref_slice %arg8[%dma_wait3A_560, %dma_wait3A_561] : memref<80x128xi32, #tpu.memory_space<vmem>> -> memref<1x128xi32, #tpu.memory_space<vmem>>
      %dma_wait3A_563 = tpu.memref_squeeze %dma_wait3A_562 : memref<1x128xi32, #tpu.memory_space<vmem>> -> memref<128xi32, #tpu.memory_space<vmem>>
      %dma_wait3A_564 = arith.constant 0 : i32
      %dma_wait3A_565 = arith.constant 0 : i32
      %dma_wait3A_566 = tpu.memref_slice %arg15[%dma_wait3A_564, %dma_wait3A_565] : memref<10240x32xf32, #tpu.memory_space<vmem_shared>> -> memref<10240x32xf32, #tpu.memory_space<vmem_shared>>
      tpu.wait_indirect_dma semaphore(%arg19 : memref<!tpu.dma_semaphore, #tpu.memory_space<semaphore_mem>>) src(%dma_wait3A_566 : memref<10240x32xf32, #tpu.memory_space<vmem_shared>>) dst(%arg12 : memref<128x32xf32, #tpu.memory_space<vmem>>)
      %dma_start3A_567 = arith.constant 0 : i32
      %dma_start3A_568 = tpu.memref_slice %arg9[%add3A_559, %dma_start3A_567] : memref<80x128xi32, #tpu.memory_space<vmem>> -> memref<1x128xi32, #tpu.memory_space<vmem>>
      %dma_start3A_569 = tpu.memref_squeeze %dma_start3A_568 : memref<1x128xi32, #tpu.memory_space<vmem>> -> memref<128xi32, #tpu.memory_space<vmem>>
      %dma_start3A_570 = arith.constant 0 : i32
      %dma_start3A_571 = arith.constant 0 : i32
      %dma_start3A_572 = tpu.memref_slice %arg16[%dma_start3A_570, %dma_start3A_571] : memref<10240x32xf32, #tpu.memory_space<vmem_shared>> -> memref<10240x32xf32, #tpu.memory_space<vmem_shared>>
      tpu.enqueue_indirect_dma source(%arg12 : memref<128x32xf32, #tpu.memory_space<vmem>>) target(%dma_start3A_572 : memref<10240x32xf32, #tpu.memory_space<vmem_shared>>) offsets(%dma_start3A_569 : memref<128xi32, #tpu.memory_space<vmem>>) semaphore(%arg22 : memref<!tpu.dma_semaphore, #tpu.memory_space<semaphore_mem>>) {add = true}
      %dma_wait3A_573 = arith.constant 0 : i32
      %dma_wait3A_574 = arith.constant 0 : i32
      %dma_wait3A_575 = tpu.memref_slice %arg9[%dma_wait3A_573, %dma_wait3A_574] : memref<80x128xi32, #tpu.memory_space<vmem>> -> memref<1x128xi32, #tpu.memory_space<vmem>>
      %dma_wait3A_576 = tpu.memref_squeeze %dma_wait3A_575 : memref<1x128xi32, #tpu.memory_space<vmem>> -> memref<128xi32, #tpu.memory_space<vmem>>
      %dma_wait3A_577 = arith.constant 0 : i32
      %dma_wait3A_578 = arith.constant 0 : i32
      %dma_wait3A_579 = tpu.memref_slice %arg16[%dma_wait3A_577, %dma_wait3A_578] : memref<10240x32xf32, #tpu.memory_space<vmem_shared>> -> memref<10240x32xf32, #tpu.memory_space<vmem_shared>>
      tpu.wait_indirect_dma semaphore(%arg21 : memref<!tpu.dma_semaphore, #tpu.memory_space<semaphore_mem>>) src(%arg11 : memref<128x32xf32, #tpu.memory_space<vmem>>) dst(%dma_wait3A_579 : memref<10240x32xf32, #tpu.memory_space<vmem_shared>>)
      %add3A_580 = arith.constant 2 : i32
      %add3A_581 = arith.addi %add3A_559, %add3A_580 : i32
      %dma_start3A_582 = arith.constant 0 : i32
      %dma_start3A_583 = tpu.memref_slice %arg8[%add3A_581, %dma_start3A_582] : memref<80x128xi32, #tpu.memory_space<vmem>> -> memref<1x128xi32, #tpu.memory_space<vmem>>
      %dma_start3A_584 = tpu.memref_squeeze %dma_start3A_583 : memref<1x128xi32, #tpu.memory_space<vmem>> -> memref<128xi32, #tpu.memory_space<vmem>>
      %dma_start3A_585 = arith.constant 0 : i32
      %dma_start3A_586 = arith.constant 0 : i32
      %dma_start3A_587 = tpu.memref_slice %arg15[%dma_start3A_585, %dma_start3A_586] : memref<10240x32xf32, #tpu.memory_space<vmem_shared>> -> memref<10240x32xf32, #tpu.memory_space<vmem_shared>>
      tpu.enqueue_indirect_dma source(%dma_start3A_587 : memref<10240x32xf32, #tpu.memory_space<vmem_shared>>) target(%arg11 : memref<128x32xf32, #tpu.memory_space<vmem>>) offsets(%dma_start3A_584 : memref<128xi32, #tpu.memory_space<vmem>>) semaphore(%arg18 : memref<!tpu.dma_semaphore, #tpu.memory_space<semaphore_mem>>)
      %mul3A_588 = arith.constant 3 : i32
      %mul3A_589 = arith.muli %scan3A_552, %mul3A_588 : i32
      %add3A_590 = arith.constant 1 : i32
      %add3A_591 = arith.addi %mul3A_589, %add3A_590 : i32
      %add3A_592 = arith.constant 2 : i32
      %add3A_593 = arith.addi %add3A_591, %add3A_592 : i32
      %dma_wait3A_594 = arith.constant 0 : i32
      %dma_wait3A_595 = arith.constant 0 : i32
      %dma_wait3A_596 = tpu.memref_slice %arg8[%dma_wait3A_594, %dma_wait3A_595] : memref<80x128xi32, #tpu.memory_space<vmem>> -> memref<1x128xi32, #tpu.memory_space<vmem>>
      %dma_wait3A_597 = tpu.memref_squeeze %dma_wait3A_596 : memref<1x128xi32, #tpu.memory_space<vmem>> -> memref<128xi32, #tpu.memory_space<vmem>>
      %dma_wait3A_598 = arith.constant 0 : i32
      %dma_wait3A_599 = arith.constant 0 : i32
      %dma_wait3A_600 = tpu.memref_slice %arg15[%dma_wait3A_598, %dma_wait3A_599] : memref<10240x32xf32, #tpu.memory_space<vmem_shared>> -> memref<10240x32xf32, #tpu.memory_space<vmem_shared>>
      tpu.wait_indirect_dma semaphore(%arg17 : memref<!tpu.dma_semaphore, #tpu.memory_space<semaphore_mem>>) src(%dma_wait3A_600 : memref<10240x32xf32, #tpu.memory_space<vmem_shared>>) dst(%arg10 : memref<128x32xf32, #tpu.memory_space<vmem>>)
      %dma_start3A_601 = arith.constant 0 : i32
      %dma_start3A_602 = tpu.memref_slice %arg9[%add3A_593, %dma_start3A_601] : memref<80x128xi32, #tpu.memory_space<vmem>> -> memref<1x128xi32, #tpu.memory_space<vmem>>
      %dma_start3A_603 = tpu.memref_squeeze %dma_start3A_602 : memref<1x128xi32, #tpu.memory_space<vmem>> -> memref<128xi32, #tpu.memory_space<vmem>>
      %dma_start3A_604 = arith.constant 0 : i32
      %dma_start3A_605 = arith.constant 0 : i32
      %dma_start3A_606 = tpu.memref_slice %arg16[%dma_start3A_604, %dma_start3A_605] : memref<10240x32xf32, #tpu.memory_space<vmem_shared>> -> memref<10240x32xf32, #tpu.memory_space<vmem_shared>>
      tpu.enqueue_indirect_dma source(%arg10 : memref<128x32xf32, #tpu.memory_space<vmem>>) target(%dma_start3A_606 : memref<10240x32xf32, #tpu.memory_space<vmem_shared>>) offsets(%dma_start3A_603 : memref<128xi32, #tpu.memory_space<vmem>>) semaphore(%arg20 : memref<!tpu.dma_semaphore, #tpu.memory_space<semaphore_mem>>) {add = true}
      %dma_wait3A_607 = arith.constant 0 : i32
      %dma_wait3A_608 = arith.constant 0 : i32
      %dma_wait3A_609 = tpu.memref_slice %arg9[%dma_wait3A_607, %dma_wait3A_608] : memref<80x128xi32, #tpu.memory_space<vmem>> -> memref<1x128xi32, #tpu.memory_space<vmem>>
      %dma_wait3A_610 = tpu.memref_squeeze %dma_wait3A_609 : memref<1x128xi32, #tpu.memory_space<vmem>> -> memref<128xi32, #tpu.memory_space<vmem>>
      %dma_wait3A_611 = arith.constant 0 : i32
      %dma_wait3A_612 = arith.constant 0 : i32
      %dma_wait3A_613 = tpu.memref_slice %arg16[%dma_wait3A_611, %dma_wait3A_612] : memref<10240x32xf32, #tpu.memory_space<vmem_shared>> -> memref<10240x32xf32, #tpu.memory_space<vmem_shared>>
      tpu.wait_indirect_dma semaphore(%arg22 : memref<!tpu.dma_semaphore, #tpu.memory_space<semaphore_mem>>) src(%arg12 : memref<128x32xf32, #tpu.memory_space<vmem>>) dst(%dma_wait3A_613 : memref<10240x32xf32, #tpu.memory_space<vmem_shared>>)
      %add3A_614 = arith.constant 2 : i32
      %add3A_615 = arith.addi %add3A_593, %add3A_614 : i32
      %dma_start3A_616 = arith.constant 0 : i32
      %dma_start3A_617 = tpu.memref_slice %arg8[%add3A_615, %dma_start3A_616] : memref<80x128xi32, #tpu.memory_space<vmem>> -> memref<1x128xi32, #tpu.memory_space<vmem>>
      %dma_start3A_618 = tpu.memref_squeeze %dma_start3A_617 : memref<1x128xi32, #tpu.memory_space<vmem>> -> memref<128xi32, #tpu.memory_space<vmem>>
      %dma_start3A_619 = arith.constant 0 : i32
      %dma_start3A_620 = arith.constant 0 : i32
      %dma_start3A_621 = tpu.memref_slice %arg15[%dma_start3A_619, %dma_start3A_620] : memref<10240x32xf32, #tpu.memory_space<vmem_shared>> -> memref<10240x32xf32, #tpu.memory_space<vmem_shared>>
      tpu.enqueue_indirect_dma source(%dma_start3A_621 : memref<10240x32xf32, #tpu.memory_space<vmem_shared>>) target(%arg12 : memref<128x32xf32, #tpu.memory_space<vmem>>) offsets(%dma_start3A_618 : memref<128xi32, #tpu.memory_space<vmem>>) semaphore(%arg19 : memref<!tpu.dma_semaphore, #tpu.memory_space<semaphore_mem>>)
      %mul3A_622 = arith.constant 3 : i32
      %mul3A_623 = arith.muli %scan3A_552, %mul3A_622 : i32
      %add3A_624 = arith.constant 2 : i32
      %add3A_625 = arith.addi %mul3A_623, %add3A_624 : i32
      %add3A_626 = arith.constant 2 : i32
      %add3A_627 = arith.addi %add3A_625, %add3A_626 : i32
      %dma_wait3A_628 = arith.constant 0 : i32
      %dma_wait3A_629 = arith.constant 0 : i32
      %dma_wait3A_630 = tpu.memref_slice %arg8[%dma_wait3A_628, %dma_wait3A_629] : memref<80x128xi32, #tpu.memory_space<vmem>> -> memref<1x128xi32, #tpu.memory_space<vmem>>
      %dma_wait3A_631 = tpu.memref_squeeze %dma_wait3A_630 : memref<1x128xi32, #tpu.memory_space<vmem>> -> memref<128xi32, #tpu.memory_space<vmem>>
      %dma_wait3A_632 = arith.constant 0 : i32
      %dma_wait3A_633 = arith.constant 0 : i32
      %dma_wait3A_634 = tpu.memref_slice %arg15[%dma_wait3A_632, %dma_wait3A_633] : memref<10240x32xf32, #tpu.memory_space<vmem_shared>> -> memref<10240x32xf32, #tpu.memory_space<vmem_shared>>
      tpu.wait_indirect_dma semaphore(%arg18 : memref<!tpu.dma_semaphore, #tpu.memory_space<semaphore_mem>>) src(%dma_wait3A_634 : memref<10240x32xf32, #tpu.memory_space<vmem_shared>>) dst(%arg11 : memref<128x32xf32, #tpu.memory_space<vmem>>)
      %dma_start3A_635 = arith.constant 0 : i32
      %dma_start3A_636 = tpu.memref_slice %arg9[%add3A_627, %dma_start3A_635] : memref<80x128xi32, #tpu.memory_space<vmem>> -> memref<1x128xi32, #tpu.memory_space<vmem>>
      %dma_start3A_637 = tpu.memref_squeeze %dma_start3A_636 : memref<1x128xi32, #tpu.memory_space<vmem>> -> memref<128xi32, #tpu.memory_space<vmem>>
      %dma_start3A_638 = arith.constant 0 : i32
      %dma_start3A_639 = arith.constant 0 : i32
      %dma_start3A_640 = tpu.memref_slice %arg16[%dma_start3A_638, %dma_start3A_639] : memref<10240x32xf32, #tpu.memory_space<vmem_shared>> -> memref<10240x32xf32, #tpu.memory_space<vmem_shared>>
      tpu.enqueue_indirect_dma source(%arg11 : memref<128x32xf32, #tpu.memory_space<vmem>>) target(%dma_start3A_640 : memref<10240x32xf32, #tpu.memory_space<vmem_shared>>) offsets(%dma_start3A_637 : memref<128xi32, #tpu.memory_space<vmem>>) semaphore(%arg21 : memref<!tpu.dma_semaphore, #tpu.memory_space<semaphore_mem>>) {add = true}
      %dma_wait3A_641 = arith.constant 0 : i32
      %dma_wait3A_642 = arith.constant 0 : i32
      %dma_wait3A_643 = tpu.memref_slice %arg9[%dma_wait3A_641, %dma_wait3A_642] : memref<80x128xi32, #tpu.memory_space<vmem>> -> memref<1x128xi32, #tpu.memory_space<vmem>>
      %dma_wait3A_644 = tpu.memref_squeeze %dma_wait3A_643 : memref<1x128xi32, #tpu.memory_space<vmem>> -> memref<128xi32, #tpu.memory_space<vmem>>
      %dma_wait3A_645 = arith.constant 0 : i32
      %dma_wait3A_646 = arith.constant 0 : i32
      %dma_wait3A_647 = tpu.memref_slice %arg16[%dma_wait3A_645, %dma_wait3A_646] : memref<10240x32xf32, #tpu.memory_space<vmem_shared>> -> memref<10240x32xf32, #tpu.memory_space<vmem_shared>>
      tpu.wait_indirect_dma semaphore(%arg20 : memref<!tpu.dma_semaphore, #tpu.memory_space<semaphore_mem>>) src(%arg10 : memref<128x32xf32, #tpu.memory_space<vmem>>) dst(%dma_wait3A_647 : memref<10240x32xf32, #tpu.memory_space<vmem_shared>>)
      %add3A_648 = arith.constant 2 : i32
      %add3A_649 = arith.addi %add3A_627, %add3A_648 : i32
      %dma_start3A_650 = arith.constant 0 : i32
      %dma_start3A_651 = tpu.memref_slice %arg8[%add3A_649, %dma_start3A_650] : memref<80x128xi32, #tpu.memory_space<vmem>> -> memref<1x128xi32, #tpu.memory_space<vmem>>
      %dma_start3A_652 = tpu.memref_squeeze %dma_start3A_651 : memref<1x128xi32, #tpu.memory_space<vmem>> -> memref<128xi32, #tpu.memory_space<vmem>>
      %dma_start3A_653 = arith.constant 0 : i32
      %dma_start3A_654 = arith.constant 0 : i32
      %dma_start3A_655 = tpu.memref_slice %arg15[%dma_start3A_653, %dma_start3A_654] : memref<10240x32xf32, #tpu.memory_space<vmem_shared>> -> memref<10240x32xf32, #tpu.memory_space<vmem_shared>>
      tpu.enqueue_indirect_dma source(%dma_start3A_655 : memref<10240x32xf32, #tpu.memory_space<vmem_shared>>) target(%arg10 : memref<128x32xf32, #tpu.memory_space<vmem>>) offsets(%dma_start3A_652 : memref<128xi32, #tpu.memory_space<vmem>>) semaphore(%arg17 : memref<!tpu.dma_semaphore, #tpu.memory_space<semaphore_mem>>)
      %scan3A_656 = arith.constant 0 : i32
      scf.yield %scan3A_656 : i32
    }
    %scan3A_83 = arith.constant 25 : i32
    %dma_wait3A_84 = arith.constant 0 : i32
    %dma_wait3A_85 = arith.constant 0 : i32
    %dma_wait3A_86 = tpu.memref_slice %arg8[%dma_wait3A_84, %dma_wait3A_85] : memref<80x128xi32, #tpu.memory_space<vmem>> -> memref<1x128xi32, #tpu.memory_space<vmem>>
    %dma_wait3A_87 = tpu.memref_squeeze %dma_wait3A_86 : memref<1x128xi32, #tpu.memory_space<vmem>> -> memref<128xi32, #tpu.memory_space<vmem>>
    %dma_wait3A_88 = arith.constant 0 : i32
    %dma_wait3A_89 = arith.constant 0 : i32
    %dma_wait3A_90 = tpu.memref_slice %arg15[%dma_wait3A_88, %dma_wait3A_89] : memref<10240x32xf32, #tpu.memory_space<vmem_shared>> -> memref<10240x32xf32, #tpu.memory_space<vmem_shared>>
    tpu.wait_indirect_dma semaphore(%arg19 : memref<!tpu.dma_semaphore, #tpu.memory_space<semaphore_mem>>) src(%dma_wait3A_90 : memref<10240x32xf32, #tpu.memory_space<vmem_shared>>) dst(%arg12 : memref<128x32xf32, #tpu.memory_space<vmem>>)
    %dma_start3A_91 = arith.constant 77 : i32
    %dma_start3A_92 = arith.constant 0 : i32
    %dma_start3A_93 = tpu.memref_slice %arg9[%dma_start3A_91, %dma_start3A_92] : memref<80x128xi32, #tpu.memory_space<vmem>> -> memref<1x128xi32, #tpu.memory_space<vmem>>
    %dma_start3A_94 = tpu.memref_squeeze %dma_start3A_93 : memref<1x128xi32, #tpu.memory_space<vmem>> -> memref<128xi32, #tpu.memory_space<vmem>>
    %dma_start3A_95 = arith.constant 0 : i32
    %dma_start3A_96 = arith.constant 0 : i32
    %dma_start3A_97 = tpu.memref_slice %arg16[%dma_start3A_95, %dma_start3A_96] : memref<10240x32xf32, #tpu.memory_space<vmem_shared>> -> memref<10240x32xf32, #tpu.memory_space<vmem_shared>>
    tpu.enqueue_indirect_dma source(%arg12 : memref<128x32xf32, #tpu.memory_space<vmem>>) target(%dma_start3A_97 : memref<10240x32xf32, #tpu.memory_space<vmem_shared>>) offsets(%dma_start3A_94 : memref<128xi32, #tpu.memory_space<vmem>>) semaphore(%arg22 : memref<!tpu.dma_semaphore, #tpu.memory_space<semaphore_mem>>) {add = true}
    %dma_wait3A_98 = arith.constant 0 : i32
    %dma_wait3A_99 = arith.constant 0 : i32
    %dma_wait3A_100 = tpu.memref_slice %arg9[%dma_wait3A_98, %dma_wait3A_99] : memref<80x128xi32, #tpu.memory_space<vmem>> -> memref<1x128xi32, #tpu.memory_space<vmem>>
    %dma_wait3A_101 = tpu.memref_squeeze %dma_wait3A_100 : memref<1x128xi32, #tpu.memory_space<vmem>> -> memref<128xi32, #tpu.memory_space<vmem>>
    %dma_wait3A_102 = arith.constant 0 : i32
    %dma_wait3A_103 = arith.constant 0 : i32
    %dma_wait3A_104 = tpu.memref_slice %arg16[%dma_wait3A_102, %dma_wait3A_103] : memref<10240x32xf32, #tpu.memory_space<vmem_shared>> -> memref<10240x32xf32, #tpu.memory_space<vmem_shared>>
    tpu.wait_indirect_dma semaphore(%arg21 : memref<!tpu.dma_semaphore, #tpu.memory_space<semaphore_mem>>) src(%arg11 : memref<128x32xf32, #tpu.memory_space<vmem>>) dst(%dma_wait3A_104 : memref<10240x32xf32, #tpu.memory_space<vmem_shared>>)
    %dma_start3A_105 = arith.constant 79 : i32
    %dma_start3A_106 = arith.constant 0 : i32
    %dma_start3A_107 = tpu.memref_slice %arg8[%dma_start3A_105, %dma_start3A_106] : memref<80x128xi32, #tpu.memory_space<vmem>> -> memref<1x128xi32, #tpu.memory_space<vmem>>
    %dma_start3A_108 = tpu.memref_squeeze %dma_start3A_107 : memref<1x128xi32, #tpu.memory_space<vmem>> -> memref<128xi32, #tpu.memory_space<vmem>>
    %dma_start3A_109 = arith.constant 0 : i32
    %dma_start3A_110 = arith.constant 0 : i32
    %dma_start3A_111 = tpu.memref_slice %arg15[%dma_start3A_109, %dma_start3A_110] : memref<10240x32xf32, #tpu.memory_space<vmem_shared>> -> memref<10240x32xf32, #tpu.memory_space<vmem_shared>>
    tpu.enqueue_indirect_dma source(%dma_start3A_111 : memref<10240x32xf32, #tpu.memory_space<vmem_shared>>) target(%arg11 : memref<128x32xf32, #tpu.memory_space<vmem>>) offsets(%dma_start3A_108 : memref<128xi32, #tpu.memory_space<vmem>>) semaphore(%arg18 : memref<!tpu.dma_semaphore, #tpu.memory_space<semaphore_mem>>)
    %dma_wait3A_112 = arith.constant 0 : i32
    %dma_wait3A_113 = arith.constant 0 : i32
    %dma_wait3A_114 = tpu.memref_slice %arg8[%dma_wait3A_112, %dma_wait3A_113] : memref<80x128xi32, #tpu.memory_space<vmem>> -> memref<1x128xi32, #tpu.memory_space<vmem>>
    %dma_wait3A_115 = tpu.memref_squeeze %dma_wait3A_114 : memref<1x128xi32, #tpu.memory_space<vmem>> -> memref<128xi32, #tpu.memory_space<vmem>>
    %dma_wait3A_116 = arith.constant 0 : i32
    %dma_wait3A_117 = arith.constant 0 : i32
    %dma_wait3A_118 = tpu.memref_slice %arg15[%dma_wait3A_116, %dma_wait3A_117] : memref<10240x32xf32, #tpu.memory_space<vmem_shared>> -> memref<10240x32xf32, #tpu.memory_space<vmem_shared>>
    tpu.wait_indirect_dma semaphore(%arg17 : memref<!tpu.dma_semaphore, #tpu.memory_space<semaphore_mem>>) src(%dma_wait3A_118 : memref<10240x32xf32, #tpu.memory_space<vmem_shared>>) dst(%arg10 : memref<128x32xf32, #tpu.memory_space<vmem>>)
    %dma_start3A_119 = arith.constant 78 : i32
    %dma_start3A_120 = arith.constant 0 : i32
    %dma_start3A_121 = tpu.memref_slice %arg9[%dma_start3A_119, %dma_start3A_120] : memref<80x128xi32, #tpu.memory_space<vmem>> -> memref<1x128xi32, #tpu.memory_space<vmem>>
    %dma_start3A_122 = tpu.memref_squeeze %dma_start3A_121 : memref<1x128xi32, #tpu.memory_space<vmem>> -> memref<128xi32, #tpu.memory_space<vmem>>
    %dma_start3A_123 = arith.constant 0 : i32
    %dma_start3A_124 = arith.constant 0 : i32
    %dma_start3A_125 = tpu.memref_slice %arg16[%dma_start3A_123, %dma_start3A_124] : memref<10240x32xf32, #tpu.memory_space<vmem_shared>> -> memref<10240x32xf32, #tpu.memory_space<vmem_shared>>
    tpu.enqueue_indirect_dma source(%arg10 : memref<128x32xf32, #tpu.memory_space<vmem>>) target(%dma_start3A_125 : memref<10240x32xf32, #tpu.memory_space<vmem_shared>>) offsets(%dma_start3A_122 : memref<128xi32, #tpu.memory_space<vmem>>) semaphore(%arg20 : memref<!tpu.dma_semaphore, #tpu.memory_space<semaphore_mem>>) {add = true}
    %dma_wait3A_126 = arith.constant 0 : i32
    %dma_wait3A_127 = arith.constant 0 : i32
    %dma_wait3A_128 = tpu.memref_slice %arg9[%dma_wait3A_126, %dma_wait3A_127] : memref<80x128xi32, #tpu.memory_space<vmem>> -> memref<1x128xi32, #tpu.memory_space<vmem>>
    %dma_wait3A_129 = tpu.memref_squeeze %dma_wait3A_128 : memref<1x128xi32, #tpu.memory_space<vmem>> -> memref<128xi32, #tpu.memory_space<vmem>>
    %dma_wait3A_130 = arith.constant 0 : i32
    %dma_wait3A_131 = arith.constant 0 : i32
    %dma_wait3A_132 = tpu.memref_slice %arg16[%dma_wait3A_130, %dma_wait3A_131] : memref<10240x32xf32, #tpu.memory_space<vmem_shared>> -> memref<10240x32xf32, #tpu.memory_space<vmem_shared>>
    tpu.wait_indirect_dma semaphore(%arg22 : memref<!tpu.dma_semaphore, #tpu.memory_space<semaphore_mem>>) src(%arg12 : memref<128x32xf32, #tpu.memory_space<vmem>>) dst(%dma_wait3A_132 : memref<10240x32xf32, #tpu.memory_space<vmem_shared>>)
    %dma_wait3A_133 = arith.constant 0 : i32
    %dma_wait3A_134 = arith.constant 0 : i32
    %dma_wait3A_135 = tpu.memref_slice %arg8[%dma_wait3A_133, %dma_wait3A_134] : memref<80x128xi32, #tpu.memory_space<vmem>> -> memref<1x128xi32, #tpu.memory_space<vmem>>
    %dma_wait3A_136 = tpu.memref_squeeze %dma_wait3A_135 : memref<1x128xi32, #tpu.memory_space<vmem>> -> memref<128xi32, #tpu.memory_space<vmem>>
    %dma_wait3A_137 = arith.constant 0 : i32
    %dma_wait3A_138 = arith.constant 0 : i32
    %dma_wait3A_139 = tpu.memref_slice %arg15[%dma_wait3A_137, %dma_wait3A_138] : memref<10240x32xf32, #tpu.memory_space<vmem_shared>> -> memref<10240x32xf32, #tpu.memory_space<vmem_shared>>
    tpu.wait_indirect_dma semaphore(%arg18 : memref<!tpu.dma_semaphore, #tpu.memory_space<semaphore_mem>>) src(%dma_wait3A_139 : memref<10240x32xf32, #tpu.memory_space<vmem_shared>>) dst(%arg11 : memref<128x32xf32, #tpu.memory_space<vmem>>)
    %dma_start3A_140 = arith.constant 79 : i32
    %dma_start3A_141 = arith.constant 0 : i32
    %dma_start3A_142 = tpu.memref_slice %arg9[%dma_start3A_140, %dma_start3A_141] : memref<80x128xi32, #tpu.memory_space<vmem>> -> memref<1x128xi32, #tpu.memory_space<vmem>>
    %dma_start3A_143 = tpu.memref_squeeze %dma_start3A_142 : memref<1x128xi32, #tpu.memory_space<vmem>> -> memref<128xi32, #tpu.memory_space<vmem>>
    %dma_start3A_144 = arith.constant 0 : i32
    %dma_start3A_145 = arith.constant 0 : i32
    %dma_start3A_146 = tpu.memref_slice %arg16[%dma_start3A_144, %dma_start3A_145] : memref<10240x32xf32, #tpu.memory_space<vmem_shared>> -> memref<10240x32xf32, #tpu.memory_space<vmem_shared>>
    tpu.enqueue_indirect_dma source(%arg11 : memref<128x32xf32, #tpu.memory_space<vmem>>) target(%dma_start3A_146 : memref<10240x32xf32, #tpu.memory_space<vmem_shared>>) offsets(%dma_start3A_143 : memref<128xi32, #tpu.memory_space<vmem>>) semaphore(%arg21 : memref<!tpu.dma_semaphore, #tpu.memory_space<semaphore_mem>>) {add = true}
    %dma_wait3A_147 = arith.constant 0 : i32
    %dma_wait3A_148 = arith.constant 0 : i32
    %dma_wait3A_149 = tpu.memref_slice %arg9[%dma_wait3A_147, %dma_wait3A_148] : memref<80x128xi32, #tpu.memory_space<vmem>> -> memref<1x128xi32, #tpu.memory_space<vmem>>
    %dma_wait3A_150 = tpu.memref_squeeze %dma_wait3A_149 : memref<1x128xi32, #tpu.memory_space<vmem>> -> memref<128xi32, #tpu.memory_space<vmem>>
    %dma_wait3A_151 = arith.constant 0 : i32
    %dma_wait3A_152 = arith.constant 0 : i32
    %dma_wait3A_153 = tpu.memref_slice %arg16[%dma_wait3A_151, %dma_wait3A_152] : memref<10240x32xf32, #tpu.memory_space<vmem_shared>> -> memref<10240x32xf32, #tpu.memory_space<vmem_shared>>
    tpu.wait_indirect_dma semaphore(%arg20 : memref<!tpu.dma_semaphore, #tpu.memory_space<semaphore_mem>>) src(%arg10 : memref<128x32xf32, #tpu.memory_space<vmem>>) dst(%dma_wait3A_153 : memref<10240x32xf32, #tpu.memory_space<vmem_shared>>)
    %dma_wait3A_154 = arith.constant 0 : i32
    %dma_wait3A_155 = arith.constant 0 : i32
    %dma_wait3A_156 = tpu.memref_slice %arg9[%dma_wait3A_154, %dma_wait3A_155] : memref<80x128xi32, #tpu.memory_space<vmem>> -> memref<1x128xi32, #tpu.memory_space<vmem>>
    %dma_wait3A_157 = tpu.memref_squeeze %dma_wait3A_156 : memref<1x128xi32, #tpu.memory_space<vmem>> -> memref<128xi32, #tpu.memory_space<vmem>>
    %dma_wait3A_158 = arith.constant 0 : i32
    %dma_wait3A_159 = arith.constant 0 : i32
    %dma_wait3A_160 = tpu.memref_slice %arg16[%dma_wait3A_158, %dma_wait3A_159] : memref<10240x32xf32, #tpu.memory_space<vmem_shared>> -> memref<10240x32xf32, #tpu.memory_space<vmem_shared>>
    tpu.wait_indirect_dma semaphore(%arg21 : memref<!tpu.dma_semaphore, #tpu.memory_space<semaphore_mem>>) src(%arg11 : memref<128x32xf32, #tpu.memory_space<vmem>>) dst(%dma_wait3A_160 : memref<10240x32xf32, #tpu.memory_space<vmem_shared>>)
    "tpu.region"() ({
      %run_scoped3A = tpu.sem_alloc : memref<!tpu.dma_semaphore, #tpu.memory_space<semaphore_mem>>
      %dma_start3A_552 = arith.constant 80 : i32
      %dma_start3A_553 = arith.constant 0 : i32
      %dma_start3A_554 = tpu.memref_slice %arg3[%arg1, %dma_start3A_552, %dma_start3A_553] : memref<16x160x128xi32, #tpu.memory_space<hbm>> -> memref<1x80x128xi32, #tpu.memory_space<hbm>>
      %dma_start3A_555 = tpu.memref_squeeze %dma_start3A_554 : memref<1x80x128xi32, #tpu.memory_space<hbm>> -> memref<80x128xi32, #tpu.memory_space<hbm>>
      %dma_start3A_556 = arith.constant 80 : i32
      %dma_start3A_557 = arith.constant 0 : i32
      %dma_start3A_558 = tpu.memref_slice %arg3[%arg1, %dma_start3A_556, %dma_start3A_557] : memref<16x160x128xi32, #tpu.memory_space<hbm>> -> memref<1x80x128xi32, #tpu.memory_space<hbm>>
      %dma_start3A_559 = tpu.memref_squeeze %dma_start3A_558 : memref<1x80x128xi32, #tpu.memory_space<hbm>> -> memref<80x128xi32, #tpu.memory_space<hbm>>
      tpu.enqueue_dma source(%dma_start3A_559 : memref<80x128xi32, #tpu.memory_space<hbm>>) target(%arg8 : memref<80x128xi32, #tpu.memory_space<vmem>>) target_semaphore(%run_scoped3A : memref<!tpu.dma_semaphore, #tpu.memory_space<semaphore_mem>>)
      %dma_wait3A_560 = arith.constant 80 : i32
      %dma_wait3A_561 = arith.constant 0 : i32
      %dma_wait3A_562 = tpu.memref_slice %arg3[%arg1, %dma_wait3A_560, %dma_wait3A_561] : memref<16x160x128xi32, #tpu.memory_space<hbm>> -> memref<1x80x128xi32, #tpu.memory_space<hbm>>
      %dma_wait3A_563 = tpu.memref_squeeze %dma_wait3A_562 : memref<1x80x128xi32, #tpu.memory_space<hbm>> -> memref<80x128xi32, #tpu.memory_space<hbm>>
      %dma_wait3A_564 = arith.constant 80 : i32
      %dma_wait3A_565 = arith.constant 0 : i32
      %dma_wait3A_566 = tpu.memref_slice %arg3[%arg1, %dma_wait3A_564, %dma_wait3A_565] : memref<16x160x128xi32, #tpu.memory_space<hbm>> -> memref<1x80x128xi32, #tpu.memory_space<hbm>>
      %dma_wait3A_567 = tpu.memref_squeeze %dma_wait3A_566 : memref<1x80x128xi32, #tpu.memory_space<hbm>> -> memref<80x128xi32, #tpu.memory_space<hbm>>
      tpu.wait_dma2 semaphore(%run_scoped3A : memref<!tpu.dma_semaphore, #tpu.memory_space<semaphore_mem>>) src(%dma_wait3A_567 : memref<80x128xi32, #tpu.memory_space<hbm>>) dst(%arg8 : memref<80x128xi32, #tpu.memory_space<vmem>>)
      tpu.yield
    }) : () -> ()
    "tpu.region"() ({
      %run_scoped3A = tpu.sem_alloc : memref<!tpu.dma_semaphore, #tpu.memory_space<semaphore_mem>>
      %dma_start3A_552 = arith.constant 80 : i32
      %dma_start3A_553 = arith.constant 0 : i32
      %dma_start3A_554 = tpu.memref_slice %arg4[%arg1, %dma_start3A_552, %dma_start3A_553] : memref<16x160x128xi32, #tpu.memory_space<hbm>> -> memref<1x80x128xi32, #tpu.memory_space<hbm>>
      %dma_start3A_555 = tpu.memref_squeeze %dma_start3A_554 : memref<1x80x128xi32, #tpu.memory_space<hbm>> -> memref<80x128xi32, #tpu.memory_space<hbm>>
      %dma_start3A_556 = arith.constant 80 : i32
      %dma_start3A_557 = arith.constant 0 : i32
      %dma_start3A_558 = tpu.memref_slice %arg4[%arg1, %dma_start3A_556, %dma_start3A_557] : memref<16x160x128xi32, #tpu.memory_space<hbm>> -> memref<1x80x128xi32, #tpu.memory_space<hbm>>
      %dma_start3A_559 = tpu.memref_squeeze %dma_start3A_558 : memref<1x80x128xi32, #tpu.memory_space<hbm>> -> memref<80x128xi32, #tpu.memory_space<hbm>>
      tpu.enqueue_dma source(%dma_start3A_559 : memref<80x128xi32, #tpu.memory_space<hbm>>) target(%arg9 : memref<80x128xi32, #tpu.memory_space<vmem>>) target_semaphore(%run_scoped3A : memref<!tpu.dma_semaphore, #tpu.memory_space<semaphore_mem>>)
      %dma_wait3A_560 = arith.constant 80 : i32
      %dma_wait3A_561 = arith.constant 0 : i32
      %dma_wait3A_562 = tpu.memref_slice %arg4[%arg1, %dma_wait3A_560, %dma_wait3A_561] : memref<16x160x128xi32, #tpu.memory_space<hbm>> -> memref<1x80x128xi32, #tpu.memory_space<hbm>>
      %dma_wait3A_563 = tpu.memref_squeeze %dma_wait3A_562 : memref<1x80x128xi32, #tpu.memory_space<hbm>> -> memref<80x128xi32, #tpu.memory_space<hbm>>
      %dma_wait3A_564 = arith.constant 80 : i32
      %dma_wait3A_565 = arith.constant 0 : i32
      %dma_wait3A_566 = tpu.memref_slice %arg4[%arg1, %dma_wait3A_564, %dma_wait3A_565] : memref<16x160x128xi32, #tpu.memory_space<hbm>> -> memref<1x80x128xi32, #tpu.memory_space<hbm>>
      %dma_wait3A_567 = tpu.memref_squeeze %dma_wait3A_566 : memref<1x80x128xi32, #tpu.memory_space<hbm>> -> memref<80x128xi32, #tpu.memory_space<hbm>>
      tpu.wait_dma2 semaphore(%run_scoped3A : memref<!tpu.dma_semaphore, #tpu.memory_space<semaphore_mem>>) src(%dma_wait3A_567 : memref<80x128xi32, #tpu.memory_space<hbm>>) dst(%arg9 : memref<80x128xi32, #tpu.memory_space<vmem>>)
      tpu.yield
    }) : () -> ()
    %dma_start3A_161 = arith.constant 0 : i32
    %dma_start3A_162 = arith.constant 0 : i32
    %dma_start3A_163 = tpu.memref_slice %arg8[%dma_start3A_161, %dma_start3A_162] : memref<80x128xi32, #tpu.memory_space<vmem>> -> memref<1x128xi32, #tpu.memory_space<vmem>>
    %dma_start3A_164 = tpu.memref_squeeze %dma_start3A_163 : memref<1x128xi32, #tpu.memory_space<vmem>> -> memref<128xi32, #tpu.memory_space<vmem>>
    %dma_start3A_165 = arith.constant 0 : i32
    %dma_start3A_166 = arith.constant 0 : i32
    %dma_start3A_167 = tpu.memref_slice %arg15[%dma_start3A_165, %dma_start3A_166] : memref<10240x32xf32, #tpu.memory_space<vmem_shared>> -> memref<10240x32xf32, #tpu.memory_space<vmem_shared>>
    tpu.enqueue_indirect_dma source(%dma_start3A_167 : memref<10240x32xf32, #tpu.memory_space<vmem_shared>>) target(%arg10 : memref<128x32xf32, #tpu.memory_space<vmem>>) offsets(%dma_start3A_164 : memref<128xi32, #tpu.memory_space<vmem>>) semaphore(%arg17 : memref<!tpu.dma_semaphore, #tpu.memory_space<semaphore_mem>>)
    %dma_start3A_168 = arith.constant 1 : i32
    %dma_start3A_169 = arith.constant 0 : i32
    %dma_start3A_170 = tpu.memref_slice %arg8[%dma_start3A_168, %dma_start3A_169] : memref<80x128xi32, #tpu.memory_space<vmem>> -> memref<1x128xi32, #tpu.memory_space<vmem>>
    %dma_start3A_171 = tpu.memref_squeeze %dma_start3A_170 : memref<1x128xi32, #tpu.memory_space<vmem>> -> memref<128xi32, #tpu.memory_space<vmem>>
    %dma_start3A_172 = arith.constant 0 : i32
    %dma_start3A_173 = arith.constant 0 : i32
    %dma_start3A_174 = tpu.memref_slice %arg15[%dma_start3A_172, %dma_start3A_173] : memref<10240x32xf32, #tpu.memory_space<vmem_shared>> -> memref<10240x32xf32, #tpu.memory_space<vmem_shared>>
    tpu.enqueue_indirect_dma source(%dma_start3A_174 : memref<10240x32xf32, #tpu.memory_space<vmem_shared>>) target(%arg11 : memref<128x32xf32, #tpu.memory_space<vmem>>) offsets(%dma_start3A_171 : memref<128xi32, #tpu.memory_space<vmem>>) semaphore(%arg18 : memref<!tpu.dma_semaphore, #tpu.memory_space<semaphore_mem>>)
    %dma_wait3A_175 = arith.constant 0 : i32
    %dma_wait3A_176 = arith.constant 0 : i32
    %dma_wait3A_177 = tpu.memref_slice %arg8[%dma_wait3A_175, %dma_wait3A_176] : memref<80x128xi32, #tpu.memory_space<vmem>> -> memref<1x128xi32, #tpu.memory_space<vmem>>
    %dma_wait3A_178 = tpu.memref_squeeze %dma_wait3A_177 : memref<1x128xi32, #tpu.memory_space<vmem>> -> memref<128xi32, #tpu.memory_space<vmem>>
    %dma_wait3A_179 = arith.constant 0 : i32
    %dma_wait3A_180 = arith.constant 0 : i32
    %dma_wait3A_181 = tpu.memref_slice %arg15[%dma_wait3A_179, %dma_wait3A_180] : memref<10240x32xf32, #tpu.memory_space<vmem_shared>> -> memref<10240x32xf32, #tpu.memory_space<vmem_shared>>
    tpu.wait_indirect_dma semaphore(%arg17 : memref<!tpu.dma_semaphore, #tpu.memory_space<semaphore_mem>>) src(%dma_wait3A_181 : memref<10240x32xf32, #tpu.memory_space<vmem_shared>>) dst(%arg10 : memref<128x32xf32, #tpu.memory_space<vmem>>)
    %dma_start3A_182 = arith.constant 0 : i32
    %dma_start3A_183 = arith.constant 0 : i32
    %dma_start3A_184 = tpu.memref_slice %arg9[%dma_start3A_182, %dma_start3A_183] : memref<80x128xi32, #tpu.memory_space<vmem>> -> memref<1x128xi32, #tpu.memory_space<vmem>>
    %dma_start3A_185 = tpu.memref_squeeze %dma_start3A_184 : memref<1x128xi32, #tpu.memory_space<vmem>> -> memref<128xi32, #tpu.memory_space<vmem>>
    %dma_start3A_186 = arith.constant 0 : i32
    %dma_start3A_187 = arith.constant 0 : i32
    %dma_start3A_188 = tpu.memref_slice %arg16[%dma_start3A_186, %dma_start3A_187] : memref<10240x32xf32, #tpu.memory_space<vmem_shared>> -> memref<10240x32xf32, #tpu.memory_space<vmem_shared>>
    tpu.enqueue_indirect_dma source(%arg10 : memref<128x32xf32, #tpu.memory_space<vmem>>) target(%dma_start3A_188 : memref<10240x32xf32, #tpu.memory_space<vmem_shared>>) offsets(%dma_start3A_185 : memref<128xi32, #tpu.memory_space<vmem>>) semaphore(%arg20 : memref<!tpu.dma_semaphore, #tpu.memory_space<semaphore_mem>>) {add = true}
    %dma_start3A_189 = arith.constant 2 : i32
    %dma_start3A_190 = arith.constant 0 : i32
    %dma_start3A_191 = tpu.memref_slice %arg8[%dma_start3A_189, %dma_start3A_190] : memref<80x128xi32, #tpu.memory_space<vmem>> -> memref<1x128xi32, #tpu.memory_space<vmem>>
    %dma_start3A_192 = tpu.memref_squeeze %dma_start3A_191 : memref<1x128xi32, #tpu.memory_space<vmem>> -> memref<128xi32, #tpu.memory_space<vmem>>
    %dma_start3A_193 = arith.constant 0 : i32
    %dma_start3A_194 = arith.constant 0 : i32
    %dma_start3A_195 = tpu.memref_slice %arg15[%dma_start3A_193, %dma_start3A_194] : memref<10240x32xf32, #tpu.memory_space<vmem_shared>> -> memref<10240x32xf32, #tpu.memory_space<vmem_shared>>
    tpu.enqueue_indirect_dma source(%dma_start3A_195 : memref<10240x32xf32, #tpu.memory_space<vmem_shared>>) target(%arg12 : memref<128x32xf32, #tpu.memory_space<vmem>>) offsets(%dma_start3A_192 : memref<128xi32, #tpu.memory_space<vmem>>) semaphore(%arg19 : memref<!tpu.dma_semaphore, #tpu.memory_space<semaphore_mem>>)
    %dma_wait3A_196 = arith.constant 0 : i32
    %dma_wait3A_197 = arith.constant 0 : i32
    %dma_wait3A_198 = tpu.memref_slice %arg8[%dma_wait3A_196, %dma_wait3A_197] : memref<80x128xi32, #tpu.memory_space<vmem>> -> memref<1x128xi32, #tpu.memory_space<vmem>>
    %dma_wait3A_199 = tpu.memref_squeeze %dma_wait3A_198 : memref<1x128xi32, #tpu.memory_space<vmem>> -> memref<128xi32, #tpu.memory_space<vmem>>
    %dma_wait3A_200 = arith.constant 0 : i32
    %dma_wait3A_201 = arith.constant 0 : i32
    %dma_wait3A_202 = tpu.memref_slice %arg15[%dma_wait3A_200, %dma_wait3A_201] : memref<10240x32xf32, #tpu.memory_space<vmem_shared>> -> memref<10240x32xf32, #tpu.memory_space<vmem_shared>>
    tpu.wait_indirect_dma semaphore(%arg18 : memref<!tpu.dma_semaphore, #tpu.memory_space<semaphore_mem>>) src(%dma_wait3A_202 : memref<10240x32xf32, #tpu.memory_space<vmem_shared>>) dst(%arg11 : memref<128x32xf32, #tpu.memory_space<vmem>>)
    %dma_start3A_203 = arith.constant 1 : i32
    %dma_start3A_204 = arith.constant 0 : i32
    %dma_start3A_205 = tpu.memref_slice %arg9[%dma_start3A_203, %dma_start3A_204] : memref<80x128xi32, #tpu.memory_space<vmem>> -> memref<1x128xi32, #tpu.memory_space<vmem>>
    %dma_start3A_206 = tpu.memref_squeeze %dma_start3A_205 : memref<1x128xi32, #tpu.memory_space<vmem>> -> memref<128xi32, #tpu.memory_space<vmem>>
    %dma_start3A_207 = arith.constant 0 : i32
    %dma_start3A_208 = arith.constant 0 : i32
    %dma_start3A_209 = tpu.memref_slice %arg16[%dma_start3A_207, %dma_start3A_208] : memref<10240x32xf32, #tpu.memory_space<vmem_shared>> -> memref<10240x32xf32, #tpu.memory_space<vmem_shared>>
    tpu.enqueue_indirect_dma source(%arg11 : memref<128x32xf32, #tpu.memory_space<vmem>>) target(%dma_start3A_209 : memref<10240x32xf32, #tpu.memory_space<vmem_shared>>) offsets(%dma_start3A_206 : memref<128xi32, #tpu.memory_space<vmem>>) semaphore(%arg21 : memref<!tpu.dma_semaphore, #tpu.memory_space<semaphore_mem>>) {add = true}
    %dma_wait3A_210 = arith.constant 0 : i32
    %dma_wait3A_211 = arith.constant 0 : i32
    %dma_wait3A_212 = tpu.memref_slice %arg9[%dma_wait3A_210, %dma_wait3A_211] : memref<80x128xi32, #tpu.memory_space<vmem>> -> memref<1x128xi32, #tpu.memory_space<vmem>>
    %dma_wait3A_213 = tpu.memref_squeeze %dma_wait3A_212 : memref<1x128xi32, #tpu.memory_space<vmem>> -> memref<128xi32, #tpu.memory_space<vmem>>
    %dma_wait3A_214 = arith.constant 0 : i32
    %dma_wait3A_215 = arith.constant 0 : i32
    %dma_wait3A_216 = tpu.memref_slice %arg16[%dma_wait3A_214, %dma_wait3A_215] : memref<10240x32xf32, #tpu.memory_space<vmem_shared>> -> memref<10240x32xf32, #tpu.memory_space<vmem_shared>>
    tpu.wait_indirect_dma semaphore(%arg20 : memref<!tpu.dma_semaphore, #tpu.memory_space<semaphore_mem>>) src(%arg10 : memref<128x32xf32, #tpu.memory_space<vmem>>) dst(%dma_wait3A_216 : memref<10240x32xf32, #tpu.memory_space<vmem_shared>>)
    %dma_start3A_217 = arith.constant 3 : i32
    %dma_start3A_218 = arith.constant 0 : i32
    %dma_start3A_219 = tpu.memref_slice %arg8[%dma_start3A_217, %dma_start3A_218] : memref<80x128xi32, #tpu.memory_space<vmem>> -> memref<1x128xi32, #tpu.memory_space<vmem>>
    %dma_start3A_220 = tpu.memref_squeeze %dma_start3A_219 : memref<1x128xi32, #tpu.memory_space<vmem>> -> memref<128xi32, #tpu.memory_space<vmem>>
    %dma_start3A_221 = arith.constant 0 : i32
    %dma_start3A_222 = arith.constant 0 : i32
    %dma_start3A_223 = tpu.memref_slice %arg15[%dma_start3A_221, %dma_start3A_222] : memref<10240x32xf32, #tpu.memory_space<vmem_shared>> -> memref<10240x32xf32, #tpu.memory_space<vmem_shared>>
    tpu.enqueue_indirect_dma source(%dma_start3A_223 : memref<10240x32xf32, #tpu.memory_space<vmem_shared>>) target(%arg10 : memref<128x32xf32, #tpu.memory_space<vmem>>) offsets(%dma_start3A_220 : memref<128xi32, #tpu.memory_space<vmem>>) semaphore(%arg17 : memref<!tpu.dma_semaphore, #tpu.memory_space<semaphore_mem>>)
    %scan3A_224 = arith.constant 0 : i32
    %scan3A_225 = arith.constant 0 : i32
    %scan3A_226 = arith.constant 25 : i32
    %scan3A_227 = arith.addi %scan3A_225, %scan3A_226 : i32
    %scan3A_228 = arith.constant 1 : i32
    %scan3A_229 = scf.for %scan3A_552 = %scan3A_225 to %scan3A_227 step %scan3A_228 iter_args(%scan3A_553 = %scan3A_224) -> (i32)  : i32 {
      %mul3A_554 = arith.constant 3 : i32
      %mul3A_555 = arith.muli %scan3A_552, %mul3A_554 : i32
      %add3A_556 = arith.constant 0 : i32
      %add3A_557 = arith.addi %mul3A_555, %add3A_556 : i32
      %add3A_558 = arith.constant 2 : i32
      %add3A_559 = arith.addi %add3A_557, %add3A_558 : i32
      %dma_wait3A_560 = arith.constant 0 : i32
      %dma_wait3A_561 = arith.constant 0 : i32
      %dma_wait3A_562 = tpu.memref_slice %arg8[%dma_wait3A_560, %dma_wait3A_561] : memref<80x128xi32, #tpu.memory_space<vmem>> -> memref<1x128xi32, #tpu.memory_space<vmem>>
      %dma_wait3A_563 = tpu.memref_squeeze %dma_wait3A_562 : memref<1x128xi32, #tpu.memory_space<vmem>> -> memref<128xi32, #tpu.memory_space<vmem>>
      %dma_wait3A_564 = arith.constant 0 : i32
      %dma_wait3A_565 = arith.constant 0 : i32
      %dma_wait3A_566 = tpu.memref_slice %arg15[%dma_wait3A_564, %dma_wait3A_565] : memref<10240x32xf32, #tpu.memory_space<vmem_shared>> -> memref<10240x32xf32, #tpu.memory_space<vmem_shared>>
      tpu.wait_indirect_dma semaphore(%arg19 : memref<!tpu.dma_semaphore, #tpu.memory_space<semaphore_mem>>) src(%dma_wait3A_566 : memref<10240x32xf32, #tpu.memory_space<vmem_shared>>) dst(%arg12 : memref<128x32xf32, #tpu.memory_space<vmem>>)
      %dma_start3A_567 = arith.constant 0 : i32
      %dma_start3A_568 = tpu.memref_slice %arg9[%add3A_559, %dma_start3A_567] : memref<80x128xi32, #tpu.memory_space<vmem>> -> memref<1x128xi32, #tpu.memory_space<vmem>>
      %dma_start3A_569 = tpu.memref_squeeze %dma_start3A_568 : memref<1x128xi32, #tpu.memory_space<vmem>> -> memref<128xi32, #tpu.memory_space<vmem>>
      %dma_start3A_570 = arith.constant 0 : i32
      %dma_start3A_571 = arith.constant 0 : i32
      %dma_start3A_572 = tpu.memref_slice %arg16[%dma_start3A_570, %dma_start3A_571] : memref<10240x32xf32, #tpu.memory_space<vmem_shared>> -> memref<10240x32xf32, #tpu.memory_space<vmem_shared>>
      tpu.enqueue_indirect_dma source(%arg12 : memref<128x32xf32, #tpu.memory_space<vmem>>) target(%dma_start3A_572 : memref<10240x32xf32, #tpu.memory_space<vmem_shared>>) offsets(%dma_start3A_569 : memref<128xi32, #tpu.memory_space<vmem>>) semaphore(%arg22 : memref<!tpu.dma_semaphore, #tpu.memory_space<semaphore_mem>>) {add = true}
      %dma_wait3A_573 = arith.constant 0 : i32
      %dma_wait3A_574 = arith.constant 0 : i32
      %dma_wait3A_575 = tpu.memref_slice %arg9[%dma_wait3A_573, %dma_wait3A_574] : memref<80x128xi32, #tpu.memory_space<vmem>> -> memref<1x128xi32, #tpu.memory_space<vmem>>
      %dma_wait3A_576 = tpu.memref_squeeze %dma_wait3A_575 : memref<1x128xi32, #tpu.memory_space<vmem>> -> memref<128xi32, #tpu.memory_space<vmem>>
      %dma_wait3A_577 = arith.constant 0 : i32
      %dma_wait3A_578 = arith.constant 0 : i32
      %dma_wait3A_579 = tpu.memref_slice %arg16[%dma_wait3A_577, %dma_wait3A_578] : memref<10240x32xf32, #tpu.memory_space<vmem_shared>> -> memref<10240x32xf32, #tpu.memory_space<vmem_shared>>
      tpu.wait_indirect_dma semaphore(%arg21 : memref<!tpu.dma_semaphore, #tpu.memory_space<semaphore_mem>>) src(%arg11 : memref<128x32xf32, #tpu.memory_space<vmem>>) dst(%dma_wait3A_579 : memref<10240x32xf32, #tpu.memory_space<vmem_shared>>)
      %add3A_580 = arith.constant 2 : i32
      %add3A_581 = arith.addi %add3A_559, %add3A_580 : i32
      %dma_start3A_582 = arith.constant 0 : i32
      %dma_start3A_583 = tpu.memref_slice %arg8[%add3A_581, %dma_start3A_582] : memref<80x128xi32, #tpu.memory_space<vmem>> -> memref<1x128xi32, #tpu.memory_space<vmem>>
      %dma_start3A_584 = tpu.memref_squeeze %dma_start3A_583 : memref<1x128xi32, #tpu.memory_space<vmem>> -> memref<128xi32, #tpu.memory_space<vmem>>
      %dma_start3A_585 = arith.constant 0 : i32
      %dma_start3A_586 = arith.constant 0 : i32
      %dma_start3A_587 = tpu.memref_slice %arg15[%dma_start3A_585, %dma_start3A_586] : memref<10240x32xf32, #tpu.memory_space<vmem_shared>> -> memref<10240x32xf32, #tpu.memory_space<vmem_shared>>
      tpu.enqueue_indirect_dma source(%dma_start3A_587 : memref<10240x32xf32, #tpu.memory_space<vmem_shared>>) target(%arg11 : memref<128x32xf32, #tpu.memory_space<vmem>>) offsets(%dma_start3A_584 : memref<128xi32, #tpu.memory_space<vmem>>) semaphore(%arg18 : memref<!tpu.dma_semaphore, #tpu.memory_space<semaphore_mem>>)
      %mul3A_588 = arith.constant 3 : i32
      %mul3A_589 = arith.muli %scan3A_552, %mul3A_588 : i32
      %add3A_590 = arith.constant 1 : i32
      %add3A_591 = arith.addi %mul3A_589, %add3A_590 : i32
      %add3A_592 = arith.constant 2 : i32
      %add3A_593 = arith.addi %add3A_591, %add3A_592 : i32
      %dma_wait3A_594 = arith.constant 0 : i32
      %dma_wait3A_595 = arith.constant 0 : i32
      %dma_wait3A_596 = tpu.memref_slice %arg8[%dma_wait3A_594, %dma_wait3A_595] : memref<80x128xi32, #tpu.memory_space<vmem>> -> memref<1x128xi32, #tpu.memory_space<vmem>>
      %dma_wait3A_597 = tpu.memref_squeeze %dma_wait3A_596 : memref<1x128xi32, #tpu.memory_space<vmem>> -> memref<128xi32, #tpu.memory_space<vmem>>
      %dma_wait3A_598 = arith.constant 0 : i32
      %dma_wait3A_599 = arith.constant 0 : i32
      %dma_wait3A_600 = tpu.memref_slice %arg15[%dma_wait3A_598, %dma_wait3A_599] : memref<10240x32xf32, #tpu.memory_space<vmem_shared>> -> memref<10240x32xf32, #tpu.memory_space<vmem_shared>>
      tpu.wait_indirect_dma semaphore(%arg17 : memref<!tpu.dma_semaphore, #tpu.memory_space<semaphore_mem>>) src(%dma_wait3A_600 : memref<10240x32xf32, #tpu.memory_space<vmem_shared>>) dst(%arg10 : memref<128x32xf32, #tpu.memory_space<vmem>>)
      %dma_start3A_601 = arith.constant 0 : i32
      %dma_start3A_602 = tpu.memref_slice %arg9[%add3A_593, %dma_start3A_601] : memref<80x128xi32, #tpu.memory_space<vmem>> -> memref<1x128xi32, #tpu.memory_space<vmem>>
      %dma_start3A_603 = tpu.memref_squeeze %dma_start3A_602 : memref<1x128xi32, #tpu.memory_space<vmem>> -> memref<128xi32, #tpu.memory_space<vmem>>
      %dma_start3A_604 = arith.constant 0 : i32
      %dma_start3A_605 = arith.constant 0 : i32
      %dma_start3A_606 = tpu.memref_slice %arg16[%dma_start3A_604, %dma_start3A_605] : memref<10240x32xf32, #tpu.memory_space<vmem_shared>> -> memref<10240x32xf32, #tpu.memory_space<vmem_shared>>
      tpu.enqueue_indirect_dma source(%arg10 : memref<128x32xf32, #tpu.memory_space<vmem>>) target(%dma_start3A_606 : memref<10240x32xf32, #tpu.memory_space<vmem_shared>>) offsets(%dma_start3A_603 : memref<128xi32, #tpu.memory_space<vmem>>) semaphore(%arg20 : memref<!tpu.dma_semaphore, #tpu.memory_space<semaphore_mem>>) {add = true}
      %dma_wait3A_607 = arith.constant 0 : i32
      %dma_wait3A_608 = arith.constant 0 : i32
      %dma_wait3A_609 = tpu.memref_slice %arg9[%dma_wait3A_607, %dma_wait3A_608] : memref<80x128xi32, #tpu.memory_space<vmem>> -> memref<1x128xi32, #tpu.memory_space<vmem>>
      %dma_wait3A_610 = tpu.memref_squeeze %dma_wait3A_609 : memref<1x128xi32, #tpu.memory_space<vmem>> -> memref<128xi32, #tpu.memory_space<vmem>>
      %dma_wait3A_611 = arith.constant 0 : i32
      %dma_wait3A_612 = arith.constant 0 : i32
      %dma_wait3A_613 = tpu.memref_slice %arg16[%dma_wait3A_611, %dma_wait3A_612] : memref<10240x32xf32, #tpu.memory_space<vmem_shared>> -> memref<10240x32xf32, #tpu.memory_space<vmem_shared>>
      tpu.wait_indirect_dma semaphore(%arg22 : memref<!tpu.dma_semaphore, #tpu.memory_space<semaphore_mem>>) src(%arg12 : memref<128x32xf32, #tpu.memory_space<vmem>>) dst(%dma_wait3A_613 : memref<10240x32xf32, #tpu.memory_space<vmem_shared>>)
      %add3A_614 = arith.constant 2 : i32
      %add3A_615 = arith.addi %add3A_593, %add3A_614 : i32
      %dma_start3A_616 = arith.constant 0 : i32
      %dma_start3A_617 = tpu.memref_slice %arg8[%add3A_615, %dma_start3A_616] : memref<80x128xi32, #tpu.memory_space<vmem>> -> memref<1x128xi32, #tpu.memory_space<vmem>>
      %dma_start3A_618 = tpu.memref_squeeze %dma_start3A_617 : memref<1x128xi32, #tpu.memory_space<vmem>> -> memref<128xi32, #tpu.memory_space<vmem>>
      %dma_start3A_619 = arith.constant 0 : i32
      %dma_start3A_620 = arith.constant 0 : i32
      %dma_start3A_621 = tpu.memref_slice %arg15[%dma_start3A_619, %dma_start3A_620] : memref<10240x32xf32, #tpu.memory_space<vmem_shared>> -> memref<10240x32xf32, #tpu.memory_space<vmem_shared>>
      tpu.enqueue_indirect_dma source(%dma_start3A_621 : memref<10240x32xf32, #tpu.memory_space<vmem_shared>>) target(%arg12 : memref<128x32xf32, #tpu.memory_space<vmem>>) offsets(%dma_start3A_618 : memref<128xi32, #tpu.memory_space<vmem>>) semaphore(%arg19 : memref<!tpu.dma_semaphore, #tpu.memory_space<semaphore_mem>>)
      %mul3A_622 = arith.constant 3 : i32
      %mul3A_623 = arith.muli %scan3A_552, %mul3A_622 : i32
      %add3A_624 = arith.constant 2 : i32
      %add3A_625 = arith.addi %mul3A_623, %add3A_624 : i32
      %add3A_626 = arith.constant 2 : i32
      %add3A_627 = arith.addi %add3A_625, %add3A_626 : i32
      %dma_wait3A_628 = arith.constant 0 : i32
      %dma_wait3A_629 = arith.constant 0 : i32
      %dma_wait3A_630 = tpu.memref_slice %arg8[%dma_wait3A_628, %dma_wait3A_629] : memref<80x128xi32, #tpu.memory_space<vmem>> -> memref<1x128xi32, #tpu.memory_space<vmem>>
      %dma_wait3A_631 = tpu.memref_squeeze %dma_wait3A_630 : memref<1x128xi32, #tpu.memory_space<vmem>> -> memref<128xi32, #tpu.memory_space<vmem>>
      %dma_wait3A_632 = arith.constant 0 : i32
      %dma_wait3A_633 = arith.constant 0 : i32
      %dma_wait3A_634 = tpu.memref_slice %arg15[%dma_wait3A_632, %dma_wait3A_633] : memref<10240x32xf32, #tpu.memory_space<vmem_shared>> -> memref<10240x32xf32, #tpu.memory_space<vmem_shared>>
      tpu.wait_indirect_dma semaphore(%arg18 : memref<!tpu.dma_semaphore, #tpu.memory_space<semaphore_mem>>) src(%dma_wait3A_634 : memref<10240x32xf32, #tpu.memory_space<vmem_shared>>) dst(%arg11 : memref<128x32xf32, #tpu.memory_space<vmem>>)
      %dma_start3A_635 = arith.constant 0 : i32
      %dma_start3A_636 = tpu.memref_slice %arg9[%add3A_627, %dma_start3A_635] : memref<80x128xi32, #tpu.memory_space<vmem>> -> memref<1x128xi32, #tpu.memory_space<vmem>>
      %dma_start3A_637 = tpu.memref_squeeze %dma_start3A_636 : memref<1x128xi32, #tpu.memory_space<vmem>> -> memref<128xi32, #tpu.memory_space<vmem>>
      %dma_start3A_638 = arith.constant 0 : i32
      %dma_start3A_639 = arith.constant 0 : i32
      %dma_start3A_640 = tpu.memref_slice %arg16[%dma_start3A_638, %dma_start3A_639] : memref<10240x32xf32, #tpu.memory_space<vmem_shared>> -> memref<10240x32xf32, #tpu.memory_space<vmem_shared>>
      tpu.enqueue_indirect_dma source(%arg11 : memref<128x32xf32, #tpu.memory_space<vmem>>) target(%dma_start3A_640 : memref<10240x32xf32, #tpu.memory_space<vmem_shared>>) offsets(%dma_start3A_637 : memref<128xi32, #tpu.memory_space<vmem>>) semaphore(%arg21 : memref<!tpu.dma_semaphore, #tpu.memory_space<semaphore_mem>>) {add = true}
      %dma_wait3A_641 = arith.constant 0 : i32
      %dma_wait3A_642 = arith.constant 0 : i32
      %dma_wait3A_643 = tpu.memref_slice %arg9[%dma_wait3A_641, %dma_wait3A_642] : memref<80x128xi32, #tpu.memory_space<vmem>> -> memref<1x128xi32, #tpu.memory_space<vmem>>
      %dma_wait3A_644 = tpu.memref_squeeze %dma_wait3A_643 : memref<1x128xi32, #tpu.memory_space<vmem>> -> memref<128xi32, #tpu.memory_space<vmem>>
      %dma_wait3A_645 = arith.constant 0 : i32
      %dma_wait3A_646 = arith.constant 0 : i32
      %dma_wait3A_647 = tpu.memref_slice %arg16[%dma_wait3A_645, %dma_wait3A_646] : memref<10240x32xf32, #tpu.memory_space<vmem_shared>> -> memref<10240x32xf32, #tpu.memory_space<vmem_shared>>
      tpu.wait_indirect_dma semaphore(%arg20 : memref<!tpu.dma_semaphore, #tpu.memory_space<semaphore_mem>>) src(%arg10 : memref<128x32xf32, #tpu.memory_space<vmem>>) dst(%dma_wait3A_647 : memref<10240x32xf32, #tpu.memory_space<vmem_shared>>)
      %add3A_648 = arith.constant 2 : i32
      %add3A_649 = arith.addi %add3A_627, %add3A_648 : i32
      %dma_start3A_650 = arith.constant 0 : i32
      %dma_start3A_651 = tpu.memref_slice %arg8[%add3A_649, %dma_start3A_650] : memref<80x128xi32, #tpu.memory_space<vmem>> -> memref<1x128xi32, #tpu.memory_space<vmem>>
      %dma_start3A_652 = tpu.memref_squeeze %dma_start3A_651 : memref<1x128xi32, #tpu.memory_space<vmem>> -> memref<128xi32, #tpu.memory_space<vmem>>
      %dma_start3A_653 = arith.constant 0 : i32
      %dma_start3A_654 = arith.constant 0 : i32
      %dma_start3A_655 = tpu.memref_slice %arg15[%dma_start3A_653, %dma_start3A_654] : memref<10240x32xf32, #tpu.memory_space<vmem_shared>> -> memref<10240x32xf32, #tpu.memory_space<vmem_shared>>
      tpu.enqueue_indirect_dma source(%dma_start3A_655 : memref<10240x32xf32, #tpu.memory_space<vmem_shared>>) target(%arg10 : memref<128x32xf32, #tpu.memory_space<vmem>>) offsets(%dma_start3A_652 : memref<128xi32, #tpu.memory_space<vmem>>) semaphore(%arg17 : memref<!tpu.dma_semaphore, #tpu.memory_space<semaphore_mem>>)
      %scan3A_656 = arith.constant 0 : i32
      scf.yield %scan3A_656 : i32
    }
    %scan3A_230 = arith.constant 25 : i32
    %dma_wait3A_231 = arith.constant 0 : i32
    %dma_wait3A_232 = arith.constant 0 : i32
    %dma_wait3A_233 = tpu.memref_slice %arg8[%dma_wait3A_231, %dma_wait3A_232] : memref<80x128xi32, #tpu.memory_space<vmem>> -> memref<1x128xi32, #tpu.memory_space<vmem>>
    %dma_wait3A_234 = tpu.memref_squeeze %dma_wait3A_233 : memref<1x128xi32, #tpu.memory_space<vmem>> -> memref<128xi32, #tpu.memory_space<vmem>>
    %dma_wait3A_235 = arith.constant 0 : i32
    %dma_wait3A_236 = arith.constant 0 : i32
    %dma_wait3A_237 = tpu.memref_slice %arg15[%dma_wait3A_235, %dma_wait3A_236] : memref<10240x32xf32, #tpu.memory_space<vmem_shared>> -> memref<10240x32xf32, #tpu.memory_space<vmem_shared>>
    tpu.wait_indirect_dma semaphore(%arg19 : memref<!tpu.dma_semaphore, #tpu.memory_space<semaphore_mem>>) src(%dma_wait3A_237 : memref<10240x32xf32, #tpu.memory_space<vmem_shared>>) dst(%arg12 : memref<128x32xf32, #tpu.memory_space<vmem>>)
    %dma_start3A_238 = arith.constant 77 : i32
    %dma_start3A_239 = arith.constant 0 : i32
    %dma_start3A_240 = tpu.memref_slice %arg9[%dma_start3A_238, %dma_start3A_239] : memref<80x128xi32, #tpu.memory_space<vmem>> -> memref<1x128xi32, #tpu.memory_space<vmem>>
    %dma_start3A_241 = tpu.memref_squeeze %dma_start3A_240 : memref<1x128xi32, #tpu.memory_space<vmem>> -> memref<128xi32, #tpu.memory_space<vmem>>
    %dma_start3A_242 = arith.constant 0 : i32
    %dma_start3A_243 = arith.constant 0 : i32
    %dma_start3A_244 = tpu.memref_slice %arg16[%dma_start3A_242, %dma_start3A_243] : memref<10240x32xf32, #tpu.memory_space<vmem_shared>> -> memref<10240x32xf32, #tpu.memory_space<vmem_shared>>
    tpu.enqueue_indirect_dma source(%arg12 : memref<128x32xf32, #tpu.memory_space<vmem>>) target(%dma_start3A_244 : memref<10240x32xf32, #tpu.memory_space<vmem_shared>>) offsets(%dma_start3A_241 : memref<128xi32, #tpu.memory_space<vmem>>) semaphore(%arg22 : memref<!tpu.dma_semaphore, #tpu.memory_space<semaphore_mem>>) {add = true}
    %dma_wait3A_245 = arith.constant 0 : i32
    %dma_wait3A_246 = arith.constant 0 : i32
    %dma_wait3A_247 = tpu.memref_slice %arg9[%dma_wait3A_245, %dma_wait3A_246] : memref<80x128xi32, #tpu.memory_space<vmem>> -> memref<1x128xi32, #tpu.memory_space<vmem>>
    %dma_wait3A_248 = tpu.memref_squeeze %dma_wait3A_247 : memref<1x128xi32, #tpu.memory_space<vmem>> -> memref<128xi32, #tpu.memory_space<vmem>>
    %dma_wait3A_249 = arith.constant 0 : i32
    %dma_wait3A_250 = arith.constant 0 : i32
    %dma_wait3A_251 = tpu.memref_slice %arg16[%dma_wait3A_249, %dma_wait3A_250] : memref<10240x32xf32, #tpu.memory_space<vmem_shared>> -> memref<10240x32xf32, #tpu.memory_space<vmem_shared>>
    tpu.wait_indirect_dma semaphore(%arg21 : memref<!tpu.dma_semaphore, #tpu.memory_space<semaphore_mem>>) src(%arg11 : memref<128x32xf32, #tpu.memory_space<vmem>>) dst(%dma_wait3A_251 : memref<10240x32xf32, #tpu.memory_space<vmem_shared>>)
    %dma_start3A_252 = arith.constant 79 : i32
    %dma_start3A_253 = arith.constant 0 : i32
    %dma_start3A_254 = tpu.memref_slice %arg8[%dma_start3A_252, %dma_start3A_253] : memref<80x128xi32, #tpu.memory_space<vmem>> -> memref<1x128xi32, #tpu.memory_space<vmem>>
    %dma_start3A_255 = tpu.memref_squeeze %dma_start3A_254 : memref<1x128xi32, #tpu.memory_space<vmem>> -> memref<128xi32, #tpu.memory_space<vmem>>
    %dma_start3A_256 = arith.constant 0 : i32
    %dma_start3A_257 = arith.constant 0 : i32
    %dma_start3A_258 = tpu.memref_slice %arg15[%dma_start3A_256, %dma_start3A_257] : memref<10240x32xf32, #tpu.memory_space<vmem_shared>> -> memref<10240x32xf32, #tpu.memory_space<vmem_shared>>
    tpu.enqueue_indirect_dma source(%dma_start3A_258 : memref<10240x32xf32, #tpu.memory_space<vmem_shared>>) target(%arg11 : memref<128x32xf32, #tpu.memory_space<vmem>>) offsets(%dma_start3A_255 : memref<128xi32, #tpu.memory_space<vmem>>) semaphore(%arg18 : memref<!tpu.dma_semaphore, #tpu.memory_space<semaphore_mem>>)
    %dma_wait3A_259 = arith.constant 0 : i32
    %dma_wait3A_260 = arith.constant 0 : i32
    %dma_wait3A_261 = tpu.memref_slice %arg8[%dma_wait3A_259, %dma_wait3A_260] : memref<80x128xi32, #tpu.memory_space<vmem>> -> memref<1x128xi32, #tpu.memory_space<vmem>>
    %dma_wait3A_262 = tpu.memref_squeeze %dma_wait3A_261 : memref<1x128xi32, #tpu.memory_space<vmem>> -> memref<128xi32, #tpu.memory_space<vmem>>
    %dma_wait3A_263 = arith.constant 0 : i32
    %dma_wait3A_264 = arith.constant 0 : i32
    %dma_wait3A_265 = tpu.memref_slice %arg15[%dma_wait3A_263, %dma_wait3A_264] : memref<10240x32xf32, #tpu.memory_space<vmem_shared>> -> memref<10240x32xf32, #tpu.memory_space<vmem_shared>>
    tpu.wait_indirect_dma semaphore(%arg17 : memref<!tpu.dma_semaphore, #tpu.memory_space<semaphore_mem>>) src(%dma_wait3A_265 : memref<10240x32xf32, #tpu.memory_space<vmem_shared>>) dst(%arg10 : memref<128x32xf32, #tpu.memory_space<vmem>>)
    %dma_start3A_266 = arith.constant 78 : i32
    %dma_start3A_267 = arith.constant 0 : i32
    %dma_start3A_268 = tpu.memref_slice %arg9[%dma_start3A_266, %dma_start3A_267] : memref<80x128xi32, #tpu.memory_space<vmem>> -> memref<1x128xi32, #tpu.memory_space<vmem>>
    %dma_start3A_269 = tpu.memref_squeeze %dma_start3A_268 : memref<1x128xi32, #tpu.memory_space<vmem>> -> memref<128xi32, #tpu.memory_space<vmem>>
    %dma_start3A_270 = arith.constant 0 : i32
    %dma_start3A_271 = arith.constant 0 : i32
    %dma_start3A_272 = tpu.memref_slice %arg16[%dma_start3A_270, %dma_start3A_271] : memref<10240x32xf32, #tpu.memory_space<vmem_shared>> -> memref<10240x32xf32, #tpu.memory_space<vmem_shared>>
    tpu.enqueue_indirect_dma source(%arg10 : memref<128x32xf32, #tpu.memory_space<vmem>>) target(%dma_start3A_272 : memref<10240x32xf32, #tpu.memory_space<vmem_shared>>) offsets(%dma_start3A_269 : memref<128xi32, #tpu.memory_space<vmem>>) semaphore(%arg20 : memref<!tpu.dma_semaphore, #tpu.memory_space<semaphore_mem>>) {add = true}
    %dma_wait3A_273 = arith.constant 0 : i32
    %dma_wait3A_274 = arith.constant 0 : i32
    %dma_wait3A_275 = tpu.memref_slice %arg9[%dma_wait3A_273, %dma_wait3A_274] : memref<80x128xi32, #tpu.memory_space<vmem>> -> memref<1x128xi32, #tpu.memory_space<vmem>>
    %dma_wait3A_276 = tpu.memref_squeeze %dma_wait3A_275 : memref<1x128xi32, #tpu.memory_space<vmem>> -> memref<128xi32, #tpu.memory_space<vmem>>
    %dma_wait3A_277 = arith.constant 0 : i32
    %dma_wait3A_278 = arith.constant 0 : i32
    %dma_wait3A_279 = tpu.memref_slice %arg16[%dma_wait3A_277, %dma_wait3A_278] : memref<10240x32xf32, #tpu.memory_space<vmem_shared>> -> memref<10240x32xf32, #tpu.memory_space<vmem_shared>>
    tpu.wait_indirect_dma semaphore(%arg22 : memref<!tpu.dma_semaphore, #tpu.memory_space<semaphore_mem>>) src(%arg12 : memref<128x32xf32, #tpu.memory_space<vmem>>) dst(%dma_wait3A_279 : memref<10240x32xf32, #tpu.memory_space<vmem_shared>>)
    %dma_wait3A_280 = arith.constant 0 : i32
    %dma_wait3A_281 = arith.constant 0 : i32
    %dma_wait3A_282 = tpu.memref_slice %arg8[%dma_wait3A_280, %dma_wait3A_281] : memref<80x128xi32, #tpu.memory_space<vmem>> -> memref<1x128xi32, #tpu.memory_space<vmem>>
    %dma_wait3A_283 = tpu.memref_squeeze %dma_wait3A_282 : memref<1x128xi32, #tpu.memory_space<vmem>> -> memref<128xi32, #tpu.memory_space<vmem>>
    %dma_wait3A_284 = arith.constant 0 : i32
    %dma_wait3A_285 = arith.constant 0 : i32
    %dma_wait3A_286 = tpu.memref_slice %arg15[%dma_wait3A_284, %dma_wait3A_285] : memref<10240x32xf32, #tpu.memory_space<vmem_shared>> -> memref<10240x32xf32, #tpu.memory_space<vmem_shared>>
    tpu.wait_indirect_dma semaphore(%arg18 : memref<!tpu.dma_semaphore, #tpu.memory_space<semaphore_mem>>) src(%dma_wait3A_286 : memref<10240x32xf32, #tpu.memory_space<vmem_shared>>) dst(%arg11 : memref<128x32xf32, #tpu.memory_space<vmem>>)
    %dma_start3A_287 = arith.constant 79 : i32
    %dma_start3A_288 = arith.constant 0 : i32
    %dma_start3A_289 = tpu.memref_slice %arg9[%dma_start3A_287, %dma_start3A_288] : memref<80x128xi32, #tpu.memory_space<vmem>> -> memref<1x128xi32, #tpu.memory_space<vmem>>
    %dma_start3A_290 = tpu.memref_squeeze %dma_start3A_289 : memref<1x128xi32, #tpu.memory_space<vmem>> -> memref<128xi32, #tpu.memory_space<vmem>>
    %dma_start3A_291 = arith.constant 0 : i32
    %dma_start3A_292 = arith.constant 0 : i32
    %dma_start3A_293 = tpu.memref_slice %arg16[%dma_start3A_291, %dma_start3A_292] : memref<10240x32xf32, #tpu.memory_space<vmem_shared>> -> memref<10240x32xf32, #tpu.memory_space<vmem_shared>>
    tpu.enqueue_indirect_dma source(%arg11 : memref<128x32xf32, #tpu.memory_space<vmem>>) target(%dma_start3A_293 : memref<10240x32xf32, #tpu.memory_space<vmem_shared>>) offsets(%dma_start3A_290 : memref<128xi32, #tpu.memory_space<vmem>>) semaphore(%arg21 : memref<!tpu.dma_semaphore, #tpu.memory_space<semaphore_mem>>) {add = true}
    %dma_wait3A_294 = arith.constant 0 : i32
    %dma_wait3A_295 = arith.constant 0 : i32
    %dma_wait3A_296 = tpu.memref_slice %arg9[%dma_wait3A_294, %dma_wait3A_295] : memref<80x128xi32, #tpu.memory_space<vmem>> -> memref<1x128xi32, #tpu.memory_space<vmem>>
    %dma_wait3A_297 = tpu.memref_squeeze %dma_wait3A_296 : memref<1x128xi32, #tpu.memory_space<vmem>> -> memref<128xi32, #tpu.memory_space<vmem>>
    %dma_wait3A_298 = arith.constant 0 : i32
    %dma_wait3A_299 = arith.constant 0 : i32
    %dma_wait3A_300 = tpu.memref_slice %arg16[%dma_wait3A_298, %dma_wait3A_299] : memref<10240x32xf32, #tpu.memory_space<vmem_shared>> -> memref<10240x32xf32, #tpu.memory_space<vmem_shared>>
    tpu.wait_indirect_dma semaphore(%arg20 : memref<!tpu.dma_semaphore, #tpu.memory_space<semaphore_mem>>) src(%arg10 : memref<128x32xf32, #tpu.memory_space<vmem>>) dst(%dma_wait3A_300 : memref<10240x32xf32, #tpu.memory_space<vmem_shared>>)
    %dma_wait3A_301 = arith.constant 0 : i32
    %dma_wait3A_302 = arith.constant 0 : i32
    %dma_wait3A_303 = tpu.memref_slice %arg9[%dma_wait3A_301, %dma_wait3A_302] : memref<80x128xi32, #tpu.memory_space<vmem>> -> memref<1x128xi32, #tpu.memory_space<vmem>>
    %dma_wait3A_304 = tpu.memref_squeeze %dma_wait3A_303 : memref<1x128xi32, #tpu.memory_space<vmem>> -> memref<128xi32, #tpu.memory_space<vmem>>
    %dma_wait3A_305 = arith.constant 0 : i32
    %dma_wait3A_306 = arith.constant 0 : i32
    %dma_wait3A_307 = tpu.memref_slice %arg16[%dma_wait3A_305, %dma_wait3A_306] : memref<10240x32xf32, #tpu.memory_space<vmem_shared>> -> memref<10240x32xf32, #tpu.memory_space<vmem_shared>>
    tpu.wait_indirect_dma semaphore(%arg21 : memref<!tpu.dma_semaphore, #tpu.memory_space<semaphore_mem>>) src(%arg11 : memref<128x32xf32, #tpu.memory_space<vmem>>) dst(%dma_wait3A_307 : memref<10240x32xf32, #tpu.memory_space<vmem_shared>>)
    %barrier3A_308 = arith.constant 0 : index
    tpu.barrier barrier_id(%barrier3A_308)
    "tpu.region"() ({
      %run_scoped3A = tpu.sem_alloc : memref<!tpu.dma_semaphore, #tpu.memory_space<semaphore_mem>>
      %dma_start3A_552 = tpu.memref_slice %arg5[%mul3A_0] : memref<10240xf32, #tpu.memory_space<hbm>> -> memref<640xf32, #tpu.memory_space<hbm>>
      %dma_start3A_553 = tpu.memref_slice %arg5[%mul3A_0] : memref<10240xf32, #tpu.memory_space<hbm>> -> memref<640xf32, #tpu.memory_space<hbm>>
      tpu.enqueue_dma source(%dma_start3A_553 : memref<640xf32, #tpu.memory_space<hbm>>) target(%arg13 : memref<640xf32, #tpu.memory_space<vmem>>) target_semaphore(%run_scoped3A : memref<!tpu.dma_semaphore, #tpu.memory_space<semaphore_mem>>)
      %dma_wait3A_554 = tpu.memref_slice %arg5[%mul3A_0] : memref<10240xf32, #tpu.memory_space<hbm>> -> memref<640xf32, #tpu.memory_space<hbm>>
      %dma_wait3A_555 = tpu.memref_slice %arg5[%mul3A_0] : memref<10240xf32, #tpu.memory_space<hbm>> -> memref<640xf32, #tpu.memory_space<hbm>>
      tpu.wait_dma2 semaphore(%run_scoped3A : memref<!tpu.dma_semaphore, #tpu.memory_space<semaphore_mem>>) src(%dma_wait3A_555 : memref<640xf32, #tpu.memory_space<hbm>>) dst(%arg13 : memref<640xf32, #tpu.memory_space<vmem>>)
      tpu.yield
    }) : () -> ()
    "tpu.region"() ({
      %run_scoped3A = tpu.sem_alloc : memref<!tpu.dma_semaphore, #tpu.memory_space<semaphore_mem>>
      %dma_start3A_552 = arith.constant 0 : i32
      %dma_start3A_553 = tpu.memref_slice %arg6[%arg0, %dma_start3A_552] : memref<2x32xf32, #tpu.memory_space<hbm>> -> memref<1x32xf32, #tpu.memory_space<hbm>>
      %dma_start3A_554 = tpu.memref_squeeze %dma_start3A_553 : memref<1x32xf32, #tpu.memory_space<hbm>> -> memref<32xf32, #tpu.memory_space<hbm>>
      %dma_start3A_555 = arith.constant 0 : i32
      %dma_start3A_556 = tpu.memref_slice %arg6[%arg0, %dma_start3A_555] : memref<2x32xf32, #tpu.memory_space<hbm>> -> memref<1x32xf32, #tpu.memory_space<hbm>>
      %dma_start3A_557 = tpu.memref_squeeze %dma_start3A_556 : memref<1x32xf32, #tpu.memory_space<hbm>> -> memref<32xf32, #tpu.memory_space<hbm>>
      tpu.enqueue_dma source(%dma_start3A_557 : memref<32xf32, #tpu.memory_space<hbm>>) target(%arg14 : memref<32xf32, #tpu.memory_space<vmem>>) target_semaphore(%run_scoped3A : memref<!tpu.dma_semaphore, #tpu.memory_space<semaphore_mem>>)
      %dma_wait3A_558 = arith.constant 0 : i32
      %dma_wait3A_559 = tpu.memref_slice %arg6[%arg0, %dma_wait3A_558] : memref<2x32xf32, #tpu.memory_space<hbm>> -> memref<1x32xf32, #tpu.memory_space<hbm>>
      %dma_wait3A_560 = tpu.memref_squeeze %dma_wait3A_559 : memref<1x32xf32, #tpu.memory_space<hbm>> -> memref<32xf32, #tpu.memory_space<hbm>>
      %dma_wait3A_561 = arith.constant 0 : i32
      %dma_wait3A_562 = tpu.memref_slice %arg6[%arg0, %dma_wait3A_561] : memref<2x32xf32, #tpu.memory_space<hbm>> -> memref<1x32xf32, #tpu.memory_space<hbm>>
      %dma_wait3A_563 = tpu.memref_squeeze %dma_wait3A_562 : memref<1x32xf32, #tpu.memory_space<hbm>> -> memref<32xf32, #tpu.memory_space<hbm>>
      tpu.wait_dma2 semaphore(%run_scoped3A : memref<!tpu.dma_semaphore, #tpu.memory_space<semaphore_mem>>) src(%dma_wait3A_563 : memref<32xf32, #tpu.memory_space<hbm>>) dst(%arg14 : memref<32xf32, #tpu.memory_space<vmem>>)
      tpu.yield
    }) : () -> ()
    %get3A = arith.constant 0 : index
    %get3A_309 = tpu.vector_load %arg14[%get3A] {strides = array<i32>} : memref<32xf32, #tpu.memory_space<vmem>>, vector<16xf32>,
    %get3A_310 = arith.constant 16 : index
    %get3A_311 = tpu.vector_load %arg14[%get3A_310] {strides = array<i32>} : memref<32xf32, #tpu.memory_space<vmem>>, vector<16xf32>,
    %add3A_312 = arith.constant 0 : i32
    %add3A_313 = arith.addi %mul3A_0, %add3A_312 : i32
    "tpu.region"() ({
      %run_scoped3A = tpu.sem_alloc : memref<!tpu.dma_semaphore, #tpu.memory_space<semaphore_mem>>
      %dma_start3A_552 = arith.constant 0 : i32
      %dma_start3A_553 = tpu.memref_slice %arg16[%add3A_313, %dma_start3A_552] : memref<10240x32xf32, #tpu.memory_space<vmem_shared>> -> memref<128x32xf32, #tpu.memory_space<vmem_shared>>
      %dma_start3A_554 = arith.constant 0 : i32
      %dma_start3A_555 = tpu.memref_slice %arg16[%add3A_313, %dma_start3A_554] : memref<10240x32xf32, #tpu.memory_space<vmem_shared>> -> memref<128x32xf32, #tpu.memory_space<vmem_shared>>
      tpu.enqueue_dma source(%dma_start3A_555 : memref<128x32xf32, #tpu.memory_space<vmem_shared>>) target(%arg10 : memref<128x32xf32, #tpu.memory_space<vmem>>) target_semaphore(%run_scoped3A : memref<!tpu.dma_semaphore, #tpu.memory_space<semaphore_mem>>)
      %dma_wait3A_556 = arith.constant 0 : i32
      %dma_wait3A_557 = tpu.memref_slice %arg16[%add3A_313, %dma_wait3A_556] : memref<10240x32xf32, #tpu.memory_space<vmem_shared>> -> memref<128x32xf32, #tpu.memory_space<vmem_shared>>
      %dma_wait3A_558 = arith.constant 0 : i32
      %dma_wait3A_559 = tpu.memref_slice %arg16[%add3A_313, %dma_wait3A_558] : memref<10240x32xf32, #tpu.memory_space<vmem_shared>> -> memref<128x32xf32, #tpu.memory_space<vmem_shared>>
      tpu.wait_dma2 semaphore(%run_scoped3A : memref<!tpu.dma_semaphore, #tpu.memory_space<semaphore_mem>>) src(%dma_wait3A_559 : memref<128x32xf32, #tpu.memory_space<vmem_shared>>) dst(%arg10 : memref<128x32xf32, #tpu.memory_space<vmem>>)
      tpu.yield
    }) : () -> ()
    %add3A_314 = arith.constant 0 : i32
    %add3A_315 = arith.addi %mul3A_0, %add3A_314 : i32
    "tpu.region"() ({
      %run_scoped3A = tpu.sem_alloc : memref<!tpu.dma_semaphore, #tpu.memory_space<semaphore_mem>>
      %dma_start3A_552 = arith.constant 0 : i32
      %dma_start3A_553 = tpu.memref_slice %arg15[%add3A_315, %dma_start3A_552] : memref<10240x32xf32, #tpu.memory_space<vmem_shared>> -> memref<128x32xf32, #tpu.memory_space<vmem_shared>>
      %dma_start3A_554 = arith.constant 0 : i32
      %dma_start3A_555 = tpu.memref_slice %arg15[%add3A_315, %dma_start3A_554] : memref<10240x32xf32, #tpu.memory_space<vmem_shared>> -> memref<128x32xf32, #tpu.memory_space<vmem_shared>>
      tpu.enqueue_dma source(%dma_start3A_555 : memref<128x32xf32, #tpu.memory_space<vmem_shared>>) target(%arg11 : memref<128x32xf32, #tpu.memory_space<vmem>>) target_semaphore(%run_scoped3A : memref<!tpu.dma_semaphore, #tpu.memory_space<semaphore_mem>>)
      %dma_wait3A_556 = arith.constant 0 : i32
      %dma_wait3A_557 = tpu.memref_slice %arg15[%add3A_315, %dma_wait3A_556] : memref<10240x32xf32, #tpu.memory_space<vmem_shared>> -> memref<128x32xf32, #tpu.memory_space<vmem_shared>>
      %dma_wait3A_558 = arith.constant 0 : i32
      %dma_wait3A_559 = tpu.memref_slice %arg15[%add3A_315, %dma_wait3A_558] : memref<10240x32xf32, #tpu.memory_space<vmem_shared>> -> memref<128x32xf32, #tpu.memory_space<vmem_shared>>
      tpu.wait_dma2 semaphore(%run_scoped3A : memref<!tpu.dma_semaphore, #tpu.memory_space<semaphore_mem>>) src(%dma_wait3A_559 : memref<128x32xf32, #tpu.memory_space<vmem_shared>>) dst(%arg11 : memref<128x32xf32, #tpu.memory_space<vmem>>)
      tpu.yield
    }) : () -> ()
    %scan3A_316 = arith.constant 0 : i32
    %scan3A_317 = arith.constant 0 : i32
    %scan3A_318 = arith.constant 128 : i32
    %scan3A_319 = arith.addi %scan3A_317, %scan3A_318 : i32
    %scan3A_320 = arith.constant 1 : i32
    %scan3A_321 = scf.for %scan3A_552 = %scan3A_317 to %scan3A_319 step %scan3A_320 iter_args(%scan3A_553 = %scan3A_316) -> (i32)  : i32 {
      %add3A_554 = arith.constant 0 : i32
      %add3A_555 = arith.addi %add3A_554, %scan3A_552 : i32
      %broadcast_in_dim3A = vector.broadcast %add3A_555 : i32 to vector<16xi32>
      %gather3A = tpu.vector_load_idx %arg13[%broadcast_in_dim3A] : memref<640xf32, #tpu.memory_space<vmem>>[vector<16xi32>], vector<16xf32>,
      %get3A_556 = arith.index_cast %scan3A_552 : i32 to index
      %get3A_557 = arith.constant 0 : index
      %get3A_558 = tpu.vector_load %arg10[%get3A_556, %get3A_557] {strides = array<i32>} : memref<128x32xf32, #tpu.memory_space<vmem>>, vector<16xf32>,
      %get3A_559 = arith.index_cast %scan3A_552 : i32 to index
      %get3A_560 = arith.constant 0 : index
      %get3A_561 = tpu.vector_load %arg11[%get3A_559, %get3A_560] {strides = array<i32>} : memref<128x32xf32, #tpu.memory_space<vmem>>, vector<16xf32>,
      %add3A_562 = arith.addf %get3A_558, %get3A_561 : vector<16xf32>
      %mul3A_563 = arith.mulf %add3A_562, %gather3A : vector<16xf32>
      %add3A_564 = arith.addf %mul3A_563, %get3A_309 : vector<16xf32>
      %swap3A = arith.index_cast %scan3A_552 : i32 to index
      %swap3A_565 = arith.constant 0 : index
      %swap3A_566 = tpu.vector_load %arg12[%swap3A, %swap3A_565] {strides = array<i32>} : memref<128x32xf32, #tpu.memory_space<vmem>>, vector<16xf32>,
      tpu.vector_store %arg12[%swap3A, %swap3A_565], %add3A_564 {strides = array<i32>} : memref<128x32xf32, #tpu.memory_space<vmem>>, vector<16xf32>,
      %get3A_567 = arith.index_cast %scan3A_552 : i32 to index
      %get3A_568 = arith.constant 16 : index
      %get3A_569 = tpu.vector_load %arg10[%get3A_567, %get3A_568] {strides = array<i32>} : memref<128x32xf32, #tpu.memory_space<vmem>>, vector<16xf32>,
      %get3A_570 = arith.index_cast %scan3A_552 : i32 to index
      %get3A_571 = arith.constant 16 : index
      %get3A_572 = tpu.vector_load %arg11[%get3A_570, %get3A_571] {strides = array<i32>} : memref<128x32xf32, #tpu.memory_space<vmem>>, vector<16xf32>,
      %add3A_573 = arith.addf %get3A_569, %get3A_572 : vector<16xf32>
      %mul3A_574 = arith.mulf %add3A_573, %gather3A : vector<16xf32>
      %add3A_575 = arith.addf %mul3A_574, %get3A_311 : vector<16xf32>
      %swap3A_576 = arith.index_cast %scan3A_552 : i32 to index
      %swap3A_577 = arith.constant 16 : index
      %swap3A_578 = tpu.vector_load %arg12[%swap3A_576, %swap3A_577] {strides = array<i32>} : memref<128x32xf32, #tpu.memory_space<vmem>>, vector<16xf32>,
      tpu.vector_store %arg12[%swap3A_576, %swap3A_577], %add3A_575 {strides = array<i32>} : memref<128x32xf32, #tpu.memory_space<vmem>>, vector<16xf32>,
      %scan3A_579 = arith.constant 0 : i32
      scf.yield %scan3A_579 : i32
    }
    %scan3A_322 = arith.constant 128 : i32
    %add3A_323 = arith.constant 0 : i32
    %add3A_324 = arith.addi %mul3A_0, %add3A_323 : i32
    %add3A_325 = arith.constant 128 : i32
    %add3A_326 = arith.addi %add3A_324, %add3A_325 : i32
    %le3A = arith.constant 10000 : i32
    %le3A_327 = arith.cmpi sle, %add3A_326, %le3A : i32
    %eq3A = arith.constant 0 : i32
    %eq3A_328 = arith.cmpi eq, %arg0, %eq3A : i32
    %and3A = arith.andi %le3A_327, %eq3A_328 : i1
    %convert_element_type3A = arith.extui %and3A : i1 to i32
    %cond3A = arith.constant 0 : i32
    %cond3A_329 = arith.cmpi ne, %convert_element_type3A, %cond3A : i32
    scf.if %cond3A_329 {
      "tpu.region"() ({
        %run_scoped3A = tpu.sem_alloc : memref<!tpu.dma_semaphore, #tpu.memory_space<semaphore_mem>>
        %dma_start3A_552 = arith.constant 0 : i32
        %dma_start3A_553 = tpu.memref_slice %arg7[%add3A_324, %dma_start3A_552] : memref<10000x40xf32, #tpu.memory_space<hbm>> -> memref<128x32xf32, #tpu.memory_space<hbm>>
        %dma_start3A_554 = arith.constant 0 : i32
        %dma_start3A_555 = tpu.memref_slice %arg7[%add3A_324, %dma_start3A_554] : memref<10000x40xf32, #tpu.memory_space<hbm>> -> memref<128x32xf32, #tpu.memory_space<hbm>>
        tpu.enqueue_dma source(%arg12 : memref<128x32xf32, #tpu.memory_space<vmem>>) target(%dma_start3A_555 : memref<128x32xf32, #tpu.memory_space<hbm>>) target_semaphore(%run_scoped3A : memref<!tpu.dma_semaphore, #tpu.memory_space<semaphore_mem>>)
        %dma_wait3A_556 = arith.constant 0 : i32
        %dma_wait3A_557 = tpu.memref_slice %arg7[%add3A_324, %dma_wait3A_556] : memref<10000x40xf32, #tpu.memory_space<hbm>> -> memref<128x32xf32, #tpu.memory_space<hbm>>
        %dma_wait3A_558 = arith.constant 0 : i32
        %dma_wait3A_559 = tpu.memref_slice %arg7[%add3A_324, %dma_wait3A_558] : memref<10000x40xf32, #tpu.memory_space<hbm>> -> memref<128x32xf32, #tpu.memory_space<hbm>>
        tpu.wait_dma2 semaphore(%run_scoped3A : memref<!tpu.dma_semaphore, #tpu.memory_space<semaphore_mem>>) src(%arg12 : memref<128x32xf32, #tpu.memory_space<vmem>>) dst(%dma_wait3A_559 : memref<128x32xf32, #tpu.memory_space<hbm>>)
        tpu.yield
      }) : () -> ()
    } else {
    }
    %add3A_330 = arith.constant 128 : i32
    %add3A_331 = arith.addi %add3A_324, %add3A_330 : i32
    %le3A_332 = arith.constant 10000 : i32
    %le3A_333 = arith.cmpi sle, %add3A_331, %le3A_332 : i32
    %eq3A_334 = arith.constant 1 : i32
    %eq3A_335 = arith.cmpi eq, %arg0, %eq3A_334 : i32
    %and3A_336 = arith.andi %le3A_333, %eq3A_335 : i1
    %convert_element_type3A_337 = arith.extui %and3A_336 : i1 to i32
    %cond3A_338 = arith.constant 0 : i32
    %cond3A_339 = arith.cmpi ne, %convert_element_type3A_337, %cond3A_338 : i32
    scf.if %cond3A_339 {
      "tpu.region"() ({
        %run_scoped3A = tpu.sem_alloc : memref<!tpu.dma_semaphore, #tpu.memory_space<semaphore_mem>>
        %dma_start3A_552 = arith.constant 0 : i32
        %dma_start3A_553 = arith.constant 0 : i32
        %dma_start3A_554 = tpu.memref_slice %arg12[%dma_start3A_552, %dma_start3A_553] : memref<128x32xf32, #tpu.memory_space<vmem>> -> memref<128x8xf32, #tpu.memory_space<vmem>>
        %dma_start3A_555 = arith.constant 32 : i32
        %dma_start3A_556 = tpu.memref_slice %arg7[%add3A_324, %dma_start3A_555] : memref<10000x40xf32, #tpu.memory_space<hbm>> -> memref<128x8xf32, #tpu.memory_space<hbm>>
        %dma_start3A_557 = arith.constant 32 : i32
        %dma_start3A_558 = tpu.memref_slice %arg7[%add3A_324, %dma_start3A_557] : memref<10000x40xf32, #tpu.memory_space<hbm>> -> memref<128x8xf32, #tpu.memory_space<hbm>>
        %dma_start3A_559 = arith.constant 0 : i32
        %dma_start3A_560 = arith.constant 0 : i32
        %dma_start3A_561 = tpu.memref_slice %arg12[%dma_start3A_559, %dma_start3A_560] : memref<128x32xf32, #tpu.memory_space<vmem>> -> memref<128x8xf32, #tpu.memory_space<vmem>>
        tpu.enqueue_dma source(%dma_start3A_561 : memref<128x8xf32, #tpu.memory_space<vmem>>) target(%dma_start3A_558 : memref<128x8xf32, #tpu.memory_space<hbm>>) target_semaphore(%run_scoped3A : memref<!tpu.dma_semaphore, #tpu.memory_space<semaphore_mem>>)
        %dma_wait3A_562 = arith.constant 0 : i32
        %dma_wait3A_563 = arith.constant 0 : i32
        %dma_wait3A_564 = tpu.memref_slice %arg12[%dma_wait3A_562, %dma_wait3A_563] : memref<128x32xf32, #tpu.memory_space<vmem>> -> memref<128x8xf32, #tpu.memory_space<vmem>>
        %dma_wait3A_565 = arith.constant 32 : i32
        %dma_wait3A_566 = tpu.memref_slice %arg7[%add3A_324, %dma_wait3A_565] : memref<10000x40xf32, #tpu.memory_space<hbm>> -> memref<128x8xf32, #tpu.memory_space<hbm>>
        %dma_wait3A_567 = arith.constant 32 : i32
        %dma_wait3A_568 = tpu.memref_slice %arg7[%add3A_324, %dma_wait3A_567] : memref<10000x40xf32, #tpu.memory_space<hbm>> -> memref<128x8xf32, #tpu.memory_space<hbm>>
        %dma_wait3A_569 = arith.constant 0 : i32
        %dma_wait3A_570 = arith.constant 0 : i32
        %dma_wait3A_571 = tpu.memref_slice %arg12[%dma_wait3A_569, %dma_wait3A_570] : memref<128x32xf32, #tpu.memory_space<vmem>> -> memref<128x8xf32, #tpu.memory_space<vmem>>
        tpu.wait_dma2 semaphore(%run_scoped3A : memref<!tpu.dma_semaphore, #tpu.memory_space<semaphore_mem>>) src(%dma_wait3A_571 : memref<128x8xf32, #tpu.memory_space<vmem>>) dst(%dma_wait3A_568 : memref<128x8xf32, #tpu.memory_space<hbm>>)
        tpu.yield
      }) : () -> ()
    } else {
    }
    %eq3A_340 = arith.constant 9984 : i32
    %eq3A_341 = arith.cmpi eq, %add3A_324, %eq3A_340 : i32
    %eq3A_342 = arith.constant 0 : i32
    %eq3A_343 = arith.cmpi eq, %arg0, %eq3A_342 : i32
    %and3A_344 = arith.andi %eq3A_341, %eq3A_343 : i1
    %convert_element_type3A_345 = arith.extui %and3A_344 : i1 to i32
    %cond3A_346 = arith.constant 0 : i32
    %cond3A_347 = arith.cmpi ne, %convert_element_type3A_345, %cond3A_346 : i32
    scf.if %cond3A_347 {
      "tpu.region"() ({
        %run_scoped3A = tpu.sem_alloc : memref<!tpu.dma_semaphore, #tpu.memory_space<semaphore_mem>>
        %dma_start3A_552 = arith.constant 0 : i32
        %dma_start3A_553 = arith.constant 0 : i32
        %dma_start3A_554 = tpu.memref_slice %arg12[%dma_start3A_552, %dma_start3A_553] : memref<128x32xf32, #tpu.memory_space<vmem>> -> memref<16x32xf32, #tpu.memory_space<vmem>>
        %dma_start3A_555 = arith.constant 0 : i32
        %dma_start3A_556 = tpu.memref_slice %arg7[%add3A_324, %dma_start3A_555] : memref<10000x40xf32, #tpu.memory_space<hbm>> -> memref<16x32xf32, #tpu.memory_space<hbm>>
        %dma_start3A_557 = arith.constant 0 : i32
        %dma_start3A_558 = tpu.memref_slice %arg7[%add3A_324, %dma_start3A_557] : memref<10000x40xf32, #tpu.memory_space<hbm>> -> memref<16x32xf32, #tpu.memory_space<hbm>>
        %dma_start3A_559 = arith.constant 0 : i32
        %dma_start3A_560 = arith.constant 0 : i32
        %dma_start3A_561 = tpu.memref_slice %arg12[%dma_start3A_559, %dma_start3A_560] : memref<128x32xf32, #tpu.memory_space<vmem>> -> memref<16x32xf32, #tpu.memory_space<vmem>>
        tpu.enqueue_dma source(%dma_start3A_561 : memref<16x32xf32, #tpu.memory_space<vmem>>) target(%dma_start3A_558 : memref<16x32xf32, #tpu.memory_space<hbm>>) target_semaphore(%run_scoped3A : memref<!tpu.dma_semaphore, #tpu.memory_space<semaphore_mem>>)
        %dma_wait3A_562 = arith.constant 0 : i32
        %dma_wait3A_563 = arith.constant 0 : i32
        %dma_wait3A_564 = tpu.memref_slice %arg12[%dma_wait3A_562, %dma_wait3A_563] : memref<128x32xf32, #tpu.memory_space<vmem>> -> memref<16x32xf32, #tpu.memory_space<vmem>>
        %dma_wait3A_565 = arith.constant 0 : i32
        %dma_wait3A_566 = tpu.memref_slice %arg7[%add3A_324, %dma_wait3A_565] : memref<10000x40xf32, #tpu.memory_space<hbm>> -> memref<16x32xf32, #tpu.memory_space<hbm>>
        %dma_wait3A_567 = arith.constant 0 : i32
        %dma_wait3A_568 = tpu.memref_slice %arg7[%add3A_324, %dma_wait3A_567] : memref<10000x40xf32, #tpu.memory_space<hbm>> -> memref<16x32xf32, #tpu.memory_space<hbm>>
        %dma_wait3A_569 = arith.constant 0 : i32
        %dma_wait3A_570 = arith.constant 0 : i32
        %dma_wait3A_571 = tpu.memref_slice %arg12[%dma_wait3A_569, %dma_wait3A_570] : memref<128x32xf32, #tpu.memory_space<vmem>> -> memref<16x32xf32, #tpu.memory_space<vmem>>
        tpu.wait_dma2 semaphore(%run_scoped3A : memref<!tpu.dma_semaphore, #tpu.memory_space<semaphore_mem>>) src(%dma_wait3A_571 : memref<16x32xf32, #tpu.memory_space<vmem>>) dst(%dma_wait3A_568 : memref<16x32xf32, #tpu.memory_space<hbm>>)
        tpu.yield
      }) : () -> ()
    } else {
    }
    %eq3A_348 = arith.constant 9984 : i32
    %eq3A_349 = arith.cmpi eq, %add3A_324, %eq3A_348 : i32
    %eq3A_350 = arith.constant 1 : i32
    %eq3A_351 = arith.cmpi eq, %arg0, %eq3A_350 : i32
    %and3A_352 = arith.andi %eq3A_349, %eq3A_351 : i1
    %convert_element_type3A_353 = arith.extui %and3A_352 : i1 to i32
    %cond3A_354 = arith.constant 0 : i32
    %cond3A_355 = arith.cmpi ne, %convert_element_type3A_353, %cond3A_354 : i32
    scf.if %cond3A_355 {
      "tpu.region"() ({
        %run_scoped3A = tpu.sem_alloc : memref<!tpu.dma_semaphore, #tpu.memory_space<semaphore_mem>>
        %dma_start3A_552 = arith.constant 0 : i32
        %dma_start3A_553 = arith.constant 0 : i32
        %dma_start3A_554 = tpu.memref_slice %arg12[%dma_start3A_552, %dma_start3A_553] : memref<128x32xf32, #tpu.memory_space<vmem>> -> memref<16x8xf32, #tpu.memory_space<vmem>>
        %dma_start3A_555 = arith.constant 32 : i32
        %dma_start3A_556 = tpu.memref_slice %arg7[%add3A_324, %dma_start3A_555] : memref<10000x40xf32, #tpu.memory_space<hbm>> -> memref<16x8xf32, #tpu.memory_space<hbm>>
        %dma_start3A_557 = arith.constant 32 : i32
        %dma_start3A_558 = tpu.memref_slice %arg7[%add3A_324, %dma_start3A_557] : memref<10000x40xf32, #tpu.memory_space<hbm>> -> memref<16x8xf32, #tpu.memory_space<hbm>>
        %dma_start3A_559 = arith.constant 0 : i32
        %dma_start3A_560 = arith.constant 0 : i32
        %dma_start3A_561 = tpu.memref_slice %arg12[%dma_start3A_559, %dma_start3A_560] : memref<128x32xf32, #tpu.memory_space<vmem>> -> memref<16x8xf32, #tpu.memory_space<vmem>>
        tpu.enqueue_dma source(%dma_start3A_561 : memref<16x8xf32, #tpu.memory_space<vmem>>) target(%dma_start3A_558 : memref<16x8xf32, #tpu.memory_space<hbm>>) target_semaphore(%run_scoped3A : memref<!tpu.dma_semaphore, #tpu.memory_space<semaphore_mem>>)
        %dma_wait3A_562 = arith.constant 0 : i32
        %dma_wait3A_563 = arith.constant 0 : i32
        %dma_wait3A_564 = tpu.memref_slice %arg12[%dma_wait3A_562, %dma_wait3A_563] : memref<128x32xf32, #tpu.memory_space<vmem>> -> memref<16x8xf32, #tpu.memory_space<vmem>>
        %dma_wait3A_565 = arith.constant 32 : i32
        %dma_wait3A_566 = tpu.memref_slice %arg7[%add3A_324, %dma_wait3A_565] : memref<10000x40xf32, #tpu.memory_space<hbm>> -> memref<16x8xf32, #tpu.memory_space<hbm>>
        %dma_wait3A_567 = arith.constant 32 : i32
        %dma_wait3A_568 = tpu.memref_slice %arg7[%add3A_324, %dma_wait3A_567] : memref<10000x40xf32, #tpu.memory_space<hbm>> -> memref<16x8xf32, #tpu.memory_space<hbm>>
        %dma_wait3A_569 = arith.constant 0 : i32
        %dma_wait3A_570 = arith.constant 0 : i32
        %dma_wait3A_571 = tpu.memref_slice %arg12[%dma_wait3A_569, %dma_wait3A_570] : memref<128x32xf32, #tpu.memory_space<vmem>> -> memref<16x8xf32, #tpu.memory_space<vmem>>
        tpu.wait_dma2 semaphore(%run_scoped3A : memref<!tpu.dma_semaphore, #tpu.memory_space<semaphore_mem>>) src(%dma_wait3A_571 : memref<16x8xf32, #tpu.memory_space<vmem>>) dst(%dma_wait3A_568 : memref<16x8xf32, #tpu.memory_space<hbm>>)
        tpu.yield
      }) : () -> ()
    } else {
    }
    %add3A_356 = arith.constant 128 : i32
    %add3A_357 = arith.addi %mul3A_0, %add3A_356 : i32
    "tpu.region"() ({
      %run_scoped3A = tpu.sem_alloc : memref<!tpu.dma_semaphore, #tpu.memory_space<semaphore_mem>>
      %dma_start3A_552 = arith.constant 0 : i32
      %dma_start3A_553 = tpu.memref_slice %arg16[%add3A_357, %dma_start3A_552] : memref<10240x32xf32, #tpu.memory_space<vmem_shared>> -> memref<128x32xf32, #tpu.memory_space<vmem_shared>>
      %dma_start3A_554 = arith.constant 0 : i32
      %dma_start3A_555 = tpu.memref_slice %arg16[%add3A_357, %dma_start3A_554] : memref<10240x32xf32, #tpu.memory_space<vmem_shared>> -> memref<128x32xf32, #tpu.memory_space<vmem_shared>>
      tpu.enqueue_dma source(%dma_start3A_555 : memref<128x32xf32, #tpu.memory_space<vmem_shared>>) target(%arg10 : memref<128x32xf32, #tpu.memory_space<vmem>>) target_semaphore(%run_scoped3A : memref<!tpu.dma_semaphore, #tpu.memory_space<semaphore_mem>>)
      %dma_wait3A_556 = arith.constant 0 : i32
      %dma_wait3A_557 = tpu.memref_slice %arg16[%add3A_357, %dma_wait3A_556] : memref<10240x32xf32, #tpu.memory_space<vmem_shared>> -> memref<128x32xf32, #tpu.memory_space<vmem_shared>>
      %dma_wait3A_558 = arith.constant 0 : i32
      %dma_wait3A_559 = tpu.memref_slice %arg16[%add3A_357, %dma_wait3A_558] : memref<10240x32xf32, #tpu.memory_space<vmem_shared>> -> memref<128x32xf32, #tpu.memory_space<vmem_shared>>
      tpu.wait_dma2 semaphore(%run_scoped3A : memref<!tpu.dma_semaphore, #tpu.memory_space<semaphore_mem>>) src(%dma_wait3A_559 : memref<128x32xf32, #tpu.memory_space<vmem_shared>>) dst(%arg10 : memref<128x32xf32, #tpu.memory_space<vmem>>)
      tpu.yield
    }) : () -> ()
    %add3A_358 = arith.constant 128 : i32
    %add3A_359 = arith.addi %mul3A_0, %add3A_358 : i32
    "tpu.region"() ({
      %run_scoped3A = tpu.sem_alloc : memref<!tpu.dma_semaphore, #tpu.memory_space<semaphore_mem>>
      %dma_start3A_552 = arith.constant 0 : i32
      %dma_start3A_553 = tpu.memref_slice %arg15[%add3A_359, %dma_start3A_552] : memref<10240x32xf32, #tpu.memory_space<vmem_shared>> -> memref<128x32xf32, #tpu.memory_space<vmem_shared>>
      %dma_start3A_554 = arith.constant 0 : i32
      %dma_start3A_555 = tpu.memref_slice %arg15[%add3A_359, %dma_start3A_554] : memref<10240x32xf32, #tpu.memory_space<vmem_shared>> -> memref<128x32xf32, #tpu.memory_space<vmem_shared>>
      tpu.enqueue_dma source(%dma_start3A_555 : memref<128x32xf32, #tpu.memory_space<vmem_shared>>) target(%arg11 : memref<128x32xf32, #tpu.memory_space<vmem>>) target_semaphore(%run_scoped3A : memref<!tpu.dma_semaphore, #tpu.memory_space<semaphore_mem>>)
      %dma_wait3A_556 = arith.constant 0 : i32
      %dma_wait3A_557 = tpu.memref_slice %arg15[%add3A_359, %dma_wait3A_556] : memref<10240x32xf32, #tpu.memory_space<vmem_shared>> -> memref<128x32xf32, #tpu.memory_space<vmem_shared>>
      %dma_wait3A_558 = arith.constant 0 : i32
      %dma_wait3A_559 = tpu.memref_slice %arg15[%add3A_359, %dma_wait3A_558] : memref<10240x32xf32, #tpu.memory_space<vmem_shared>> -> memref<128x32xf32, #tpu.memory_space<vmem_shared>>
      tpu.wait_dma2 semaphore(%run_scoped3A : memref<!tpu.dma_semaphore, #tpu.memory_space<semaphore_mem>>) src(%dma_wait3A_559 : memref<128x32xf32, #tpu.memory_space<vmem_shared>>) dst(%arg11 : memref<128x32xf32, #tpu.memory_space<vmem>>)
      tpu.yield
    }) : () -> ()
    %scan3A_360 = arith.constant 0 : i32
    %scan3A_361 = arith.constant 0 : i32
    %scan3A_362 = arith.constant 128 : i32
    %scan3A_363 = arith.addi %scan3A_361, %scan3A_362 : i32
    %scan3A_364 = arith.constant 1 : i32
    %scan3A_365 = scf.for %scan3A_552 = %scan3A_361 to %scan3A_363 step %scan3A_364 iter_args(%scan3A_553 = %scan3A_360) -> (i32)  : i32 {
      %add3A_554 = arith.constant 128 : i32
      %add3A_555 = arith.addi %add3A_554, %scan3A_552 : i32
      %broadcast_in_dim3A = vector.broadcast %add3A_555 : i32 to vector<16xi32>
      %gather3A = tpu.vector_load_idx %arg13[%broadcast_in_dim3A] : memref<640xf32, #tpu.memory_space<vmem>>[vector<16xi32>], vector<16xf32>,
      %get3A_556 = arith.index_cast %scan3A_552 : i32 to index
      %get3A_557 = arith.constant 0 : index
      %get3A_558 = tpu.vector_load %arg10[%get3A_556, %get3A_557] {strides = array<i32>} : memref<128x32xf32, #tpu.memory_space<vmem>>, vector<16xf32>,
      %get3A_559 = arith.index_cast %scan3A_552 : i32 to index
      %get3A_560 = arith.constant 0 : index
      %get3A_561 = tpu.vector_load %arg11[%get3A_559, %get3A_560] {strides = array<i32>} : memref<128x32xf32, #tpu.memory_space<vmem>>, vector<16xf32>,
      %add3A_562 = arith.addf %get3A_558, %get3A_561 : vector<16xf32>
      %mul3A_563 = arith.mulf %add3A_562, %gather3A : vector<16xf32>
      %add3A_564 = arith.addf %mul3A_563, %get3A_309 : vector<16xf32>
      %swap3A = arith.index_cast %scan3A_552 : i32 to index
      %swap3A_565 = arith.constant 0 : index
      %swap3A_566 = tpu.vector_load %arg12[%swap3A, %swap3A_565] {strides = array<i32>} : memref<128x32xf32, #tpu.memory_space<vmem>>, vector<16xf32>,
      tpu.vector_store %arg12[%swap3A, %swap3A_565], %add3A_564 {strides = array<i32>} : memref<128x32xf32, #tpu.memory_space<vmem>>, vector<16xf32>,
      %get3A_567 = arith.index_cast %scan3A_552 : i32 to index
      %get3A_568 = arith.constant 16 : index
      %get3A_569 = tpu.vector_load %arg10[%get3A_567, %get3A_568] {strides = array<i32>} : memref<128x32xf32, #tpu.memory_space<vmem>>, vector<16xf32>,
      %get3A_570 = arith.index_cast %scan3A_552 : i32 to index
      %get3A_571 = arith.constant 16 : index
      %get3A_572 = tpu.vector_load %arg11[%get3A_570, %get3A_571] {strides = array<i32>} : memref<128x32xf32, #tpu.memory_space<vmem>>, vector<16xf32>,
      %add3A_573 = arith.addf %get3A_569, %get3A_572 : vector<16xf32>
      %mul3A_574 = arith.mulf %add3A_573, %gather3A : vector<16xf32>
      %add3A_575 = arith.addf %mul3A_574, %get3A_311 : vector<16xf32>
      %swap3A_576 = arith.index_cast %scan3A_552 : i32 to index
      %swap3A_577 = arith.constant 16 : index
      %swap3A_578 = tpu.vector_load %arg12[%swap3A_576, %swap3A_577] {strides = array<i32>} : memref<128x32xf32, #tpu.memory_space<vmem>>, vector<16xf32>,
      tpu.vector_store %arg12[%swap3A_576, %swap3A_577], %add3A_575 {strides = array<i32>} : memref<128x32xf32, #tpu.memory_space<vmem>>, vector<16xf32>,
      %scan3A_579 = arith.constant 0 : i32
      scf.yield %scan3A_579 : i32
    }
    %scan3A_366 = arith.constant 128 : i32
    %add3A_367 = arith.constant 128 : i32
    %add3A_368 = arith.addi %mul3A_0, %add3A_367 : i32
    %add3A_369 = arith.constant 128 : i32
    %add3A_370 = arith.addi %add3A_368, %add3A_369 : i32
    %le3A_371 = arith.constant 10000 : i32
    %le3A_372 = arith.cmpi sle, %add3A_370, %le3A_371 : i32
    %eq3A_373 = arith.constant 0 : i32
    %eq3A_374 = arith.cmpi eq, %arg0, %eq3A_373 : i32
    %and3A_375 = arith.andi %le3A_372, %eq3A_374 : i1
    %convert_element_type3A_376 = arith.extui %and3A_375 : i1 to i32
    %cond3A_377 = arith.constant 0 : i32
    %cond3A_378 = arith.cmpi ne, %convert_element_type3A_376, %cond3A_377 : i32
    scf.if %cond3A_378 {
      "tpu.region"() ({
        %run_scoped3A = tpu.sem_alloc : memref<!tpu.dma_semaphore, #tpu.memory_space<semaphore_mem>>
        %dma_start3A_552 = arith.constant 0 : i32
        %dma_start3A_553 = tpu.memref_slice %arg7[%add3A_368, %dma_start3A_552] : memref<10000x40xf32, #tpu.memory_space<hbm>> -> memref<128x32xf32, #tpu.memory_space<hbm>>
        %dma_start3A_554 = arith.constant 0 : i32
        %dma_start3A_555 = tpu.memref_slice %arg7[%add3A_368, %dma_start3A_554] : memref<10000x40xf32, #tpu.memory_space<hbm>> -> memref<128x32xf32, #tpu.memory_space<hbm>>
        tpu.enqueue_dma source(%arg12 : memref<128x32xf32, #tpu.memory_space<vmem>>) target(%dma_start3A_555 : memref<128x32xf32, #tpu.memory_space<hbm>>) target_semaphore(%run_scoped3A : memref<!tpu.dma_semaphore, #tpu.memory_space<semaphore_mem>>)
        %dma_wait3A_556 = arith.constant 0 : i32
        %dma_wait3A_557 = tpu.memref_slice %arg7[%add3A_368, %dma_wait3A_556] : memref<10000x40xf32, #tpu.memory_space<hbm>> -> memref<128x32xf32, #tpu.memory_space<hbm>>
        %dma_wait3A_558 = arith.constant 0 : i32
        %dma_wait3A_559 = tpu.memref_slice %arg7[%add3A_368, %dma_wait3A_558] : memref<10000x40xf32, #tpu.memory_space<hbm>> -> memref<128x32xf32, #tpu.memory_space<hbm>>
        tpu.wait_dma2 semaphore(%run_scoped3A : memref<!tpu.dma_semaphore, #tpu.memory_space<semaphore_mem>>) src(%arg12 : memref<128x32xf32, #tpu.memory_space<vmem>>) dst(%dma_wait3A_559 : memref<128x32xf32, #tpu.memory_space<hbm>>)
        tpu.yield
      }) : () -> ()
    } else {
    }
    %add3A_379 = arith.constant 128 : i32
    %add3A_380 = arith.addi %add3A_368, %add3A_379 : i32
    %le3A_381 = arith.constant 10000 : i32
    %le3A_382 = arith.cmpi sle, %add3A_380, %le3A_381 : i32
    %eq3A_383 = arith.constant 1 : i32
    %eq3A_384 = arith.cmpi eq, %arg0, %eq3A_383 : i32
    %and3A_385 = arith.andi %le3A_382, %eq3A_384 : i1
    %convert_element_type3A_386 = arith.extui %and3A_385 : i1 to i32
    %cond3A_387 = arith.constant 0 : i32
    %cond3A_388 = arith.cmpi ne, %convert_element_type3A_386, %cond3A_387 : i32
    scf.if %cond3A_388 {
      "tpu.region"() ({
        %run_scoped3A = tpu.sem_alloc : memref<!tpu.dma_semaphore, #tpu.memory_space<semaphore_mem>>
        %dma_start3A_552 = arith.constant 0 : i32
        %dma_start3A_553 = arith.constant 0 : i32
        %dma_start3A_554 = tpu.memref_slice %arg12[%dma_start3A_552, %dma_start3A_553] : memref<128x32xf32, #tpu.memory_space<vmem>> -> memref<128x8xf32, #tpu.memory_space<vmem>>
        %dma_start3A_555 = arith.constant 32 : i32
        %dma_start3A_556 = tpu.memref_slice %arg7[%add3A_368, %dma_start3A_555] : memref<10000x40xf32, #tpu.memory_space<hbm>> -> memref<128x8xf32, #tpu.memory_space<hbm>>
        %dma_start3A_557 = arith.constant 32 : i32
        %dma_start3A_558 = tpu.memref_slice %arg7[%add3A_368, %dma_start3A_557] : memref<10000x40xf32, #tpu.memory_space<hbm>> -> memref<128x8xf32, #tpu.memory_space<hbm>>
        %dma_start3A_559 = arith.constant 0 : i32
        %dma_start3A_560 = arith.constant 0 : i32
        %dma_start3A_561 = tpu.memref_slice %arg12[%dma_start3A_559, %dma_start3A_560] : memref<128x32xf32, #tpu.memory_space<vmem>> -> memref<128x8xf32, #tpu.memory_space<vmem>>
        tpu.enqueue_dma source(%dma_start3A_561 : memref<128x8xf32, #tpu.memory_space<vmem>>) target(%dma_start3A_558 : memref<128x8xf32, #tpu.memory_space<hbm>>) target_semaphore(%run_scoped3A : memref<!tpu.dma_semaphore, #tpu.memory_space<semaphore_mem>>)
        %dma_wait3A_562 = arith.constant 0 : i32
        %dma_wait3A_563 = arith.constant 0 : i32
        %dma_wait3A_564 = tpu.memref_slice %arg12[%dma_wait3A_562, %dma_wait3A_563] : memref<128x32xf32, #tpu.memory_space<vmem>> -> memref<128x8xf32, #tpu.memory_space<vmem>>
        %dma_wait3A_565 = arith.constant 32 : i32
        %dma_wait3A_566 = tpu.memref_slice %arg7[%add3A_368, %dma_wait3A_565] : memref<10000x40xf32, #tpu.memory_space<hbm>> -> memref<128x8xf32, #tpu.memory_space<hbm>>
        %dma_wait3A_567 = arith.constant 32 : i32
        %dma_wait3A_568 = tpu.memref_slice %arg7[%add3A_368, %dma_wait3A_567] : memref<10000x40xf32, #tpu.memory_space<hbm>> -> memref<128x8xf32, #tpu.memory_space<hbm>>
        %dma_wait3A_569 = arith.constant 0 : i32
        %dma_wait3A_570 = arith.constant 0 : i32
        %dma_wait3A_571 = tpu.memref_slice %arg12[%dma_wait3A_569, %dma_wait3A_570] : memref<128x32xf32, #tpu.memory_space<vmem>> -> memref<128x8xf32, #tpu.memory_space<vmem>>
        tpu.wait_dma2 semaphore(%run_scoped3A : memref<!tpu.dma_semaphore, #tpu.memory_space<semaphore_mem>>) src(%dma_wait3A_571 : memref<128x8xf32, #tpu.memory_space<vmem>>) dst(%dma_wait3A_568 : memref<128x8xf32, #tpu.memory_space<hbm>>)
        tpu.yield
      }) : () -> ()
    } else {
    }
    %eq3A_389 = arith.constant 9984 : i32
    %eq3A_390 = arith.cmpi eq, %add3A_368, %eq3A_389 : i32
    %eq3A_391 = arith.constant 0 : i32
    %eq3A_392 = arith.cmpi eq, %arg0, %eq3A_391 : i32
    %and3A_393 = arith.andi %eq3A_390, %eq3A_392 : i1
    %convert_element_type3A_394 = arith.extui %and3A_393 : i1 to i32
    %cond3A_395 = arith.constant 0 : i32
    %cond3A_396 = arith.cmpi ne, %convert_element_type3A_394, %cond3A_395 : i32
    scf.if %cond3A_396 {
      "tpu.region"() ({
        %run_scoped3A = tpu.sem_alloc : memref<!tpu.dma_semaphore, #tpu.memory_space<semaphore_mem>>
        %dma_start3A_552 = arith.constant 0 : i32
        %dma_start3A_553 = arith.constant 0 : i32
        %dma_start3A_554 = tpu.memref_slice %arg12[%dma_start3A_552, %dma_start3A_553] : memref<128x32xf32, #tpu.memory_space<vmem>> -> memref<16x32xf32, #tpu.memory_space<vmem>>
        %dma_start3A_555 = arith.constant 0 : i32
        %dma_start3A_556 = tpu.memref_slice %arg7[%add3A_368, %dma_start3A_555] : memref<10000x40xf32, #tpu.memory_space<hbm>> -> memref<16x32xf32, #tpu.memory_space<hbm>>
        %dma_start3A_557 = arith.constant 0 : i32
        %dma_start3A_558 = tpu.memref_slice %arg7[%add3A_368, %dma_start3A_557] : memref<10000x40xf32, #tpu.memory_space<hbm>> -> memref<16x32xf32, #tpu.memory_space<hbm>>
        %dma_start3A_559 = arith.constant 0 : i32
        %dma_start3A_560 = arith.constant 0 : i32
        %dma_start3A_561 = tpu.memref_slice %arg12[%dma_start3A_559, %dma_start3A_560] : memref<128x32xf32, #tpu.memory_space<vmem>> -> memref<16x32xf32, #tpu.memory_space<vmem>>
        tpu.enqueue_dma source(%dma_start3A_561 : memref<16x32xf32, #tpu.memory_space<vmem>>) target(%dma_start3A_558 : memref<16x32xf32, #tpu.memory_space<hbm>>) target_semaphore(%run_scoped3A : memref<!tpu.dma_semaphore, #tpu.memory_space<semaphore_mem>>)
        %dma_wait3A_562 = arith.constant 0 : i32
        %dma_wait3A_563 = arith.constant 0 : i32
        %dma_wait3A_564 = tpu.memref_slice %arg12[%dma_wait3A_562, %dma_wait3A_563] : memref<128x32xf32, #tpu.memory_space<vmem>> -> memref<16x32xf32, #tpu.memory_space<vmem>>
        %dma_wait3A_565 = arith.constant 0 : i32
        %dma_wait3A_566 = tpu.memref_slice %arg7[%add3A_368, %dma_wait3A_565] : memref<10000x40xf32, #tpu.memory_space<hbm>> -> memref<16x32xf32, #tpu.memory_space<hbm>>
        %dma_wait3A_567 = arith.constant 0 : i32
        %dma_wait3A_568 = tpu.memref_slice %arg7[%add3A_368, %dma_wait3A_567] : memref<10000x40xf32, #tpu.memory_space<hbm>> -> memref<16x32xf32, #tpu.memory_space<hbm>>
        %dma_wait3A_569 = arith.constant 0 : i32
        %dma_wait3A_570 = arith.constant 0 : i32
        %dma_wait3A_571 = tpu.memref_slice %arg12[%dma_wait3A_569, %dma_wait3A_570] : memref<128x32xf32, #tpu.memory_space<vmem>> -> memref<16x32xf32, #tpu.memory_space<vmem>>
        tpu.wait_dma2 semaphore(%run_scoped3A : memref<!tpu.dma_semaphore, #tpu.memory_space<semaphore_mem>>) src(%dma_wait3A_571 : memref<16x32xf32, #tpu.memory_space<vmem>>) dst(%dma_wait3A_568 : memref<16x32xf32, #tpu.memory_space<hbm>>)
        tpu.yield
      }) : () -> ()
    } else {
    }
    %eq3A_397 = arith.constant 9984 : i32
    %eq3A_398 = arith.cmpi eq, %add3A_368, %eq3A_397 : i32
    %eq3A_399 = arith.constant 1 : i32
    %eq3A_400 = arith.cmpi eq, %arg0, %eq3A_399 : i32
    %and3A_401 = arith.andi %eq3A_398, %eq3A_400 : i1
    %convert_element_type3A_402 = arith.extui %and3A_401 : i1 to i32
    %cond3A_403 = arith.constant 0 : i32
    %cond3A_404 = arith.cmpi ne, %convert_element_type3A_402, %cond3A_403 : i32
    scf.if %cond3A_404 {
      "tpu.region"() ({
        %run_scoped3A = tpu.sem_alloc : memref<!tpu.dma_semaphore, #tpu.memory_space<semaphore_mem>>
        %dma_start3A_552 = arith.constant 0 : i32
        %dma_start3A_553 = arith.constant 0 : i32
        %dma_start3A_554 = tpu.memref_slice %arg12[%dma_start3A_552, %dma_start3A_553] : memref<128x32xf32, #tpu.memory_space<vmem>> -> memref<16x8xf32, #tpu.memory_space<vmem>>
        %dma_start3A_555 = arith.constant 32 : i32
        %dma_start3A_556 = tpu.memref_slice %arg7[%add3A_368, %dma_start3A_555] : memref<10000x40xf32, #tpu.memory_space<hbm>> -> memref<16x8xf32, #tpu.memory_space<hbm>>
        %dma_start3A_557 = arith.constant 32 : i32
        %dma_start3A_558 = tpu.memref_slice %arg7[%add3A_368, %dma_start3A_557] : memref<10000x40xf32, #tpu.memory_space<hbm>> -> memref<16x8xf32, #tpu.memory_space<hbm>>
        %dma_start3A_559 = arith.constant 0 : i32
        %dma_start3A_560 = arith.constant 0 : i32
        %dma_start3A_561 = tpu.memref_slice %arg12[%dma_start3A_559, %dma_start3A_560] : memref<128x32xf32, #tpu.memory_space<vmem>> -> memref<16x8xf32, #tpu.memory_space<vmem>>
        tpu.enqueue_dma source(%dma_start3A_561 : memref<16x8xf32, #tpu.memory_space<vmem>>) target(%dma_start3A_558 : memref<16x8xf32, #tpu.memory_space<hbm>>) target_semaphore(%run_scoped3A : memref<!tpu.dma_semaphore, #tpu.memory_space<semaphore_mem>>)
        %dma_wait3A_562 = arith.constant 0 : i32
        %dma_wait3A_563 = arith.constant 0 : i32
        %dma_wait3A_564 = tpu.memref_slice %arg12[%dma_wait3A_562, %dma_wait3A_563] : memref<128x32xf32, #tpu.memory_space<vmem>> -> memref<16x8xf32, #tpu.memory_space<vmem>>
        %dma_wait3A_565 = arith.constant 32 : i32
        %dma_wait3A_566 = tpu.memref_slice %arg7[%add3A_368, %dma_wait3A_565] : memref<10000x40xf32, #tpu.memory_space<hbm>> -> memref<16x8xf32, #tpu.memory_space<hbm>>
        %dma_wait3A_567 = arith.constant 32 : i32
        %dma_wait3A_568 = tpu.memref_slice %arg7[%add3A_368, %dma_wait3A_567] : memref<10000x40xf32, #tpu.memory_space<hbm>> -> memref<16x8xf32, #tpu.memory_space<hbm>>
        %dma_wait3A_569 = arith.constant 0 : i32
        %dma_wait3A_570 = arith.constant 0 : i32
        %dma_wait3A_571 = tpu.memref_slice %arg12[%dma_wait3A_569, %dma_wait3A_570] : memref<128x32xf32, #tpu.memory_space<vmem>> -> memref<16x8xf32, #tpu.memory_space<vmem>>
        tpu.wait_dma2 semaphore(%run_scoped3A : memref<!tpu.dma_semaphore, #tpu.memory_space<semaphore_mem>>) src(%dma_wait3A_571 : memref<16x8xf32, #tpu.memory_space<vmem>>) dst(%dma_wait3A_568 : memref<16x8xf32, #tpu.memory_space<hbm>>)
        tpu.yield
      }) : () -> ()
    } else {
    }
    %add3A_405 = arith.constant 256 : i32
    %add3A_406 = arith.addi %mul3A_0, %add3A_405 : i32
    "tpu.region"() ({
      %run_scoped3A = tpu.sem_alloc : memref<!tpu.dma_semaphore, #tpu.memory_space<semaphore_mem>>
      %dma_start3A_552 = arith.constant 0 : i32
      %dma_start3A_553 = tpu.memref_slice %arg16[%add3A_406, %dma_start3A_552] : memref<10240x32xf32, #tpu.memory_space<vmem_shared>> -> memref<128x32xf32, #tpu.memory_space<vmem_shared>>
      %dma_start3A_554 = arith.constant 0 : i32
      %dma_start3A_555 = tpu.memref_slice %arg16[%add3A_406, %dma_start3A_554] : memref<10240x32xf32, #tpu.memory_space<vmem_shared>> -> memref<128x32xf32, #tpu.memory_space<vmem_shared>>
      tpu.enqueue_dma source(%dma_start3A_555 : memref<128x32xf32, #tpu.memory_space<vmem_shared>>) target(%arg10 : memref<128x32xf32, #tpu.memory_space<vmem>>) target_semaphore(%run_scoped3A : memref<!tpu.dma_semaphore, #tpu.memory_space<semaphore_mem>>)
      %dma_wait3A_556 = arith.constant 0 : i32
      %dma_wait3A_557 = tpu.memref_slice %arg16[%add3A_406, %dma_wait3A_556] : memref<10240x32xf32, #tpu.memory_space<vmem_shared>> -> memref<128x32xf32, #tpu.memory_space<vmem_shared>>
      %dma_wait3A_558 = arith.constant 0 : i32
      %dma_wait3A_559 = tpu.memref_slice %arg16[%add3A_406, %dma_wait3A_558] : memref<10240x32xf32, #tpu.memory_space<vmem_shared>> -> memref<128x32xf32, #tpu.memory_space<vmem_shared>>
      tpu.wait_dma2 semaphore(%run_scoped3A : memref<!tpu.dma_semaphore, #tpu.memory_space<semaphore_mem>>) src(%dma_wait3A_559 : memref<128x32xf32, #tpu.memory_space<vmem_shared>>) dst(%arg10 : memref<128x32xf32, #tpu.memory_space<vmem>>)
      tpu.yield
    }) : () -> ()
    %add3A_407 = arith.constant 256 : i32
    %add3A_408 = arith.addi %mul3A_0, %add3A_407 : i32
    "tpu.region"() ({
      %run_scoped3A = tpu.sem_alloc : memref<!tpu.dma_semaphore, #tpu.memory_space<semaphore_mem>>
      %dma_start3A_552 = arith.constant 0 : i32
      %dma_start3A_553 = tpu.memref_slice %arg15[%add3A_408, %dma_start3A_552] : memref<10240x32xf32, #tpu.memory_space<vmem_shared>> -> memref<128x32xf32, #tpu.memory_space<vmem_shared>>
      %dma_start3A_554 = arith.constant 0 : i32
      %dma_start3A_555 = tpu.memref_slice %arg15[%add3A_408, %dma_start3A_554] : memref<10240x32xf32, #tpu.memory_space<vmem_shared>> -> memref<128x32xf32, #tpu.memory_space<vmem_shared>>
      tpu.enqueue_dma source(%dma_start3A_555 : memref<128x32xf32, #tpu.memory_space<vmem_shared>>) target(%arg11 : memref<128x32xf32, #tpu.memory_space<vmem>>) target_semaphore(%run_scoped3A : memref<!tpu.dma_semaphore, #tpu.memory_space<semaphore_mem>>)
      %dma_wait3A_556 = arith.constant 0 : i32
      %dma_wait3A_557 = tpu.memref_slice %arg15[%add3A_408, %dma_wait3A_556] : memref<10240x32xf32, #tpu.memory_space<vmem_shared>> -> memref<128x32xf32, #tpu.memory_space<vmem_shared>>
      %dma_wait3A_558 = arith.constant 0 : i32
      %dma_wait3A_559 = tpu.memref_slice %arg15[%add3A_408, %dma_wait3A_558] : memref<10240x32xf32, #tpu.memory_space<vmem_shared>> -> memref<128x32xf32, #tpu.memory_space<vmem_shared>>
      tpu.wait_dma2 semaphore(%run_scoped3A : memref<!tpu.dma_semaphore, #tpu.memory_space<semaphore_mem>>) src(%dma_wait3A_559 : memref<128x32xf32, #tpu.memory_space<vmem_shared>>) dst(%arg11 : memref<128x32xf32, #tpu.memory_space<vmem>>)
      tpu.yield
    }) : () -> ()
    %scan3A_409 = arith.constant 0 : i32
    %scan3A_410 = arith.constant 0 : i32
    %scan3A_411 = arith.constant 128 : i32
    %scan3A_412 = arith.addi %scan3A_410, %scan3A_411 : i32
    %scan3A_413 = arith.constant 1 : i32
    %scan3A_414 = scf.for %scan3A_552 = %scan3A_410 to %scan3A_412 step %scan3A_413 iter_args(%scan3A_553 = %scan3A_409) -> (i32)  : i32 {
      %add3A_554 = arith.constant 256 : i32
      %add3A_555 = arith.addi %add3A_554, %scan3A_552 : i32
      %broadcast_in_dim3A = vector.broadcast %add3A_555 : i32 to vector<16xi32>
      %gather3A = tpu.vector_load_idx %arg13[%broadcast_in_dim3A] : memref<640xf32, #tpu.memory_space<vmem>>[vector<16xi32>], vector<16xf32>,
      %get3A_556 = arith.index_cast %scan3A_552 : i32 to index
      %get3A_557 = arith.constant 0 : index
      %get3A_558 = tpu.vector_load %arg10[%get3A_556, %get3A_557] {strides = array<i32>} : memref<128x32xf32, #tpu.memory_space<vmem>>, vector<16xf32>,
      %get3A_559 = arith.index_cast %scan3A_552 : i32 to index
      %get3A_560 = arith.constant 0 : index
      %get3A_561 = tpu.vector_load %arg11[%get3A_559, %get3A_560] {strides = array<i32>} : memref<128x32xf32, #tpu.memory_space<vmem>>, vector<16xf32>,
      %add3A_562 = arith.addf %get3A_558, %get3A_561 : vector<16xf32>
      %mul3A_563 = arith.mulf %add3A_562, %gather3A : vector<16xf32>
      %add3A_564 = arith.addf %mul3A_563, %get3A_309 : vector<16xf32>
      %swap3A = arith.index_cast %scan3A_552 : i32 to index
      %swap3A_565 = arith.constant 0 : index
      %swap3A_566 = tpu.vector_load %arg12[%swap3A, %swap3A_565] {strides = array<i32>} : memref<128x32xf32, #tpu.memory_space<vmem>>, vector<16xf32>,
      tpu.vector_store %arg12[%swap3A, %swap3A_565], %add3A_564 {strides = array<i32>} : memref<128x32xf32, #tpu.memory_space<vmem>>, vector<16xf32>,
      %get3A_567 = arith.index_cast %scan3A_552 : i32 to index
      %get3A_568 = arith.constant 16 : index
      %get3A_569 = tpu.vector_load %arg10[%get3A_567, %get3A_568] {strides = array<i32>} : memref<128x32xf32, #tpu.memory_space<vmem>>, vector<16xf32>,
      %get3A_570 = arith.index_cast %scan3A_552 : i32 to index
      %get3A_571 = arith.constant 16 : index
      %get3A_572 = tpu.vector_load %arg11[%get3A_570, %get3A_571] {strides = array<i32>} : memref<128x32xf32, #tpu.memory_space<vmem>>, vector<16xf32>,
      %add3A_573 = arith.addf %get3A_569, %get3A_572 : vector<16xf32>
      %mul3A_574 = arith.mulf %add3A_573, %gather3A : vector<16xf32>
      %add3A_575 = arith.addf %mul3A_574, %get3A_311 : vector<16xf32>
      %swap3A_576 = arith.index_cast %scan3A_552 : i32 to index
      %swap3A_577 = arith.constant 16 : index
      %swap3A_578 = tpu.vector_load %arg12[%swap3A_576, %swap3A_577] {strides = array<i32>} : memref<128x32xf32, #tpu.memory_space<vmem>>, vector<16xf32>,
      tpu.vector_store %arg12[%swap3A_576, %swap3A_577], %add3A_575 {strides = array<i32>} : memref<128x32xf32, #tpu.memory_space<vmem>>, vector<16xf32>,
      %scan3A_579 = arith.constant 0 : i32
      scf.yield %scan3A_579 : i32
    }
    %scan3A_415 = arith.constant 128 : i32
    %add3A_416 = arith.constant 256 : i32
    %add3A_417 = arith.addi %mul3A_0, %add3A_416 : i32
    %add3A_418 = arith.constant 128 : i32
    %add3A_419 = arith.addi %add3A_417, %add3A_418 : i32
    %le3A_420 = arith.constant 10000 : i32
    %le3A_421 = arith.cmpi sle, %add3A_419, %le3A_420 : i32
    %eq3A_422 = arith.constant 0 : i32
    %eq3A_423 = arith.cmpi eq, %arg0, %eq3A_422 : i32
    %and3A_424 = arith.andi %le3A_421, %eq3A_423 : i1
    %convert_element_type3A_425 = arith.extui %and3A_424 : i1 to i32
    %cond3A_426 = arith.constant 0 : i32
    %cond3A_427 = arith.cmpi ne, %convert_element_type3A_425, %cond3A_426 : i32
    scf.if %cond3A_427 {
      "tpu.region"() ({
        %run_scoped3A = tpu.sem_alloc : memref<!tpu.dma_semaphore, #tpu.memory_space<semaphore_mem>>
        %dma_start3A_552 = arith.constant 0 : i32
        %dma_start3A_553 = tpu.memref_slice %arg7[%add3A_417, %dma_start3A_552] : memref<10000x40xf32, #tpu.memory_space<hbm>> -> memref<128x32xf32, #tpu.memory_space<hbm>>
        %dma_start3A_554 = arith.constant 0 : i32
        %dma_start3A_555 = tpu.memref_slice %arg7[%add3A_417, %dma_start3A_554] : memref<10000x40xf32, #tpu.memory_space<hbm>> -> memref<128x32xf32, #tpu.memory_space<hbm>>
        tpu.enqueue_dma source(%arg12 : memref<128x32xf32, #tpu.memory_space<vmem>>) target(%dma_start3A_555 : memref<128x32xf32, #tpu.memory_space<hbm>>) target_semaphore(%run_scoped3A : memref<!tpu.dma_semaphore, #tpu.memory_space<semaphore_mem>>)
        %dma_wait3A_556 = arith.constant 0 : i32
        %dma_wait3A_557 = tpu.memref_slice %arg7[%add3A_417, %dma_wait3A_556] : memref<10000x40xf32, #tpu.memory_space<hbm>> -> memref<128x32xf32, #tpu.memory_space<hbm>>
        %dma_wait3A_558 = arith.constant 0 : i32
        %dma_wait3A_559 = tpu.memref_slice %arg7[%add3A_417, %dma_wait3A_558] : memref<10000x40xf32, #tpu.memory_space<hbm>> -> memref<128x32xf32, #tpu.memory_space<hbm>>
        tpu.wait_dma2 semaphore(%run_scoped3A : memref<!tpu.dma_semaphore, #tpu.memory_space<semaphore_mem>>) src(%arg12 : memref<128x32xf32, #tpu.memory_space<vmem>>) dst(%dma_wait3A_559 : memref<128x32xf32, #tpu.memory_space<hbm>>)
        tpu.yield
      }) : () -> ()
    } else {
    }
    %add3A_428 = arith.constant 128 : i32
    %add3A_429 = arith.addi %add3A_417, %add3A_428 : i32
    %le3A_430 = arith.constant 10000 : i32
    %le3A_431 = arith.cmpi sle, %add3A_429, %le3A_430 : i32
    %eq3A_432 = arith.constant 1 : i32
    %eq3A_433 = arith.cmpi eq, %arg0, %eq3A_432 : i32
    %and3A_434 = arith.andi %le3A_431, %eq3A_433 : i1
    %convert_element_type3A_435 = arith.extui %and3A_434 : i1 to i32
    %cond3A_436 = arith.constant 0 : i32
    %cond3A_437 = arith.cmpi ne, %convert_element_type3A_435, %cond3A_436 : i32
    scf.if %cond3A_437 {
      "tpu.region"() ({
        %run_scoped3A = tpu.sem_alloc : memref<!tpu.dma_semaphore, #tpu.memory_space<semaphore_mem>>
        %dma_start3A_552 = arith.constant 0 : i32
        %dma_start3A_553 = arith.constant 0 : i32
        %dma_start3A_554 = tpu.memref_slice %arg12[%dma_start3A_552, %dma_start3A_553] : memref<128x32xf32, #tpu.memory_space<vmem>> -> memref<128x8xf32, #tpu.memory_space<vmem>>
        %dma_start3A_555 = arith.constant 32 : i32
        %dma_start3A_556 = tpu.memref_slice %arg7[%add3A_417, %dma_start3A_555] : memref<10000x40xf32, #tpu.memory_space<hbm>> -> memref<128x8xf32, #tpu.memory_space<hbm>>
        %dma_start3A_557 = arith.constant 32 : i32
        %dma_start3A_558 = tpu.memref_slice %arg7[%add3A_417, %dma_start3A_557] : memref<10000x40xf32, #tpu.memory_space<hbm>> -> memref<128x8xf32, #tpu.memory_space<hbm>>
        %dma_start3A_559 = arith.constant 0 : i32
        %dma_start3A_560 = arith.constant 0 : i32
        %dma_start3A_561 = tpu.memref_slice %arg12[%dma_start3A_559, %dma_start3A_560] : memref<128x32xf32, #tpu.memory_space<vmem>> -> memref<128x8xf32, #tpu.memory_space<vmem>>
        tpu.enqueue_dma source(%dma_start3A_561 : memref<128x8xf32, #tpu.memory_space<vmem>>) target(%dma_start3A_558 : memref<128x8xf32, #tpu.memory_space<hbm>>) target_semaphore(%run_scoped3A : memref<!tpu.dma_semaphore, #tpu.memory_space<semaphore_mem>>)
        %dma_wait3A_562 = arith.constant 0 : i32
        %dma_wait3A_563 = arith.constant 0 : i32
        %dma_wait3A_564 = tpu.memref_slice %arg12[%dma_wait3A_562, %dma_wait3A_563] : memref<128x32xf32, #tpu.memory_space<vmem>> -> memref<128x8xf32, #tpu.memory_space<vmem>>
        %dma_wait3A_565 = arith.constant 32 : i32
        %dma_wait3A_566 = tpu.memref_slice %arg7[%add3A_417, %dma_wait3A_565] : memref<10000x40xf32, #tpu.memory_space<hbm>> -> memref<128x8xf32, #tpu.memory_space<hbm>>
        %dma_wait3A_567 = arith.constant 32 : i32
        %dma_wait3A_568 = tpu.memref_slice %arg7[%add3A_417, %dma_wait3A_567] : memref<10000x40xf32, #tpu.memory_space<hbm>> -> memref<128x8xf32, #tpu.memory_space<hbm>>
        %dma_wait3A_569 = arith.constant 0 : i32
        %dma_wait3A_570 = arith.constant 0 : i32
        %dma_wait3A_571 = tpu.memref_slice %arg12[%dma_wait3A_569, %dma_wait3A_570] : memref<128x32xf32, #tpu.memory_space<vmem>> -> memref<128x8xf32, #tpu.memory_space<vmem>>
        tpu.wait_dma2 semaphore(%run_scoped3A : memref<!tpu.dma_semaphore, #tpu.memory_space<semaphore_mem>>) src(%dma_wait3A_571 : memref<128x8xf32, #tpu.memory_space<vmem>>) dst(%dma_wait3A_568 : memref<128x8xf32, #tpu.memory_space<hbm>>)
        tpu.yield
      }) : () -> ()
    } else {
    }
    %eq3A_438 = arith.constant 9984 : i32
    %eq3A_439 = arith.cmpi eq, %add3A_417, %eq3A_438 : i32
    %eq3A_440 = arith.constant 0 : i32
    %eq3A_441 = arith.cmpi eq, %arg0, %eq3A_440 : i32
    %and3A_442 = arith.andi %eq3A_439, %eq3A_441 : i1
    %convert_element_type3A_443 = arith.extui %and3A_442 : i1 to i32
    %cond3A_444 = arith.constant 0 : i32
    %cond3A_445 = arith.cmpi ne, %convert_element_type3A_443, %cond3A_444 : i32
    scf.if %cond3A_445 {
      "tpu.region"() ({
        %run_scoped3A = tpu.sem_alloc : memref<!tpu.dma_semaphore, #tpu.memory_space<semaphore_mem>>
        %dma_start3A_552 = arith.constant 0 : i32
        %dma_start3A_553 = arith.constant 0 : i32
        %dma_start3A_554 = tpu.memref_slice %arg12[%dma_start3A_552, %dma_start3A_553] : memref<128x32xf32, #tpu.memory_space<vmem>> -> memref<16x32xf32, #tpu.memory_space<vmem>>
        %dma_start3A_555 = arith.constant 0 : i32
        %dma_start3A_556 = tpu.memref_slice %arg7[%add3A_417, %dma_start3A_555] : memref<10000x40xf32, #tpu.memory_space<hbm>> -> memref<16x32xf32, #tpu.memory_space<hbm>>
        %dma_start3A_557 = arith.constant 0 : i32
        %dma_start3A_558 = tpu.memref_slice %arg7[%add3A_417, %dma_start3A_557] : memref<10000x40xf32, #tpu.memory_space<hbm>> -> memref<16x32xf32, #tpu.memory_space<hbm>>
        %dma_start3A_559 = arith.constant 0 : i32
        %dma_start3A_560 = arith.constant 0 : i32
        %dma_start3A_561 = tpu.memref_slice %arg12[%dma_start3A_559, %dma_start3A_560] : memref<128x32xf32, #tpu.memory_space<vmem>> -> memref<16x32xf32, #tpu.memory_space<vmem>>
        tpu.enqueue_dma source(%dma_start3A_561 : memref<16x32xf32, #tpu.memory_space<vmem>>) target(%dma_start3A_558 : memref<16x32xf32, #tpu.memory_space<hbm>>) target_semaphore(%run_scoped3A : memref<!tpu.dma_semaphore, #tpu.memory_space<semaphore_mem>>)
        %dma_wait3A_562 = arith.constant 0 : i32
        %dma_wait3A_563 = arith.constant 0 : i32
        %dma_wait3A_564 = tpu.memref_slice %arg12[%dma_wait3A_562, %dma_wait3A_563] : memref<128x32xf32, #tpu.memory_space<vmem>> -> memref<16x32xf32, #tpu.memory_space<vmem>>
        %dma_wait3A_565 = arith.constant 0 : i32
        %dma_wait3A_566 = tpu.memref_slice %arg7[%add3A_417, %dma_wait3A_565] : memref<10000x40xf32, #tpu.memory_space<hbm>> -> memref<16x32xf32, #tpu.memory_space<hbm>>
        %dma_wait3A_567 = arith.constant 0 : i32
        %dma_wait3A_568 = tpu.memref_slice %arg7[%add3A_417, %dma_wait3A_567] : memref<10000x40xf32, #tpu.memory_space<hbm>> -> memref<16x32xf32, #tpu.memory_space<hbm>>
        %dma_wait3A_569 = arith.constant 0 : i32
        %dma_wait3A_570 = arith.constant 0 : i32
        %dma_wait3A_571 = tpu.memref_slice %arg12[%dma_wait3A_569, %dma_wait3A_570] : memref<128x32xf32, #tpu.memory_space<vmem>> -> memref<16x32xf32, #tpu.memory_space<vmem>>
        tpu.wait_dma2 semaphore(%run_scoped3A : memref<!tpu.dma_semaphore, #tpu.memory_space<semaphore_mem>>) src(%dma_wait3A_571 : memref<16x32xf32, #tpu.memory_space<vmem>>) dst(%dma_wait3A_568 : memref<16x32xf32, #tpu.memory_space<hbm>>)
        tpu.yield
      }) : () -> ()
    } else {
    }
    %eq3A_446 = arith.constant 9984 : i32
    %eq3A_447 = arith.cmpi eq, %add3A_417, %eq3A_446 : i32
    %eq3A_448 = arith.constant 1 : i32
    %eq3A_449 = arith.cmpi eq, %arg0, %eq3A_448 : i32
    %and3A_450 = arith.andi %eq3A_447, %eq3A_449 : i1
    %convert_element_type3A_451 = arith.extui %and3A_450 : i1 to i32
    %cond3A_452 = arith.constant 0 : i32
    %cond3A_453 = arith.cmpi ne, %convert_element_type3A_451, %cond3A_452 : i32
    scf.if %cond3A_453 {
      "tpu.region"() ({
        %run_scoped3A = tpu.sem_alloc : memref<!tpu.dma_semaphore, #tpu.memory_space<semaphore_mem>>
        %dma_start3A_552 = arith.constant 0 : i32
        %dma_start3A_553 = arith.constant 0 : i32
        %dma_start3A_554 = tpu.memref_slice %arg12[%dma_start3A_552, %dma_start3A_553] : memref<128x32xf32, #tpu.memory_space<vmem>> -> memref<16x8xf32, #tpu.memory_space<vmem>>
        %dma_start3A_555 = arith.constant 32 : i32
        %dma_start3A_556 = tpu.memref_slice %arg7[%add3A_417, %dma_start3A_555] : memref<10000x40xf32, #tpu.memory_space<hbm>> -> memref<16x8xf32, #tpu.memory_space<hbm>>
        %dma_start3A_557 = arith.constant 32 : i32
        %dma_start3A_558 = tpu.memref_slice %arg7[%add3A_417, %dma_start3A_557] : memref<10000x40xf32, #tpu.memory_space<hbm>> -> memref<16x8xf32, #tpu.memory_space<hbm>>
        %dma_start3A_559 = arith.constant 0 : i32
        %dma_start3A_560 = arith.constant 0 : i32
        %dma_start3A_561 = tpu.memref_slice %arg12[%dma_start3A_559, %dma_start3A_560] : memref<128x32xf32, #tpu.memory_space<vmem>> -> memref<16x8xf32, #tpu.memory_space<vmem>>
        tpu.enqueue_dma source(%dma_start3A_561 : memref<16x8xf32, #tpu.memory_space<vmem>>) target(%dma_start3A_558 : memref<16x8xf32, #tpu.memory_space<hbm>>) target_semaphore(%run_scoped3A : memref<!tpu.dma_semaphore, #tpu.memory_space<semaphore_mem>>)
        %dma_wait3A_562 = arith.constant 0 : i32
        %dma_wait3A_563 = arith.constant 0 : i32
        %dma_wait3A_564 = tpu.memref_slice %arg12[%dma_wait3A_562, %dma_wait3A_563] : memref<128x32xf32, #tpu.memory_space<vmem>> -> memref<16x8xf32, #tpu.memory_space<vmem>>
        %dma_wait3A_565 = arith.constant 32 : i32
        %dma_wait3A_566 = tpu.memref_slice %arg7[%add3A_417, %dma_wait3A_565] : memref<10000x40xf32, #tpu.memory_space<hbm>> -> memref<16x8xf32, #tpu.memory_space<hbm>>
        %dma_wait3A_567 = arith.constant 32 : i32
        %dma_wait3A_568 = tpu.memref_slice %arg7[%add3A_417, %dma_wait3A_567] : memref<10000x40xf32, #tpu.memory_space<hbm>> -> memref<16x8xf32, #tpu.memory_space<hbm>>
        %dma_wait3A_569 = arith.constant 0 : i32
        %dma_wait3A_570 = arith.constant 0 : i32
        %dma_wait3A_571 = tpu.memref_slice %arg12[%dma_wait3A_569, %dma_wait3A_570] : memref<128x32xf32, #tpu.memory_space<vmem>> -> memref<16x8xf32, #tpu.memory_space<vmem>>
        tpu.wait_dma2 semaphore(%run_scoped3A : memref<!tpu.dma_semaphore, #tpu.memory_space<semaphore_mem>>) src(%dma_wait3A_571 : memref<16x8xf32, #tpu.memory_space<vmem>>) dst(%dma_wait3A_568 : memref<16x8xf32, #tpu.memory_space<hbm>>)
        tpu.yield
      }) : () -> ()
    } else {
    }
    %add3A_454 = arith.constant 384 : i32
    %add3A_455 = arith.addi %mul3A_0, %add3A_454 : i32
    "tpu.region"() ({
      %run_scoped3A = tpu.sem_alloc : memref<!tpu.dma_semaphore, #tpu.memory_space<semaphore_mem>>
      %dma_start3A_552 = arith.constant 0 : i32
      %dma_start3A_553 = tpu.memref_slice %arg16[%add3A_455, %dma_start3A_552] : memref<10240x32xf32, #tpu.memory_space<vmem_shared>> -> memref<128x32xf32, #tpu.memory_space<vmem_shared>>
      %dma_start3A_554 = arith.constant 0 : i32
      %dma_start3A_555 = tpu.memref_slice %arg16[%add3A_455, %dma_start3A_554] : memref<10240x32xf32, #tpu.memory_space<vmem_shared>> -> memref<128x32xf32, #tpu.memory_space<vmem_shared>>
      tpu.enqueue_dma source(%dma_start3A_555 : memref<128x32xf32, #tpu.memory_space<vmem_shared>>) target(%arg10 : memref<128x32xf32, #tpu.memory_space<vmem>>) target_semaphore(%run_scoped3A : memref<!tpu.dma_semaphore, #tpu.memory_space<semaphore_mem>>)
      %dma_wait3A_556 = arith.constant 0 : i32
      %dma_wait3A_557 = tpu.memref_slice %arg16[%add3A_455, %dma_wait3A_556] : memref<10240x32xf32, #tpu.memory_space<vmem_shared>> -> memref<128x32xf32, #tpu.memory_space<vmem_shared>>
      %dma_wait3A_558 = arith.constant 0 : i32
      %dma_wait3A_559 = tpu.memref_slice %arg16[%add3A_455, %dma_wait3A_558] : memref<10240x32xf32, #tpu.memory_space<vmem_shared>> -> memref<128x32xf32, #tpu.memory_space<vmem_shared>>
      tpu.wait_dma2 semaphore(%run_scoped3A : memref<!tpu.dma_semaphore, #tpu.memory_space<semaphore_mem>>) src(%dma_wait3A_559 : memref<128x32xf32, #tpu.memory_space<vmem_shared>>) dst(%arg10 : memref<128x32xf32, #tpu.memory_space<vmem>>)
      tpu.yield
    }) : () -> ()
    %add3A_456 = arith.constant 384 : i32
    %add3A_457 = arith.addi %mul3A_0, %add3A_456 : i32
    "tpu.region"() ({
      %run_scoped3A = tpu.sem_alloc : memref<!tpu.dma_semaphore, #tpu.memory_space<semaphore_mem>>
      %dma_start3A_552 = arith.constant 0 : i32
      %dma_start3A_553 = tpu.memref_slice %arg15[%add3A_457, %dma_start3A_552] : memref<10240x32xf32, #tpu.memory_space<vmem_shared>> -> memref<128x32xf32, #tpu.memory_space<vmem_shared>>
      %dma_start3A_554 = arith.constant 0 : i32
      %dma_start3A_555 = tpu.memref_slice %arg15[%add3A_457, %dma_start3A_554] : memref<10240x32xf32, #tpu.memory_space<vmem_shared>> -> memref<128x32xf32, #tpu.memory_space<vmem_shared>>
      tpu.enqueue_dma source(%dma_start3A_555 : memref<128x32xf32, #tpu.memory_space<vmem_shared>>) target(%arg11 : memref<128x32xf32, #tpu.memory_space<vmem>>) target_semaphore(%run_scoped3A : memref<!tpu.dma_semaphore, #tpu.memory_space<semaphore_mem>>)
      %dma_wait3A_556 = arith.constant 0 : i32
      %dma_wait3A_557 = tpu.memref_slice %arg15[%add3A_457, %dma_wait3A_556] : memref<10240x32xf32, #tpu.memory_space<vmem_shared>> -> memref<128x32xf32, #tpu.memory_space<vmem_shared>>
      %dma_wait3A_558 = arith.constant 0 : i32
      %dma_wait3A_559 = tpu.memref_slice %arg15[%add3A_457, %dma_wait3A_558] : memref<10240x32xf32, #tpu.memory_space<vmem_shared>> -> memref<128x32xf32, #tpu.memory_space<vmem_shared>>
      tpu.wait_dma2 semaphore(%run_scoped3A : memref<!tpu.dma_semaphore, #tpu.memory_space<semaphore_mem>>) src(%dma_wait3A_559 : memref<128x32xf32, #tpu.memory_space<vmem_shared>>) dst(%arg11 : memref<128x32xf32, #tpu.memory_space<vmem>>)
      tpu.yield
    }) : () -> ()
    %scan3A_458 = arith.constant 0 : i32
    %scan3A_459 = arith.constant 0 : i32
    %scan3A_460 = arith.constant 128 : i32
    %scan3A_461 = arith.addi %scan3A_459, %scan3A_460 : i32
    %scan3A_462 = arith.constant 1 : i32
    %scan3A_463 = scf.for %scan3A_552 = %scan3A_459 to %scan3A_461 step %scan3A_462 iter_args(%scan3A_553 = %scan3A_458) -> (i32)  : i32 {
      %add3A_554 = arith.constant 384 : i32
      %add3A_555 = arith.addi %add3A_554, %scan3A_552 : i32
      %broadcast_in_dim3A = vector.broadcast %add3A_555 : i32 to vector<16xi32>
      %gather3A = tpu.vector_load_idx %arg13[%broadcast_in_dim3A] : memref<640xf32, #tpu.memory_space<vmem>>[vector<16xi32>], vector<16xf32>,
      %get3A_556 = arith.index_cast %scan3A_552 : i32 to index
      %get3A_557 = arith.constant 0 : index
      %get3A_558 = tpu.vector_load %arg10[%get3A_556, %get3A_557] {strides = array<i32>} : memref<128x32xf32, #tpu.memory_space<vmem>>, vector<16xf32>,
      %get3A_559 = arith.index_cast %scan3A_552 : i32 to index
      %get3A_560 = arith.constant 0 : index
      %get3A_561 = tpu.vector_load %arg11[%get3A_559, %get3A_560] {strides = array<i32>} : memref<128x32xf32, #tpu.memory_space<vmem>>, vector<16xf32>,
      %add3A_562 = arith.addf %get3A_558, %get3A_561 : vector<16xf32>
      %mul3A_563 = arith.mulf %add3A_562, %gather3A : vector<16xf32>
      %add3A_564 = arith.addf %mul3A_563, %get3A_309 : vector<16xf32>
      %swap3A = arith.index_cast %scan3A_552 : i32 to index
      %swap3A_565 = arith.constant 0 : index
      %swap3A_566 = tpu.vector_load %arg12[%swap3A, %swap3A_565] {strides = array<i32>} : memref<128x32xf32, #tpu.memory_space<vmem>>, vector<16xf32>,
      tpu.vector_store %arg12[%swap3A, %swap3A_565], %add3A_564 {strides = array<i32>} : memref<128x32xf32, #tpu.memory_space<vmem>>, vector<16xf32>,
      %get3A_567 = arith.index_cast %scan3A_552 : i32 to index
      %get3A_568 = arith.constant 16 : index
      %get3A_569 = tpu.vector_load %arg10[%get3A_567, %get3A_568] {strides = array<i32>} : memref<128x32xf32, #tpu.memory_space<vmem>>, vector<16xf32>,
      %get3A_570 = arith.index_cast %scan3A_552 : i32 to index
      %get3A_571 = arith.constant 16 : index
      %get3A_572 = tpu.vector_load %arg11[%get3A_570, %get3A_571] {strides = array<i32>} : memref<128x32xf32, #tpu.memory_space<vmem>>, vector<16xf32>,
      %add3A_573 = arith.addf %get3A_569, %get3A_572 : vector<16xf32>
      %mul3A_574 = arith.mulf %add3A_573, %gather3A : vector<16xf32>
      %add3A_575 = arith.addf %mul3A_574, %get3A_311 : vector<16xf32>
      %swap3A_576 = arith.index_cast %scan3A_552 : i32 to index
      %swap3A_577 = arith.constant 16 : index
      %swap3A_578 = tpu.vector_load %arg12[%swap3A_576, %swap3A_577] {strides = array<i32>} : memref<128x32xf32, #tpu.memory_space<vmem>>, vector<16xf32>,
      tpu.vector_store %arg12[%swap3A_576, %swap3A_577], %add3A_575 {strides = array<i32>} : memref<128x32xf32, #tpu.memory_space<vmem>>, vector<16xf32>,
      %scan3A_579 = arith.constant 0 : i32
      scf.yield %scan3A_579 : i32
    }
    %scan3A_464 = arith.constant 128 : i32
    %add3A_465 = arith.constant 384 : i32
    %add3A_466 = arith.addi %mul3A_0, %add3A_465 : i32
    %add3A_467 = arith.constant 128 : i32
    %add3A_468 = arith.addi %add3A_466, %add3A_467 : i32
    %le3A_469 = arith.constant 10000 : i32
    %le3A_470 = arith.cmpi sle, %add3A_468, %le3A_469 : i32
    %eq3A_471 = arith.constant 0 : i32
    %eq3A_472 = arith.cmpi eq, %arg0, %eq3A_471 : i32
    %and3A_473 = arith.andi %le3A_470, %eq3A_472 : i1
    %convert_element_type3A_474 = arith.extui %and3A_473 : i1 to i32
    %cond3A_475 = arith.constant 0 : i32
    %cond3A_476 = arith.cmpi ne, %convert_element_type3A_474, %cond3A_475 : i32
    scf.if %cond3A_476 {
      "tpu.region"() ({
        %run_scoped3A = tpu.sem_alloc : memref<!tpu.dma_semaphore, #tpu.memory_space<semaphore_mem>>
        %dma_start3A_552 = arith.constant 0 : i32
        %dma_start3A_553 = tpu.memref_slice %arg7[%add3A_466, %dma_start3A_552] : memref<10000x40xf32, #tpu.memory_space<hbm>> -> memref<128x32xf32, #tpu.memory_space<hbm>>
        %dma_start3A_554 = arith.constant 0 : i32
        %dma_start3A_555 = tpu.memref_slice %arg7[%add3A_466, %dma_start3A_554] : memref<10000x40xf32, #tpu.memory_space<hbm>> -> memref<128x32xf32, #tpu.memory_space<hbm>>
        tpu.enqueue_dma source(%arg12 : memref<128x32xf32, #tpu.memory_space<vmem>>) target(%dma_start3A_555 : memref<128x32xf32, #tpu.memory_space<hbm>>) target_semaphore(%run_scoped3A : memref<!tpu.dma_semaphore, #tpu.memory_space<semaphore_mem>>)
        %dma_wait3A_556 = arith.constant 0 : i32
        %dma_wait3A_557 = tpu.memref_slice %arg7[%add3A_466, %dma_wait3A_556] : memref<10000x40xf32, #tpu.memory_space<hbm>> -> memref<128x32xf32, #tpu.memory_space<hbm>>
        %dma_wait3A_558 = arith.constant 0 : i32
        %dma_wait3A_559 = tpu.memref_slice %arg7[%add3A_466, %dma_wait3A_558] : memref<10000x40xf32, #tpu.memory_space<hbm>> -> memref<128x32xf32, #tpu.memory_space<hbm>>
        tpu.wait_dma2 semaphore(%run_scoped3A : memref<!tpu.dma_semaphore, #tpu.memory_space<semaphore_mem>>) src(%arg12 : memref<128x32xf32, #tpu.memory_space<vmem>>) dst(%dma_wait3A_559 : memref<128x32xf32, #tpu.memory_space<hbm>>)
        tpu.yield
      }) : () -> ()
    } else {
    }
    %add3A_477 = arith.constant 128 : i32
    %add3A_478 = arith.addi %add3A_466, %add3A_477 : i32
    %le3A_479 = arith.constant 10000 : i32
    %le3A_480 = arith.cmpi sle, %add3A_478, %le3A_479 : i32
    %eq3A_481 = arith.constant 1 : i32
    %eq3A_482 = arith.cmpi eq, %arg0, %eq3A_481 : i32
    %and3A_483 = arith.andi %le3A_480, %eq3A_482 : i1
    %convert_element_type3A_484 = arith.extui %and3A_483 : i1 to i32
    %cond3A_485 = arith.constant 0 : i32
    %cond3A_486 = arith.cmpi ne, %convert_element_type3A_484, %cond3A_485 : i32
    scf.if %cond3A_486 {
      "tpu.region"() ({
        %run_scoped3A = tpu.sem_alloc : memref<!tpu.dma_semaphore, #tpu.memory_space<semaphore_mem>>
        %dma_start3A_552 = arith.constant 0 : i32
        %dma_start3A_553 = arith.constant 0 : i32
        %dma_start3A_554 = tpu.memref_slice %arg12[%dma_start3A_552, %dma_start3A_553] : memref<128x32xf32, #tpu.memory_space<vmem>> -> memref<128x8xf32, #tpu.memory_space<vmem>>
        %dma_start3A_555 = arith.constant 32 : i32
        %dma_start3A_556 = tpu.memref_slice %arg7[%add3A_466, %dma_start3A_555] : memref<10000x40xf32, #tpu.memory_space<hbm>> -> memref<128x8xf32, #tpu.memory_space<hbm>>
        %dma_start3A_557 = arith.constant 32 : i32
        %dma_start3A_558 = tpu.memref_slice %arg7[%add3A_466, %dma_start3A_557] : memref<10000x40xf32, #tpu.memory_space<hbm>> -> memref<128x8xf32, #tpu.memory_space<hbm>>
        %dma_start3A_559 = arith.constant 0 : i32
        %dma_start3A_560 = arith.constant 0 : i32
        %dma_start3A_561 = tpu.memref_slice %arg12[%dma_start3A_559, %dma_start3A_560] : memref<128x32xf32, #tpu.memory_space<vmem>> -> memref<128x8xf32, #tpu.memory_space<vmem>>
        tpu.enqueue_dma source(%dma_start3A_561 : memref<128x8xf32, #tpu.memory_space<vmem>>) target(%dma_start3A_558 : memref<128x8xf32, #tpu.memory_space<hbm>>) target_semaphore(%run_scoped3A : memref<!tpu.dma_semaphore, #tpu.memory_space<semaphore_mem>>)
        %dma_wait3A_562 = arith.constant 0 : i32
        %dma_wait3A_563 = arith.constant 0 : i32
        %dma_wait3A_564 = tpu.memref_slice %arg12[%dma_wait3A_562, %dma_wait3A_563] : memref<128x32xf32, #tpu.memory_space<vmem>> -> memref<128x8xf32, #tpu.memory_space<vmem>>
        %dma_wait3A_565 = arith.constant 32 : i32
        %dma_wait3A_566 = tpu.memref_slice %arg7[%add3A_466, %dma_wait3A_565] : memref<10000x40xf32, #tpu.memory_space<hbm>> -> memref<128x8xf32, #tpu.memory_space<hbm>>
        %dma_wait3A_567 = arith.constant 32 : i32
        %dma_wait3A_568 = tpu.memref_slice %arg7[%add3A_466, %dma_wait3A_567] : memref<10000x40xf32, #tpu.memory_space<hbm>> -> memref<128x8xf32, #tpu.memory_space<hbm>>
        %dma_wait3A_569 = arith.constant 0 : i32
        %dma_wait3A_570 = arith.constant 0 : i32
        %dma_wait3A_571 = tpu.memref_slice %arg12[%dma_wait3A_569, %dma_wait3A_570] : memref<128x32xf32, #tpu.memory_space<vmem>> -> memref<128x8xf32, #tpu.memory_space<vmem>>
        tpu.wait_dma2 semaphore(%run_scoped3A : memref<!tpu.dma_semaphore, #tpu.memory_space<semaphore_mem>>) src(%dma_wait3A_571 : memref<128x8xf32, #tpu.memory_space<vmem>>) dst(%dma_wait3A_568 : memref<128x8xf32, #tpu.memory_space<hbm>>)
        tpu.yield
      }) : () -> ()
    } else {
    }
    %eq3A_487 = arith.constant 9984 : i32
    %eq3A_488 = arith.cmpi eq, %add3A_466, %eq3A_487 : i32
    %eq3A_489 = arith.constant 0 : i32
    %eq3A_490 = arith.cmpi eq, %arg0, %eq3A_489 : i32
    %and3A_491 = arith.andi %eq3A_488, %eq3A_490 : i1
    %convert_element_type3A_492 = arith.extui %and3A_491 : i1 to i32
    %cond3A_493 = arith.constant 0 : i32
    %cond3A_494 = arith.cmpi ne, %convert_element_type3A_492, %cond3A_493 : i32
    scf.if %cond3A_494 {
      "tpu.region"() ({
        %run_scoped3A = tpu.sem_alloc : memref<!tpu.dma_semaphore, #tpu.memory_space<semaphore_mem>>
        %dma_start3A_552 = arith.constant 0 : i32
        %dma_start3A_553 = arith.constant 0 : i32
        %dma_start3A_554 = tpu.memref_slice %arg12[%dma_start3A_552, %dma_start3A_553] : memref<128x32xf32, #tpu.memory_space<vmem>> -> memref<16x32xf32, #tpu.memory_space<vmem>>
        %dma_start3A_555 = arith.constant 0 : i32
        %dma_start3A_556 = tpu.memref_slice %arg7[%add3A_466, %dma_start3A_555] : memref<10000x40xf32, #tpu.memory_space<hbm>> -> memref<16x32xf32, #tpu.memory_space<hbm>>
        %dma_start3A_557 = arith.constant 0 : i32
        %dma_start3A_558 = tpu.memref_slice %arg7[%add3A_466, %dma_start3A_557] : memref<10000x40xf32, #tpu.memory_space<hbm>> -> memref<16x32xf32, #tpu.memory_space<hbm>>
        %dma_start3A_559 = arith.constant 0 : i32
        %dma_start3A_560 = arith.constant 0 : i32
        %dma_start3A_561 = tpu.memref_slice %arg12[%dma_start3A_559, %dma_start3A_560] : memref<128x32xf32, #tpu.memory_space<vmem>> -> memref<16x32xf32, #tpu.memory_space<vmem>>
        tpu.enqueue_dma source(%dma_start3A_561 : memref<16x32xf32, #tpu.memory_space<vmem>>) target(%dma_start3A_558 : memref<16x32xf32, #tpu.memory_space<hbm>>) target_semaphore(%run_scoped3A : memref<!tpu.dma_semaphore, #tpu.memory_space<semaphore_mem>>)
        %dma_wait3A_562 = arith.constant 0 : i32
        %dma_wait3A_563 = arith.constant 0 : i32
        %dma_wait3A_564 = tpu.memref_slice %arg12[%dma_wait3A_562, %dma_wait3A_563] : memref<128x32xf32, #tpu.memory_space<vmem>> -> memref<16x32xf32, #tpu.memory_space<vmem>>
        %dma_wait3A_565 = arith.constant 0 : i32
        %dma_wait3A_566 = tpu.memref_slice %arg7[%add3A_466, %dma_wait3A_565] : memref<10000x40xf32, #tpu.memory_space<hbm>> -> memref<16x32xf32, #tpu.memory_space<hbm>>
        %dma_wait3A_567 = arith.constant 0 : i32
        %dma_wait3A_568 = tpu.memref_slice %arg7[%add3A_466, %dma_wait3A_567] : memref<10000x40xf32, #tpu.memory_space<hbm>> -> memref<16x32xf32, #tpu.memory_space<hbm>>
        %dma_wait3A_569 = arith.constant 0 : i32
        %dma_wait3A_570 = arith.constant 0 : i32
        %dma_wait3A_571 = tpu.memref_slice %arg12[%dma_wait3A_569, %dma_wait3A_570] : memref<128x32xf32, #tpu.memory_space<vmem>> -> memref<16x32xf32, #tpu.memory_space<vmem>>
        tpu.wait_dma2 semaphore(%run_scoped3A : memref<!tpu.dma_semaphore, #tpu.memory_space<semaphore_mem>>) src(%dma_wait3A_571 : memref<16x32xf32, #tpu.memory_space<vmem>>) dst(%dma_wait3A_568 : memref<16x32xf32, #tpu.memory_space<hbm>>)
        tpu.yield
      }) : () -> ()
    } else {
    }
    %eq3A_495 = arith.constant 9984 : i32
    %eq3A_496 = arith.cmpi eq, %add3A_466, %eq3A_495 : i32
    %eq3A_497 = arith.constant 1 : i32
    %eq3A_498 = arith.cmpi eq, %arg0, %eq3A_497 : i32
    %and3A_499 = arith.andi %eq3A_496, %eq3A_498 : i1
    %convert_element_type3A_500 = arith.extui %and3A_499 : i1 to i32
    %cond3A_501 = arith.constant 0 : i32
    %cond3A_502 = arith.cmpi ne, %convert_element_type3A_500, %cond3A_501 : i32
    scf.if %cond3A_502 {
      "tpu.region"() ({
        %run_scoped3A = tpu.sem_alloc : memref<!tpu.dma_semaphore, #tpu.memory_space<semaphore_mem>>
        %dma_start3A_552 = arith.constant 0 : i32
        %dma_start3A_553 = arith.constant 0 : i32
        %dma_start3A_554 = tpu.memref_slice %arg12[%dma_start3A_552, %dma_start3A_553] : memref<128x32xf32, #tpu.memory_space<vmem>> -> memref<16x8xf32, #tpu.memory_space<vmem>>
        %dma_start3A_555 = arith.constant 32 : i32
        %dma_start3A_556 = tpu.memref_slice %arg7[%add3A_466, %dma_start3A_555] : memref<10000x40xf32, #tpu.memory_space<hbm>> -> memref<16x8xf32, #tpu.memory_space<hbm>>
        %dma_start3A_557 = arith.constant 32 : i32
        %dma_start3A_558 = tpu.memref_slice %arg7[%add3A_466, %dma_start3A_557] : memref<10000x40xf32, #tpu.memory_space<hbm>> -> memref<16x8xf32, #tpu.memory_space<hbm>>
        %dma_start3A_559 = arith.constant 0 : i32
        %dma_start3A_560 = arith.constant 0 : i32
        %dma_start3A_561 = tpu.memref_slice %arg12[%dma_start3A_559, %dma_start3A_560] : memref<128x32xf32, #tpu.memory_space<vmem>> -> memref<16x8xf32, #tpu.memory_space<vmem>>
        tpu.enqueue_dma source(%dma_start3A_561 : memref<16x8xf32, #tpu.memory_space<vmem>>) target(%dma_start3A_558 : memref<16x8xf32, #tpu.memory_space<hbm>>) target_semaphore(%run_scoped3A : memref<!tpu.dma_semaphore, #tpu.memory_space<semaphore_mem>>)
        %dma_wait3A_562 = arith.constant 0 : i32
        %dma_wait3A_563 = arith.constant 0 : i32
        %dma_wait3A_564 = tpu.memref_slice %arg12[%dma_wait3A_562, %dma_wait3A_563] : memref<128x32xf32, #tpu.memory_space<vmem>> -> memref<16x8xf32, #tpu.memory_space<vmem>>
        %dma_wait3A_565 = arith.constant 32 : i32
        %dma_wait3A_566 = tpu.memref_slice %arg7[%add3A_466, %dma_wait3A_565] : memref<10000x40xf32, #tpu.memory_space<hbm>> -> memref<16x8xf32, #tpu.memory_space<hbm>>
        %dma_wait3A_567 = arith.constant 32 : i32
        %dma_wait3A_568 = tpu.memref_slice %arg7[%add3A_466, %dma_wait3A_567] : memref<10000x40xf32, #tpu.memory_space<hbm>> -> memref<16x8xf32, #tpu.memory_space<hbm>>
        %dma_wait3A_569 = arith.constant 0 : i32
        %dma_wait3A_570 = arith.constant 0 : i32
        %dma_wait3A_571 = tpu.memref_slice %arg12[%dma_wait3A_569, %dma_wait3A_570] : memref<128x32xf32, #tpu.memory_space<vmem>> -> memref<16x8xf32, #tpu.memory_space<vmem>>
        tpu.wait_dma2 semaphore(%run_scoped3A : memref<!tpu.dma_semaphore, #tpu.memory_space<semaphore_mem>>) src(%dma_wait3A_571 : memref<16x8xf32, #tpu.memory_space<vmem>>) dst(%dma_wait3A_568 : memref<16x8xf32, #tpu.memory_space<hbm>>)
        tpu.yield
      }) : () -> ()
    } else {
    }
    %add3A_503 = arith.constant 512 : i32
    %add3A_504 = arith.addi %mul3A_0, %add3A_503 : i32
    "tpu.region"() ({
      %run_scoped3A = tpu.sem_alloc : memref<!tpu.dma_semaphore, #tpu.memory_space<semaphore_mem>>
      %dma_start3A_552 = arith.constant 0 : i32
      %dma_start3A_553 = tpu.memref_slice %arg16[%add3A_504, %dma_start3A_552] : memref<10240x32xf32, #tpu.memory_space<vmem_shared>> -> memref<128x32xf32, #tpu.memory_space<vmem_shared>>
      %dma_start3A_554 = arith.constant 0 : i32
      %dma_start3A_555 = tpu.memref_slice %arg16[%add3A_504, %dma_start3A_554] : memref<10240x32xf32, #tpu.memory_space<vmem_shared>> -> memref<128x32xf32, #tpu.memory_space<vmem_shared>>
      tpu.enqueue_dma source(%dma_start3A_555 : memref<128x32xf32, #tpu.memory_space<vmem_shared>>) target(%arg10 : memref<128x32xf32, #tpu.memory_space<vmem>>) target_semaphore(%run_scoped3A : memref<!tpu.dma_semaphore, #tpu.memory_space<semaphore_mem>>)
      %dma_wait3A_556 = arith.constant 0 : i32
      %dma_wait3A_557 = tpu.memref_slice %arg16[%add3A_504, %dma_wait3A_556] : memref<10240x32xf32, #tpu.memory_space<vmem_shared>> -> memref<128x32xf32, #tpu.memory_space<vmem_shared>>
      %dma_wait3A_558 = arith.constant 0 : i32
      %dma_wait3A_559 = tpu.memref_slice %arg16[%add3A_504, %dma_wait3A_558] : memref<10240x32xf32, #tpu.memory_space<vmem_shared>> -> memref<128x32xf32, #tpu.memory_space<vmem_shared>>
      tpu.wait_dma2 semaphore(%run_scoped3A : memref<!tpu.dma_semaphore, #tpu.memory_space<semaphore_mem>>) src(%dma_wait3A_559 : memref<128x32xf32, #tpu.memory_space<vmem_shared>>) dst(%arg10 : memref<128x32xf32, #tpu.memory_space<vmem>>)
      tpu.yield
    }) : () -> ()
    %add3A_505 = arith.constant 512 : i32
    %add3A_506 = arith.addi %mul3A_0, %add3A_505 : i32
    "tpu.region"() ({
      %run_scoped3A = tpu.sem_alloc : memref<!tpu.dma_semaphore, #tpu.memory_space<semaphore_mem>>
      %dma_start3A_552 = arith.constant 0 : i32
      %dma_start3A_553 = tpu.memref_slice %arg15[%add3A_506, %dma_start3A_552] : memref<10240x32xf32, #tpu.memory_space<vmem_shared>> -> memref<128x32xf32, #tpu.memory_space<vmem_shared>>
      %dma_start3A_554 = arith.constant 0 : i32
      %dma_start3A_555 = tpu.memref_slice %arg15[%add3A_506, %dma_start3A_554] : memref<10240x32xf32, #tpu.memory_space<vmem_shared>> -> memref<128x32xf32, #tpu.memory_space<vmem_shared>>
      tpu.enqueue_dma source(%dma_start3A_555 : memref<128x32xf32, #tpu.memory_space<vmem_shared>>) target(%arg11 : memref<128x32xf32, #tpu.memory_space<vmem>>) target_semaphore(%run_scoped3A : memref<!tpu.dma_semaphore, #tpu.memory_space<semaphore_mem>>)
      %dma_wait3A_556 = arith.constant 0 : i32
      %dma_wait3A_557 = tpu.memref_slice %arg15[%add3A_506, %dma_wait3A_556] : memref<10240x32xf32, #tpu.memory_space<vmem_shared>> -> memref<128x32xf32, #tpu.memory_space<vmem_shared>>
      %dma_wait3A_558 = arith.constant 0 : i32
      %dma_wait3A_559 = tpu.memref_slice %arg15[%add3A_506, %dma_wait3A_558] : memref<10240x32xf32, #tpu.memory_space<vmem_shared>> -> memref<128x32xf32, #tpu.memory_space<vmem_shared>>
      tpu.wait_dma2 semaphore(%run_scoped3A : memref<!tpu.dma_semaphore, #tpu.memory_space<semaphore_mem>>) src(%dma_wait3A_559 : memref<128x32xf32, #tpu.memory_space<vmem_shared>>) dst(%arg11 : memref<128x32xf32, #tpu.memory_space<vmem>>)
      tpu.yield
    }) : () -> ()
    %scan3A_507 = arith.constant 0 : i32
    %scan3A_508 = arith.constant 0 : i32
    %scan3A_509 = arith.constant 128 : i32
    %scan3A_510 = arith.addi %scan3A_508, %scan3A_509 : i32
    %scan3A_511 = arith.constant 1 : i32
    %scan3A_512 = scf.for %scan3A_552 = %scan3A_508 to %scan3A_510 step %scan3A_511 iter_args(%scan3A_553 = %scan3A_507) -> (i32)  : i32 {
      %add3A_554 = arith.constant 512 : i32
      %add3A_555 = arith.addi %add3A_554, %scan3A_552 : i32
      %broadcast_in_dim3A = vector.broadcast %add3A_555 : i32 to vector<16xi32>
      %gather3A = tpu.vector_load_idx %arg13[%broadcast_in_dim3A] : memref<640xf32, #tpu.memory_space<vmem>>[vector<16xi32>], vector<16xf32>,
      %get3A_556 = arith.index_cast %scan3A_552 : i32 to index
      %get3A_557 = arith.constant 0 : index
      %get3A_558 = tpu.vector_load %arg10[%get3A_556, %get3A_557] {strides = array<i32>} : memref<128x32xf32, #tpu.memory_space<vmem>>, vector<16xf32>,
      %get3A_559 = arith.index_cast %scan3A_552 : i32 to index
      %get3A_560 = arith.constant 0 : index
      %get3A_561 = tpu.vector_load %arg11[%get3A_559, %get3A_560] {strides = array<i32>} : memref<128x32xf32, #tpu.memory_space<vmem>>, vector<16xf32>,
      %add3A_562 = arith.addf %get3A_558, %get3A_561 : vector<16xf32>
      %mul3A_563 = arith.mulf %add3A_562, %gather3A : vector<16xf32>
      %add3A_564 = arith.addf %mul3A_563, %get3A_309 : vector<16xf32>
      %swap3A = arith.index_cast %scan3A_552 : i32 to index
      %swap3A_565 = arith.constant 0 : index
      %swap3A_566 = tpu.vector_load %arg12[%swap3A, %swap3A_565] {strides = array<i32>} : memref<128x32xf32, #tpu.memory_space<vmem>>, vector<16xf32>,
      tpu.vector_store %arg12[%swap3A, %swap3A_565], %add3A_564 {strides = array<i32>} : memref<128x32xf32, #tpu.memory_space<vmem>>, vector<16xf32>,
      %get3A_567 = arith.index_cast %scan3A_552 : i32 to index
      %get3A_568 = arith.constant 16 : index
      %get3A_569 = tpu.vector_load %arg10[%get3A_567, %get3A_568] {strides = array<i32>} : memref<128x32xf32, #tpu.memory_space<vmem>>, vector<16xf32>,
      %get3A_570 = arith.index_cast %scan3A_552 : i32 to index
      %get3A_571 = arith.constant 16 : index
      %get3A_572 = tpu.vector_load %arg11[%get3A_570, %get3A_571] {strides = array<i32>} : memref<128x32xf32, #tpu.memory_space<vmem>>, vector<16xf32>,
      %add3A_573 = arith.addf %get3A_569, %get3A_572 : vector<16xf32>
      %mul3A_574 = arith.mulf %add3A_573, %gather3A : vector<16xf32>
      %add3A_575 = arith.addf %mul3A_574, %get3A_311 : vector<16xf32>
      %swap3A_576 = arith.index_cast %scan3A_552 : i32 to index
      %swap3A_577 = arith.constant 16 : index
      %swap3A_578 = tpu.vector_load %arg12[%swap3A_576, %swap3A_577] {strides = array<i32>} : memref<128x32xf32, #tpu.memory_space<vmem>>, vector<16xf32>,
      tpu.vector_store %arg12[%swap3A_576, %swap3A_577], %add3A_575 {strides = array<i32>} : memref<128x32xf32, #tpu.memory_space<vmem>>, vector<16xf32>,
      %scan3A_579 = arith.constant 0 : i32
      scf.yield %scan3A_579 : i32
    }
    %scan3A_513 = arith.constant 128 : i32
    %add3A_514 = arith.constant 512 : i32
    %add3A_515 = arith.addi %mul3A_0, %add3A_514 : i32
    %add3A_516 = arith.constant 128 : i32
    %add3A_517 = arith.addi %add3A_515, %add3A_516 : i32
    %le3A_518 = arith.constant 10000 : i32
    %le3A_519 = arith.cmpi sle, %add3A_517, %le3A_518 : i32
    %eq3A_520 = arith.constant 0 : i32
    %eq3A_521 = arith.cmpi eq, %arg0, %eq3A_520 : i32
    %and3A_522 = arith.andi %le3A_519, %eq3A_521 : i1
    %convert_element_type3A_523 = arith.extui %and3A_522 : i1 to i32
    %cond3A_524 = arith.constant 0 : i32
    %cond3A_525 = arith.cmpi ne, %convert_element_type3A_523, %cond3A_524 : i32
    scf.if %cond3A_525 {
      "tpu.region"() ({
        %run_scoped3A = tpu.sem_alloc : memref<!tpu.dma_semaphore, #tpu.memory_space<semaphore_mem>>
        %dma_start3A_552 = arith.constant 0 : i32
        %dma_start3A_553 = tpu.memref_slice %arg7[%add3A_515, %dma_start3A_552] : memref<10000x40xf32, #tpu.memory_space<hbm>> -> memref<128x32xf32, #tpu.memory_space<hbm>>
        %dma_start3A_554 = arith.constant 0 : i32
        %dma_start3A_555 = tpu.memref_slice %arg7[%add3A_515, %dma_start3A_554] : memref<10000x40xf32, #tpu.memory_space<hbm>> -> memref<128x32xf32, #tpu.memory_space<hbm>>
        tpu.enqueue_dma source(%arg12 : memref<128x32xf32, #tpu.memory_space<vmem>>) target(%dma_start3A_555 : memref<128x32xf32, #tpu.memory_space<hbm>>) target_semaphore(%run_scoped3A : memref<!tpu.dma_semaphore, #tpu.memory_space<semaphore_mem>>)
        %dma_wait3A_556 = arith.constant 0 : i32
        %dma_wait3A_557 = tpu.memref_slice %arg7[%add3A_515, %dma_wait3A_556] : memref<10000x40xf32, #tpu.memory_space<hbm>> -> memref<128x32xf32, #tpu.memory_space<hbm>>
        %dma_wait3A_558 = arith.constant 0 : i32
        %dma_wait3A_559 = tpu.memref_slice %arg7[%add3A_515, %dma_wait3A_558] : memref<10000x40xf32, #tpu.memory_space<hbm>> -> memref<128x32xf32, #tpu.memory_space<hbm>>
        tpu.wait_dma2 semaphore(%run_scoped3A : memref<!tpu.dma_semaphore, #tpu.memory_space<semaphore_mem>>) src(%arg12 : memref<128x32xf32, #tpu.memory_space<vmem>>) dst(%dma_wait3A_559 : memref<128x32xf32, #tpu.memory_space<hbm>>)
        tpu.yield
      }) : () -> ()
    } else {
    }
    %add3A_526 = arith.constant 128 : i32
    %add3A_527 = arith.addi %add3A_515, %add3A_526 : i32
    %le3A_528 = arith.constant 10000 : i32
    %le3A_529 = arith.cmpi sle, %add3A_527, %le3A_528 : i32
    %eq3A_530 = arith.constant 1 : i32
    %eq3A_531 = arith.cmpi eq, %arg0, %eq3A_530 : i32
    %and3A_532 = arith.andi %le3A_529, %eq3A_531 : i1
    %convert_element_type3A_533 = arith.extui %and3A_532 : i1 to i32
    %cond3A_534 = arith.constant 0 : i32
    %cond3A_535 = arith.cmpi ne, %convert_element_type3A_533, %cond3A_534 : i32
    scf.if %cond3A_535 {
      "tpu.region"() ({
        %run_scoped3A = tpu.sem_alloc : memref<!tpu.dma_semaphore, #tpu.memory_space<semaphore_mem>>
        %dma_start3A_552 = arith.constant 0 : i32
        %dma_start3A_553 = arith.constant 0 : i32
        %dma_start3A_554 = tpu.memref_slice %arg12[%dma_start3A_552, %dma_start3A_553] : memref<128x32xf32, #tpu.memory_space<vmem>> -> memref<128x8xf32, #tpu.memory_space<vmem>>
        %dma_start3A_555 = arith.constant 32 : i32
        %dma_start3A_556 = tpu.memref_slice %arg7[%add3A_515, %dma_start3A_555] : memref<10000x40xf32, #tpu.memory_space<hbm>> -> memref<128x8xf32, #tpu.memory_space<hbm>>
        %dma_start3A_557 = arith.constant 32 : i32
        %dma_start3A_558 = tpu.memref_slice %arg7[%add3A_515, %dma_start3A_557] : memref<10000x40xf32, #tpu.memory_space<hbm>> -> memref<128x8xf32, #tpu.memory_space<hbm>>
        %dma_start3A_559 = arith.constant 0 : i32
        %dma_start3A_560 = arith.constant 0 : i32
        %dma_start3A_561 = tpu.memref_slice %arg12[%dma_start3A_559, %dma_start3A_560] : memref<128x32xf32, #tpu.memory_space<vmem>> -> memref<128x8xf32, #tpu.memory_space<vmem>>
        tpu.enqueue_dma source(%dma_start3A_561 : memref<128x8xf32, #tpu.memory_space<vmem>>) target(%dma_start3A_558 : memref<128x8xf32, #tpu.memory_space<hbm>>) target_semaphore(%run_scoped3A : memref<!tpu.dma_semaphore, #tpu.memory_space<semaphore_mem>>)
        %dma_wait3A_562 = arith.constant 0 : i32
        %dma_wait3A_563 = arith.constant 0 : i32
        %dma_wait3A_564 = tpu.memref_slice %arg12[%dma_wait3A_562, %dma_wait3A_563] : memref<128x32xf32, #tpu.memory_space<vmem>> -> memref<128x8xf32, #tpu.memory_space<vmem>>
        %dma_wait3A_565 = arith.constant 32 : i32
        %dma_wait3A_566 = tpu.memref_slice %arg7[%add3A_515, %dma_wait3A_565] : memref<10000x40xf32, #tpu.memory_space<hbm>> -> memref<128x8xf32, #tpu.memory_space<hbm>>
        %dma_wait3A_567 = arith.constant 32 : i32
        %dma_wait3A_568 = tpu.memref_slice %arg7[%add3A_515, %dma_wait3A_567] : memref<10000x40xf32, #tpu.memory_space<hbm>> -> memref<128x8xf32, #tpu.memory_space<hbm>>
        %dma_wait3A_569 = arith.constant 0 : i32
        %dma_wait3A_570 = arith.constant 0 : i32
        %dma_wait3A_571 = tpu.memref_slice %arg12[%dma_wait3A_569, %dma_wait3A_570] : memref<128x32xf32, #tpu.memory_space<vmem>> -> memref<128x8xf32, #tpu.memory_space<vmem>>
        tpu.wait_dma2 semaphore(%run_scoped3A : memref<!tpu.dma_semaphore, #tpu.memory_space<semaphore_mem>>) src(%dma_wait3A_571 : memref<128x8xf32, #tpu.memory_space<vmem>>) dst(%dma_wait3A_568 : memref<128x8xf32, #tpu.memory_space<hbm>>)
        tpu.yield
      }) : () -> ()
    } else {
    }
    %eq3A_536 = arith.constant 9984 : i32
    %eq3A_537 = arith.cmpi eq, %add3A_515, %eq3A_536 : i32
    %eq3A_538 = arith.constant 0 : i32
    %eq3A_539 = arith.cmpi eq, %arg0, %eq3A_538 : i32
    %and3A_540 = arith.andi %eq3A_537, %eq3A_539 : i1
    %convert_element_type3A_541 = arith.extui %and3A_540 : i1 to i32
    %cond3A_542 = arith.constant 0 : i32
    %cond3A_543 = arith.cmpi ne, %convert_element_type3A_541, %cond3A_542 : i32
    scf.if %cond3A_543 {
      "tpu.region"() ({
        %run_scoped3A = tpu.sem_alloc : memref<!tpu.dma_semaphore, #tpu.memory_space<semaphore_mem>>
        %dma_start3A_552 = arith.constant 0 : i32
        %dma_start3A_553 = arith.constant 0 : i32
        %dma_start3A_554 = tpu.memref_slice %arg12[%dma_start3A_552, %dma_start3A_553] : memref<128x32xf32, #tpu.memory_space<vmem>> -> memref<16x32xf32, #tpu.memory_space<vmem>>
        %dma_start3A_555 = arith.constant 0 : i32
        %dma_start3A_556 = tpu.memref_slice %arg7[%add3A_515, %dma_start3A_555] : memref<10000x40xf32, #tpu.memory_space<hbm>> -> memref<16x32xf32, #tpu.memory_space<hbm>>
        %dma_start3A_557 = arith.constant 0 : i32
        %dma_start3A_558 = tpu.memref_slice %arg7[%add3A_515, %dma_start3A_557] : memref<10000x40xf32, #tpu.memory_space<hbm>> -> memref<16x32xf32, #tpu.memory_space<hbm>>
        %dma_start3A_559 = arith.constant 0 : i32
        %dma_start3A_560 = arith.constant 0 : i32
        %dma_start3A_561 = tpu.memref_slice %arg12[%dma_start3A_559, %dma_start3A_560] : memref<128x32xf32, #tpu.memory_space<vmem>> -> memref<16x32xf32, #tpu.memory_space<vmem>>
        tpu.enqueue_dma source(%dma_start3A_561 : memref<16x32xf32, #tpu.memory_space<vmem>>) target(%dma_start3A_558 : memref<16x32xf32, #tpu.memory_space<hbm>>) target_semaphore(%run_scoped3A : memref<!tpu.dma_semaphore, #tpu.memory_space<semaphore_mem>>)
        %dma_wait3A_562 = arith.constant 0 : i32
        %dma_wait3A_563 = arith.constant 0 : i32
        %dma_wait3A_564 = tpu.memref_slice %arg12[%dma_wait3A_562, %dma_wait3A_563] : memref<128x32xf32, #tpu.memory_space<vmem>> -> memref<16x32xf32, #tpu.memory_space<vmem>>
        %dma_wait3A_565 = arith.constant 0 : i32
        %dma_wait3A_566 = tpu.memref_slice %arg7[%add3A_515, %dma_wait3A_565] : memref<10000x40xf32, #tpu.memory_space<hbm>> -> memref<16x32xf32, #tpu.memory_space<hbm>>
        %dma_wait3A_567 = arith.constant 0 : i32
        %dma_wait3A_568 = tpu.memref_slice %arg7[%add3A_515, %dma_wait3A_567] : memref<10000x40xf32, #tpu.memory_space<hbm>> -> memref<16x32xf32, #tpu.memory_space<hbm>>
        %dma_wait3A_569 = arith.constant 0 : i32
        %dma_wait3A_570 = arith.constant 0 : i32
        %dma_wait3A_571 = tpu.memref_slice %arg12[%dma_wait3A_569, %dma_wait3A_570] : memref<128x32xf32, #tpu.memory_space<vmem>> -> memref<16x32xf32, #tpu.memory_space<vmem>>
        tpu.wait_dma2 semaphore(%run_scoped3A : memref<!tpu.dma_semaphore, #tpu.memory_space<semaphore_mem>>) src(%dma_wait3A_571 : memref<16x32xf32, #tpu.memory_space<vmem>>) dst(%dma_wait3A_568 : memref<16x32xf32, #tpu.memory_space<hbm>>)
        tpu.yield
      }) : () -> ()
    } else {
    }
    %eq3A_544 = arith.constant 9984 : i32
    %eq3A_545 = arith.cmpi eq, %add3A_515, %eq3A_544 : i32
    %eq3A_546 = arith.constant 1 : i32
    %eq3A_547 = arith.cmpi eq, %arg0, %eq3A_546 : i32
    %and3A_548 = arith.andi %eq3A_545, %eq3A_547 : i1
    %convert_element_type3A_549 = arith.extui %and3A_548 : i1 to i32
    %cond3A_550 = arith.constant 0 : i32
    %cond3A_551 = arith.cmpi ne, %convert_element_type3A_549, %cond3A_550 : i32
    scf.if %cond3A_551 {
      "tpu.region"() ({
        %run_scoped3A = tpu.sem_alloc : memref<!tpu.dma_semaphore, #tpu.memory_space<semaphore_mem>>
        %dma_start3A_552 = arith.constant 0 : i32
        %dma_start3A_553 = arith.constant 0 : i32
        %dma_start3A_554 = tpu.memref_slice %arg12[%dma_start3A_552, %dma_start3A_553] : memref<128x32xf32, #tpu.memory_space<vmem>> -> memref<16x8xf32, #tpu.memory_space<vmem>>
        %dma_start3A_555 = arith.constant 32 : i32
        %dma_start3A_556 = tpu.memref_slice %arg7[%add3A_515, %dma_start3A_555] : memref<10000x40xf32, #tpu.memory_space<hbm>> -> memref<16x8xf32, #tpu.memory_space<hbm>>
        %dma_start3A_557 = arith.constant 32 : i32
        %dma_start3A_558 = tpu.memref_slice %arg7[%add3A_515, %dma_start3A_557] : memref<10000x40xf32, #tpu.memory_space<hbm>> -> memref<16x8xf32, #tpu.memory_space<hbm>>
        %dma_start3A_559 = arith.constant 0 : i32
        %dma_start3A_560 = arith.constant 0 : i32
        %dma_start3A_561 = tpu.memref_slice %arg12[%dma_start3A_559, %dma_start3A_560] : memref<128x32xf32, #tpu.memory_space<vmem>> -> memref<16x8xf32, #tpu.memory_space<vmem>>
        tpu.enqueue_dma source(%dma_start3A_561 : memref<16x8xf32, #tpu.memory_space<vmem>>) target(%dma_start3A_558 : memref<16x8xf32, #tpu.memory_space<hbm>>) target_semaphore(%run_scoped3A : memref<!tpu.dma_semaphore, #tpu.memory_space<semaphore_mem>>)
        %dma_wait3A_562 = arith.constant 0 : i32
        %dma_wait3A_563 = arith.constant 0 : i32
        %dma_wait3A_564 = tpu.memref_slice %arg12[%dma_wait3A_562, %dma_wait3A_563] : memref<128x32xf32, #tpu.memory_space<vmem>> -> memref<16x8xf32, #tpu.memory_space<vmem>>
        %dma_wait3A_565 = arith.constant 32 : i32
        %dma_wait3A_566 = tpu.memref_slice %arg7[%add3A_515, %dma_wait3A_565] : memref<10000x40xf32, #tpu.memory_space<hbm>> -> memref<16x8xf32, #tpu.memory_space<hbm>>
        %dma_wait3A_567 = arith.constant 32 : i32
        %dma_wait3A_568 = tpu.memref_slice %arg7[%add3A_515, %dma_wait3A_567] : memref<10000x40xf32, #tpu.memory_space<hbm>> -> memref<16x8xf32, #tpu.memory_space<hbm>>
        %dma_wait3A_569 = arith.constant 0 : i32
        %dma_wait3A_570 = arith.constant 0 : i32
        %dma_wait3A_571 = tpu.memref_slice %arg12[%dma_wait3A_569, %dma_wait3A_570] : memref<128x32xf32, #tpu.memory_space<vmem>> -> memref<16x8xf32, #tpu.memory_space<vmem>>
        tpu.wait_dma2 semaphore(%run_scoped3A : memref<!tpu.dma_semaphore, #tpu.memory_space<semaphore_mem>>) src(%dma_wait3A_571 : memref<16x8xf32, #tpu.memory_space<vmem>>) dst(%dma_wait3A_568 : memref<16x8xf32, #tpu.memory_space<hbm>>)
        tpu.yield
      }) : () -> ()
    } else {
    }
    return
  }
}

module attributes {stable_mosaic.version = 14 : i64} {
  func.func @_prep_body(%arg0: memref<32x10240xf32, #tpu.memory_space<vmem>>, %arg1: memref<10000x128xf32, #tpu.memory_space<vmem>>, %arg2: memref<10000x1xi32, #tpu.memory_space<vmem>>, %arg3: memref<256x128xf32, #tpu.memory_space<vmem>>, %arg4: memref<1x128xf32, #tpu.memory_space<vmem>>, %arg5: memref<10240x1xf32, #tpu.memory_space<vmem>>, %arg6: memref<10240xf32, #tpu.memory_space<vmem>>, %arg7: memref<2x10240x64xf32, #tpu.memory_space<vmem>>) attributes {dimension_semantics = [], scalar_prefetch = 0 : i64, scratch_operands = 0 : i64, tpu.core_type = #tpu.core_type<tc>} {
    %get3A = arith.constant 0 : index
    %get3A_0 = arith.constant 0 : index
    %get3A_1 = vector.load %arg1[%get3A, %get3A_0] : memref<10000x128xf32, #tpu.memory_space<vmem>>, vector<10000x128xf32>
    %get3A_2 = arith.constant 0 : index
    %get3A_3 = arith.constant 0 : index
    %get3A_4 = vector.load %arg2[%get3A_2, %get3A_3] : memref<10000x1xi32, #tpu.memory_space<vmem>>, vector<10000x1xi32>
    %iota3A = tpu.iota {dimensions = array<i32: 1>} : vector<10000x100xi32>
    %eq3A = vector.broadcast %get3A_4 : vector<10000x1xi32> to vector<10000x100xi32>
    %eq3A_5 = arith.cmpi eq, %eq3A, %iota3A : vector<10000x100xi32>
    %convert_element_type3A = arith.extui %eq3A_5 : vector<10000x100xi1> to vector<10000x100xi32>
    %convert_element_type3A_6 = arith.sitofp %convert_element_type3A : vector<10000x100xi32> to vector<10000x100xf32>
    %dot_general3A = arith.constant dense<0.000000e+00> : vector<100x128xf32>
    %dot_general3A_7 = tpu.matmul %convert_element_type3A_6, %get3A_1, %dot_general3A {dimension_numbers = #tpu.dot_dimension_numbers<[0], [0], [1], [1], [0, 1, 1, 1], [], []>, transpose_lhs_hint = false} : vector<10000x100xf32>, vector<10000x128xf32>, vector<100x128xf32> -> vector<100x128xf32>
    %reduce_sum3A = arith.constant dense<0.000000e+00> : vector<100xf32>
    %reduce_sum3A_8 = vector.multi_reduction <add>, %convert_element_type3A_6, %reduce_sum3A [0] : vector<10000x100xf32> to vector<100xf32>
    %broadcast_in_dim3A = vector.shape_cast %reduce_sum3A_8 : vector<100xf32> to vector<100x1xf32>
    %max3A = arith.constant 1.000000e+00 : f32
    %max3A_9 = vector.broadcast %max3A : f32 to vector<100x1xf32>
    %max3A_10 = arith.maximumf %broadcast_in_dim3A, %max3A_9 : vector<100x1xf32>
    %div3A = vector.broadcast %max3A_10 : vector<100x1xf32> to vector<100x128xf32>
    %div3A_11 = arith.divf %dot_general3A_7, %div3A : vector<100x128xf32>
    %dot_general3A_12 = arith.constant dense<0.000000e+00> : vector<10000x128xf32>
    %dot_general3A_13 = tpu.matmul %convert_element_type3A_6, %div3A_11, %dot_general3A_12 {dimension_numbers = #tpu.dot_dimension_numbers<[1], [0], [0], [1], [0, 0, 1, 1], [], []>, transpose_lhs_hint = false} : vector<10000x100xf32>, vector<100x128xf32>, vector<10000x128xf32> -> vector<10000x128xf32>
    %get3A_14 = arith.constant 0 : index
    %get3A_15 = arith.constant 0 : index
    %get3A_16 = vector.load %arg3[%get3A_14, %get3A_15] : memref<256x128xf32, #tpu.memory_space<vmem>>, vector<256x128xf32>
    %slice3A = vector.extract_strided_slice %get3A_16 {offsets = [0, 0], sizes = [128, 128], strides = [1, 1]} : vector<256x128xf32> to vector<128x128xf32>
    %dot_general3A_17 = arith.constant dense<0.000000e+00> : vector<10000x128xf32>
    %dot_general3A_18 = tpu.matmul %get3A_1, %slice3A, %dot_general3A_17 {dimension_numbers = #tpu.dot_dimension_numbers<[1], [0], [0], [1], [0, 0, 1, 1], [], []>, transpose_lhs_hint = false} : vector<10000x128xf32>, vector<128x128xf32>, vector<10000x128xf32> -> vector<10000x128xf32>
    %slice3A_19 = vector.extract_strided_slice %get3A_16 {offsets = [128, 0], sizes = [128, 128], strides = [1, 1]} : vector<256x128xf32> to vector<128x128xf32>
    %dot_general3A_20 = arith.constant dense<0.000000e+00> : vector<10000x128xf32>
    %dot_general3A_21 = tpu.matmul %dot_general3A_13, %slice3A_19, %dot_general3A_20 {dimension_numbers = #tpu.dot_dimension_numbers<[1], [0], [0], [1], [0, 0, 1, 1], [], []>, transpose_lhs_hint = false} : vector<10000x128xf32>, vector<128x128xf32>, vector<10000x128xf32> -> vector<10000x128xf32>
    %add3A = arith.addf %dot_general3A_18, %dot_general3A_21 : vector<10000x128xf32>
    %get3A_22 = arith.constant 0 : index
    %get3A_23 = arith.constant 0 : index
    %get3A_24 = vector.load %arg4[%get3A_22, %get3A_23] : memref<1x128xf32, #tpu.memory_space<vmem>>, vector<1x128xf32>
    %add3A_25 = vector.broadcast %get3A_24 : vector<1x128xf32> to vector<10000x128xf32>
    %add3A_26 = arith.addf %add3A, %add3A_25 : vector<10000x128xf32>
    %max3A_27 = arith.constant 0.000000e+00 : f32
    %max3A_28 = vector.broadcast %max3A_27 : f32 to vector<10000x128xf32>
    %max3A_29 = arith.maximumf %add3A_26, %max3A_28 : vector<10000x128xf32>
    %get3A_30 = arith.constant 0 : index
    %get3A_31 = arith.constant 0 : index
    %get3A_32 = vector.load %arg0[%get3A_30, %get3A_31] : memref<32x10240xf32, #tpu.memory_space<vmem>>, vector<32x10240xf32>
    %reduce_sum3A_33 = arith.constant dense<0.000000e+00> : vector<10240xf32>
    %reduce_sum3A_34 = vector.multi_reduction <add>, %get3A_32, %reduce_sum3A_33 [0] : vector<32x10240xf32> to vector<10240xf32>
    %add3A_35 = arith.constant 1.000000e+00 : f32
    %add3A_36 = vector.broadcast %add3A_35 : f32 to vector<10240xf32>
    %add3A_37 = arith.addf %reduce_sum3A_34, %add3A_36 : vector<10240xf32>
    %rsqrt3A = math.rsqrt %add3A_37 : vector<10240xf32>
    %broadcast_in_dim3A_38 = vector.shape_cast %rsqrt3A : vector<10240xf32> to vector<10240x1xf32>
    %swap3A = arith.constant 0 : index
    %swap3A_39 = arith.constant 0 : index
    %swap3A_40 = vector.load %arg5[%swap3A, %swap3A_39] : memref<10240x1xf32, #tpu.memory_space<vmem>>, vector<10240x1xf32>
    tpu.vector_store %arg5[%swap3A, %swap3A_39], %broadcast_in_dim3A_38 {strides = array<i32>} : memref<10240x1xf32, #tpu.memory_space<vmem>>, vector<10240x1xf32>,
    %swap3A_41 = arith.constant 0 : index
    %swap3A_42 = vector.load %arg6[%swap3A_41] : memref<10240xf32, #tpu.memory_space<vmem>>, vector<10240xf32>
    tpu.vector_store %arg6[%swap3A_41], %rsqrt3A {strides = array<i32>} : memref<10240xf32, #tpu.memory_space<vmem>>, vector<10240xf32>,
    %slice3A_43 = vector.extract_strided_slice %broadcast_in_dim3A_38 {offsets = [0, 0], sizes = [10000, 1], strides = [1, 1]} : vector<10240x1xf32> to vector<10000x1xf32>
    %mul3A = vector.broadcast %slice3A_43 : vector<10000x1xf32> to vector<10000x128xf32>
    %mul3A_44 = arith.mulf %max3A_29, %mul3A : vector<10000x128xf32>
    %broadcast_in_dim3A_45 = arith.constant 0.000000e+00 : f32
    %broadcast_in_dim3A_46 = vector.broadcast %broadcast_in_dim3A_45 : f32 to vector<240x64xf32>
    %slice3A_47 = vector.extract_strided_slice %mul3A_44 {offsets = [0, 0], sizes = [10000, 64], strides = [1, 1]} : vector<10000x128xf32> to vector<10000x64xf32>
    %swap3A_48 = arith.constant 0 : index
    %swap3A_49 = arith.constant 0 : index
    %swap3A_50 = arith.constant 0 : index
    %swap3A_51 = vector.load %arg7[%swap3A_48, %swap3A_49, %swap3A_50] : memref<2x10240x64xf32, #tpu.memory_space<vmem>>, vector<1x10000x64xf32>
    %swap3A_52 = vector.shape_cast %swap3A_51 : vector<1x10000x64xf32> to vector<10000x64xf32>
    %swap3A_53 = vector.shape_cast %slice3A_47 : vector<10000x64xf32> to vector<1x10000x64xf32>
    tpu.vector_store %arg7[%swap3A_48, %swap3A_49, %swap3A_50], %swap3A_53 {strides = array<i32>} : memref<2x10240x64xf32, #tpu.memory_space<vmem>>, vector<1x10000x64xf32>,
    %swap3A_54 = arith.constant 0 : index
    %swap3A_55 = arith.constant 10000 : index
    %swap3A_56 = arith.constant 0 : index
    %swap3A_57 = vector.load %arg7[%swap3A_54, %swap3A_55, %swap3A_56] : memref<2x10240x64xf32, #tpu.memory_space<vmem>>, vector<1x240x64xf32>
    %swap3A_58 = vector.shape_cast %swap3A_57 : vector<1x240x64xf32> to vector<240x64xf32>
    %swap3A_59 = vector.shape_cast %broadcast_in_dim3A_46 : vector<240x64xf32> to vector<1x240x64xf32>
    tpu.vector_store %arg7[%swap3A_54, %swap3A_55, %swap3A_56], %swap3A_59 {strides = array<i32>} : memref<2x10240x64xf32, #tpu.memory_space<vmem>>, vector<1x240x64xf32>,
    %slice3A_60 = vector.extract_strided_slice %mul3A_44 {offsets = [0, 64], sizes = [10000, 64], strides = [1, 1]} : vector<10000x128xf32> to vector<10000x64xf32>
    %swap3A_61 = arith.constant 1 : index
    %swap3A_62 = arith.constant 0 : index
    %swap3A_63 = arith.constant 0 : index
    %swap3A_64 = vector.load %arg7[%swap3A_61, %swap3A_62, %swap3A_63] : memref<2x10240x64xf32, #tpu.memory_space<vmem>>, vector<1x10000x64xf32>
    %swap3A_65 = vector.shape_cast %swap3A_64 : vector<1x10000x64xf32> to vector<10000x64xf32>
    %swap3A_66 = vector.shape_cast %slice3A_60 : vector<10000x64xf32> to vector<1x10000x64xf32>
    tpu.vector_store %arg7[%swap3A_61, %swap3A_62, %swap3A_63], %swap3A_66 {strides = array<i32>} : memref<2x10240x64xf32, #tpu.memory_space<vmem>>, vector<1x10000x64xf32>,
    %swap3A_67 = arith.constant 1 : index
    %swap3A_68 = arith.constant 10000 : index
    %swap3A_69 = arith.constant 0 : index
    %swap3A_70 = vector.load %arg7[%swap3A_67, %swap3A_68, %swap3A_69] : memref<2x10240x64xf32, #tpu.memory_space<vmem>>, vector<1x240x64xf32>
    %swap3A_71 = vector.shape_cast %swap3A_70 : vector<1x240x64xf32> to vector<240x64xf32>
    %swap3A_72 = vector.shape_cast %broadcast_in_dim3A_46 : vector<240x64xf32> to vector<1x240x64xf32>
    tpu.vector_store %arg7[%swap3A_67, %swap3A_68, %swap3A_69], %swap3A_72 {strides = array<i32>} : memref<2x10240x64xf32, #tpu.memory_space<vmem>>, vector<1x240x64xf32>,
    return
  }
}

module attributes {stable_mosaic.version = 14 : i64} {
  func.func @_mid_body(%arg0: memref<2x10240x64xf32, #tpu.memory_space<vmem>>, %arg1: memref<2x10240x64xf32, #tpu.memory_space<vmem>>, %arg2: memref<10240x1xf32, #tpu.memory_space<vmem>>, %arg3: memref<128x128xf32, #tpu.memory_space<vmem>>, %arg4: memref<1x128xf32, #tpu.memory_space<vmem>>, %arg5: memref<128x64xf32, #tpu.memory_space<vmem>>, %arg6: memref<2x10240x32xf32, #tpu.memory_space<vmem>>) attributes {dimension_semantics = [], scalar_prefetch = 0 : i64, scratch_operands = 0 : i64, tpu.core_type = #tpu.core_type<tc>} {
    %get3A = arith.constant 0 : index
    %get3A_0 = arith.constant 0 : index
    %get3A_1 = arith.constant 0 : index
    %get3A_2 = vector.load %arg0[%get3A, %get3A_0, %get3A_1] : memref<2x10240x64xf32, #tpu.memory_space<vmem>>, vector<1x10240x64xf32>
    %get3A_3 = vector.shape_cast %get3A_2 : vector<1x10240x64xf32> to vector<10240x64xf32>
    %get3A_4 = arith.constant 1 : index
    %get3A_5 = arith.constant 0 : index
    %get3A_6 = arith.constant 0 : index
    %get3A_7 = vector.load %arg0[%get3A_4, %get3A_5, %get3A_6] : memref<2x10240x64xf32, #tpu.memory_space<vmem>>, vector<1x10240x64xf32>
    %get3A_8 = vector.shape_cast %get3A_7 : vector<1x10240x64xf32> to vector<10240x64xf32>
    %concatenate3A = tpu.concatenate %get3A_3, %get3A_8 in 1 : vector<10240x64xf32>, vector<10240x64xf32> -> vector<10240x128xf32>
    %get3A_9 = arith.constant 0 : index
    %get3A_10 = arith.constant 0 : index
    %get3A_11 = arith.constant 0 : index
    %get3A_12 = vector.load %arg1[%get3A_9, %get3A_10, %get3A_11] : memref<2x10240x64xf32, #tpu.memory_space<vmem>>, vector<1x10240x64xf32>
    %get3A_13 = vector.shape_cast %get3A_12 : vector<1x10240x64xf32> to vector<10240x64xf32>
    %get3A_14 = arith.constant 1 : index
    %get3A_15 = arith.constant 0 : index
    %get3A_16 = arith.constant 0 : index
    %get3A_17 = vector.load %arg1[%get3A_14, %get3A_15, %get3A_16] : memref<2x10240x64xf32, #tpu.memory_space<vmem>>, vector<1x10240x64xf32>
    %get3A_18 = vector.shape_cast %get3A_17 : vector<1x10240x64xf32> to vector<10240x64xf32>
    %concatenate3A_19 = tpu.concatenate %get3A_13, %get3A_18 in 1 : vector<10240x64xf32>, vector<10240x64xf32> -> vector<10240x128xf32>
    %get3A_20 = arith.constant 0 : index
    %get3A_21 = arith.constant 0 : index
    %get3A_22 = vector.load %arg2[%get3A_20, %get3A_21] : memref<10240x1xf32, #tpu.memory_space<vmem>>, vector<10240x1xf32>
    %add3A = arith.addf %concatenate3A, %concatenate3A_19 : vector<10240x128xf32>
    %mul3A = vector.broadcast %get3A_22 : vector<10240x1xf32> to vector<10240x128xf32>
    %mul3A_23 = arith.mulf %mul3A, %add3A : vector<10240x128xf32>
    %get3A_24 = arith.constant 0 : index
    %get3A_25 = arith.constant 0 : index
    %get3A_26 = vector.load %arg3[%get3A_24, %get3A_25] : memref<128x128xf32, #tpu.memory_space<vmem>>, vector<128x128xf32>
    %dot_general3A = arith.constant dense<0.000000e+00> : vector<10240x128xf32>
    %dot_general3A_27 = tpu.matmul %mul3A_23, %get3A_26, %dot_general3A {dimension_numbers = #tpu.dot_dimension_numbers<[1], [0], [0], [1], [0, 0, 1, 1], [], []>, transpose_lhs_hint = false} : vector<10240x128xf32>, vector<128x128xf32>, vector<10240x128xf32> -> vector<10240x128xf32>
    %get3A_28 = arith.constant 0 : index
    %get3A_29 = arith.constant 0 : index
    %get3A_30 = vector.load %arg4[%get3A_28, %get3A_29] : memref<1x128xf32, #tpu.memory_space<vmem>>, vector<1x128xf32>
    %add3A_31 = vector.broadcast %get3A_30 : vector<1x128xf32> to vector<10240x128xf32>
    %add3A_32 = arith.addf %dot_general3A_27, %add3A_31 : vector<10240x128xf32>
    %max3A = arith.constant 0.000000e+00 : f32
    %max3A_33 = vector.broadcast %max3A : f32 to vector<10240x128xf32>
    %max3A_34 = arith.maximumf %add3A_32, %max3A_33 : vector<10240x128xf32>
    %get3A_35 = arith.constant 0 : index
    %get3A_36 = arith.constant 0 : index
    %get3A_37 = vector.load %arg5[%get3A_35, %get3A_36] : memref<128x64xf32, #tpu.memory_space<vmem>>, vector<128x64xf32>
    %dot_general3A_38 = arith.constant dense<0.000000e+00> : vector<10240x64xf32>
    %dot_general3A_39 = tpu.matmul %max3A_34, %get3A_37, %dot_general3A_38 {dimension_numbers = #tpu.dot_dimension_numbers<[1], [0], [0], [1], [0, 0, 1, 1], [], []>, transpose_lhs_hint = false} : vector<10240x128xf32>, vector<128x64xf32>, vector<10240x64xf32> -> vector<10240x64xf32>
    %mul3A_40 = vector.broadcast %get3A_22 : vector<10240x1xf32> to vector<10240x64xf32>
    %mul3A_41 = arith.mulf %mul3A_40, %dot_general3A_39 : vector<10240x64xf32>
    %slice3A = vector.extract_strided_slice %mul3A_41 {offsets = [0, 0], sizes = [10240, 32], strides = [1, 1]} : vector<10240x64xf32> to vector<10240x32xf32>
    %swap3A = arith.constant 0 : index
    %swap3A_42 = arith.constant 0 : index
    %swap3A_43 = arith.constant 0 : index
    %swap3A_44 = vector.load %arg6[%swap3A, %swap3A_42, %swap3A_43] : memref<2x10240x32xf32, #tpu.memory_space<vmem>>, vector<1x10240x32xf32>
    %swap3A_45 = vector.shape_cast %swap3A_44 : vector<1x10240x32xf32> to vector<10240x32xf32>
    %swap3A_46 = vector.shape_cast %slice3A : vector<10240x32xf32> to vector<1x10240x32xf32>
    tpu.vector_store %arg6[%swap3A, %swap3A_42, %swap3A_43], %swap3A_46 {strides = array<i32>} : memref<2x10240x32xf32, #tpu.memory_space<vmem>>, vector<1x10240x32xf32>,
    %slice3A_47 = vector.extract_strided_slice %mul3A_41 {offsets = [0, 32], sizes = [10240, 32], strides = [1, 1]} : vector<10240x64xf32> to vector<10240x32xf32>
    %swap3A_48 = arith.constant 1 : index
    %swap3A_49 = arith.constant 0 : index
    %swap3A_50 = arith.constant 0 : index
    %swap3A_51 = vector.load %arg6[%swap3A_48, %swap3A_49, %swap3A_50] : memref<2x10240x32xf32, #tpu.memory_space<vmem>>, vector<1x10240x32xf32>
    %swap3A_52 = vector.shape_cast %swap3A_51 : vector<1x10240x32xf32> to vector<10240x32xf32>
    %swap3A_53 = vector.shape_cast %slice3A_47 : vector<10240x32xf32> to vector<1x10240x32xf32>
    tpu.vector_store %arg6[%swap3A_48, %swap3A_49, %swap3A_50], %swap3A_53 {strides = array<i32>} : memref<2x10240x32xf32, #tpu.memory_space<vmem>>, vector<1x10240x32xf32>,
    return
  }
}

</mosaic_0001>

<sc_bundles>
// kernel: kernel.10.cloned.1.call-start
scs
__scs_entry_jumppad:
0x0: {  	(pc) =	sbr.rel $0x88, $3  }
0x1: {  	(tag) =	ssettag $0x0;
	lr =	simm.s32 $0x1  }
0x2: {  	[smem:$0x3F98] =	sst lr;
	_ =	strace $0xD0000000  }
0x3: {  	_ = 	snop  }
0x4: {  	_ = 	snop  }
0x5: {  	_ = 	snop  }
0x6: {  	_ = 	snop  }
0x7: {  	_ = 	snop  }
__scs_overlays_trampoline_lowered:
0x8: {  	[smem:$0x3FA7] =	sst s0  }
0x9: {  	[smem:$0x3FA8] =	sst s1  }
0xa: {  	[smem:$0x3FA9] =	sst s2  }
0xb: {  	[smem:$0x3FAA] =	sst s3  }
0xc: {  	[smem:$0x3FAB] =	sst s4  }
0xd: {  	[smem:$0x3FAC] =	sst s5  }
0xe: {  	[smem:$0x3FAD] =	sst s6  }
0xf: {  	[smem:$0x3FAE] =	sst s7  }
0x10: {  	[smem:$0x3FAF] =	sst s8  }
0x11: {  	[smem:$0x3FB0] =	sst s9;
	s0 =	simm.s32 @!p0 $0x0  }
0x12: {  	s1 =	sld [smem:$0x3F96];
	s0 =	simm.s32 @p0 $0x1  }
0x13: {  	[smem:$0x3FB1] =	sst s0;
	s0 =	simm.s32 @!p1 $0x0  }
0x14: {  	s2 =	sld [smem:$0x3F95];
	s0 =	simm.s32 @p1 $0x1  }
0x15: {  	[smem:$0x3FB2] =	sst s0;
	s0 =	simm.s32 @!p2 $0x0  }
0x16: {  	s3 =	sld [smem:$0x3FDB];
	s0 =	simm.s32 @p2 $0x1  }
0x17: {  	s4 =	simm.s32 $0x1BF5;
	[smem:$0x3FB4] =	sst s0  }
0x18: {  	s0 =	sld [smem:$0x3F97];
	_ =	swait.ge [sflag:s4], $0x0  }
0x19: {  	s7 =	sld [smem:$0x3F98]  }
0x1a: {  	s8 =	sadd.s32 $0xFFFFE003, lr  }
0x1b: {  	s9 =	sadd.s32 $0xFFFFFEF7, lr;
	s5 =	simm.s32 $0xFFFFFFFF;
	p2 =	slt.u32 s8, $0xFFFFF086  }
0x1c: {  	p1 =	slt.u32 s9, $0xF7A;
	s5 =	simm.s32 @!p2 $0x0  }
0x1d: {  	s5 =	simm.s32 @p1 $0x1;
	p0 =	seq.s32 s7, s2  }
0x1e: {  	s7 =	smul.u32 @!p0 $0xF7A, s2;
	p2 =	seq.s32 @!p0 s5, $0x0  }
0x1f: {  	s9 =	smul.u32 $0xF7A, s1;
	s8 =	simm.s32 @!p0 $0x1BF5;
	p2 =	por !p2, p0  }
0x20: {  	[sflag:s8] =	ssyncset.s32 @!p0 $0xFFFFF086;
	s6 =	sadd.s32 @!p0 s3, s7;
	s7 =	simm.s32 @!p0 $0x108  }
0x21: {  	s3 =	sadd.s32 s3, s9;
	s6 =	sadd.s32 @!p0 $0x88, s6;
	s7 =	simm.s32 @p2 $0x1082  }
0x22: {  	[simem:s7], [sflag:s8] =	dma.local @!p0 [hbm:s6], $0xF7A  }
0x23: {  	s9 =	sor.u32 $0xD0000000, s2;
	s6 =	simm.s32 $0x108;
	_ =	swait.ge @!p0 [sflag:s8], $0x0  }
0x24: {  	s3 =	sadd.s32 $0x88, s3;
	s6 =	simm.s32 @!p1 $0x1082;
	[sflag:s4] =	ssyncset.s32 $0xFFFFF086  }
0x25: {  	[simem:s6], [sflag:s4] =	dma.local [hbm:s3], $0xF7A  }
0x26: {  	[smem:$0x3F98] =	sst s1;
	(tag) =	ssettag s2;
	_ =	strace s9  }
0x27: {  	s1 =	sld [smem:$0x3FA8]  }
0x28: {  	s2 =	sld [smem:$0x3FA9]  }
0x29: {  	s4 =	sld [smem:$0x3FAB]  }
0x2a: {  	p0 =	seq.s32 s5, $0x0;
	s5 =	sld [smem:$0x3FAC]  }
0x2b: {  	s6 =	sld [smem:$0x3FAD]  }
0x2c: {  	s7 =	sld [smem:$0x3FAE]  }
0x2d: {  	s3 =	simm.s32 $0x108;
	s8 =	sld [smem:$0x3FAF]  }
0x2e: {  	s3 =	simm.s32 @!p0 $0x1082;
	s9 =	sld [smem:$0x3FB0]  }
0x2f: {  	lr =	sadd.s32 s0, s3;
	s0 =	sld [smem:$0x3FA7]  }
0x30: {  	s3 =	sld [smem:$0x3FAA]  }
0x31: {  	[smem:$0x3FB3] =	sst s10  }
0x32: {  	s10 =	sld [smem:$0x3FB1];
	_ =	sdelay $0x3  }
0x33: {  	p0 =	seq.s32 s10, $0x1;
	s10 =	sld [smem:$0x3FB3];
	_ =	sdelay $0x3  }
0x34: {  	[smem:$0x3FB3] =	sst s10  }
0x35: {  	s10 =	sld [smem:$0x3FB2];
	_ =	sdelay $0x3  }
0x36: {  	p1 =	seq.s32 s10, $0x1;
	s10 =	sld [smem:$0x3FB3];
	_ =	sdelay $0x3  }
0x37: {  	[smem:$0x3FB3] =	sst s10  }
0x38: {  	s10 =	sld [smem:$0x3FB4]  }
0x39: {  	_ = 	snop;
	(pc) =	sbr.ind lr, $3  }
0x3a: {  	_ = 	snop  }
0x3b: {  	_ = 	snop  }
0x3c: {  	p2 =	seq.s32 s10, $0x1;
	s10 =	sld [smem:$0x3FB3]  }
0x3d: {  	_ =	shalt  }
0x3e: {  	_ =	shalt  }
0x3f: {  	_ =	shalt  }
0x40: {  	_ =	shalt  }
0x41: {  	_ =	shalt  }
0x42: {  	_ =	shalt  }
0x43: {  	_ =	shalt  }
0x44: {  	_ =	shalt  }
0x45: {  	_ =	shalt  }
0x46: {  	_ =	shalt  }
0x47: {  	_ =	shalt  }
0x48: {  	_ =	shalt  }
0x49: {  	_ =	shalt  }
0x4a: {  	_ =	shalt  }
0x4b: {  	_ =	shalt  }
0x4c: {  	_ =	shalt  }
0x4d: {  	_ =	shalt  }
0x4e: {  	_ =	shalt  }
0x4f: {  	_ =	shalt  }
0x50: {  	_ =	shalt  }
0x51: {  	_ =	shalt  }
0x52: {  	_ =	shalt  }
0x53: {  	_ =	shalt  }
0x54: {  	_ =	shalt  }
0x55: {  	_ =	shalt  }
0x56: {  	_ =	shalt  }
0x57: {  	_ =	shalt  }
0x58: {  	_ =	shalt  }
0x59: {  	_ =	shalt  }
0x5a: {  	_ =	shalt  }
0x5b: {  	_ =	shalt  }
0x5c: {  	_ =	shalt  }
0x5d: {  	_ =	shalt  }
0x5e: {  	_ =	shalt  }
0x5f: {  	_ =	shalt  }
0x60: {  	_ =	shalt  }
0x61: {  	_ =	shalt  }
0x62: {  	_ =	shalt  }
0x63: {  	_ =	shalt  }
0x64: {  	_ =	shalt  }
0x65: {  	_ =	shalt  }
0x66: {  	_ =	shalt  }
0x67: {  	_ =	shalt  }
0x68: {  	_ =	shalt  }
0x69: {  	_ =	shalt  }
0x6a: {  	_ =	shalt  }
0x6b: {  	_ =	shalt  }
0x6c: {  	_ =	shalt  }
0x6d: {  	_ =	shalt  }
0x6e: {  	_ =	shalt  }
0x6f: {  	_ =	shalt  }
0x70: {  	_ =	shalt  }
0x71: {  	_ =	shalt  }
0x72: {  	_ =	shalt  }
0x73: {  	_ =	shalt  }
0x74: {  	_ =	shalt  }
0x75: {  	_ =	shalt  }
0x76: {  	_ =	shalt  }
0x77: {  	_ =	shalt  }
0x78: {  	_ =	shalt  }
0x79: {  	_ =	shalt  }
0x7a: {  	_ =	shalt  }
0x7b: {  	_ =	shalt  }
0x7c: {  	_ =	shalt  }
0x7d: {  	_ =	shalt  }
0x7e: {  	_ =	shalt  }
0x7f: {  	_ =	shalt  }
0x80: {  	_ =	shalt  }
0x81: {  	_ =	shalt  }
0x82: {  	_ =	shalt  }
0x83: {  	_ =	shalt  }
0x84: {  	_ =	shalt  }
0x85: {  	_ =	shalt  }
0x86: {  	_ =	shalt  }
0x87: {  	_ =	shalt  }
.Lfunc_end0:
.L_simem_size_0:
called_computation.1_lowered:
.L_overlay_start_0:
0x88: {  	s2 =	sld [smem:$0x3FD9]  }
0x89: {  	s3 =	sld [smem:$0x3FFE];
	_ =	sdelay $0x1  }
0x8a: {  	s1 =	srdreg.scid  }
0x8b: {  	s0 =	sand.u32 $0x1, s1  }
0x8c: {  	s16 =	sshll.u32 s0, $0xA;
	s2 =	sadd.s32 s3, s2  }
0x8d: {  	s2 =	sadd.s32 s2, s16  }
0x8e: {  	[smem:$0x3FBF] =	sst s2  }
0x8f: {  	_ = 	snop  }
0x90: {  	(tm) =	ssettm $0x1  }
0x91: {  	s17 =	sld [smem:$0x3FFB];
	_ =	sdelay $0x3  }
0x92: {  	_ =	strace s17  }
0x93: {  	s2 =	sld [smem:$0x3FFC];
	_ =	sdelay $0x3  }
0x94: {  	_ =	strace s2  }
0x95: {  	s2 =	sld [smem:$0x3FFD];
	_ =	sdelay $0x3  }
0x96: {  	_ =	strace s2  }
0x97: {  	_ =	strace $0x8FFFFFFF  }
0x98: {  	s18 =	sld [smem:$0x3FDB];
	_ =	sdelay $0x1  }
0x99: {  	s19 =	simm.s32 $_scs_section_size  }
0x9a: {  	s4 =	simm.s32 $_size__tile_overlayer_lowered;
	s5 =	simm.s32 $_tile_overlayer_lowered  }
0x9b: {  	s22 =	simm.s32 $0x1BFF;
	s21 =	sshll.u32 s5, $0x1;
	s2 =	sadd.s32 s19, s18  }
0x9c: {  	s6 =	simm.s32 $0x0;
	s20 =	sshll.u32 s4, $0x1;
	s4 =	sadd.s32 s21, s2  }
0x9d: {  	[timem:s6], [sflag:s22] =	dma.local [hbm:s4], s20  }
0x9e: {  	_ =	swait.ge [sflag:s22], s20  }
0x9f: {  	s3 =	ssub.s32 $0x0, s20;
	[sflag:s22] =	ssyncset.done $0x0  }
0xa0: {  	[sflag:s22] =	ssyncadd.s32 s3;
	_ =	sdelay $0x1  }
0xa1: {  	s23 =	simm.s32 $0x1B8B  }
0xa2: {  	_ =	swait.ge [sflag:s23], $0x1  }
0xa3: {  	[sflag:s23] =	ssyncset.done $0x0  }
0xa4: {  	s25 =	simm.s32 $0x1B8E;
	s24 =	sld [smem:$0x3FFE];
	[sflag:s23] =	ssyncadd.s32 $0xFFFFFFFF  }
0xa5: {  	s26 =	simm.s32 $execute0_lowered;
	[smem:$0x3FD2] =	sst s25  }
0xa6: {  	s4 =	sshll.u32 s26, $0x1;
	_ =	strace $0x80000049;
	[dreg:$0x1] =	wrdreg $0xFFFFFFFF  }
0xa7: {  	s28 =	simm.s32 $_size_execute0_lowered;
	s2 =	sadd.s32 s2, s4;
	[dreg:$0x0] =	wrdreg $0x0  }
0xa8: {  	s4 =	sshll.u32 s28, $0x1;
	[dreg:$0x2] =	wrdreg s2  }
0xa9: {  	[dreg:$0x3] =	wrdreg s4  }
0xaa: {  	[dreg:$0x4] =	wrdreg $0xC0  }
0xab: {  	_ =	task [dreg:s6], $0x5FFFF  }
0xac: {  	[dreg:$0x1] =	wrdreg $0xFFFFFFFF  }
0xad: {  	[dreg:$0x0] =	wrdreg $0x60  }
0xae: {  	[dreg:$0x2] =	wrdreg s24  }
0xaf: {  	[dreg:$0x3] =	wrdreg $0x150000  }
0xb0: {  	[dreg:$0x4] =	wrdreg $0xB0000  }
0xb1: {  	[dreg:$0x5] =	wrdreg $0x9  }
0xb2: {  	_ =	task.clear_ibuf [dreg:s6], $0x6FFFF;
	_ =	strace $0x90000049  }
0xb3: {  	s29 =	simm.s32 $0x9;
	_ =	strace $0x8000004B  }
0xb4: {  	_ =	swait.ge [sflag:s29], $0x1  }
0xb5: {  	[sflag:s29] =	ssyncadd.s32 $0xFFFFFFFF  }
0xb6: {  	_ =	strace $0x9000004B  }
0xb7: {  	_ =	sfence  }
0xb8: {  	s30 =	sld [smem:$0x0];
	_ =	sdelay $0x2  }
0xb9: {  	s31 =	sshll.u32 s1, $0xD;
	s1 =	sshrl.u32 s1, $0x2  }
0xba: {  	s3 =	sand.u32 $0x4000, s31;
	s1 =	sadd.s32 s1, s30  }
0xbb: {  	s0 =	sor.u32 s3, s0;
	s1 =	sshll.u32 s1, $0x11  }
0xbc: {  	s0 =	sor.u32 s1, s0  }
0xbd: {  	s0 =	sadd.s32 $0x8F2B, s0  }
0xbe: {  	[sflag:s0] =	ssyncadd.remote.s32 $0x1  }
0xbf: {  	_ =	sfence.sel $0xFFFF  }
0xc0: {  	[dreg:$0x0] =	wrdreg $0xFFFFFFFF;
	(pc) =	sbr.abs _section_cstart, $3  }
0xc1: {  	[dreg:$0x1] =	wrdreg $0xFFFFFFFF  }
0xc2: {  	_ =	task.clear_ibuf [dreg:s6], $0x2FFFF;
	_ =	strace $0x9FFFFFFF  }
0xc3: {  	(tm) =	ssettm $0x7FFFFFFF  }
tec
execute0_lowered:
.L_overlay_start_1:
0x0: {  	(tag) =	ssettag $0x1  }
0x1: {  	s0 =	rddreg [dreg:$0x0]  }
0x2: {  	s2 =	rddreg [dreg:$0x1]  }
0x3: {  	s3 =	rddreg [dreg:$0x2]  }
0x4: {  	s1 =	srdreg.scid;
	s11 =	stileid.u32;
	s4 =	simm.s32 $0x0  }
0x5: {  	s17 =	simm.s32 $0x5000;
	s18 =	simm.s32 $0x7;
	s28 =	simm.s32 $0x2880  }
0x6: {  	s29 =	simm.s32 $0x4;
	s30 =	simm.s32 $0x180;
	s6 =	smul.u32 $0xA000, s11  }
0x7: {  	s31 =	simm.s32 $0x3;
	s1 =	sand.u32 $0x1, s1;
	s8 =	smul.u32 $0x28000, s11  }
0x8: {  	[smem:$0x7FF] =	sst s4;
	s7 =	sadd.s32 $0xC200, s0;
	s21 =	smul.u32 $0x5000, s11  }
0x9: {  	s9 =	sadd.s32 $0x2200, s0;
	s5 =	smul.u32 $0xA0000, s1;
	s1 =	ssub.s32 $0x2, s1  }
0xa: {  	_ =	strace $0x8000004A;
	s10 =	sshrl.u32 s1, $0x1;
	s8 =	sshrl.u32 s8, $0x2  }
0xb: {  	s25 =	sshrl.u32 s21, $0x3;
	s21 =	simm.s32 $0x80;
	s5 =	sadd.s32 s6, s5  }
0xc: {  	s1 =	ssub.s32 s1, s10;
	s8 =	sadd.s32 s8, s2;
	s10 =	sadd.s32 s7, s25  }
0xd: {  	s26 =	sadd.s32 s9, s25;
	s5 =	sshrl.u32 s5, $0x3;
	[dreg:$0x9] =	wrdreg s10  }
0xe: {  	s20 =	sadd.s32 $0x2000, s8;
	s22 =	sadd.s32 $0x4000, s8;
	[dreg:$0xa] =	wrdreg s26  }
0xf: {  	s23 =	sadd.s32 $0x6000, s8;
	s8 =	sadd.s32 $0x8000, s8;
	[dreg:$0x4] =	wrdreg s20  }
0x10: {  	s16 =	smax.u32 s1, $0x1;
	s26 =	simm.s32 $0x2;
	[dreg:$0x5] =	wrdreg s22  }
0x11: {  	s1 =	simm.s32 $0x6;
	s0 =	sadd.s32 s5, s0;
	[dreg:$0x6] =	wrdreg s23  }
0x12: {  	s5 =	sadd.s32 s6, s2;
	[dreg:$0x7] =	wrdreg s8;
	s6 =	sadd.s32 s6, s3  }
0x13: {  	s8 =	sadd.s32 $0x500, s25;
	s20 =	simm.s32 $0x2800;
	s22 =	simm.s32 $0x7000  }
0x14: {  	s23 =	simm.s32 $0x1;
	s25 =	simm.s32 $0x9000;
	s24 =	sadd.s32 $0x66800, s0  }
0x15: {  	s7 =	sadd.s32 s7, s8;
	s14 =	sadd.s32 s9, s8;
	s15 =	sadd.s32 $0x8E800, s0  }
0x16: {  	s19 =	sshrl.u32 s6, $0x3;
	s0 =	simm.s32 $0x5;
	s6 =	simm.s32 $0x4E80  }
0x17: {  	s8 =	simm.s32 $0x4F00;
	s9 =	simm.s32 $0x4F80;
	[dreg:$0x8] =	wrdreg s24  }
0x18: {  	v0 =	vimm.f32 $0.0e+00;
	[dreg:$0xb] =	wrdreg s7;
	s24 =	simm.s32 $0x100;
	s7 =	simm.s32 $0x2780  }
.LBB2_1:
0x19: {  	s11 =	simm.s32 $0x100;
	s10 =	simm.s32 $0x0  }
.LBB2_2:
0x1a: {  	p0 =	sne.s32 s11, $0x7F00;
	[tilespmem:s10+$0x5030] =	vst v0;
	s12 =	smov.u32 s11;
	s11 =	sadd.s32 $0x100, s11  }
.Ltmp0:
0x1b: {  	[tilespmem:s10+$0x5020] =	vst v0;
	(pc) =	sbr.rel @p0 .LBB2_2-.Ltmp0, $3  }
0x1c: {  	[tilespmem:s10+$0x5000] =	vst v0  }
0x1d: {  	[tilespmem:s10+$0x5010] =	vst v0;
	_ =	sdelay $0x1  }
0x1e: {  	s10 =	sshra.s32 s12, $0x2  }
0x1f: {  	[tilespmem:s10+$0x5030] =	vst v0  }
0x20: {  	[tilespmem:s10+$0x5020] =	vst v0  }
0x21: {  	[tilespmem:s10+$0x5000] =	vst v0  }
0x22: {  	[tilespmem:s10+$0x5010] =	vst v0  }
0x23: {  	[spmem:s5] =	stream.linear.scatter [tilespmem:s17], [sflag:$0x7], $0x2000, $0x38;
	[tilespmem:$0x1F000] =	vst v63  }
0x24: {  	_ =	swait.ge [sflag:s18], $0x2000  }
0x25: {  	[sflag:s18] =	ssyncset.done $0x0  }
0x26: {  	s11 =	rddreg [dreg:$0x4];
	[sflag:s18] =	ssyncadd.s32 $0xFFFFE000  }
0x27: {  	[spmem:s11] =	stream.linear.scatter [tilespmem:s17], [sflag:$0x7], $0x2000, $0x38;
	[tilespmem:$0x1F000] =	vst v63  }
0x28: {  	_ =	swait.ge [sflag:s18], $0x2000  }
0x29: {  	[sflag:s18] =	ssyncset.done $0x0  }
0x2a: {  	s12 =	rddreg [dreg:$0x5];
	[sflag:s18] =	ssyncadd.s32 $0xFFFFE000  }
0x2b: {  	[spmem:s12] =	stream.linear.scatter [tilespmem:s17], [sflag:$0x7], $0x2000, $0x38;
	[tilespmem:$0x1F000] =	vst v63  }
0x2c: {  	_ =	swait.ge [sflag:s18], $0x2000  }
0x2d: {  	[sflag:s18] =	ssyncset.done $0x0  }
0x2e: {  	s13 =	rddreg [dreg:$0x6];
	[sflag:s18] =	ssyncadd.s32 $0xFFFFE000  }
0x2f: {  	[spmem:s13] =	stream.linear.scatter [tilespmem:s17], [sflag:$0x7], $0x2000, $0x38;
	[tilespmem:$0x1F000] =	vst v63  }
0x30: {  	_ =	swait.ge [sflag:s18], $0x2000  }
0x31: {  	[sflag:s18] =	ssyncset.done $0x0  }
0x32: {  	s11 =	rddreg [dreg:$0x7];
	[sflag:s18] =	ssyncadd.s32 $0xFFFFE000  }
0x33: {  	[spmem:s11] =	stream.linear.scatter [tilespmem:s17], [sflag:$0x7], $0x2000, $0x38;
	[tilespmem:$0x1F000] =	vst v63  }
0x34: {  	s12 =	stileid.u32;
	_ =	swait.ge [sflag:s18], $0x2000  }
0x35: {  	s10 =	sshll.u32 s12, $0x6;
	[sflag:s18] =	ssyncset.done $0x0  }
0x36: {  	s10 =	sor.u32 $0x1C07, s10;
	s11 =	rddreg [dreg:$0x8];
	[sflag:s18] =	ssyncadd.s32 $0xFFFFE000  }
0x37: {  	[spmem:s19], [sflag:s10] =	dma.local [hbm:s11], $0x1400  }
0x38: {  	_ =	swait.ge [sflag:s18], $0x1400  }
0x39: {  	[sflag:s18] =	ssyncset.done $0x0  }
0x3a: {  	[sflag:s18] =	ssyncadd.s32 $0xFFFFEC00  }
0x3b: {  	[bflag:$0x0] =	sbarrier.arrive $0xFFFF  }
0x3c: {  	s11 =	simm.s32 $0x0;
	s12 =	rddreg [dreg:$0x9]  }
0x3d: {  	[tilespmem:s11], [sflag:$0x7] =	stream.linear.gather [hbm4b:s12+s11], $0x2800, $0x38;
	[tilespmem:$0x1F000] =	vst v63  }
0x3e: {  	_ =	swait.ge [sflag:s18], $0x2800  }
0x3f: {  	[sflag:s18] =	ssyncset.done $0x0  }
0x40: {  	s13 =	rddreg [dreg:$0xa];
	[sflag:s18] =	ssyncadd.s32 $0xFFFFD800  }
0x41: {  	[tilespmem:s20], [sflag:$0x7] =	stream.linear.gather [hbm4b:s13+s11], $0x2800, $0x38;
	[tilespmem:$0x1F000] =	vst v63  }
0x42: {  	_ =	swait.ge [sflag:s18], $0x2800  }
0x43: {  	[sflag:s18] =	ssyncset.done $0x0  }
0x44: {  	[sflag:s18] =	ssyncadd.s32 $0xFFFFD800  }
0x45: {  	[tilespmem:s17], [sflag:$0x1] =	stream.indirect.gather [spmem:s3], $0x40, s11, s21, $0xb8;
	[tilespmem:$0x1F000] =	vst v63  }
0x46: {  	_ = 	snop  }
0x47: {  	[tilespmem:s22], [sflag:$0x2] =	stream.indirect.gather [spmem:s3], $0x40, s21, s21, $0xb8;
	[tilespmem:$0x1F000] =	vst v63  }
0x48: {  	_ =	swait.ge [sflag:s23], $0x2000  }
0x49: {  	[sflag:s23] =	ssyncset.done $0x0  }
0x4a: {  	[sflag:s23] =	ssyncadd.s32 $0xFFFFE000  }
0x4b: {  	[spmem:s2] =	stream.indirect.scatter.add.f32 [tilespmem:s17], [sflag:$0x4], $0x40, s20, s21, $0xb8;
	[tilespmem:$0x1F000] =	vst v63  }
0x4c: {  	_ = 	snop  }
0x4d: {  	[tilespmem:s25], [sflag:$0x3] =	stream.indirect.gather [spmem:s3], $0x40, s24, s21, $0xb8;
	[tilespmem:$0x1F000] =	vst v63  }
0x4e: {  	_ =	swait.ge [sflag:s26], $0x2000  }
0x4f: {  	[sflag:s26] =	ssyncset.done $0x0  }
0x50: {  	[sflag:s26] =	ssyncadd.s32 $0xFFFFE000  }
0x51: {  	[spmem:s2] =	stream.indirect.scatter.add.f32 [tilespmem:s22], [sflag:$0x5], $0x40, s28, s21, $0xb8;
	[tilespmem:$0x1F000] =	vst v63  }
0x52: {  	_ =	swait.ge [sflag:s29], $0x2000  }
0x53: {  	[sflag:s29] =	ssyncset.done $0x0  }
0x54: {  	[sflag:s29] =	ssyncadd.s32 $0xFFFFE000  }
0x55: {  	[tilespmem:s17], [sflag:$0x1] =	stream.indirect.gather [spmem:s3], $0x40, s30, s21, $0xb8;
	[tilespmem:$0x1F000] =	vst v63  }
0x56: {  	_ =	swait.ge [sflag:s31], $0x2000  }
0x57: {  	[sflag:s31] =	ssyncset.done $0x0  }
0x58: {  	s13 =	simm.s32 $0x2900;
	[sflag:s31] =	ssyncadd.s32 $0xFFFFE000  }
0x59: {  	[spmem:s2] =	stream.indirect.scatter.add.f32 [tilespmem:s25], [sflag:$0x6], $0x40, s13, s21, $0xb8;
	[tilespmem:$0x1F000] =	vst v63  }
0x5a: {  	_ =	swait.ge [sflag:s0], $0x2000  }
0x5b: {  	[sflag:s0] =	ssyncset.done $0x0  }
0x5c: {  	s12 =	simm.s32 $0x200;
	[sflag:s0] =	ssyncadd.s32 $0xFFFFE000  }
0x5d: {  	[tilespmem:s22], [sflag:$0x2] =	stream.indirect.gather [spmem:s3], $0x40, s12, s21, $0xb8;
	[tilespmem:$0x1F000] =	vst v63  }
0x5e: {  	_ =	swait.ge [sflag:s23], $0x2000  }
0x5f: {  	[sflag:s23] =	ssyncset.done $0x0  }
0x60: {  	s13 =	simm.s32 $0x2980;
	[sflag:s23] =	ssyncadd.s32 $0xFFFFE000  }
0x61: {  	[spmem:s2] =	stream.indirect.scatter.add.f32 [tilespmem:s17], [sflag:$0x4], $0x40, s13, s21, $0xb8;
	[tilespmem:$0x1F000] =	vst v63  }
0x62: {  	_ =	swait.ge [sflag:s1], $0x2000  }
0x63: {  	[sflag:s1] =	ssyncset.done $0x0  }
0x64: {  	s12 =	simm.s32 $0x280;
	[sflag:s1] =	ssyncadd.s32 $0xFFFFE000  }
0x65: {  	[tilespmem:s25], [sflag:$0x3] =	stream.indirect.gather [spmem:s3], $0x40, s12, s21, $0xb8;
	[tilespmem:$0x1F000] =	vst v63  }
0x66: {  	_ =	swait.ge [sflag:s26], $0x2000  }
0x67: {  	[sflag:s26] =	ssyncset.done $0x0  }
0x68: {  	s13 =	simm.s32 $0x2A00;
	[sflag:s26] =	ssyncadd.s32 $0xFFFFE000  }
0x69: {  	[spmem:s2] =	stream.indirect.scatter.add.f32 [tilespmem:s22], [sflag:$0x5], $0x40, s13, s21, $0xb8;
	[tilespmem:$0x1F000] =	vst v63  }
0x6a: {  	_ =	swait.ge [sflag:s29], $0x2000  }
0x6b: {  	[sflag:s29] =	ssyncset.done $0x0  }
0x6c: {  	s11 =	simm.s32 $0x600;
	s12 =	simm.s32 $0x300;
	[sflag:s29] =	ssyncadd.s32 $0xFFFFE000  }
.LBB2_4:
0x6d: {  	[tilespmem:s17], [sflag:$0x1] =	stream.indirect.gather [spmem:s3], $0x40, s12, s21, $0xb8;
	[tilespmem:$0x1F000] =	vst v63  }
0x6e: {  	s12 =	smov.u32 s11  }
0x6f: {  	p0 =	sne.s32 s11, $0x9000;
	s11 =	sadd.s32 $0x600, s11;
	_ =	swait.ge [sflag:s31], $0x2000  }
0x70: {  	s12 =	sshra.s32 s12, $0x2;
	[sflag:s31] =	ssyncset.done $0x0  }
0x71: {  	s13 =	sadd.s32 $0x2900, s12;
	[sflag:s31] =	ssyncadd.s32 $0xFFFFE000  }
0x72: {  	[spmem:s2] =	stream.indirect.scatter.add.f32 [tilespmem:s25], [sflag:$0x6], $0x40, s13, s21, $0xb8;
	[tilespmem:$0x1F000] =	vst v63  }
0x73: {  	_ =	swait.ge [sflag:s0], $0x2000  }
0x74: {  	[sflag:s0] =	ssyncset.done $0x0  }
0x75: {  	s13 =	sadd.s32 $0x200, s12;
	[sflag:s0] =	ssyncadd.s32 $0xFFFFE000  }
0x76: {  	[tilespmem:s22], [sflag:$0x2] =	stream.indirect.gather [spmem:s3], $0x40, s13, s21, $0xb8;
	[tilespmem:$0x1F000] =	vst v63  }
0x77: {  	_ =	swait.ge [sflag:s23], $0x2000  }
0x78: {  	[sflag:s23] =	ssyncset.done $0x0  }
0x79: {  	s13 =	sadd.s32 $0x2980, s12;
	[sflag:s23] =	ssyncadd.s32 $0xFFFFE000  }
0x7a: {  	[spmem:s2] =	stream.indirect.scatter.add.f32 [tilespmem:s17], [sflag:$0x4], $0x40, s13, s21, $0xb8;
	[tilespmem:$0x1F000] =	vst v63  }
0x7b: {  	_ =	swait.ge [sflag:s1], $0x2000  }
0x7c: {  	[sflag:s1] =	ssyncset.done $0x0  }
0x7d: {  	s13 =	sadd.s32 $0x280, s12;
	[sflag:s1] =	ssyncadd.s32 $0xFFFFE000  }
0x7e: {  	[tilespmem:s25], [sflag:$0x3] =	stream.indirect.gather [spmem:s3], $0x40, s13, s21, $0xb8;
	[tilespmem:$0x1F000] =	vst v63  }
0x7f: {  	_ =	swait.ge [sflag:s26], $0x2000  }
0x80: {  	[sflag:s26] =	ssyncset.done $0x0  }
.Ltmp1:
0x81: {  	s13 =	sadd.s32 $0x2A00, s12;
	[sflag:s26] =	ssyncadd.s32 $0xFFFFE000;
	(pc) =	sbr.rel @p0 .LBB2_4-.Ltmp1, $4  }
0x82: {  	[spmem:s2] =	stream.indirect.scatter.add.f32 [tilespmem:s22], [sflag:$0x5], $0x40, s13, s21, $0xb8;
	[tilespmem:$0x1F000] =	vst v63  }
0x83: {  	_ =	swait.ge [sflag:s29], $0x2000  }
0x84: {  	[sflag:s29] =	ssyncset.done $0x0  }
0x85: {  	s12 =	sadd.s32 $0x300, s12;
	[sflag:s29] =	ssyncadd.s32 $0xFFFFE000  }
0x86: {  	[tilespmem:s17], [sflag:$0x1] =	stream.indirect.gather [spmem:s3], $0x40, s12, s21, $0xb8;
	[tilespmem:$0x1F000] =	vst v63  }
0x87: {  	_ =	swait.ge [sflag:s31], $0x2000  }
0x88: {  	[sflag:s31] =	ssyncset.done $0x0  }
0x89: {  	[sflag:s31] =	ssyncadd.s32 $0xFFFFE000  }
0x8a: {  	[spmem:s2] =	stream.indirect.scatter.add.f32 [tilespmem:s25], [sflag:$0x6], $0x40, s6, s21, $0xb8;
	[tilespmem:$0x1F000] =	vst v63  }
0x8b: {  	_ =	swait.ge [sflag:s0], $0x2000  }
0x8c: {  	[sflag:s0] =	ssyncset.done $0x0  }
0x8d: {  	[sflag:s0] =	ssyncadd.s32 $0xFFFFE000  }
0x8e: {  	[tilespmem:s22], [sflag:$0x2] =	stream.indirect.gather [spmem:s3], $0x40, s7, s21, $0xb8;
	[tilespmem:$0x1F000] =	vst v63  }
0x8f: {  	_ =	swait.ge [sflag:s23], $0x2000  }
0x90: {  	[sflag:s23] =	ssyncset.done $0x0  }
0x91: {  	[sflag:s23] =	ssyncadd.s32 $0xFFFFE000  }
0x92: {  	[spmem:s2] =	stream.indirect.scatter.add.f32 [tilespmem:s17], [sflag:$0x4], $0x40, s8, s21, $0xb8;
	[tilespmem:$0x1F000] =	vst v63  }
0x93: {  	_ =	swait.ge [sflag:s1], $0x2000  }
0x94: {  	[sflag:s1] =	ssyncset.done $0x0  }
0x95: {  	[sflag:s1] =	ssyncadd.s32 $0xFFFFE000  }
0x96: {  	_ =	swait.ge [sflag:s26], $0x2000  }
0x97: {  	[sflag:s26] =	ssyncset.done $0x0  }
0x98: {  	[sflag:s26] =	ssyncadd.s32 $0xFFFFE000  }
0x99: {  	[spmem:s2] =	stream.indirect.scatter.add.f32 [tilespmem:s22], [sflag:$0x5], $0x40, s9, s21, $0xb8;
	[tilespmem:$0x1F000] =	vst v63  }
0x9a: {  	_ =	swait.ge [sflag:s29], $0x2000  }
0x9b: {  	[sflag:s29] =	ssyncset.done $0x0  }
0x9c: {  	[sflag:s29] =	ssyncadd.s32 $0xFFFFE000  }
0x9d: {  	_ =	swait.ge [sflag:s0], $0x2000  }
0x9e: {  	[sflag:s0] =	ssyncset.done $0x0  }
0x9f: {  	s11 =	simm.s32 $0x0;
	s13 =	rddreg [dreg:$0xb];
	[sflag:s0] =	ssyncadd.s32 $0xFFFFE000  }
0xa0: {  	[tilespmem:s11], [sflag:$0x7] =	stream.linear.gather [hbm4b:s13+s11], $0x2800, $0x38;
	[tilespmem:$0x1F000] =	vst v63  }
0xa1: {  	_ =	swait.ge [sflag:s18], $0x2800  }
0xa2: {  	[sflag:s18] =	ssyncset.done $0x0  }
0xa3: {  	[sflag:s18] =	ssyncadd.s32 $0xFFFFD800  }
0xa4: {  	[tilespmem:s20], [sflag:$0x7] =	stream.linear.gather [hbm4b:s14+s11], $0x2800, $0x38;
	[tilespmem:$0x1F000] =	vst v63  }
0xa5: {  	_ =	swait.ge [sflag:s18], $0x2800  }
0xa6: {  	[sflag:s18] =	ssyncset.done $0x0  }
0xa7: {  	[sflag:s18] =	ssyncadd.s32 $0xFFFFD800  }
0xa8: {  	[tilespmem:s17], [sflag:$0x1] =	stream.indirect.gather [spmem:s3], $0x40, s11, s21, $0xb8;
	[tilespmem:$0x1F000] =	vst v63  }
0xa9: {  	_ = 	snop  }
0xaa: {  	[tilespmem:s22], [sflag:$0x2] =	stream.indirect.gather [spmem:s3], $0x40, s21, s21, $0xb8;
	[tilespmem:$0x1F000] =	vst v63  }
0xab: {  	_ =	swait.ge [sflag:s23], $0x2000  }
0xac: {  	[sflag:s23] =	ssyncset.done $0x0  }
0xad: {  	[sflag:s23] =	ssyncadd.s32 $0xFFFFE000  }
0xae: {  	[spmem:s2] =	stream.indirect.scatter.add.f32 [tilespmem:s17], [sflag:$0x4], $0x40, s20, s21, $0xb8;
	[tilespmem:$0x1F000] =	vst v63  }
0xaf: {  	_ = 	snop  }
0xb0: {  	[tilespmem:s25], [sflag:$0x3] =	stream.indirect.gather [spmem:s3], $0x40, s24, s21, $0xb8;
	[tilespmem:$0x1F000] =	vst v63  }
0xb1: {  	_ =	swait.ge [sflag:s26], $0x2000  }
0xb2: {  	[sflag:s26] =	ssyncset.done $0x0  }
0xb3: {  	[sflag:s26] =	ssyncadd.s32 $0xFFFFE000  }
0xb4: {  	[spmem:s2] =	stream.indirect.scatter.add.f32 [tilespmem:s22], [sflag:$0x5], $0x40, s28, s21, $0xb8;
	[tilespmem:$0x1F000] =	vst v63  }
0xb5: {  	_ =	swait.ge [sflag:s29], $0x2000  }
0xb6: {  	[sflag:s29] =	ssyncset.done $0x0  }
0xb7: {  	[sflag:s29] =	ssyncadd.s32 $0xFFFFE000  }
0xb8: {  	[tilespmem:s17], [sflag:$0x1] =	stream.indirect.gather [spmem:s3], $0x40, s30, s21, $0xb8;
	[tilespmem:$0x1F000] =	vst v63  }
0xb9: {  	_ =	swait.ge [sflag:s31], $0x2000  }
0xba: {  	[sflag:s31] =	ssyncset.done $0x0  }
0xbb: {  	s13 =	simm.s32 $0x2900;
	[sflag:s31] =	ssyncadd.s32 $0xFFFFE000  }
0xbc: {  	[spmem:s2] =	stream.indirect.scatter.add.f32 [tilespmem:s25], [sflag:$0x6], $0x40, s13, s21, $0xb8;
	[tilespmem:$0x1F000] =	vst v63  }
0xbd: {  	_ =	swait.ge [sflag:s0], $0x2000  }
0xbe: {  	[sflag:s0] =	ssyncset.done $0x0  }
0xbf: {  	s12 =	simm.s32 $0x200;
	[sflag:s0] =	ssyncadd.s32 $0xFFFFE000  }
0xc0: {  	[tilespmem:s22], [sflag:$0x2] =	stream.indirect.gather [spmem:s3], $0x40, s12, s21, $0xb8;
	[tilespmem:$0x1F000] =	vst v63  }
0xc1: {  	_ =	swait.ge [sflag:s23], $0x2000  }
0xc2: {  	[sflag:s23] =	ssyncset.done $0x0  }
0xc3: {  	s13 =	simm.s32 $0x2980;
	[sflag:s23] =	ssyncadd.s32 $0xFFFFE000  }
0xc4: {  	[spmem:s2] =	stream.indirect.scatter.add.f32 [tilespmem:s17], [sflag:$0x4], $0x40, s13, s21, $0xb8;
	[tilespmem:$0x1F000] =	vst v63  }
0xc5: {  	_ =	swait.ge [sflag:s1], $0x2000  }
0xc6: {  	[sflag:s1] =	ssyncset.done $0x0  }
0xc7: {  	s12 =	simm.s32 $0x280;
	[sflag:s1] =	ssyncadd.s32 $0xFFFFE000  }
0xc8: {  	[tilespmem:s25], [sflag:$0x3] =	stream.indirect.gather [spmem:s3], $0x40, s12, s21, $0xb8;
	[tilespmem:$0x1F000] =	vst v63  }
0xc9: {  	_ =	swait.ge [sflag:s26], $0x2000  }
0xca: {  	[sflag:s26] =	ssyncset.done $0x0  }
0xcb: {  	s13 =	simm.s32 $0x2A00;
	[sflag:s26] =	ssyncadd.s32 $0xFFFFE000  }
0xcc: {  	[spmem:s2] =	stream.indirect.scatter.add.f32 [tilespmem:s22], [sflag:$0x5], $0x40, s13, s21, $0xb8;
	[tilespmem:$0x1F000] =	vst v63  }
0xcd: {  	_ =	swait.ge [sflag:s29], $0x2000  }
0xce: {  	[sflag:s29] =	ssyncset.done $0x0  }
0xcf: {  	s11 =	simm.s32 $0x600;
	s12 =	simm.s32 $0x300;
	[sflag:s29] =	ssyncadd.s32 $0xFFFFE000  }
.LBB2_6:
0xd0: {  	[tilespmem:s17], [sflag:$0x1] =	stream.indirect.gather [spmem:s3], $0x40, s12, s21, $0xb8;
	[tilespmem:$0x1F000] =	vst v63  }
0xd1: {  	s12 =	smov.u32 s11  }
0xd2: {  	p0 =	sne.s32 s11, $0x9000;
	s11 =	sadd.s32 $0x600, s11;
	_ =	swait.ge [sflag:s31], $0x2000  }
0xd3: {  	s12 =	sshra.s32 s12, $0x2;
	[sflag:s31] =	ssyncset.done $0x0  }
0xd4: {  	s13 =	sadd.s32 $0x2900, s12;
	[sflag:s31] =	ssyncadd.s32 $0xFFFFE000  }
0xd5: {  	[spmem:s2] =	stream.indirect.scatter.add.f32 [tilespmem:s25], [sflag:$0x6], $0x40, s13, s21, $0xb8;
	[tilespmem:$0x1F000] =	vst v63  }
0xd6: {  	_ =	swait.ge [sflag:s0], $0x2000  }
0xd7: {  	[sflag:s0] =	ssyncset.done $0x0  }
0xd8: {  	s13 =	sadd.s32 $0x200, s12;
	[sflag:s0] =	ssyncadd.s32 $0xFFFFE000  }
0xd9: {  	[tilespmem:s22], [sflag:$0x2] =	stream.indirect.gather [spmem:s3], $0x40, s13, s21, $0xb8;
	[tilespmem:$0x1F000] =	vst v63  }
0xda: {  	_ =	swait.ge [sflag:s23], $0x2000  }
0xdb: {  	[sflag:s23] =	ssyncset.done $0x0  }
0xdc: {  	s13 =	sadd.s32 $0x2980, s12;
	[sflag:s23] =	ssyncadd.s32 $0xFFFFE000  }
0xdd: {  	[spmem:s2] =	stream.indirect.scatter.add.f32 [tilespmem:s17], [sflag:$0x4], $0x40, s13, s21, $0xb8;
	[tilespmem:$0x1F000] =	vst v63  }
0xde: {  	_ =	swait.ge [sflag:s1], $0x2000  }
0xdf: {  	[sflag:s1] =	ssyncset.done $0x0  }
0xe0: {  	s13 =	sadd.s32 $0x280, s12;
	[sflag:s1] =	ssyncadd.s32 $0xFFFFE000  }
0xe1: {  	[tilespmem:s25], [sflag:$0x3] =	stream.indirect.gather [spmem:s3], $0x40, s13, s21, $0xb8;
	[tilespmem:$0x1F000] =	vst v63  }
0xe2: {  	_ =	swait.ge [sflag:s26], $0x2000  }
0xe3: {  	[sflag:s26] =	ssyncset.done $0x0  }
.Ltmp2:
0xe4: {  	s13 =	sadd.s32 $0x2A00, s12;
	[sflag:s26] =	ssyncadd.s32 $0xFFFFE000;
	(pc) =	sbr.rel @p0 .LBB2_6-.Ltmp2, $4  }
0xe5: {  	[spmem:s2] =	stream.indirect.scatter.add.f32 [tilespmem:s22], [sflag:$0x5], $0x40, s13, s21, $0xb8;
	[tilespmem:$0x1F000] =	vst v63  }
0xe6: {  	_ =	swait.ge [sflag:s29], $0x2000  }
0xe7: {  	[sflag:s29] =	ssyncset.done $0x0  }
0xe8: {  	s12 =	sadd.s32 $0x300, s12;
	[sflag:s29] =	ssyncadd.s32 $0xFFFFE000  }
0xe9: {  	[tilespmem:s17], [sflag:$0x1] =	stream.indirect.gather [spmem:s3], $0x40, s12, s21, $0xb8;
	[tilespmem:$0x1F000] =	vst v63  }
0xea: {  	_ =	swait.ge [sflag:s31], $0x2000  }
0xeb: {  	[sflag:s31] =	ssyncset.done $0x0  }
0xec: {  	[sflag:s31] =	ssyncadd.s32 $0xFFFFE000  }
0xed: {  	[spmem:s2] =	stream.indirect.scatter.add.f32 [tilespmem:s25], [sflag:$0x6], $0x40, s6, s21, $0xb8;
	[tilespmem:$0x1F000] =	vst v63  }
0xee: {  	_ =	swait.ge [sflag:s0], $0x2000  }
0xef: {  	[sflag:s0] =	ssyncset.done $0x0  }
0xf0: {  	[sflag:s0] =	ssyncadd.s32 $0xFFFFE000  }
0xf1: {  	[tilespmem:s22], [sflag:$0x2] =	stream.indirect.gather [spmem:s3], $0x40, s7, s21, $0xb8;
	[tilespmem:$0x1F000] =	vst v63  }
0xf2: {  	_ =	swait.ge [sflag:s23], $0x2000  }
0xf3: {  	[sflag:s23] =	ssyncset.done $0x0  }
0xf4: {  	[sflag:s23] =	ssyncadd.s32 $0xFFFFE000  }
0xf5: {  	[spmem:s2] =	stream.indirect.scatter.add.f32 [tilespmem:s17], [sflag:$0x4], $0x40, s8, s21, $0xb8;
	[tilespmem:$0x1F000] =	vst v63  }
0xf6: {  	_ =	swait.ge [sflag:s1], $0x2000  }
0xf7: {  	[sflag:s1] =	ssyncset.done $0x0  }
0xf8: {  	[sflag:s1] =	ssyncadd.s32 $0xFFFFE000  }
0xf9: {  	_ =	swait.ge [sflag:s26], $0x2000  }
0xfa: {  	[sflag:s26] =	ssyncset.done $0x0  }
0xfb: {  	[sflag:s26] =	ssyncadd.s32 $0xFFFFE000  }
0xfc: {  	[spmem:s2] =	stream.indirect.scatter.add.f32 [tilespmem:s22], [sflag:$0x5], $0x40, s9, s21, $0xb8;
	[tilespmem:$0x1F000] =	vst v63  }
0xfd: {  	_ =	swait.ge [sflag:s29], $0x2000  }
0xfe: {  	[sflag:s29] =	ssyncset.done $0x0  }
0xff: {  	[sflag:s29] =	ssyncadd.s32 $0xFFFFE000  }
0x100: {  	_ =	swait.ge [sflag:s0], $0x2000  }
0x101: {  	s4 =	sadd.s32 $0x1, s4;
	[sflag:s0] =	ssyncset.done $0x0  }
0x102: {  	p0 =	sne.s32 s4, s16;
	[sflag:s0] =	ssyncadd.s32 $0xFFFFE000  }
.Ltmp3:
0x103: {  	s11 =	sshrl.u32 s5, $0x3;
	[bflag:$0x0] =	sbarrier.arrive $0xFFFF;
	(pc) =	sbr.rel @p0 .LBB2_1-.Ltmp3, $4  }
0x104: {  	[hbm:s15], [sflag:s10] =	dma.local [spmem:s11], $0x1400  }
0x105: {  	_ =	swait.ge [sflag:s18], $0x1400  }
0x106: {  	[sflag:s18] =	ssyncset.done $0x0  }
0x107: {  	[sflag:s18] =	ssyncadd.s32 $0xFFFFEC00  }
0x108: {  	_ =	sfence.sel $0x180000  }
0x109: {  	[bflag:$0x0] =	sbarrier.arrive $0xFFFF  }
0x10a: {  	_ =	strace $0x9000004A  }
0x10b: {  	s0 =	stileid.u32;
	[bflag:$0x2] =	sbarrier.arrive $0xFFFF  }
0x10c: {  	p0 =	sne.s32 s0, $0x0;
	s0 =	rddreg [dreg:$0x3]  }
0x10d: {  	s0 =	sadd.s32 @!p0 $0x100000, s0  }
0x10e: {  	[sflag:s0] =	ssyncadd.tile.s32 @!p0 $0x1;
	_ =	shalt  }
.Lfunc_end2:
_tile_overlayer_lowered:
.L_overlay_start_2:
0x10f: {  	(tag) =	ssettag $0x2  }
0x110: {  	s0 =	rddreg [dreg:$0x0];
	s2 =	stileid.u32  }
0x111: {  	s1 =	rddreg [dreg:$0x1];
	p0 =	sne.s32 s2, $0x0  }
0x112: {  	s3 =	rddreg [dreg:$0x2];
	[bflag:$0x3] =	sbarrier.arrive $0xFFFF;
	s2 =	simm.s32 @!p0 $0x1C07  }
0x113: {  	[timem:s3], [sflag:s2] =	dma.local @!p0 [hbm:s0], s1  }
0x114: {  	s0 =	simm.s32 @!p0 $0x7  }
0x115: {  	_ =	swait.ge @!p0 [sflag:s0], s1  }
0x116: {  	s1 =	ssub.s32 @!p0 $0x0, s1;
	[sflag:s0] =	ssyncset.done @!p0 $0x0  }
0x117: {  	[sflag:s0] =	ssyncadd.s32 @!p0 s1  }
0x118: {  	[bflag:$0x3] =	sbarrier.arrive $0xFFFF  }
0x119: {  	_ =	shalt  }

// kernel: kernel.13.cloned.1.call-start
scs
__scs_entry_jumppad:
0x0: {  	(pc) =	sbr.rel $0x88, $3  }
0x1: {  	(tag) =	ssettag $0x0;
	lr =	simm.s32 $0x1  }
0x2: {  	[smem:$0x3F98] =	sst lr;
	_ =	strace $0xD0000000  }
0x3: {  	_ = 	snop  }
0x4: {  	_ = 	snop  }
0x5: {  	_ = 	snop  }
0x6: {  	_ = 	snop  }
0x7: {  	_ = 	snop  }
__scs_overlays_trampoline_lowered:
0x8: {  	[smem:$0x3FA7] =	sst s0  }
0x9: {  	[smem:$0x3FA8] =	sst s1  }
0xa: {  	[smem:$0x3FA9] =	sst s2  }
0xb: {  	[smem:$0x3FAA] =	sst s3  }
0xc: {  	[smem:$0x3FAB] =	sst s4  }
0xd: {  	[smem:$0x3FAC] =	sst s5  }
0xe: {  	[smem:$0x3FAD] =	sst s6  }
0xf: {  	[smem:$0x3FAE] =	sst s7  }
0x10: {  	[smem:$0x3FAF] =	sst s8  }
0x11: {  	[smem:$0x3FB0] =	sst s9;
	s0 =	simm.s32 @!p0 $0x0  }
0x12: {  	s1 =	sld [smem:$0x3F96];
	s0 =	simm.s32 @p0 $0x1  }
0x13: {  	[smem:$0x3FB1] =	sst s0;
	s0 =	simm.s32 @!p1 $0x0  }
0x14: {  	s2 =	sld [smem:$0x3F95];
	s0 =	simm.s32 @p1 $0x1  }
0x15: {  	[smem:$0x3FB2] =	sst s0;
	s0 =	simm.s32 @!p2 $0x0  }
0x16: {  	s3 =	sld [smem:$0x3FDB];
	s0 =	simm.s32 @p2 $0x1  }
0x17: {  	s4 =	simm.s32 $0x1BF5;
	[smem:$0x3FB4] =	sst s0  }
0x18: {  	s0 =	sld [smem:$0x3F97];
	_ =	swait.ge [sflag:s4], $0x0  }
0x19: {  	s7 =	sld [smem:$0x3F98]  }
0x1a: {  	s8 =	sadd.s32 $0xFFFFE003, lr  }
0x1b: {  	s9 =	sadd.s32 $0xFFFFFEF7, lr;
	s5 =	simm.s32 $0xFFFFFFFF;
	p2 =	slt.u32 s8, $0xFFFFF086  }
0x1c: {  	p1 =	slt.u32 s9, $0xF7A;
	s5 =	simm.s32 @!p2 $0x0  }
0x1d: {  	s5 =	simm.s32 @p1 $0x1;
	p0 =	seq.s32 s7, s2  }
0x1e: {  	s7 =	smul.u32 @!p0 $0xF7A, s2;
	p2 =	seq.s32 @!p0 s5, $0x0  }
0x1f: {  	s9 =	smul.u32 $0xF7A, s1;
	s8 =	simm.s32 @!p0 $0x1BF5;
	p2 =	por !p2, p0  }
0x20: {  	[sflag:s8] =	ssyncset.s32 @!p0 $0xFFFFF086;
	s6 =	sadd.s32 @!p0 s3, s7;
	s7 =	simm.s32 @!p0 $0x108  }
0x21: {  	s3 =	sadd.s32 s3, s9;
	s6 =	sadd.s32 @!p0 $0x88, s6;
	s7 =	simm.s32 @p2 $0x1082  }
0x22: {  	[simem:s7], [sflag:s8] =	dma.local @!p0 [hbm:s6], $0xF7A  }
0x23: {  	s9 =	sor.u32 $0xD0000000, s2;
	s6 =	simm.s32 $0x108;
	_ =	swait.ge @!p0 [sflag:s8], $0x0  }
0x24: {  	s3 =	sadd.s32 $0x88, s3;
	s6 =	simm.s32 @!p1 $0x1082;
	[sflag:s4] =	ssyncset.s32 $0xFFFFF086  }
0x25: {  	[simem:s6], [sflag:s4] =	dma.local [hbm:s3], $0xF7A  }
0x26: {  	[smem:$0x3F98] =	sst s1;
	(tag) =	ssettag s2;
	_ =	strace s9  }
0x27: {  	s1 =	sld [smem:$0x3FA8]  }
0x28: {  	s2 =	sld [smem:$0x3FA9]  }
0x29: {  	s4 =	sld [smem:$0x3FAB]  }
0x2a: {  	p0 =	seq.s32 s5, $0x0;
	s5 =	sld [smem:$0x3FAC]  }
0x2b: {  	s6 =	sld [smem:$0x3FAD]  }
0x2c: {  	s7 =	sld [smem:$0x3FAE]  }
0x2d: {  	s3 =	simm.s32 $0x108;
	s8 =	sld [smem:$0x3FAF]  }
0x2e: {  	s3 =	simm.s32 @!p0 $0x1082;
	s9 =	sld [smem:$0x3FB0]  }
0x2f: {  	lr =	sadd.s32 s0, s3;
	s0 =	sld [smem:$0x3FA7]  }
0x30: {  	s3 =	sld [smem:$0x3FAA]  }
0x31: {  	[smem:$0x3FB3] =	sst s10  }
0x32: {  	s10 =	sld [smem:$0x3FB1];
	_ =	sdelay $0x3  }
0x33: {  	p0 =	seq.s32 s10, $0x1;
	s10 =	sld [smem:$0x3FB3];
	_ =	sdelay $0x3  }
0x34: {  	[smem:$0x3FB3] =	sst s10  }
0x35: {  	s10 =	sld [smem:$0x3FB2];
	_ =	sdelay $0x3  }
0x36: {  	p1 =	seq.s32 s10, $0x1;
	s10 =	sld [smem:$0x3FB3];
	_ =	sdelay $0x3  }
0x37: {  	[smem:$0x3FB3] =	sst s10  }
0x38: {  	s10 =	sld [smem:$0x3FB4]  }
0x39: {  	_ = 	snop;
	(pc) =	sbr.ind lr, $3  }
0x3a: {  	_ = 	snop  }
0x3b: {  	_ = 	snop  }
0x3c: {  	p2 =	seq.s32 s10, $0x1;
	s10 =	sld [smem:$0x3FB3]  }
0x3d: {  	_ =	shalt  }
0x3e: {  	_ =	shalt  }
0x3f: {  	_ =	shalt  }
0x40: {  	_ =	shalt  }
0x41: {  	_ =	shalt  }
0x42: {  	_ =	shalt  }
0x43: {  	_ =	shalt  }
0x44: {  	_ =	shalt  }
0x45: {  	_ =	shalt  }
0x46: {  	_ =	shalt  }
0x47: {  	_ =	shalt  }
0x48: {  	_ =	shalt  }
0x49: {  	_ =	shalt  }
0x4a: {  	_ =	shalt  }
0x4b: {  	_ =	shalt  }
0x4c: {  	_ =	shalt  }
0x4d: {  	_ =	shalt  }
0x4e: {  	_ =	shalt  }
0x4f: {  	_ =	shalt  }
0x50: {  	_ =	shalt  }
0x51: {  	_ =	shalt  }
0x52: {  	_ =	shalt  }
0x53: {  	_ =	shalt  }
0x54: {  	_ =	shalt  }
0x55: {  	_ =	shalt  }
0x56: {  	_ =	shalt  }
0x57: {  	_ =	shalt  }
0x58: {  	_ =	shalt  }
0x59: {  	_ =	shalt  }
0x5a: {  	_ =	shalt  }
0x5b: {  	_ =	shalt  }
0x5c: {  	_ =	shalt  }
0x5d: {  	_ =	shalt  }
0x5e: {  	_ =	shalt  }
0x5f: {  	_ =	shalt  }
0x60: {  	_ =	shalt  }
0x61: {  	_ =	shalt  }
0x62: {  	_ =	shalt  }
0x63: {  	_ =	shalt  }
0x64: {  	_ =	shalt  }
0x65: {  	_ =	shalt  }
0x66: {  	_ =	shalt  }
0x67: {  	_ =	shalt  }
0x68: {  	_ =	shalt  }
0x69: {  	_ =	shalt  }
0x6a: {  	_ =	shalt  }
0x6b: {  	_ =	shalt  }
0x6c: {  	_ =	shalt  }
0x6d: {  	_ =	shalt  }
0x6e: {  	_ =	shalt  }
0x6f: {  	_ =	shalt  }
0x70: {  	_ =	shalt  }
0x71: {  	_ =	shalt  }
0x72: {  	_ =	shalt  }
0x73: {  	_ =	shalt  }
0x74: {  	_ =	shalt  }
0x75: {  	_ =	shalt  }
0x76: {  	_ =	shalt  }
0x77: {  	_ =	shalt  }
0x78: {  	_ =	shalt  }
0x79: {  	_ =	shalt  }
0x7a: {  	_ =	shalt  }
0x7b: {  	_ =	shalt  }
0x7c: {  	_ =	shalt  }
0x7d: {  	_ =	shalt  }
0x7e: {  	_ =	shalt  }
0x7f: {  	_ =	shalt  }
0x80: {  	_ =	shalt  }
0x81: {  	_ =	shalt  }
0x82: {  	_ =	shalt  }
0x83: {  	_ =	shalt  }
0x84: {  	_ =	shalt  }
0x85: {  	_ =	shalt  }
0x86: {  	_ =	shalt  }
0x87: {  	_ =	shalt  }
.Lfunc_end0:
.L_simem_size_0:
called_computation.2_lowered:
.L_overlay_start_0:
0x88: {  	s2 =	sld [smem:$0x3FD9]  }
0x89: {  	s3 =	sld [smem:$0x3FFE];
	_ =	sdelay $0x1  }
0x8a: {  	s1 =	srdreg.scid  }
0x8b: {  	s0 =	sand.u32 $0x1, s1  }
0x8c: {  	s17 =	sshll.u32 s0, $0xA;
	s2 =	sadd.s32 s3, s2  }
0x8d: {  	s2 =	sadd.s32 s2, s17  }
0x8e: {  	[smem:$0x3FBF] =	sst s2  }
0x8f: {  	_ = 	snop  }
0x90: {  	s2 =	sld [smem:$0x3FD0];
	(tm) =	ssettm $0x1  }
0x91: {  	s18 =	sld [smem:$0x3FFB];
	_ =	sdelay $0x3  }
0x92: {  	_ =	strace s18  }
0x93: {  	s3 =	sld [smem:$0x3FFC];
	_ =	sdelay $0x3  }
0x94: {  	_ =	strace s3  }
0x95: {  	s3 =	sld [smem:$0x3FFD];
	_ =	sdelay $0x3  }
0x96: {  	_ =	strace s3  }
0x97: {  	_ =	strace $0x8FFFFFFF  }
0x98: {  	s19 =	sld [smem:$0x3FDB];
	_ =	sdelay $0x1  }
0x99: {  	s4 =	simm.s32 $_scs_section_size  }
0x9a: {  	s5 =	simm.s32 $_size__tile_overlayer_lowered;
	s6 =	simm.s32 $_tile_overlayer_lowered  }
0x9b: {  	s22 =	simm.s32 $0x1BFF;
	s21 =	sshll.u32 s6, $0x1;
	s3 =	sadd.s32 s4, s19  }
0x9c: {  	s7 =	simm.s32 $0x0;
	s20 =	sshll.u32 s5, $0x1;
	s5 =	sadd.s32 s21, s3  }
0x9d: {  	[timem:s7], [sflag:s22] =	dma.local [hbm:s5], s20  }
0x9e: {  	_ =	swait.ge [sflag:s22], s20  }
0x9f: {  	s4 =	ssub.s32 $0x0, s20;
	[sflag:s22] =	ssyncset.done $0x0  }
0xa0: {  	[sflag:s22] =	ssyncadd.s32 s4;
	_ =	sdelay $0x1  }
0xa1: {  	s23 =	simm.s32 $0x1B8B  }
0xa2: {  	_ =	swait.ge [sflag:s23], $0x1  }
0xa3: {  	[sflag:s23] =	ssyncset.done $0x0  }
0xa4: {  	s25 =	simm.s32 $0x1B8E;
	s24 =	sld [smem:$0x3FFE];
	[sflag:s23] =	ssyncadd.s32 $0xFFFFFFFF  }
0xa5: {  	s26 =	simm.s32 $execute0_lowered;
	[smem:$0x3FD2] =	sst s25  }
0xa6: {  	s5 =	sshll.u32 s26, $0x1;
	_ =	strace $0x8000004C;
	[dreg:$0x1] =	wrdreg $0xFFFFFFFF  }
0xa7: {  	s28 =	simm.s32 $_size_execute0_lowered;
	s3 =	sadd.s32 s3, s5;
	[dreg:$0x0] =	wrdreg $0x0  }
0xa8: {  	s5 =	sshll.u32 s28, $0x1;
	[dreg:$0x2] =	wrdreg s3  }
0xa9: {  	[dreg:$0x3] =	wrdreg s5  }
0xaa: {  	[dreg:$0x4] =	wrdreg $0xC0  }
0xab: {  	_ =	task [dreg:s7], $0x5FFFF  }
0xac: {  	[dreg:$0x1] =	wrdreg $0xFFFFFFFF  }
0xad: {  	[dreg:$0x0] =	wrdreg $0x60  }
0xae: {  	[dreg:$0x2] =	wrdreg s24  }
0xaf: {  	[dreg:$0x3] =	wrdreg s2  }
0xb0: {  	[dreg:$0x4] =	wrdreg $0xD2A00  }
0xb1: {  	[dreg:$0x5] =	wrdreg $0x82A00  }
0xb2: {  	[dreg:$0x6] =	wrdreg $0x9  }
0xb3: {  	_ =	task.clear_ibuf [dreg:s7], $0x7FFFF;
	_ =	strace $0x9000004C  }
0xb4: {  	s29 =	simm.s32 $0x9;
	_ =	strace $0x8000004E  }
0xb5: {  	_ =	swait.ge [sflag:s29], $0x1  }
0xb6: {  	[sflag:s29] =	ssyncadd.s32 $0xFFFFFFFF  }
0xb7: {  	_ =	strace $0x9000004E  }
0xb8: {  	_ =	sfence  }
0xb9: {  	s30 =	sld [smem:$0x0];
	_ =	sdelay $0x2  }
0xba: {  	s31 =	sshll.u32 s1, $0xD;
	s1 =	sshrl.u32 s1, $0x2  }
0xbb: {  	s3 =	sand.u32 $0x4000, s31;
	s1 =	sadd.s32 s1, s30  }
0xbc: {  	s0 =	sor.u32 s3, s0;
	s1 =	sshll.u32 s1, $0x11  }
0xbd: {  	s0 =	sor.u32 s1, s0  }
0xbe: {  	s0 =	sadd.s32 $0x8F2B, s0  }
0xbf: {  	[sflag:s0] =	ssyncadd.remote.s32 $0x1  }
0xc0: {  	_ =	sfence.sel $0xFFFF  }
0xc1: {  	[dreg:$0x0] =	wrdreg $0xFFFFFFFF;
	(pc) =	sbr.abs _section_cstart, $3  }
0xc2: {  	[dreg:$0x1] =	wrdreg $0xFFFFFFFF  }
0xc3: {  	_ =	task.clear_ibuf [dreg:s7], $0x2FFFF;
	_ =	strace $0x9FFFFFFF  }
0xc4: {  	(tm) =	ssettm $0x7FFFFFFF  }
0xc5: {  	_ =	shalt  }
tec
execute0_lowered:
.L_overlay_start_1:
0x0: {  	(tag) =	ssettag $0x1  }
0x1: {  	s1 =	rddreg [dreg:$0x0]  }
0x2: {  	s0 =	rddreg [dreg:$0x1];
	s3 =	srdreg.scid  }
0x3: {  	s20 =	stileid.u32;
	s2 =	rddreg [dreg:$0x2];
	s4 =	simm.s32 $0x0  }
0x4: {  	s6 =	sand.u32 $0x1, s3;
	s7 =	smul.u32 $0x5000, s20;
	s3 =	rddreg [dreg:$0x3]  }
0x5: {  	s30 =	simm.s32 $0x5;
	[smem:$0x7FF] =	sst s4;
	s8 =	smul.u32 $0x280, s20  }
0x6: {  	s10 =	sadd.s32 $0xC200, s1;
	s11 =	sadd.s32 $0x2200, s1;
	p2 =	sne.s32 s20, $0xF  }
0x7: {  	s5 =	smul.u32 $0x50000, s6;
	_ =	strace $0x8000004D;
	s24 =	ssub.s32 $0x2, s6  }
0x8: {  	s13 =	sshll.u32 s6, $0x2;
	p0 =	seq.s32 s6, $0x0;
	p3 =	seq.s32 s6, $0x1  }
0x9: {  	s23 =	sshrl.u32 s8, $0x3;
	s14 =	sshrl.u32 s24, $0x1;
	s15 =	sadd.s32 $0x80, s8  }
0xa: {  	s22 =	sadd.s32 s7, s2;
	s26 =	sshll.u32 s8, $0x5;
	s16 =	sadd.s32 $0x180, s8  }
0xb: {  	s8 =	sadd.s32 $0x200, s8;
	s17 =	sshrl.u32 s7, $0x3;
	s31 =	sadd.s32 s7, s3  }
0xc: {  	p5 =	por !p2, !p0;
	p6 =	por !p2, !p3;
	s5 =	sadd.s32 s7, s5  }
0xd: {  	s12 =	sadd.s32 s23, s1;
	s18 =	sshll.u32 s16, $0x5;
	s19 =	sshll.u32 s8, $0x5  }
0xe: {  	s21 =	sadd.s32 $0x500, s17;
	s23 =	sadd.s32 s10, s17;
	p4 =	seq.s32 s16, $0x2700  }
0xf: {  	s16 =	sadd.s32 $0x4, s0;
	p1 =	seq.s32 s8, $0x2700;
	p2 =	por !p5, !p5  }
0x10: {  	p5 =	por !p6, !p6;
	s5 =	sshrl.u32 s5, $0x3;
	[dreg:$0x7] =	wrdreg s23  }
0x11: {  	s7 =	sadd.s32 s11, s21;
	s8 =	simm.s32 @!p1 $0x0;
	s9 =	sadd.s32 s5, s1  }
0x12: {  	s5 =	ssub.s32 s24, s14;
	s24 =	sadd.s32 s11, s17;
	[dreg:$0xa] =	wrdreg s7  }
0x13: {  	s14 =	sadd.s32 $0x2000, s26;
	s26 =	sadd.s32 $0x66200, s12;
	[dreg:$0x8] =	wrdreg s24  }
0x14: {  	s1 =	sadd.s32 s13, s1;
	s8 =	simm.s32 @p1 $0x1;
	[dreg:$0xb] =	wrdreg s26  }
0x15: {  	s13 =	sshll.u32 s15, $0x5;
	s11 =	sadd.s32 s18, s3;
	[smem:$0x7FB] =	sst s8  }
0x16: {  	p6 =	por !p0, !p4;
	s25 =	sadd.s32 s13, s2;
	[dreg:$0x13] =	wrdreg s11  }
0x17: {  	s15 =	smul.u32 $0x5, s15;
	s9 =	sadd.s32 $0x16200, s9;
	[dreg:$0x5] =	wrdreg s25  }
0x18: {  	p1 =	sne.s32 s6, $0x0;
	s1 =	sadd.s32 $0xB6800, s1;
	[dreg:$0x6] =	wrdreg s9  }
0x19: {  	s26 =	sadd.s32 s14, s3;
	s11 =	simm.s32 $0x7;
	[dreg:$0xc] =	wrdreg s1  }
0x1a: {  	s25 =	sadd.s32 s10, s21;
	s9 =	smul.u32 $0xC80, s20;
	[dreg:$0x10] =	wrdreg s26  }
0x1b: {  	s1 =	simm.s32 @!p0 $0x0;
	s10 =	sadd.s32 s18, s2;
	s18 =	sld [smem:$0x7FB]  }
0x1c: {  	s21 =	sadd.s32 s13, s3;
	s23 =	sadd.s32 s0, s15;
	[dreg:$0x9] =	wrdreg s25  }
0x1d: {  	s17 =	sadd.s32 s15, s16;
	s26 =	smax.u32 s5, $0x1;
	[dreg:$0xd] =	wrdreg s21  }
0x1e: {  	s1 =	simm.s32 @p0 $0x1;
	[dreg:$0xe] =	wrdreg s23;
	s25 =	sadd.s32 s14, s2  }
0x1f: {  	[dreg:$0x12] =	wrdreg s10;
	p0 =	por !p4, !p3;
	p4 =	por !p6, !p6  }
0x20: {  	s23 =	sadd.s32 s19, s2;
	[dreg:$0x1a] =	wrdreg s26;
	s10 =	simm.s32 $0x5000  }
0x21: {  	s26 =	simm.s32 $0x8000;
	[smem:$0x7FC] =	sst s1;
	s24 =	sadd.s32 $0x500, s9  }
0x22: {  	[dreg:$0xf] =	wrdreg s25;
	s1 =	simm.s32 @!p5 $0x0;
	s12 =	sadd.s32 $0x780, s9  }
0x23: {  	s14 =	sadd.s32 s0, s9;
	s28 =	sadd.s32 s9, s16;
	s15 =	sadd.s32 $0xA00, s9  }
0x24: {  	[dreg:$0x18] =	wrdreg s23;
	s23 =	simm.s32 $0x6;
	s9 =	simm.s32 $0x0  }
0x25: {  	s8 =	sadd.s32 s0, s24;
	s21 =	sadd.s32 s24, s16;
	s1 =	simm.s32 @p5 $0x1  }
0x26: {  	s13 =	sadd.s32 s0, s12;
	s25 =	sadd.s32 s12, s16;
	[dreg:$0x15] =	wrdreg s14  }
0x27: {  	p5 =	por !p0, !p0;
	s29 =	sadd.s32 s15, s16;
	s20 =	sld [smem:$0x7FC]  }
0x28: {  	s16 =	sadd.s32 $0xC300, s0;
	p0 =	seq.s32 s18, $0x1;
	[dreg:$0x11] =	wrdreg s8  }
0x29: {  	s24 =	sadd.s32 s19, s3;
	s14 =	simm.s32 $0x6000;
	[smem:$0x7FA] =	sst s1  }
0x2a: {  	s12 =	simm.s32 $0x100;
	s19 =	simm.s32 $0x7000;
	[dreg:$0x14] =	wrdreg s13  }
0x2b: {  	s18 =	simm.s32 $0x2880;
	s1 =	sadd.s32 s0, s15;
	[dreg:$0x17] =	wrdreg s16  }
0x2c: {  	[dreg:$0x19] =	wrdreg s24;
	s8 =	simm.s32 $0x2800;
	s13 =	simm.s32 $0x80  }
.Ltmp0:
0x2d: {  	s15 =	simm.s32 $0x1;
	s24 =	simm.s32 $0x4;
	(pc) =	sbr.rel .LBB2_1-.Ltmp0, $4  }
0x2e: {  	[dreg:$0x16] =	wrdreg s1;
	s1 =	sadd.s32 $0xC304, s0;
	s0 =	simm.s32 @!p3 $0x0  }
0x2f: {  	s16 =	simm.s32 $0x3;
	p6 =	seq.s32 s20, $0x1;
	s0 =	simm.s32 @p3 $0x1  }
0x30: {  	s20 =	simm.s32 $0x2;
	p6 =	por !p6, !p0;
	p0 =	por !p0, !p3  }
0x31: {  	v0 =	vimm.f32 $0.0e+00;
	[smem:$0x7FD] =	sst s0;
	p6 =	por !p6, !p6;
	p3 =	por !p0, !p0  }
.LBB2_36:
0x32: {  	[hbm4b:s8+s4] =	stream.linear.scatter [tilespmem:s5], [sflag:$0x7], $0x8, $0x38;
	[tilespmem:$0x122A0] =	vst v63  }
0x33: {  	_ =	swait.ge [sflag:s11], $0x400  }
0x34: {  	[sflag:s11] =	ssyncset.done $0x0  }
0x35: {  	[sflag:s11] =	ssyncadd.s32 $0xFFFFFC00  }
.LBB2_37:
0x36: {  	s5 =	simm.s32 @p6 $0x20  }
0x37: {  	s6 =	simm.s32 @p6 $0x28;
	s7 =	simm.s32 @p6 $0x7000;
	s0 =	rddreg [dreg:$0x17]  }
0x38: {  	[hbm4b:s0+s5] =	stream.strided.scatter @p6 [tilespmem:s7], [sflag:$0x7], $0x200, s6, s5, $0x38;
	[tilespmem:$0x122A0] =	vst v63  }
0x39: {  	s5 =	simm.s32 @p6 $0x7  }
0x3a: {  	_ =	swait.ge @p6 [sflag:s5], $0x200  }
0x3b: {  	[sflag:s5] =	ssyncset.done @p6 $0x0  }
0x3c: {  	s6 =	simm.s32 @p3 $0x7000;
	[sflag:s5] =	ssyncadd.s32 @p6 $0xFFFFFE00;
	s5 =	simm.s32 @p3 $0x0  }
0x3d: {  	[hbm4b:s1+s5] =	stream.linear.scatter @p3 [tilespmem:s6], [sflag:$0x7], $0x8, $0x38;
	[tilespmem:$0x122A0] =	vst v63  }
0x3e: {  	s7 =	simm.s32 @p3 $0x7020;
	s6 =	sadd.s32 @p3 $0x5, s1  }
0x3f: {  	[hbm4b:s6+s5] =	stream.linear.scatter @p3 [tilespmem:s7], [sflag:$0x7], $0x8, $0x38;
	[tilespmem:$0x122A0] =	vst v63  }
0x40: {  	s6 =	sadd.s32 @p3 $0xA, s1;
	s7 =	simm.s32 @p3 $0x7040  }
0x41: {  	[hbm4b:s6+s5] =	stream.linear.scatter @p3 [tilespmem:s7], [sflag:$0x7], $0x8, $0x38;
	[tilespmem:$0x122A0] =	vst v63  }
0x42: {  	s6 =	sadd.s32 @p3 $0xF, s1;
	s7 =	simm.s32 @p3 $0x7060  }
0x43: {  	[hbm4b:s6+s5] =	stream.linear.scatter @p3 [tilespmem:s7], [sflag:$0x7], $0x8, $0x38;
	[tilespmem:$0x122A0] =	vst v63  }
0x44: {  	s6 =	sadd.s32 @p3 $0x14, s1;
	s7 =	simm.s32 @p3 $0x7080  }
0x45: {  	[hbm4b:s6+s5] =	stream.linear.scatter @p3 [tilespmem:s7], [sflag:$0x7], $0x8, $0x38;
	[tilespmem:$0x122A0] =	vst v63  }
0x46: {  	s6 =	sadd.s32 @p3 $0x19, s1;
	s7 =	simm.s32 @p3 $0x70A0  }
0x47: {  	[hbm4b:s6+s5] =	stream.linear.scatter @p3 [tilespmem:s7], [sflag:$0x7], $0x8, $0x38;
	[tilespmem:$0x122A0] =	vst v63  }
0x48: {  	s6 =	sadd.s32 @p3 $0x1E, s1;
	s7 =	simm.s32 @p3 $0x70C0  }
0x49: {  	[hbm4b:s6+s5] =	stream.linear.scatter @p3 [tilespmem:s7], [sflag:$0x7], $0x8, $0x38;
	[tilespmem:$0x122A0] =	vst v63  }
0x4a: {  	s6 =	sadd.s32 @p3 $0x23, s1;
	s7 =	simm.s32 @p3 $0x70E0  }
0x4b: {  	[hbm4b:s6+s5] =	stream.linear.scatter @p3 [tilespmem:s7], [sflag:$0x7], $0x8, $0x38;
	[tilespmem:$0x122A0] =	vst v63  }
0x4c: {  	s6 =	sadd.s32 @p3 $0x28, s1;
	s7 =	simm.s32 @p3 $0x7100  }
0x4d: {  	[hbm4b:s6+s5] =	stream.linear.scatter @p3 [tilespmem:s7], [sflag:$0x7], $0x8, $0x38;
	[tilespmem:$0x122A0] =	vst v63  }
0x4e: {  	s6 =	sadd.s32 @p3 $0x2D, s1;
	s7 =	simm.s32 @p3 $0x7120  }
0x4f: {  	[hbm4b:s6+s5] =	stream.linear.scatter @p3 [tilespmem:s7], [sflag:$0x7], $0x8, $0x38;
	[tilespmem:$0x122A0] =	vst v63  }
0x50: {  	s6 =	sadd.s32 @p3 $0x32, s1;
	s7 =	simm.s32 @p3 $0x7140  }
0x51: {  	[hbm4b:s6+s5] =	stream.linear.scatter @p3 [tilespmem:s7], [sflag:$0x7], $0x8, $0x38;
	[tilespmem:$0x122A0] =	vst v63  }
0x52: {  	s6 =	sadd.s32 @p3 $0x37, s1;
	s7 =	simm.s32 @p3 $0x7160  }
0x53: {  	[hbm4b:s6+s5] =	stream.linear.scatter @p3 [tilespmem:s7], [sflag:$0x7], $0x8, $0x38;
	[tilespmem:$0x122A0] =	vst v63  }
0x54: {  	s6 =	sadd.s32 @p3 $0x3C, s1;
	s7 =	simm.s32 @p3 $0x7180  }
0x55: {  	[hbm4b:s6+s5] =	stream.linear.scatter @p3 [tilespmem:s7], [sflag:$0x7], $0x8, $0x38;
	[tilespmem:$0x122A0] =	vst v63  }
0x56: {  	s6 =	sadd.s32 @p3 $0x41, s1;
	s7 =	simm.s32 @p3 $0x71A0  }
0x57: {  	[hbm4b:s6+s5] =	stream.linear.scatter @p3 [tilespmem:s7], [sflag:$0x7], $0x8, $0x38;
	[tilespmem:$0x122A0] =	vst v63  }
0x58: {  	s6 =	sadd.s32 @p3 $0x46, s1;
	s7 =	simm.s32 @p3 $0x71C0  }
0x59: {  	[hbm4b:s6+s5] =	stream.linear.scatter @p3 [tilespmem:s7], [sflag:$0x7], $0x8, $0x38;
	[tilespmem:$0x122A0] =	vst v63  }
0x5a: {  	s6 =	sadd.s32 @p3 $0x4B, s1;
	s7 =	simm.s32 @p3 $0x71E0  }
0x5b: {  	[hbm4b:s6+s5] =	stream.linear.scatter @p3 [tilespmem:s7], [sflag:$0x7], $0x8, $0x38;
	[tilespmem:$0x122A0] =	vst v63  }
0x5c: {  	s5 =	simm.s32 @p3 $0x7  }
0x5d: {  	_ =	swait.ge @p3 [sflag:s5], $0x80  }
0x5e: {  	s9 =	sadd.s32 $0x1, s9;
	s8 =	rddreg [dreg:$0x1a]  }
0x5f: {  	p0 =	sne.s32 s9, s8  }
.Ltmp1:
0x60: {  	_ = 	snop;
	(pc) =	sbr.rel @!p0 .LBB2_38-.Ltmp1, $3  }
0x61: {  	_ =	sdelay $0x1  }
0x62: {  	[sflag:s5] =	ssyncset.done @p3 $0x0  }
0x63: {  	[sflag:s5] =	ssyncadd.s32 @p3 $0xFFFFFF80;
	s8 =	simm.s32 $0x2800  }
.LBB2_1:
0x64: {  	s5 =	simm.s32 $0x80;
	s6 =	simm.s32 $0x0  }
.LBB2_2:
0x65: {  	p0 =	sne.s32 s5, $0x3F80;
	[tilespmem:s6+$0x5000] =	vst v0;
	s7 =	smov.u32 s5;
	s5 =	sadd.s32 $0x80, s5  }
.Ltmp2:
0x66: {  	[tilespmem:s6+$0x5010] =	vst v0;
	(pc) =	sbr.rel @p0 .LBB2_2-.Ltmp2, $2  }
0x67: {  	_ =	sdelay $0x2  }
0x68: {  	s6 =	sshra.s32 s7, $0x2  }
0x69: {  	[tilespmem:s6+$0x5000] =	vst v0  }
0x6a: {  	[tilespmem:s6+$0x5010] =	vst v0  }
0x6b: {  	[spmem:s22] =	stream.linear.scatter [tilespmem:s10], [sflag:$0x7], $0x1000, $0x38;
	[tilespmem:$0x122A0] =	vst v63  }
0x6c: {  	_ =	swait.ge [sflag:s11], $0x1000  }
0x6d: {  	[sflag:s11] =	ssyncset.done $0x0  }
0x6e: {  	s5 =	rddreg [dreg:$0x5];
	[sflag:s11] =	ssyncadd.s32 $0xFFFFF000  }
0x6f: {  	[spmem:s5] =	stream.linear.scatter [tilespmem:s10], [sflag:$0x7], $0x1000, $0x38;
	[tilespmem:$0x122A0] =	vst v63  }
0x70: {  	_ =	swait.ge [sflag:s11], $0x1000  }
0x71: {  	[sflag:s11] =	ssyncset.done $0x0  }
0x72: {  	s0 =	rddreg [dreg:$0xf];
	[sflag:s11] =	ssyncadd.s32 $0xFFFFF000  }
0x73: {  	[spmem:s0] =	stream.linear.scatter [tilespmem:s10], [sflag:$0x7], $0x1000, $0x38;
	[tilespmem:$0x122A0] =	vst v63  }
0x74: {  	_ =	swait.ge [sflag:s11], $0x1000  }
0x75: {  	[sflag:s11] =	ssyncset.done $0x0  }
0x76: {  	s5 =	rddreg [dreg:$0x12];
	[sflag:s11] =	ssyncadd.s32 $0xFFFFF000  }
0x77: {  	[spmem:s5] =	stream.linear.scatter [tilespmem:s10], [sflag:$0x7], $0x1000, $0x38;
	[tilespmem:$0x122A0] =	vst v63  }
0x78: {  	_ =	swait.ge [sflag:s11], $0x1000  }
0x79: {  	[sflag:s11] =	ssyncset.done $0x0  }
0x7a: {  	s6 =	rddreg [dreg:$0x18];
	[sflag:s11] =	ssyncadd.s32 $0xFFFFF000  }
0x7b: {  	[spmem:s6] =	stream.linear.scatter [tilespmem:s10], [sflag:$0x7], $0x1000, $0x38;
	[tilespmem:$0x122A0] =	vst v63  }
0x7c: {  	s7 =	stileid.u32;
	_ =	swait.ge [sflag:s11], $0x1000  }
0x7d: {  	s0 =	sshrl.u32 s31, $0x3;
	s5 =	sshll.u32 s7, $0x6;
	[sflag:s11] =	ssyncset.done $0x0  }
0x7e: {  	s5 =	sor.u32 $0x1C07, s5;
	s7 =	rddreg [dreg:$0x6];
	[sflag:s11] =	ssyncadd.s32 $0xFFFFF000  }
0x7f: {  	[spmem:s0], [sflag:s5] =	dma.local [hbm:s7], $0xA00  }
0x80: {  	_ =	swait.ge [sflag:s11], $0xA00  }
0x81: {  	[sflag:s11] =	ssyncset.done $0x0  }
0x82: {  	[sflag:s11] =	ssyncadd.s32 $0xFFFFF600  }
0x83: {  	[bflag:$0x0] =	sbarrier.arrive $0xFFFF  }
0x84: {  	s5 =	simm.s32 $0x0;
	s6 =	rddreg [dreg:$0x7]  }
0x85: {  	[tilespmem:s5], [sflag:$0x7] =	stream.linear.gather [hbm4b:s6+s5], $0x2800, $0x38;
	[tilespmem:$0x122A0] =	vst v63  }
0x86: {  	_ =	swait.ge [sflag:s11], $0x2800  }
0x87: {  	[sflag:s11] =	ssyncset.done $0x0  }
0x88: {  	s7 =	rddreg [dreg:$0x8];
	[sflag:s11] =	ssyncadd.s32 $0xFFFFD800  }
0x89: {  	[tilespmem:s8], [sflag:$0x7] =	stream.linear.gather [hbm4b:s7+s5], $0x2800, $0x38;
	[tilespmem:$0x122A0] =	vst v63  }
0x8a: {  	_ =	swait.ge [sflag:s11], $0x2800  }
0x8b: {  	[sflag:s11] =	ssyncset.done $0x0  }
0x8c: {  	[sflag:s11] =	ssyncadd.s32 $0xFFFFD800  }
0x8d: {  	[tilespmem:s10], [sflag:$0x1] =	stream.indirect.gather [spmem:s3], $0x20, s5, s13, $0xb8;
	[tilespmem:$0x122A0] =	vst v63  }
0x8e: {  	_ = 	snop  }
0x8f: {  	[tilespmem:s14], [sflag:$0x2] =	stream.indirect.gather [spmem:s3], $0x20, s13, s13, $0xb8;
	[tilespmem:$0x122A0] =	vst v63  }
0x90: {  	_ =	swait.ge [sflag:s15], $0x1000  }
0x91: {  	[sflag:s15] =	ssyncset.done $0x0  }
0x92: {  	[sflag:s15] =	ssyncadd.s32 $0xFFFFF000  }
0x93: {  	[spmem:s2] =	stream.indirect.scatter.add.f32 [tilespmem:s10], [sflag:$0x4], $0x20, s8, s13, $0xb8;
	[tilespmem:$0x122A0] =	vst v63  }
0x94: {  	_ = 	snop  }
0x95: {  	[tilespmem:s19], [sflag:$0x3] =	stream.indirect.gather [spmem:s3], $0x20, s12, s13, $0xb8;
	[tilespmem:$0x122A0] =	vst v63  }
0x96: {  	_ =	swait.ge [sflag:s20], $0x1000  }
0x97: {  	[sflag:s20] =	ssyncset.done $0x0  }
0x98: {  	[sflag:s20] =	ssyncadd.s32 $0xFFFFF000  }
0x99: {  	[spmem:s2] =	stream.indirect.scatter.add.f32 [tilespmem:s14], [sflag:$0x5], $0x20, s18, s13, $0xb8;
	[tilespmem:$0x122A0] =	vst v63  }
0x9a: {  	_ =	swait.ge [sflag:s24], $0x1000  }
0x9b: {  	[sflag:s24] =	ssyncset.done $0x0  }
0x9c: {  	s5 =	simm.s32 $0x180;
	[sflag:s24] =	ssyncadd.s32 $0xFFFFF000  }
0x9d: {  	[tilespmem:s10], [sflag:$0x1] =	stream.indirect.gather [spmem:s3], $0x20, s5, s13, $0xb8;
	[tilespmem:$0x122A0] =	vst v63  }
0x9e: {  	_ =	swait.ge [sflag:s16], $0x1000  }
0x9f: {  	[sflag:s16] =	ssyncset.done $0x0  }
0xa0: {  	s6 =	simm.s32 $0x2900;
	[sflag:s16] =	ssyncadd.s32 $0xFFFFF000  }
0xa1: {  	[spmem:s2] =	stream.indirect.scatter.add.f32 [tilespmem:s19], [sflag:$0x6], $0x20, s6, s13, $0xb8;
	[tilespmem:$0x122A0] =	vst v63  }
0xa2: {  	_ =	swait.ge [sflag:s30], $0x1000  }
0xa3: {  	[sflag:s30] =	ssyncset.done $0x0  }
0xa4: {  	s7 =	simm.s32 $0x200;
	[sflag:s30] =	ssyncadd.s32 $0xFFFFF000  }
0xa5: {  	[tilespmem:s14], [sflag:$0x2] =	stream.indirect.gather [spmem:s3], $0x20, s7, s13, $0xb8;
	[tilespmem:$0x122A0] =	vst v63  }
0xa6: {  	_ =	swait.ge [sflag:s15], $0x1000  }
0xa7: {  	[sflag:s15] =	ssyncset.done $0x0  }
0xa8: {  	s0 =	simm.s32 $0x2980;
	[sflag:s15] =	ssyncadd.s32 $0xFFFFF000  }
0xa9: {  	[spmem:s2] =	stream.indirect.scatter.add.f32 [tilespmem:s10], [sflag:$0x4], $0x20, s0, s13, $0xb8;
	[tilespmem:$0x122A0] =	vst v63  }
0xaa: {  	_ =	swait.ge [sflag:s23], $0x1000  }
0xab: {  	[sflag:s23] =	ssyncset.done $0x0  }
0xac: {  	s6 =	simm.s32 $0x280;
	[sflag:s23] =	ssyncadd.s32 $0xFFFFF000  }
0xad: {  	[tilespmem:s19], [sflag:$0x3] =	stream.indirect.gather [spmem:s3], $0x20, s6, s13, $0xb8;
	[tilespmem:$0x122A0] =	vst v63  }
0xae: {  	_ =	swait.ge [sflag:s20], $0x1000  }
0xaf: {  	[sflag:s20] =	ssyncset.done $0x0  }
0xb0: {  	s7 =	simm.s32 $0x2A00;
	[sflag:s20] =	ssyncadd.s32 $0xFFFFF000  }
0xb1: {  	[spmem:s2] =	stream.indirect.scatter.add.f32 [tilespmem:s14], [sflag:$0x5], $0x20, s7, s13, $0xb8;
	[tilespmem:$0x122A0] =	vst v63  }
0xb2: {  	_ =	swait.ge [sflag:s24], $0x1000  }
0xb3: {  	[sflag:s24] =	ssyncset.done $0x0  }
0xb4: {  	s5 =	simm.s32 $0x600;
	s6 =	simm.s32 $0x300;
	[sflag:s24] =	ssyncadd.s32 $0xFFFFF000  }
.LBB2_4:
0xb5: {  	[tilespmem:s10], [sflag:$0x1] =	stream.indirect.gather [spmem:s3], $0x20, s6, s13, $0xb8;
	[tilespmem:$0x122A0] =	vst v63  }
0xb6: {  	s6 =	smov.u32 s5  }
0xb7: {  	p0 =	sne.s32 s5, $0x9000;
	s5 =	sadd.s32 $0x600, s5;
	_ =	swait.ge [sflag:s16], $0x1000  }
0xb8: {  	s6 =	sshra.s32 s6, $0x2;
	[sflag:s16] =	ssyncset.done $0x0  }
0xb9: {  	s7 =	sadd.s32 $0x2900, s6;
	[sflag:s16] =	ssyncadd.s32 $0xFFFFF000  }
0xba: {  	[spmem:s2] =	stream.indirect.scatter.add.f32 [tilespmem:s19], [sflag:$0x6], $0x20, s7, s13, $0xb8;
	[tilespmem:$0x122A0] =	vst v63  }
0xbb: {  	_ =	swait.ge [sflag:s30], $0x1000  }
0xbc: {  	[sflag:s30] =	ssyncset.done $0x0  }
0xbd: {  	s7 =	sadd.s32 $0x200, s6;
	[sflag:s30] =	ssyncadd.s32 $0xFFFFF000  }
0xbe: {  	[tilespmem:s14], [sflag:$0x2] =	stream.indirect.gather [spmem:s3], $0x20, s7, s13, $0xb8;
	[tilespmem:$0x122A0] =	vst v63  }
0xbf: {  	_ =	swait.ge [sflag:s15], $0x1000  }
0xc0: {  	[sflag:s15] =	ssyncset.done $0x0  }
0xc1: {  	s7 =	sadd.s32 $0x2980, s6;
	[sflag:s15] =	ssyncadd.s32 $0xFFFFF000  }
0xc2: {  	[spmem:s2] =	stream.indirect.scatter.add.f32 [tilespmem:s10], [sflag:$0x4], $0x20, s7, s13, $0xb8;
	[tilespmem:$0x122A0] =	vst v63  }
0xc3: {  	_ =	swait.ge [sflag:s23], $0x1000  }
0xc4: {  	[sflag:s23] =	ssyncset.done $0x0  }
0xc5: {  	s7 =	sadd.s32 $0x280, s6;
	[sflag:s23] =	ssyncadd.s32 $0xFFFFF000  }
0xc6: {  	[tilespmem:s19], [sflag:$0x3] =	stream.indirect.gather [spmem:s3], $0x20, s7, s13, $0xb8;
	[tilespmem:$0x122A0] =	vst v63  }
0xc7: {  	_ =	swait.ge [sflag:s20], $0x1000  }
0xc8: {  	[sflag:s20] =	ssyncset.done $0x0  }
.Ltmp3:
0xc9: {  	s7 =	sadd.s32 $0x2A00, s6;
	[sflag:s20] =	ssyncadd.s32 $0xFFFFF000;
	(pc) =	sbr.rel @p0 .LBB2_4-.Ltmp3, $4  }
0xca: {  	[spmem:s2] =	stream.indirect.scatter.add.f32 [tilespmem:s14], [sflag:$0x5], $0x20, s7, s13, $0xb8;
	[tilespmem:$0x122A0] =	vst v63  }
0xcb: {  	_ =	swait.ge [sflag:s24], $0x1000  }
0xcc: {  	[sflag:s24] =	ssyncset.done $0x0  }
0xcd: {  	s6 =	sadd.s32 $0x300, s6;
	[sflag:s24] =	ssyncadd.s32 $0xFFFFF000  }
0xce: {  	[tilespmem:s10], [sflag:$0x1] =	stream.indirect.gather [spmem:s3], $0x20, s6, s13, $0xb8;
	[tilespmem:$0x122A0] =	vst v63  }
0xcf: {  	_ =	swait.ge [sflag:s16], $0x1000  }
0xd0: {  	[sflag:s16] =	ssyncset.done $0x0  }
0xd1: {  	s0 =	simm.s32 $0x4E80;
	[sflag:s16] =	ssyncadd.s32 $0xFFFFF000  }
0xd2: {  	[spmem:s2] =	stream.indirect.scatter.add.f32 [tilespmem:s19], [sflag:$0x6], $0x20, s0, s13, $0xb8;
	[tilespmem:$0x122A0] =	vst v63  }
0xd3: {  	_ =	swait.ge [sflag:s30], $0x1000  }
0xd4: {  	[sflag:s30] =	ssyncset.done $0x0  }
0xd5: {  	s6 =	simm.s32 $0x2780;
	[sflag:s30] =	ssyncadd.s32 $0xFFFFF000  }
0xd6: {  	[tilespmem:s14], [sflag:$0x2] =	stream.indirect.gather [spmem:s3], $0x20, s6, s13, $0xb8;
	[tilespmem:$0x122A0] =	vst v63  }
0xd7: {  	_ =	swait.ge [sflag:s15], $0x1000  }
0xd8: {  	[sflag:s15] =	ssyncset.done $0x0  }
0xd9: {  	s7 =	simm.s32 $0x4F00;
	[sflag:s15] =	ssyncadd.s32 $0xFFFFF000  }
0xda: {  	[spmem:s2] =	stream.indirect.scatter.add.f32 [tilespmem:s10], [sflag:$0x4], $0x20, s7, s13, $0xb8;
	[tilespmem:$0x122A0] =	vst v63  }
0xdb: {  	_ =	swait.ge [sflag:s23], $0x1000  }
0xdc: {  	[sflag:s23] =	ssyncset.done $0x0  }
0xdd: {  	[sflag:s23] =	ssyncadd.s32 $0xFFFFF000  }
0xde: {  	_ =	swait.ge [sflag:s20], $0x1000  }
0xdf: {  	[sflag:s20] =	ssyncset.done $0x0  }
0xe0: {  	s5 =	simm.s32 $0x4F80;
	[sflag:s20] =	ssyncadd.s32 $0xFFFFF000  }
0xe1: {  	[spmem:s2] =	stream.indirect.scatter.add.f32 [tilespmem:s14], [sflag:$0x5], $0x20, s5, s13, $0xb8;
	[tilespmem:$0x122A0] =	vst v63  }
0xe2: {  	_ =	swait.ge [sflag:s24], $0x1000  }
0xe3: {  	[sflag:s24] =	ssyncset.done $0x0  }
0xe4: {  	[sflag:s24] =	ssyncadd.s32 $0xFFFFF000  }
0xe5: {  	_ =	swait.ge [sflag:s30], $0x1000  }
0xe6: {  	[sflag:s30] =	ssyncset.done $0x0  }
0xe7: {  	s5 =	simm.s32 $0x0;
	s6 =	rddreg [dreg:$0x9];
	[sflag:s30] =	ssyncadd.s32 $0xFFFFF000  }
0xe8: {  	[tilespmem:s5], [sflag:$0x7] =	stream.linear.gather [hbm4b:s6+s5], $0x2800, $0x38;
	[tilespmem:$0x122A0] =	vst v63  }
0xe9: {  	_ =	swait.ge [sflag:s11], $0x2800  }
0xea: {  	[sflag:s11] =	ssyncset.done $0x0  }
0xeb: {  	s7 =	rddreg [dreg:$0xa];
	[sflag:s11] =	ssyncadd.s32 $0xFFFFD800  }
0xec: {  	[tilespmem:s8], [sflag:$0x7] =	stream.linear.gather [hbm4b:s7+s5], $0x2800, $0x38;
	[tilespmem:$0x122A0] =	vst v63  }
0xed: {  	_ =	swait.ge [sflag:s11], $0x2800  }
0xee: {  	[sflag:s11] =	ssyncset.done $0x0  }
0xef: {  	[sflag:s11] =	ssyncadd.s32 $0xFFFFD800  }
0xf0: {  	[tilespmem:s10], [sflag:$0x1] =	stream.indirect.gather [spmem:s3], $0x20, s5, s13, $0xb8;
	[tilespmem:$0x122A0] =	vst v63  }
0xf1: {  	_ = 	snop  }
0xf2: {  	[tilespmem:s14], [sflag:$0x2] =	stream.indirect.gather [spmem:s3], $0x20, s13, s13, $0xb8;
	[tilespmem:$0x122A0] =	vst v63  }
0xf3: {  	_ =	swait.ge [sflag:s15], $0x1000  }
0xf4: {  	[sflag:s15] =	ssyncset.done $0x0  }
0xf5: {  	[sflag:s15] =	ssyncadd.s32 $0xFFFFF000  }
0xf6: {  	[spmem:s2] =	stream.indirect.scatter.add.f32 [tilespmem:s10], [sflag:$0x4], $0x20, s8, s13, $0xb8;
	[tilespmem:$0x122A0] =	vst v63  }
0xf7: {  	_ = 	snop  }
0xf8: {  	[tilespmem:s19], [sflag:$0x3] =	stream.indirect.gather [spmem:s3], $0x20, s12, s13, $0xb8;
	[tilespmem:$0x122A0] =	vst v63  }
0xf9: {  	_ =	swait.ge [sflag:s20], $0x1000  }
0xfa: {  	[sflag:s20] =	ssyncset.done $0x0  }
0xfb: {  	[sflag:s20] =	ssyncadd.s32 $0xFFFFF000  }
0xfc: {  	[spmem:s2] =	stream.indirect.scatter.add.f32 [tilespmem:s14], [sflag:$0x5], $0x20, s18, s13, $0xb8;
	[tilespmem:$0x122A0] =	vst v63  }
0xfd: {  	_ =	swait.ge [sflag:s24], $0x1000  }
0xfe: {  	[sflag:s24] =	ssyncset.done $0x0  }
0xff: {  	s5 =	simm.s32 $0x180;
	[sflag:s24] =	ssyncadd.s32 $0xFFFFF000  }
0x100: {  	[tilespmem:s10], [sflag:$0x1] =	stream.indirect.gather [spmem:s3], $0x20, s5, s13, $0xb8;
	[tilespmem:$0x122A0] =	vst v63  }
0x101: {  	_ =	swait.ge [sflag:s16], $0x1000  }
0x102: {  	[sflag:s16] =	ssyncset.done $0x0  }
0x103: {  	s6 =	simm.s32 $0x2900;
	[sflag:s16] =	ssyncadd.s32 $0xFFFFF000  }
0x104: {  	[spmem:s2] =	stream.indirect.scatter.add.f32 [tilespmem:s19], [sflag:$0x6], $0x20, s6, s13, $0xb8;
	[tilespmem:$0x122A0] =	vst v63  }
0x105: {  	_ =	swait.ge [sflag:s30], $0x1000  }
0x106: {  	[sflag:s30] =	ssyncset.done $0x0  }
0x107: {  	s7 =	simm.s32 $0x200;
	[sflag:s30] =	ssyncadd.s32 $0xFFFFF000  }
0x108: {  	[tilespmem:s14], [sflag:$0x2] =	stream.indirect.gather [spmem:s3], $0x20, s7, s13, $0xb8;
	[tilespmem:$0x122A0] =	vst v63  }
0x109: {  	_ =	swait.ge [sflag:s15], $0x1000  }
0x10a: {  	[sflag:s15] =	ssyncset.done $0x0  }
0x10b: {  	s8 =	simm.s32 $0x2980;
	[sflag:s15] =	ssyncadd.s32 $0xFFFFF000  }
0x10c: {  	[spmem:s2] =	stream.indirect.scatter.add.f32 [tilespmem:s10], [sflag:$0x4], $0x20, s8, s13, $0xb8;
	[tilespmem:$0x122A0] =	vst v63  }
0x10d: {  	_ =	swait.ge [sflag:s23], $0x1000  }
0x10e: {  	[sflag:s23] =	ssyncset.done $0x0  }
0x10f: {  	s12 =	simm.s32 $0x280;
	[sflag:s23] =	ssyncadd.s32 $0xFFFFF000  }
0x110: {  	[tilespmem:s19], [sflag:$0x3] =	stream.indirect.gather [spmem:s3], $0x20, s12, s13, $0xb8;
	[tilespmem:$0x122A0] =	vst v63  }
0x111: {  	_ =	swait.ge [sflag:s20], $0x1000  }
0x112: {  	[sflag:s20] =	ssyncset.done $0x0  }
0x113: {  	s18 =	simm.s32 $0x2A00;
	[sflag:s20] =	ssyncadd.s32 $0xFFFFF000  }
0x114: {  	[spmem:s2] =	stream.indirect.scatter.add.f32 [tilespmem:s14], [sflag:$0x5], $0x20, s18, s13, $0xb8;
	[tilespmem:$0x122A0] =	vst v63  }
0x115: {  	_ =	swait.ge [sflag:s24], $0x1000  }
0x116: {  	[sflag:s24] =	ssyncset.done $0x0  }
0x117: {  	s5 =	simm.s32 $0x600;
	s6 =	simm.s32 $0x300;
	[sflag:s24] =	ssyncadd.s32 $0xFFFFF000  }
.LBB2_6:
0x118: {  	[tilespmem:s10], [sflag:$0x1] =	stream.indirect.gather [spmem:s3], $0x20, s6, s13, $0xb8;
	[tilespmem:$0x122A0] =	vst v63  }
0x119: {  	s6 =	smov.u32 s5  }
0x11a: {  	p0 =	sne.s32 s5, $0x9000;
	s5 =	sadd.s32 $0x600, s5;
	_ =	swait.ge [sflag:s16], $0x1000  }
0x11b: {  	s6 =	sshra.s32 s6, $0x2;
	[sflag:s16] =	ssyncset.done $0x0  }
0x11c: {  	s7 =	sadd.s32 $0x2900, s6;
	[sflag:s16] =	ssyncadd.s32 $0xFFFFF000  }
0x11d: {  	[spmem:s2] =	stream.indirect.scatter.add.f32 [tilespmem:s19], [sflag:$0x6], $0x20, s7, s13, $0xb8;
	[tilespmem:$0x122A0] =	vst v63  }
0x11e: {  	_ =	swait.ge [sflag:s30], $0x1000  }
0x11f: {  	[sflag:s30] =	ssyncset.done $0x0  }
0x120: {  	s7 =	sadd.s32 $0x200, s6;
	[sflag:s30] =	ssyncadd.s32 $0xFFFFF000  }
0x121: {  	[tilespmem:s14], [sflag:$0x2] =	stream.indirect.gather [spmem:s3], $0x20, s7, s13, $0xb8;
	[tilespmem:$0x122A0] =	vst v63  }
0x122: {  	_ =	swait.ge [sflag:s15], $0x1000  }
0x123: {  	[sflag:s15] =	ssyncset.done $0x0  }
0x124: {  	s7 =	sadd.s32 $0x2980, s6;
	[sflag:s15] =	ssyncadd.s32 $0xFFFFF000  }
0x125: {  	[spmem:s2] =	stream.indirect.scatter.add.f32 [tilespmem:s10], [sflag:$0x4], $0x20, s7, s13, $0xb8;
	[tilespmem:$0x122A0] =	vst v63  }
0x126: {  	_ =	swait.ge [sflag:s23], $0x1000  }
0x127: {  	[sflag:s23] =	ssyncset.done $0x0  }
0x128: {  	s7 =	sadd.s32 $0x280, s6;
	[sflag:s23] =	ssyncadd.s32 $0xFFFFF000  }
0x129: {  	[tilespmem:s19], [sflag:$0x3] =	stream.indirect.gather [spmem:s3], $0x20, s7, s13, $0xb8;
	[tilespmem:$0x122A0] =	vst v63  }
0x12a: {  	_ =	swait.ge [sflag:s20], $0x1000  }
0x12b: {  	[sflag:s20] =	ssyncset.done $0x0  }
.Ltmp4:
0x12c: {  	s7 =	sadd.s32 $0x2A00, s6;
	[sflag:s20] =	ssyncadd.s32 $0xFFFFF000;
	(pc) =	sbr.rel @p0 .LBB2_6-.Ltmp4, $4  }
0x12d: {  	[spmem:s2] =	stream.indirect.scatter.add.f32 [tilespmem:s14], [sflag:$0x5], $0x20, s7, s13, $0xb8;
	[tilespmem:$0x122A0] =	vst v63  }
0x12e: {  	_ =	swait.ge [sflag:s24], $0x1000  }
0x12f: {  	[sflag:s24] =	ssyncset.done $0x0  }
0x130: {  	s6 =	sadd.s32 $0x300, s6;
	[sflag:s24] =	ssyncadd.s32 $0xFFFFF000  }
0x131: {  	[tilespmem:s10], [sflag:$0x1] =	stream.indirect.gather [spmem:s3], $0x20, s6, s13, $0xb8;
	[tilespmem:$0x122A0] =	vst v63  }
0x132: {  	_ =	swait.ge [sflag:s16], $0x1000  }
0x133: {  	[sflag:s16] =	ssyncset.done $0x0  }
0x134: {  	s0 =	simm.s32 $0x4E80;
	[sflag:s16] =	ssyncadd.s32 $0xFFFFF000  }
0x135: {  	[spmem:s2] =	stream.indirect.scatter.add.f32 [tilespmem:s19], [sflag:$0x6], $0x20, s0, s13, $0xb8;
	[tilespmem:$0x122A0] =	vst v63  }
0x136: {  	_ =	swait.ge [sflag:s30], $0x1000  }
0x137: {  	[sflag:s30] =	ssyncset.done $0x0  }
0x138: {  	s5 =	simm.s32 $0x2780;
	[sflag:s30] =	ssyncadd.s32 $0xFFFFF000  }
0x139: {  	[tilespmem:s14], [sflag:$0x2] =	stream.indirect.gather [spmem:s3], $0x20, s5, s13, $0xb8;
	[tilespmem:$0x122A0] =	vst v63  }
0x13a: {  	_ =	swait.ge [sflag:s15], $0x1000  }
0x13b: {  	[sflag:s15] =	ssyncset.done $0x0  }
0x13c: {  	s6 =	simm.s32 $0x4F00;
	[sflag:s15] =	ssyncadd.s32 $0xFFFFF000  }
0x13d: {  	[spmem:s2] =	stream.indirect.scatter.add.f32 [tilespmem:s10], [sflag:$0x4], $0x20, s6, s13, $0xb8;
	[tilespmem:$0x122A0] =	vst v63  }
0x13e: {  	_ =	swait.ge [sflag:s23], $0x1000  }
0x13f: {  	[sflag:s23] =	ssyncset.done $0x0  }
0x140: {  	[sflag:s23] =	ssyncadd.s32 $0xFFFFF000  }
0x141: {  	_ =	swait.ge [sflag:s20], $0x1000  }
0x142: {  	[sflag:s20] =	ssyncset.done $0x0  }
0x143: {  	s7 =	simm.s32 $0x4F80;
	[sflag:s20] =	ssyncadd.s32 $0xFFFFF000  }
0x144: {  	[spmem:s2] =	stream.indirect.scatter.add.f32 [tilespmem:s14], [sflag:$0x5], $0x20, s7, s13, $0xb8;
	[tilespmem:$0x122A0] =	vst v63  }
0x145: {  	_ =	swait.ge [sflag:s24], $0x1000  }
0x146: {  	[sflag:s24] =	ssyncset.done $0x0  }
0x147: {  	[sflag:s24] =	ssyncadd.s32 $0xFFFFF000  }
0x148: {  	_ =	swait.ge [sflag:s30], $0x1000  }
0x149: {  	[sflag:s30] =	ssyncset.done $0x0  }
0x14a: {  	[sflag:s30] =	ssyncadd.s32 $0xFFFFF000  }
0x14b: {  	[bflag:$0x0] =	sbarrier.arrive $0xFFFF  }
0x14c: {  	s5 =	simm.s32 $0x0;
	s8 =	rddreg [dreg:$0xb]  }
0x14d: {  	[tilespmem:s26], [sflag:$0x7] =	stream.linear.gather [hbm4b:s8+s5], $0x280, $0x38;
	[tilespmem:$0x122A0] =	vst v63  }
0x14e: {  	_ =	swait.ge [sflag:s11], $0x280  }
0x14f: {  	[sflag:s11] =	ssyncset.done $0x0  }
0x150: {  	s18 =	simm.s32 $0x8280;
	s12 =	rddreg [dreg:$0xc];
	[sflag:s11] =	ssyncadd.s32 $0xFFFFFD80  }
0x151: {  	[tilespmem:s18], [sflag:$0x7] =	stream.linear.gather [hbm4b:s12+s5], $0x20, $0x38;
	[tilespmem:$0x122A0] =	vst v63  }
0x152: {  	_ =	swait.ge [sflag:s11], $0x20  }
0x153: {  	[sflag:s11] =	ssyncset.done $0x0  }
0x154: {  	[sflag:s11] =	ssyncadd.s32 $0xFFFFFFE0  }
0x155: {  	v2 =	vld [tilespmem:$0x8280]  }
0x156: {  	v1 =	vld [tilespmem:$0x8290];
	[tilespmem:s10], [sflag:$0x7] =	stream.linear.gather [spmem:s22], $0x1000, $0x38  }
0x157: {  	_ =	swait.ge [sflag:s11], $0x1000  }
0x158: {  	[sflag:s11] =	ssyncset.done $0x0  }
0x159: {  	[sflag:s11] =	ssyncadd.s32 $0xFFFFF000  }
0x15a: {  	[tilespmem:s14], [sflag:$0x7] =	stream.linear.gather [spmem:s31], $0x1000, $0x38;
	[tilespmem:$0x122A0] =	vst v63  }
0x15b: {  	_ =	swait.ge [sflag:s11], $0x1000  }
0x15c: {  	v3 =	vmov s5;
	[sflag:s11] =	ssyncset.done $0x0  }
0x15d: {  	s8 =	simm.s32 $0x6010;
	[sflag:s11] =	ssyncadd.s32 $0xFFFFF000  }
0x15e: {  	s12 =	smov.u32 s22;
	s22 =	simm.s32 $0x5010;
	v4 =	vld [tilespmem:s8+$0xFFFFFFF0]  }
0x15f: {  	v5 =	vld [tilespmem:s22+$0xFFFFFFF0];
	_ =	sdelay $0x1  }
0x160: {  	v3 =	vld.idx.msk [tilespmem:v3+s26+$0x0], $0xffff;
	_ =	sdelay $0x2  }
0x161: {  	v4 =	vadd.f32 v4, v5;
	_ =	sdelay $0x1  }
0x162: {  	v4 =	vmul.f32 v4, v3;
	_ =	sdelay $0x1  }
0x163: {  	v4 =	vadd.f32 v4, v2  }
0x164: {  	s5 =	simm.s32 $0x7010  }
0x165: {  	[tilespmem:s5+$0xFFFFFFF0] =	vst v4  }
0x166: {  	v4 =	vld [tilespmem:s22+$0x0]  }
0x167: {  	v5 =	vld [tilespmem:s8+$0x0];
	_ =	sdelay $0x4  }
0x168: {  	v4 =	vadd.f32 v5, v4;
	_ =	sdelay $0x1  }
0x169: {  	v4 =	vmul.f32 v4, v3  }
0x16a: {  	s0 =	smov.u32 s31;
	s31 =	simm.s32 $0x1  }
0x16b: {  	s6 =	simm.s32 $0x5030;
	s7 =	simm.s32 $0x7010;
	s18 =	simm.s32 $0x2;
	v3 =	vmov s31;
	v4 =	vadd.f32 v4, v1  }
.LBB2_8:
0x16c: {  	s8 =	sadd.s32 $0x20, s8  }
0x16d: {  	s5 =	sadd.s32 $0x20, s5;
	s22 =	smov.u32 s18;
	s31 =	sadd.s32 $0x1, s18  }
0x16e: {  	p0 =	sne.s32 s18, $0x7F;
	[tilespmem:s7+$0x0] =	vst v4;
	s7 =	smov.u32 s5  }
0x16f: {  	v4 =	vld [tilespmem:s8+$0xFFFFFFF0]  }
0x170: {  	v5 =	vld [tilespmem:s6+$0xFFFFFFF0]  }
0x171: {  	v3 =	vld.idx.msk [tilespmem:v3+s26+$0x0], $0xffff;
	_ =	sdelay $0x3  }
0x172: {  	v4 =	vadd.f32 v4, v5;
	_ =	sdelay $0x1  }
0x173: {  	v4 =	vmul.f32 v4, v3;
	_ =	sdelay $0x1  }
0x174: {  	v4 =	vadd.f32 v4, v2;
	_ =	sdelay $0x1  }
0x175: {  	[tilespmem:s5+$0xFFFFFFF0] =	vst v4  }
0x176: {  	v4 =	vld [tilespmem:s6+$0x0]  }
0x177: {  	v5 =	vld [tilespmem:s8+$0x0];
	_ =	sdelay $0x4  }
.Ltmp5:
0x178: {  	v4 =	vadd.f32 v5, v4;
	(pc) =	sbr.rel @p0 .LBB2_8-.Ltmp5, $3  }
0x179: {  	_ = 	snop  }
0x17a: {  	v4 =	vmul.f32 v4, v3;
	_ =	sdelay $0x1  }
0x17b: {  	s18 =	smov.u32 s31;
	s6 =	sadd.s32 $0x20, s6;
	v3 =	vmov s22;
	v4 =	vadd.f32 v4, v1  }
0x17c: {  	_ = 	snop  }
0x17d: {  	s8 =	sadd.s32 $0x20, s8;
	[tilespmem:s7+$0x0] =	vst v4  }
0x17e: {  	v4 =	vld [tilespmem:s8+$0xFFFFFFF0]  }
0x17f: {  	v5 =	vld [tilespmem:s6+$0xFFFFFFF0];
	_ =	sdelay $0x1  }
0x180: {  	v3 =	vld.idx.msk [tilespmem:v3+s26+$0x0], $0xffff;
	_ =	sdelay $0x2  }
0x181: {  	v4 =	vadd.f32 v4, v5;
	_ =	sdelay $0x1  }
0x182: {  	v4 =	vmul.f32 v4, v3;
	_ =	sdelay $0x1  }
0x183: {  	v4 =	vadd.f32 v4, v2  }
0x184: {  	s5 =	sadd.s32 $0x20, s5  }
0x185: {  	[tilespmem:s5+$0xFFFFFFF0] =	vst v4  }
0x186: {  	v4 =	vld [tilespmem:s6+$0x0]  }
0x187: {  	v63 =	vld [tilespmem:s8+$0x0];
	_ =	sdelay $0x4  }
0x188: {  	v4 =	vadd.f32 v63, v4;
	_ =	sdelay $0x1  }
0x189: {  	v3 =	vmul.f32 v4, v3;
	_ =	sdelay $0x1  }
0x18a: {  	v3 =	vadd.f32 v3, v1  }
0x18b: {  	s7 =	simm.s32 @!p1 $0x7000  }
0x18c: {  	s6 =	simm.s32 @!p1 $0x28;
	s8 =	rddreg [dreg:$0x15];
	[tilespmem:s5+$0x0] =	vst v3;
	s5 =	simm.s32 @!p1 $0x20  }
0x18d: {  	[hbm4b:s8+s5] =	stream.strided.scatter @!p1 [tilespmem:s7], [sflag:$0x7], $0x1000, s6, s5, $0x38;
	[tilespmem:$0x122A0] =	vst v63  }
0x18e: {  	s5 =	simm.s32 @!p1 $0x7  }
0x18f: {  	_ =	swait.ge @!p1 [sflag:s5], $0x1000  }
0x190: {  	s31 =	sld [smem:$0x7FD];
	_ =	sdelay $0x2  }
0x191: {  	p0 =	seq.s32 s31, $0x1  }
.Ltmp6:
0x192: {  	_ = 	snop;
	(pc) =	sbr.rel @!p0 .LBB2_13-.Ltmp6, $3  }
0x193: {  	_ =	sdelay $0x1  }
0x194: {  	[sflag:s5] =	ssyncset.done @!p1 $0x0  }
0x195: {  	[sflag:s5] =	ssyncadd.s32 @!p1 $0xFFFFF000  }
0x196: {  	s5 =	simm.s32 $0x7000  }
0x197: {  	s6 =	simm.s32 $0x5;
	s8 =	sadd.s32 $0x0, s28;
	s7 =	simm.s32 $0x7020  }
.LBB2_11:
0x198: {  	[hbm4b:s8+s4] =	stream.linear.scatter [tilespmem:s5], [sflag:$0x7], $0x8, $0x38;
	[tilespmem:$0x122A0] =	vst v63  }
0x199: {  	s8 =	smov.u32 s6;
	s5 =	smov.u32 s7;
	p0 =	sne.s32 s6, $0x27B  }
.Ltmp7:
0x19a: {  	s6 =	sadd.s32 $0x5, s6;
	(pc) =	sbr.rel @p0 .LBB2_11-.Ltmp7, $2  }
0x19b: {  	_ =	sdelay $0x2  }
0x19c: {  	s7 =	sadd.s32 $0x20, s7;
	s8 =	sadd.s32 s8, s28  }
0x19d: {  	[hbm4b:s8+s4] =	stream.linear.scatter [tilespmem:s5], [sflag:$0x7], $0x8, $0x38;
	[tilespmem:$0x122A0] =	vst v63  }
0x19e: {  	_ =	swait.ge [sflag:s11], $0x400  }
0x19f: {  	[sflag:s11] =	ssyncset.done $0x0  }
0x1a0: {  	[sflag:s11] =	ssyncadd.s32 $0xFFFFFC00  }
.LBB2_13:
0x1a1: {  	s5 =	rddreg [dreg:$0x5]  }
0x1a2: {  	[tilespmem:s10], [sflag:$0x7] =	stream.linear.gather [spmem:s5], $0x1000, $0x38;
	[tilespmem:$0x122A0] =	vst v63  }
0x1a3: {  	_ =	swait.ge [sflag:s11], $0x1000  }
0x1a4: {  	[sflag:s11] =	ssyncset.done $0x0  }
0x1a5: {  	s18 =	rddreg [dreg:$0xd];
	[sflag:s11] =	ssyncadd.s32 $0xFFFFF000  }
0x1a6: {  	[tilespmem:s14], [sflag:$0x7] =	stream.linear.gather [spmem:s18], $0x1000, $0x38;
	[tilespmem:$0x122A0] =	vst v63  }
0x1a7: {  	s22 =	simm.s32 $0x80;
	_ =	swait.ge [sflag:s11], $0x1000  }
0x1a8: {  	v3 =	vmov s22;
	[sflag:s11] =	ssyncset.done $0x0  }
0x1a9: {  	s5 =	simm.s32 $0x6010;
	[sflag:s11] =	ssyncadd.s32 $0xFFFFF000  }
0x1aa: {  	s6 =	simm.s32 $0x5010;
	v4 =	vld [tilespmem:s5+$0xFFFFFFF0]  }
0x1ab: {  	v5 =	vld [tilespmem:s6+$0xFFFFFFF0];
	_ =	sdelay $0x1  }
0x1ac: {  	v3 =	vld.idx.msk [tilespmem:v3+s26+$0x0], $0xffff;
	_ =	sdelay $0x2  }
0x1ad: {  	v4 =	vadd.f32 v4, v5;
	_ =	sdelay $0x1  }
0x1ae: {  	v4 =	vmul.f32 v4, v3;
	_ =	sdelay $0x1  }
0x1af: {  	v4 =	vadd.f32 v4, v2  }
0x1b0: {  	s8 =	simm.s32 $0x7010  }
0x1b1: {  	[tilespmem:s8+$0xFFFFFFF0] =	vst v4  }
0x1b2: {  	v4 =	vld [tilespmem:s6+$0x0]  }
0x1b3: {  	v5 =	vld [tilespmem:s5+$0x0];
	_ =	sdelay $0x4  }
0x1b4: {  	v4 =	vadd.f32 v5, v4;
	_ =	sdelay $0x1  }
0x1b5: {  	v4 =	vmul.f32 v4, v3  }
0x1b6: {  	s31 =	simm.s32 $0x81  }
0x1b7: {  	s7 =	simm.s32 $0x7010;
	s18 =	simm.s32 $0x82;
	s6 =	simm.s32 $0x5030;
	v3 =	vmov s31;
	v4 =	vadd.f32 v4, v1  }
.LBB2_14:
0x1b8: {  	s5 =	sadd.s32 $0x20, s5  }
0x1b9: {  	s8 =	sadd.s32 $0x20, s8;
	s22 =	smov.u32 s18;
	s31 =	sadd.s32 $0x1, s18  }
0x1ba: {  	p0 =	sne.s32 s18, $0xFF;
	[tilespmem:s7+$0x0] =	vst v4;
	s7 =	smov.u32 s8  }
0x1bb: {  	v4 =	vld [tilespmem:s5+$0xFFFFFFF0]  }
0x1bc: {  	v5 =	vld [tilespmem:s6+$0xFFFFFFF0]  }
0x1bd: {  	v3 =	vld.idx.msk [tilespmem:v3+s26+$0x0], $0xffff;
	_ =	sdelay $0x3  }
0x1be: {  	v4 =	vadd.f32 v4, v5;
	_ =	sdelay $0x1  }
0x1bf: {  	v4 =	vmul.f32 v4, v3;
	_ =	sdelay $0x1  }
0x1c0: {  	v4 =	vadd.f32 v4, v2;
	_ =	sdelay $0x1  }
0x1c1: {  	[tilespmem:s8+$0xFFFFFFF0] =	vst v4  }
0x1c2: {  	v4 =	vld [tilespmem:s6+$0x0]  }
0x1c3: {  	v5 =	vld [tilespmem:s5+$0x0];
	_ =	sdelay $0x4  }
.Ltmp8:
0x1c4: {  	v4 =	vadd.f32 v5, v4;
	(pc) =	sbr.rel @p0 .LBB2_14-.Ltmp8, $3  }
0x1c5: {  	_ = 	snop  }
0x1c6: {  	v4 =	vmul.f32 v4, v3;
	_ =	sdelay $0x1  }
0x1c7: {  	s18 =	smov.u32 s31;
	s6 =	sadd.s32 $0x20, s6;
	v3 =	vmov s22;
	v4 =	vadd.f32 v4, v1  }
0x1c8: {  	_ = 	snop  }
0x1c9: {  	s5 =	sadd.s32 $0x20, s5;
	[tilespmem:s7+$0x0] =	vst v4  }
0x1ca: {  	v4 =	vld [tilespmem:s5+$0xFFFFFFF0]  }
0x1cb: {  	v5 =	vld [tilespmem:s6+$0xFFFFFFF0];
	_ =	sdelay $0x1  }
0x1cc: {  	v3 =	vld.idx.msk [tilespmem:v3+s26+$0x0], $0xffff;
	_ =	sdelay $0x2  }
0x1cd: {  	v4 =	vadd.f32 v4, v5;
	_ =	sdelay $0x1  }
0x1ce: {  	v4 =	vmul.f32 v4, v3;
	_ =	sdelay $0x1  }
0x1cf: {  	v4 =	vadd.f32 v4, v2  }
0x1d0: {  	s22 =	sadd.s32 $0x20, s8  }
0x1d1: {  	[tilespmem:s22+$0xFFFFFFF0] =	vst v4  }
0x1d2: {  	v4 =	vld [tilespmem:s6+$0x0]  }
0x1d3: {  	v63 =	vld [tilespmem:s5+$0x0];
	_ =	sdelay $0x4  }
0x1d4: {  	v4 =	vadd.f32 v63, v4;
	_ =	sdelay $0x1  }
0x1d5: {  	v3 =	vmul.f32 v4, v3;
	_ =	sdelay $0x1  }
0x1d6: {  	v3 =	vadd.f32 v3, v1  }
0x1d7: {  	s8 =	rddreg [dreg:$0xe]  }
0x1d8: {  	s7 =	simm.s32 @!p1 $0x7000;
	s5 =	simm.s32 @!p1 $0x20;
	s6 =	simm.s32 @!p1 $0x28;
	[tilespmem:s22+$0x0] =	vst v3  }
0x1d9: {  	[hbm4b:s8+s5] =	stream.strided.scatter @!p1 [tilespmem:s7], [sflag:$0x7], $0x1000, s6, s5, $0x38;
	[tilespmem:$0x122A0] =	vst v63  }
0x1da: {  	s5 =	simm.s32 @!p1 $0x7  }
0x1db: {  	_ =	swait.ge @!p1 [sflag:s5], $0x1000  }
0x1dc: {  	s31 =	sld [smem:$0x7FD];
	_ =	sdelay $0x2  }
0x1dd: {  	p0 =	seq.s32 s31, $0x1  }
.Ltmp9:
0x1de: {  	_ = 	snop;
	(pc) =	sbr.rel @!p0 .LBB2_19-.Ltmp9, $3  }
0x1df: {  	_ =	sdelay $0x1  }
0x1e0: {  	[sflag:s5] =	ssyncset.done @!p1 $0x0  }
0x1e1: {  	[sflag:s5] =	ssyncadd.s32 @!p1 $0xFFFFF000  }
0x1e2: {  	s5 =	simm.s32 $0x7000  }
0x1e3: {  	s6 =	simm.s32 $0x5;
	s8 =	sadd.s32 $0x0, s17;
	s7 =	simm.s32 $0x7020  }
.LBB2_17:
0x1e4: {  	[hbm4b:s8+s4] =	stream.linear.scatter [tilespmem:s5], [sflag:$0x7], $0x8, $0x38;
	[tilespmem:$0x122A0] =	vst v63  }
0x1e5: {  	s8 =	smov.u32 s6;
	s5 =	smov.u32 s7;
	p0 =	sne.s32 s6, $0x27B  }
.Ltmp10:
0x1e6: {  	s6 =	sadd.s32 $0x5, s6;
	(pc) =	sbr.rel @p0 .LBB2_17-.Ltmp10, $2  }
0x1e7: {  	_ =	sdelay $0x2  }
0x1e8: {  	s7 =	sadd.s32 $0x20, s7;
	s8 =	sadd.s32 s8, s17  }
0x1e9: {  	[hbm4b:s8+s4] =	stream.linear.scatter [tilespmem:s5], [sflag:$0x7], $0x8, $0x38;
	[tilespmem:$0x122A0] =	vst v63  }
0x1ea: {  	_ =	swait.ge [sflag:s11], $0x400  }
0x1eb: {  	[sflag:s11] =	ssyncset.done $0x0  }
0x1ec: {  	[sflag:s11] =	ssyncadd.s32 $0xFFFFFC00  }
.LBB2_19:
0x1ed: {  	s5 =	rddreg [dreg:$0xf]  }
0x1ee: {  	[tilespmem:s10], [sflag:$0x7] =	stream.linear.gather [spmem:s5], $0x1000, $0x38;
	[tilespmem:$0x122A0] =	vst v63  }
0x1ef: {  	_ =	swait.ge [sflag:s11], $0x1000  }
0x1f0: {  	[sflag:s11] =	ssyncset.done $0x0  }
0x1f1: {  	s18 =	rddreg [dreg:$0x10];
	[sflag:s11] =	ssyncadd.s32 $0xFFFFF000  }
0x1f2: {  	[tilespmem:s14], [sflag:$0x7] =	stream.linear.gather [spmem:s18], $0x1000, $0x38;
	[tilespmem:$0x122A0] =	vst v63  }
0x1f3: {  	s22 =	simm.s32 $0x100;
	_ =	swait.ge [sflag:s11], $0x1000  }
0x1f4: {  	v3 =	vmov s22;
	[sflag:s11] =	ssyncset.done $0x0  }
0x1f5: {  	s5 =	simm.s32 $0x6010;
	[sflag:s11] =	ssyncadd.s32 $0xFFFFF000  }
0x1f6: {  	s6 =	simm.s32 $0x5010;
	v4 =	vld [tilespmem:s5+$0xFFFFFFF0]  }
0x1f7: {  	v5 =	vld [tilespmem:s6+$0xFFFFFFF0];
	_ =	sdelay $0x1  }
0x1f8: {  	v3 =	vld.idx.msk [tilespmem:v3+s26+$0x0], $0xffff;
	_ =	sdelay $0x2  }
0x1f9: {  	v4 =	vadd.f32 v4, v5;
	_ =	sdelay $0x1  }
0x1fa: {  	v4 =	vmul.f32 v4, v3;
	_ =	sdelay $0x1  }
0x1fb: {  	v4 =	vadd.f32 v4, v2  }
0x1fc: {  	s8 =	simm.s32 $0x7010  }
0x1fd: {  	[tilespmem:s8+$0xFFFFFFF0] =	vst v4  }
0x1fe: {  	v4 =	vld [tilespmem:s6+$0x0]  }
0x1ff: {  	v5 =	vld [tilespmem:s5+$0x0];
	_ =	sdelay $0x4  }
0x200: {  	v4 =	vadd.f32 v5, v4;
	_ =	sdelay $0x1  }
0x201: {  	v4 =	vmul.f32 v4, v3  }
0x202: {  	s31 =	simm.s32 $0x101  }
0x203: {  	s7 =	simm.s32 $0x7010;
	s18 =	simm.s32 $0x102;
	s6 =	simm.s32 $0x5030;
	v3 =	vmov s31;
	v4 =	vadd.f32 v4, v1  }
.LBB2_20:
0x204: {  	s5 =	sadd.s32 $0x20, s5  }
0x205: {  	s8 =	sadd.s32 $0x20, s8;
	s22 =	smov.u32 s18;
	s31 =	sadd.s32 $0x1, s18  }
0x206: {  	p0 =	sne.s32 s18, $0x17F;
	[tilespmem:s7+$0x0] =	vst v4;
	s7 =	smov.u32 s8  }
0x207: {  	v4 =	vld [tilespmem:s5+$0xFFFFFFF0]  }
0x208: {  	v5 =	vld [tilespmem:s6+$0xFFFFFFF0]  }
0x209: {  	v3 =	vld.idx.msk [tilespmem:v3+s26+$0x0], $0xffff;
	_ =	sdelay $0x3  }
0x20a: {  	v4 =	vadd.f32 v4, v5;
	_ =	sdelay $0x1  }
0x20b: {  	v4 =	vmul.f32 v4, v3;
	_ =	sdelay $0x1  }
0x20c: {  	v4 =	vadd.f32 v4, v2;
	_ =	sdelay $0x1  }
0x20d: {  	[tilespmem:s8+$0xFFFFFFF0] =	vst v4  }
0x20e: {  	v4 =	vld [tilespmem:s6+$0x0]  }
0x20f: {  	v5 =	vld [tilespmem:s5+$0x0];
	_ =	sdelay $0x4  }
.Ltmp11:
0x210: {  	v4 =	vadd.f32 v5, v4;
	(pc) =	sbr.rel @p0 .LBB2_20-.Ltmp11, $3  }
0x211: {  	_ = 	snop  }
0x212: {  	v4 =	vmul.f32 v4, v3;
	_ =	sdelay $0x1  }
0x213: {  	s18 =	smov.u32 s31;
	s6 =	sadd.s32 $0x20, s6;
	v3 =	vmov s22;
	v4 =	vadd.f32 v4, v1  }
0x214: {  	_ = 	snop  }
0x215: {  	s5 =	sadd.s32 $0x20, s5;
	[tilespmem:s7+$0x0] =	vst v4  }
0x216: {  	v4 =	vld [tilespmem:s5+$0xFFFFFFF0]  }
0x217: {  	v5 =	vld [tilespmem:s6+$0xFFFFFFF0];
	_ =	sdelay $0x1  }
0x218: {  	v3 =	vld.idx.msk [tilespmem:v3+s26+$0x0], $0xffff;
	_ =	sdelay $0x2  }
0x219: {  	v4 =	vadd.f32 v4, v5;
	_ =	sdelay $0x1  }
0x21a: {  	v4 =	vmul.f32 v4, v3;
	_ =	sdelay $0x1  }
0x21b: {  	v4 =	vadd.f32 v4, v2  }
0x21c: {  	s22 =	sadd.s32 $0x20, s8  }
0x21d: {  	[tilespmem:s22+$0xFFFFFFF0] =	vst v4  }
0x21e: {  	v4 =	vld [tilespmem:s6+$0x0]  }
0x21f: {  	v63 =	vld [tilespmem:s5+$0x0];
	_ =	sdelay $0x4  }
0x220: {  	v4 =	vadd.f32 v63, v4;
	_ =	sdelay $0x1  }
0x221: {  	v3 =	vmul.f32 v4, v3;
	_ =	sdelay $0x1  }
0x222: {  	v3 =	vadd.f32 v3, v1  }
0x223: {  	s8 =	rddreg [dreg:$0x11]  }
0x224: {  	s7 =	simm.s32 @!p1 $0x7000;
	s5 =	simm.s32 @!p1 $0x20;
	s6 =	simm.s32 @!p1 $0x28;
	[tilespmem:s22+$0x0] =	vst v3  }
0x225: {  	[hbm4b:s8+s5] =	stream.strided.scatter @!p1 [tilespmem:s7], [sflag:$0x7], $0x1000, s6, s5, $0x38;
	[tilespmem:$0x122A0] =	vst v63  }
0x226: {  	s5 =	simm.s32 @!p1 $0x7  }
0x227: {  	_ =	swait.ge @!p1 [sflag:s5], $0x1000  }
0x228: {  	s31 =	sld [smem:$0x7FD];
	_ =	sdelay $0x2  }
0x229: {  	p0 =	seq.s32 s31, $0x1  }
.Ltmp12:
0x22a: {  	_ = 	snop;
	(pc) =	sbr.rel @!p0 .LBB2_25-.Ltmp12, $3  }
0x22b: {  	_ =	sdelay $0x1  }
0x22c: {  	[sflag:s5] =	ssyncset.done @!p1 $0x0  }
0x22d: {  	[sflag:s5] =	ssyncadd.s32 @!p1 $0xFFFFF000  }
0x22e: {  	s5 =	simm.s32 $0x7000  }
0x22f: {  	s6 =	simm.s32 $0x5;
	s8 =	sadd.s32 $0x0, s21;
	s7 =	simm.s32 $0x7020  }
.LBB2_23:
0x230: {  	[hbm4b:s8+s4] =	stream.linear.scatter [tilespmem:s5], [sflag:$0x7], $0x8, $0x38;
	[tilespmem:$0x122A0] =	vst v63  }
0x231: {  	s8 =	smov.u32 s6;
	s5 =	smov.u32 s7;
	p0 =	sne.s32 s6, $0x27B  }
.Ltmp13:
0x232: {  	s6 =	sadd.s32 $0x5, s6;
	(pc) =	sbr.rel @p0 .LBB2_23-.Ltmp13, $2  }
0x233: {  	_ =	sdelay $0x2  }
0x234: {  	s7 =	sadd.s32 $0x20, s7;
	s8 =	sadd.s32 s8, s21  }
0x235: {  	[hbm4b:s8+s4] =	stream.linear.scatter [tilespmem:s5], [sflag:$0x7], $0x8, $0x38;
	[tilespmem:$0x122A0] =	vst v63  }
0x236: {  	_ =	swait.ge [sflag:s11], $0x400  }
0x237: {  	[sflag:s11] =	ssyncset.done $0x0  }
0x238: {  	[sflag:s11] =	ssyncadd.s32 $0xFFFFFC00  }
.LBB2_25:
0x239: {  	s5 =	rddreg [dreg:$0x12]  }
0x23a: {  	[tilespmem:s10], [sflag:$0x7] =	stream.linear.gather [spmem:s5], $0x1000, $0x38;
	[tilespmem:$0x122A0] =	vst v63  }
0x23b: {  	_ =	swait.ge [sflag:s11], $0x1000  }
0x23c: {  	[sflag:s11] =	ssyncset.done $0x0  }
0x23d: {  	s18 =	rddreg [dreg:$0x13];
	[sflag:s11] =	ssyncadd.s32 $0xFFFFF000  }
0x23e: {  	[tilespmem:s14], [sflag:$0x7] =	stream.linear.gather [spmem:s18], $0x1000, $0x38;
	[tilespmem:$0x122A0] =	vst v63  }
0x23f: {  	s22 =	simm.s32 $0x180;
	_ =	swait.ge [sflag:s11], $0x1000  }
0x240: {  	v3 =	vmov s22;
	[sflag:s11] =	ssyncset.done $0x0  }
0x241: {  	s5 =	simm.s32 $0x6010;
	[sflag:s11] =	ssyncadd.s32 $0xFFFFF000  }
0x242: {  	s6 =	simm.s32 $0x5010;
	v4 =	vld [tilespmem:s5+$0xFFFFFFF0]  }
0x243: {  	v5 =	vld [tilespmem:s6+$0xFFFFFFF0];
	_ =	sdelay $0x1  }
0x244: {  	v3 =	vld.idx.msk [tilespmem:v3+s26+$0x0], $0xffff;
	_ =	sdelay $0x2  }
0x245: {  	v4 =	vadd.f32 v4, v5;
	_ =	sdelay $0x1  }
0x246: {  	v4 =	vmul.f32 v4, v3;
	_ =	sdelay $0x1  }
0x247: {  	v4 =	vadd.f32 v4, v2  }
0x248: {  	s8 =	simm.s32 $0x7010  }
0x249: {  	[tilespmem:s8+$0xFFFFFFF0] =	vst v4  }
0x24a: {  	v4 =	vld [tilespmem:s6+$0x0]  }
0x24b: {  	v5 =	vld [tilespmem:s5+$0x0];
	_ =	sdelay $0x4  }
0x24c: {  	v4 =	vadd.f32 v5, v4;
	_ =	sdelay $0x1  }
0x24d: {  	v4 =	vmul.f32 v4, v3  }
0x24e: {  	s31 =	simm.s32 $0x181  }
0x24f: {  	s7 =	simm.s32 $0x7010;
	s18 =	simm.s32 $0x182;
	s6 =	simm.s32 $0x5030;
	v3 =	vmov s31;
	v4 =	vadd.f32 v4, v1  }
.LBB2_26:
0x250: {  	s5 =	sadd.s32 $0x20, s5  }
0x251: {  	s8 =	sadd.s32 $0x20, s8;
	s22 =	smov.u32 s18;
	s31 =	sadd.s32 $0x1, s18  }
0x252: {  	p0 =	sne.s32 s18, $0x1FF;
	[tilespmem:s7+$0x0] =	vst v4;
	s7 =	smov.u32 s8  }
0x253: {  	v4 =	vld [tilespmem:s5+$0xFFFFFFF0]  }
0x254: {  	v5 =	vld [tilespmem:s6+$0xFFFFFFF0]  }
0x255: {  	v3 =	vld.idx.msk [tilespmem:v3+s26+$0x0], $0xffff;
	_ =	sdelay $0x3  }
0x256: {  	v4 =	vadd.f32 v4, v5;
	_ =	sdelay $0x1  }
0x257: {  	v4 =	vmul.f32 v4, v3;
	_ =	sdelay $0x1  }
0x258: {  	v4 =	vadd.f32 v4, v2;
	_ =	sdelay $0x1  }
0x259: {  	[tilespmem:s8+$0xFFFFFFF0] =	vst v4  }
0x25a: {  	v4 =	vld [tilespmem:s6+$0x0]  }
0x25b: {  	v5 =	vld [tilespmem:s5+$0x0];
	_ =	sdelay $0x4  }
.Ltmp14:
0x25c: {  	v4 =	vadd.f32 v5, v4;
	(pc) =	sbr.rel @p0 .LBB2_26-.Ltmp14, $3  }
0x25d: {  	_ = 	snop  }
0x25e: {  	v4 =	vmul.f32 v4, v3;
	_ =	sdelay $0x1  }
0x25f: {  	s18 =	smov.u32 s31;
	s6 =	sadd.s32 $0x20, s6;
	v3 =	vmov s22;
	v4 =	vadd.f32 v4, v1  }
0x260: {  	_ = 	snop  }
0x261: {  	s5 =	sadd.s32 $0x20, s5;
	[tilespmem:s7+$0x0] =	vst v4  }
0x262: {  	v4 =	vld [tilespmem:s5+$0xFFFFFFF0]  }
0x263: {  	v5 =	vld [tilespmem:s6+$0xFFFFFFF0];
	_ =	sdelay $0x1  }
0x264: {  	v3 =	vld.idx.msk [tilespmem:v3+s26+$0x0], $0xffff;
	_ =	sdelay $0x2  }
0x265: {  	v4 =	vadd.f32 v4, v5;
	_ =	sdelay $0x1  }
0x266: {  	v4 =	vmul.f32 v4, v3;
	_ =	sdelay $0x1  }
0x267: {  	v4 =	vadd.f32 v4, v2  }
0x268: {  	s22 =	sadd.s32 $0x20, s8  }
0x269: {  	[tilespmem:s22+$0xFFFFFFF0] =	vst v4  }
0x26a: {  	v4 =	vld [tilespmem:s6+$0x0]  }
0x26b: {  	v63 =	vld [tilespmem:s5+$0x0];
	_ =	sdelay $0x4  }
0x26c: {  	v4 =	vadd.f32 v63, v4;
	_ =	sdelay $0x1  }
0x26d: {  	v3 =	vmul.f32 v4, v3;
	_ =	sdelay $0x1  }
0x26e: {  	v3 =	vadd.f32 v3, v1  }
0x26f: {  	s8 =	rddreg [dreg:$0x14]  }
0x270: {  	s7 =	simm.s32 @p2 $0x7000;
	s5 =	simm.s32 @p2 $0x20;
	s6 =	simm.s32 @p2 $0x28;
	[tilespmem:s22+$0x0] =	vst v3  }
0x271: {  	[hbm4b:s8+s5] =	stream.strided.scatter @p2 [tilespmem:s7], [sflag:$0x7], $0x1000, s6, s5, $0x38;
	[tilespmem:$0x122A0] =	vst v63  }
0x272: {  	s5 =	simm.s32 @p2 $0x7  }
0x273: {  	_ =	swait.ge @p2 [sflag:s5], $0x1000  }
0x274: {  	s31 =	sld [smem:$0x7FA];
	_ =	sdelay $0x2  }
0x275: {  	p0 =	seq.s32 s31, $0x1  }
.Ltmp15:
0x276: {  	_ = 	snop;
	(pc) =	sbr.rel @!p0 .LBB2_31-.Ltmp15, $3  }
0x277: {  	_ =	sdelay $0x1  }
0x278: {  	[sflag:s5] =	ssyncset.done @p2 $0x0  }
0x279: {  	[sflag:s5] =	ssyncadd.s32 @p2 $0xFFFFF000  }
0x27a: {  	s5 =	simm.s32 $0x7000  }
0x27b: {  	s6 =	simm.s32 $0x5;
	s8 =	sadd.s32 $0x0, s25;
	s7 =	simm.s32 $0x7020  }
.LBB2_29:
0x27c: {  	[hbm4b:s8+s4] =	stream.linear.scatter [tilespmem:s5], [sflag:$0x7], $0x8, $0x38;
	[tilespmem:$0x122A0] =	vst v63  }
0x27d: {  	s8 =	smov.u32 s6;
	s5 =	smov.u32 s7;
	p0 =	sne.s32 s6, $0x27B  }
.Ltmp16:
0x27e: {  	s6 =	sadd.s32 $0x5, s6;
	(pc) =	sbr.rel @p0 .LBB2_29-.Ltmp16, $2  }
0x27f: {  	_ =	sdelay $0x2  }
0x280: {  	s7 =	sadd.s32 $0x20, s7;
	s8 =	sadd.s32 s8, s25  }
0x281: {  	[hbm4b:s8+s4] =	stream.linear.scatter [tilespmem:s5], [sflag:$0x7], $0x8, $0x38;
	[tilespmem:$0x122A0] =	vst v63  }
0x282: {  	_ =	swait.ge [sflag:s11], $0x400  }
0x283: {  	[sflag:s11] =	ssyncset.done $0x0  }
0x284: {  	[sflag:s11] =	ssyncadd.s32 $0xFFFFFC00  }
.LBB2_31:
0x285: {  	s5 =	simm.s32 @p4 $0x20  }
0x286: {  	s6 =	simm.s32 @p4 $0x28;
	s7 =	simm.s32 @p4 $0x7000;
	s8 =	rddreg [dreg:$0x17]  }
0x287: {  	[hbm4b:s8+s5] =	stream.strided.scatter @p4 [tilespmem:s7], [sflag:$0x7], $0x200, s6, s5, $0x38;
	[tilespmem:$0x122A0] =	vst v63  }
0x288: {  	s5 =	simm.s32 @p4 $0x7  }
0x289: {  	_ =	swait.ge @p4 [sflag:s5], $0x200  }
0x28a: {  	[sflag:s5] =	ssyncset.done @p4 $0x0  }
0x28b: {  	s6 =	simm.s32 @p5 $0x7000;
	[sflag:s5] =	ssyncadd.s32 @p4 $0xFFFFFE00;
	s5 =	simm.s32 @p5 $0x0  }
0x28c: {  	[hbm4b:s1+s5] =	stream.linear.scatter @p5 [tilespmem:s6], [sflag:$0x7], $0x8, $0x38;
	[tilespmem:$0x122A0] =	vst v63  }
0x28d: {  	s7 =	simm.s32 @p5 $0x7020;
	s6 =	sadd.s32 @p5 $0x5, s1  }
0x28e: {  	[hbm4b:s6+s5] =	stream.linear.scatter @p5 [tilespmem:s7], [sflag:$0x7], $0x8, $0x38;
	[tilespmem:$0x122A0] =	vst v63  }
0x28f: {  	s6 =	sadd.s32 @p5 $0xA, s1;
	s7 =	simm.s32 @p5 $0x7040  }
0x290: {  	[hbm4b:s6+s5] =	stream.linear.scatter @p5 [tilespmem:s7], [sflag:$0x7], $0x8, $0x38;
	[tilespmem:$0x122A0] =	vst v63  }
0x291: {  	s6 =	sadd.s32 @p5 $0xF, s1;
	s7 =	simm.s32 @p5 $0x7060  }
0x292: {  	[hbm4b:s6+s5] =	stream.linear.scatter @p5 [tilespmem:s7], [sflag:$0x7], $0x8, $0x38;
	[tilespmem:$0x122A0] =	vst v63  }
0x293: {  	s6 =	sadd.s32 @p5 $0x14, s1;
	s7 =	simm.s32 @p5 $0x7080  }
0x294: {  	[hbm4b:s6+s5] =	stream.linear.scatter @p5 [tilespmem:s7], [sflag:$0x7], $0x8, $0x38;
	[tilespmem:$0x122A0] =	vst v63  }
0x295: {  	s6 =	sadd.s32 @p5 $0x19, s1;
	s7 =	simm.s32 @p5 $0x70A0  }
0x296: {  	[hbm4b:s6+s5] =	stream.linear.scatter @p5 [tilespmem:s7], [sflag:$0x7], $0x8, $0x38;
	[tilespmem:$0x122A0] =	vst v63  }
0x297: {  	s6 =	sadd.s32 @p5 $0x1E, s1;
	s7 =	simm.s32 @p5 $0x70C0  }
0x298: {  	[hbm4b:s6+s5] =	stream.linear.scatter @p5 [tilespmem:s7], [sflag:$0x7], $0x8, $0x38;
	[tilespmem:$0x122A0] =	vst v63  }
0x299: {  	s6 =	sadd.s32 @p5 $0x23, s1;
	s7 =	simm.s32 @p5 $0x70E0  }
0x29a: {  	[hbm4b:s6+s5] =	stream.linear.scatter @p5 [tilespmem:s7], [sflag:$0x7], $0x8, $0x38;
	[tilespmem:$0x122A0] =	vst v63  }
0x29b: {  	s6 =	sadd.s32 @p5 $0x28, s1;
	s7 =	simm.s32 @p5 $0x7100  }
0x29c: {  	[hbm4b:s6+s5] =	stream.linear.scatter @p5 [tilespmem:s7], [sflag:$0x7], $0x8, $0x38;
	[tilespmem:$0x122A0] =	vst v63  }
0x29d: {  	s6 =	sadd.s32 @p5 $0x2D, s1;
	s7 =	simm.s32 @p5 $0x7120  }
0x29e: {  	[hbm4b:s6+s5] =	stream.linear.scatter @p5 [tilespmem:s7], [sflag:$0x7], $0x8, $0x38;
	[tilespmem:$0x122A0] =	vst v63  }
0x29f: {  	s6 =	sadd.s32 @p5 $0x32, s1;
	s7 =	simm.s32 @p5 $0x7140  }
0x2a0: {  	[hbm4b:s6+s5] =	stream.linear.scatter @p5 [tilespmem:s7], [sflag:$0x7], $0x8, $0x38;
	[tilespmem:$0x122A0] =	vst v63  }
0x2a1: {  	s6 =	sadd.s32 @p5 $0x37, s1;
	s7 =	simm.s32 @p5 $0x7160  }
0x2a2: {  	[hbm4b:s6+s5] =	stream.linear.scatter @p5 [tilespmem:s7], [sflag:$0x7], $0x8, $0x38;
	[tilespmem:$0x122A0] =	vst v63  }
0x2a3: {  	s6 =	sadd.s32 @p5 $0x3C, s1;
	s7 =	simm.s32 @p5 $0x7180  }
0x2a4: {  	[hbm4b:s6+s5] =	stream.linear.scatter @p5 [tilespmem:s7], [sflag:$0x7], $0x8, $0x38;
	[tilespmem:$0x122A0] =	vst v63  }
0x2a5: {  	s6 =	sadd.s32 @p5 $0x41, s1;
	s7 =	simm.s32 @p5 $0x71A0  }
0x2a6: {  	[hbm4b:s6+s5] =	stream.linear.scatter @p5 [tilespmem:s7], [sflag:$0x7], $0x8, $0x38;
	[tilespmem:$0x122A0] =	vst v63  }
0x2a7: {  	s6 =	sadd.s32 @p5 $0x46, s1;
	s7 =	simm.s32 @p5 $0x71C0  }
0x2a8: {  	[hbm4b:s6+s5] =	stream.linear.scatter @p5 [tilespmem:s7], [sflag:$0x7], $0x8, $0x38;
	[tilespmem:$0x122A0] =	vst v63  }
0x2a9: {  	s6 =	sadd.s32 @p5 $0x4B, s1;
	s7 =	simm.s32 @p5 $0x71E0  }
0x2aa: {  	[hbm4b:s6+s5] =	stream.linear.scatter @p5 [tilespmem:s7], [sflag:$0x7], $0x8, $0x38;
	[tilespmem:$0x122A0] =	vst v63  }
0x2ab: {  	s5 =	simm.s32 @p5 $0x7  }
0x2ac: {  	_ =	swait.ge @p5 [sflag:s5], $0x80  }
0x2ad: {  	[sflag:s5] =	ssyncset.done @p5 $0x0  }
0x2ae: {  	s7 =	rddreg [dreg:$0x18];
	[sflag:s5] =	ssyncadd.s32 @p5 $0xFFFFFF80  }
0x2af: {  	[tilespmem:s10], [sflag:$0x7] =	stream.linear.gather [spmem:s7], $0x1000, $0x38;
	[tilespmem:$0x122A0] =	vst v63  }
0x2b0: {  	_ =	swait.ge [sflag:s11], $0x1000  }
0x2b1: {  	[sflag:s11] =	ssyncset.done $0x0  }
0x2b2: {  	s8 =	rddreg [dreg:$0x19];
	[sflag:s11] =	ssyncadd.s32 $0xFFFFF000  }
0x2b3: {  	[tilespmem:s14], [sflag:$0x7] =	stream.linear.gather [spmem:s8], $0x1000, $0x38;
	[tilespmem:$0x122A0] =	vst v63  }
0x2b4: {  	s18 =	simm.s32 $0x200;
	_ =	swait.ge [sflag:s11], $0x1000  }
0x2b5: {  	v3 =	vmov s18;
	[sflag:s11] =	ssyncset.done $0x0  }
0x2b6: {  	s5 =	simm.s32 $0x6010;
	[sflag:s11] =	ssyncadd.s32 $0xFFFFF000  }
0x2b7: {  	s22 =	simm.s32 $0x5010;
	v4 =	vld [tilespmem:s5+$0xFFFFFFF0]  }
0x2b8: {  	v5 =	vld [tilespmem:s22+$0xFFFFFFF0];
	_ =	sdelay $0x1  }
0x2b9: {  	v3 =	vld.idx.msk [tilespmem:v3+s26+$0x0], $0xffff;
	_ =	sdelay $0x2  }
0x2ba: {  	v4 =	vadd.f32 v4, v5;
	_ =	sdelay $0x1  }
0x2bb: {  	v4 =	vmul.f32 v4, v3;
	_ =	sdelay $0x1  }
0x2bc: {  	v4 =	vadd.f32 v4, v2  }
0x2bd: {  	s8 =	simm.s32 $0x7010  }
0x2be: {  	[tilespmem:s8+$0xFFFFFFF0] =	vst v4  }
0x2bf: {  	v4 =	vld [tilespmem:s22+$0x0]  }
0x2c0: {  	v5 =	vld [tilespmem:s5+$0x0];
	_ =	sdelay $0x4  }
0x2c1: {  	v4 =	vadd.f32 v5, v4;
	_ =	sdelay $0x1  }
0x2c2: {  	v4 =	vmul.f32 v4, v3  }
0x2c3: {  	s31 =	simm.s32 $0x201  }
0x2c4: {  	s18 =	simm.s32 $0x202;
	s6 =	simm.s32 $0x5030;
	s7 =	simm.s32 $0x7010;
	v3 =	vmov s31;
	v4 =	vadd.f32 v4, v1  }
.LBB2_32:
0x2c5: {  	s5 =	sadd.s32 $0x20, s5  }
0x2c6: {  	s8 =	sadd.s32 $0x20, s8;
	s22 =	smov.u32 s18;
	s31 =	sadd.s32 $0x1, s18  }
0x2c7: {  	p0 =	sne.s32 s18, $0x27F;
	[tilespmem:s7+$0x0] =	vst v4;
	s7 =	smov.u32 s8  }
0x2c8: {  	v4 =	vld [tilespmem:s5+$0xFFFFFFF0]  }
0x2c9: {  	v5 =	vld [tilespmem:s6+$0xFFFFFFF0]  }
0x2ca: {  	v3 =	vld.idx.msk [tilespmem:v3+s26+$0x0], $0xffff;
	_ =	sdelay $0x3  }
0x2cb: {  	v4 =	vadd.f32 v4, v5;
	_ =	sdelay $0x1  }
0x2cc: {  	v4 =	vmul.f32 v4, v3;
	_ =	sdelay $0x1  }
0x2cd: {  	v4 =	vadd.f32 v4, v2;
	_ =	sdelay $0x1  }
0x2ce: {  	[tilespmem:s8+$0xFFFFFFF0] =	vst v4  }
0x2cf: {  	v4 =	vld [tilespmem:s6+$0x0]  }
0x2d0: {  	v5 =	vld [tilespmem:s5+$0x0];
	_ =	sdelay $0x4  }
.Ltmp17:
0x2d1: {  	v4 =	vadd.f32 v5, v4;
	(pc) =	sbr.rel @p0 .LBB2_32-.Ltmp17, $3  }
0x2d2: {  	_ = 	snop  }
0x2d3: {  	v4 =	vmul.f32 v4, v3;
	_ =	sdelay $0x1  }
0x2d4: {  	s18 =	smov.u32 s31;
	s6 =	sadd.s32 $0x20, s6;
	v3 =	vmov s22;
	v4 =	vadd.f32 v4, v1  }
0x2d5: {  	_ = 	snop  }
0x2d6: {  	s5 =	sadd.s32 $0x20, s5;
	[tilespmem:s7+$0x0] =	vst v4  }
0x2d7: {  	v4 =	vld [tilespmem:s5+$0xFFFFFFF0]  }
0x2d8: {  	v5 =	vld [tilespmem:s6+$0xFFFFFFF0];
	_ =	sdelay $0x1  }
0x2d9: {  	v3 =	vld.idx.msk [tilespmem:v3+s26+$0x0], $0xffff;
	_ =	sdelay $0x2  }
0x2da: {  	v4 =	vadd.f32 v4, v5;
	_ =	sdelay $0x1  }
0x2db: {  	v4 =	vmul.f32 v4, v3;
	_ =	sdelay $0x1  }
0x2dc: {  	v2 =	vadd.f32 v4, v2  }
0x2dd: {  	s8 =	sadd.s32 $0x20, s8  }
0x2de: {  	[tilespmem:s8+$0xFFFFFFF0] =	vst v2  }
0x2df: {  	v2 =	vld [tilespmem:s6+$0x0]  }
0x2e0: {  	v63 =	vld [tilespmem:s5+$0x0];
	_ =	sdelay $0x4  }
0x2e1: {  	v2 =	vadd.f32 v63, v2;
	_ =	sdelay $0x1  }
0x2e2: {  	v2 =	vmul.f32 v2, v3;
	_ =	sdelay $0x1  }
0x2e3: {  	v1 =	vadd.f32 v2, v1  }
0x2e4: {  	s7 =	simm.s32 @p2 $0x7000  }
0x2e5: {  	s5 =	simm.s32 @p2 $0x20;
	s6 =	simm.s32 @p2 $0x28;
	[tilespmem:s8+$0x0] =	vst v1;
	s8 =	rddreg [dreg:$0x16]  }
0x2e6: {  	[hbm4b:s8+s5] =	stream.strided.scatter @p2 [tilespmem:s7], [sflag:$0x7], $0x1000, s6, s5, $0x38;
	[tilespmem:$0x122A0] =	vst v63  }
0x2e7: {  	s5 =	simm.s32 @p2 $0x7  }
0x2e8: {  	_ =	swait.ge @p2 [sflag:s5], $0x1000  }
0x2e9: {  	s18 =	sld [smem:$0x7FA];
	_ =	sdelay $0x2  }
0x2ea: {  	p0 =	seq.s32 s18, $0x1  }
.Ltmp18:
0x2eb: {  	_ = 	snop;
	(pc) =	sbr.rel @!p0 .LBB2_37-.Ltmp18, $3  }
0x2ec: {  	_ =	sdelay $0x1  }
0x2ed: {  	s22 =	smov.u32 s12;
	s31 =	smov.u32 s0;
	[sflag:s5] =	ssyncset.done @p2 $0x0  }
0x2ee: {  	s12 =	simm.s32 $0x100;
	[sflag:s5] =	ssyncadd.s32 @p2 $0xFFFFF000;
	s18 =	simm.s32 $0x2880  }
0x2ef: {  	s5 =	simm.s32 $0x7000  }
0x2f0: {  	s6 =	simm.s32 $0x5;
	s8 =	sadd.s32 $0x0, s29;
	s7 =	simm.s32 $0x7020  }
.LBB2_35:
0x2f1: {  	[hbm4b:s8+s4] =	stream.linear.scatter [tilespmem:s5], [sflag:$0x7], $0x8, $0x38;
	[tilespmem:$0x122A0] =	vst v63  }
0x2f2: {  	s8 =	smov.u32 s6;
	s5 =	smov.u32 s7;
	p0 =	sne.s32 s6, $0x27B  }
.Ltmp19:
0x2f3: {  	s6 =	sadd.s32 $0x5, s6;
	(pc) =	sbr.rel @p0 .LBB2_35-.Ltmp19, $2  }
0x2f4: {  	_ =	sdelay $0x2  }
0x2f5: {  	s7 =	sadd.s32 $0x20, s7;
	s8 =	sadd.s32 s8, s29  }
.Ltmp20:
0x2f6: {  	_ = 	snop;
	(pc) =	sbr.rel .LBB2_36-.Ltmp20, $1  }
0x2f7: {  	_ =	sdelay $0x3  }
.LBB2_38:
0x2f8: {  	_ =	sfence.sel $0x180000  }
0x2f9: {  	[bflag:$0x0] =	sbarrier.arrive $0xFFFF  }
0x2fa: {  	_ =	strace $0x9000004D  }
0x2fb: {  	s0 =	stileid.u32;
	[bflag:$0x2] =	sbarrier.arrive $0xFFFF  }
0x2fc: {  	p0 =	sne.s32 s0, $0x0;
	s0 =	rddreg [dreg:$0x4]  }
0x2fd: {  	s0 =	sadd.s32 @!p0 $0x100000, s0  }
0x2fe: {  	[sflag:s0] =	ssyncadd.tile.s32 @!p0 $0x1;
	_ =	shalt  }
.Lfunc_end2:
_tile_overlayer_lowered:
.L_overlay_start_2:
0x2ff: {  	(tag) =	ssettag $0x2  }
0x300: {  	s0 =	rddreg [dreg:$0x0];
	s2 =	stileid.u32  }
0x301: {  	s1 =	rddreg [dreg:$0x1];
	p0 =	sne.s32 s2, $0x0  }
0x302: {  	s3 =	rddreg [dreg:$0x2];
	[bflag:$0x3] =	sbarrier.arrive $0xFFFF;
	s2 =	simm.s32 @!p0 $0x1C07  }
0x303: {  	[timem:s3], [sflag:s2] =	dma.local @!p0 [hbm:s0], s1  }
0x304: {  	s0 =	simm.s32 @!p0 $0x7  }
0x305: {  	_ =	swait.ge @!p0 [sflag:s0], s1  }
0x306: {  	s1 =	ssub.s32 @!p0 $0x0, s1;
	[sflag:s0] =	ssyncset.done @!p0 $0x0  }
0x307: {  	[sflag:s0] =	ssyncadd.s32 @!p0 s1  }
0x308: {  	[bflag:$0x3] =	sbarrier.arrive $0xFFFF  }
0x309: {  	_ =	shalt  }

// kernel: kernel.7.cloned.1.call-start
scs
__scs_entry_jumppad:
0x0: {  	(pc) =	sbr.rel $0x88, $3  }
0x1: {  	(tag) =	ssettag $0x0;
	lr =	simm.s32 $0x1  }
0x2: {  	[smem:$0x3F98] =	sst lr;
	_ =	strace $0xD0000000  }
0x3: {  	_ = 	snop  }
0x4: {  	_ = 	snop  }
0x5: {  	_ = 	snop  }
0x6: {  	_ = 	snop  }
0x7: {  	_ = 	snop  }
__scs_overlays_trampoline_lowered:
0x8: {  	[smem:$0x3FA7] =	sst s0  }
0x9: {  	[smem:$0x3FA8] =	sst s1  }
0xa: {  	[smem:$0x3FA9] =	sst s2  }
0xb: {  	[smem:$0x3FAA] =	sst s3  }
0xc: {  	[smem:$0x3FAB] =	sst s4  }
0xd: {  	[smem:$0x3FAC] =	sst s5  }
0xe: {  	[smem:$0x3FAD] =	sst s6  }
0xf: {  	[smem:$0x3FAE] =	sst s7  }
0x10: {  	[smem:$0x3FAF] =	sst s8  }
0x11: {  	[smem:$0x3FB0] =	sst s9;
	s0 =	simm.s32 @!p0 $0x0  }
0x12: {  	s1 =	sld [smem:$0x3F96];
	s0 =	simm.s32 @p0 $0x1  }
0x13: {  	[smem:$0x3FB1] =	sst s0;
	s0 =	simm.s32 @!p1 $0x0  }
0x14: {  	s2 =	sld [smem:$0x3F95];
	s0 =	simm.s32 @p1 $0x1  }
0x15: {  	[smem:$0x3FB2] =	sst s0;
	s0 =	simm.s32 @!p2 $0x0  }
0x16: {  	s3 =	sld [smem:$0x3FDB];
	s0 =	simm.s32 @p2 $0x1  }
0x17: {  	s4 =	simm.s32 $0x1BF5;
	[smem:$0x3FB4] =	sst s0  }
0x18: {  	s0 =	sld [smem:$0x3F97];
	_ =	swait.ge [sflag:s4], $0x0  }
0x19: {  	s7 =	sld [smem:$0x3F98]  }
0x1a: {  	s8 =	sadd.s32 $0xFFFFE003, lr  }
0x1b: {  	s9 =	sadd.s32 $0xFFFFFEF7, lr;
	s5 =	simm.s32 $0xFFFFFFFF;
	p2 =	slt.u32 s8, $0xFFFFF086  }
0x1c: {  	p1 =	slt.u32 s9, $0xF7A;
	s5 =	simm.s32 @!p2 $0x0  }
0x1d: {  	s5 =	simm.s32 @p1 $0x1;
	p0 =	seq.s32 s7, s2  }
0x1e: {  	s7 =	smul.u32 @!p0 $0xF7A, s2;
	p2 =	seq.s32 @!p0 s5, $0x0  }
0x1f: {  	s9 =	smul.u32 $0xF7A, s1;
	s8 =	simm.s32 @!p0 $0x1BF5;
	p2 =	por !p2, p0  }
0x20: {  	[sflag:s8] =	ssyncset.s32 @!p0 $0xFFFFF086;
	s6 =	sadd.s32 @!p0 s3, s7;
	s7 =	simm.s32 @!p0 $0x108  }
0x21: {  	s3 =	sadd.s32 s3, s9;
	s6 =	sadd.s32 @!p0 $0x88, s6;
	s7 =	simm.s32 @p2 $0x1082  }
0x22: {  	[simem:s7], [sflag:s8] =	dma.local @!p0 [hbm:s6], $0xF7A  }
0x23: {  	s9 =	sor.u32 $0xD0000000, s2;
	s6 =	simm.s32 $0x108;
	_ =	swait.ge @!p0 [sflag:s8], $0x0  }
0x24: {  	s3 =	sadd.s32 $0x88, s3;
	s6 =	simm.s32 @!p1 $0x1082;
	[sflag:s4] =	ssyncset.s32 $0xFFFFF086  }
0x25: {  	[simem:s6], [sflag:s4] =	dma.local [hbm:s3], $0xF7A  }
0x26: {  	[smem:$0x3F98] =	sst s1;
	(tag) =	ssettag s2;
	_ =	strace s9  }
0x27: {  	s1 =	sld [smem:$0x3FA8]  }
0x28: {  	s2 =	sld [smem:$0x3FA9]  }
0x29: {  	s4 =	sld [smem:$0x3FAB]  }
0x2a: {  	p0 =	seq.s32 s5, $0x0;
	s5 =	sld [smem:$0x3FAC]  }
0x2b: {  	s6 =	sld [smem:$0x3FAD]  }
0x2c: {  	s7 =	sld [smem:$0x3FAE]  }
0x2d: {  	s3 =	simm.s32 $0x108;
	s8 =	sld [smem:$0x3FAF]  }
0x2e: {  	s3 =	simm.s32 @!p0 $0x1082;
	s9 =	sld [smem:$0x3FB0]  }
0x2f: {  	lr =	sadd.s32 s0, s3;
	s0 =	sld [smem:$0x3FA7]  }
0x30: {  	s3 =	sld [smem:$0x3FAA]  }
0x31: {  	[smem:$0x3FB3] =	sst s10  }
0x32: {  	s10 =	sld [smem:$0x3FB1];
	_ =	sdelay $0x3  }
0x33: {  	p0 =	seq.s32 s10, $0x1;
	s10 =	sld [smem:$0x3FB3];
	_ =	sdelay $0x3  }
0x34: {  	[smem:$0x3FB3] =	sst s10  }
0x35: {  	s10 =	sld [smem:$0x3FB2];
	_ =	sdelay $0x3  }
0x36: {  	p1 =	seq.s32 s10, $0x1;
	s10 =	sld [smem:$0x3FB3];
	_ =	sdelay $0x3  }
0x37: {  	[smem:$0x3FB3] =	sst s10  }
0x38: {  	s10 =	sld [smem:$0x3FB4]  }
0x39: {  	_ = 	snop;
	(pc) =	sbr.ind lr, $3  }
0x3a: {  	_ = 	snop  }
0x3b: {  	_ = 	snop  }
0x3c: {  	p2 =	seq.s32 s10, $0x1;
	s10 =	sld [smem:$0x3FB3]  }
0x3d: {  	_ =	shalt  }
0x3e: {  	_ =	shalt  }
0x3f: {  	_ =	shalt  }
0x40: {  	_ =	shalt  }
0x41: {  	_ =	shalt  }
0x42: {  	_ =	shalt  }
0x43: {  	_ =	shalt  }
0x44: {  	_ =	shalt  }
0x45: {  	_ =	shalt  }
0x46: {  	_ =	shalt  }
0x47: {  	_ =	shalt  }
0x48: {  	_ =	shalt  }
0x49: {  	_ =	shalt  }
0x4a: {  	_ =	shalt  }
0x4b: {  	_ =	shalt  }
0x4c: {  	_ =	shalt  }
0x4d: {  	_ =	shalt  }
0x4e: {  	_ =	shalt  }
0x4f: {  	_ =	shalt  }
0x50: {  	_ =	shalt  }
0x51: {  	_ =	shalt  }
0x52: {  	_ =	shalt  }
0x53: {  	_ =	shalt  }
0x54: {  	_ =	shalt  }
0x55: {  	_ =	shalt  }
0x56: {  	_ =	shalt  }
0x57: {  	_ =	shalt  }
0x58: {  	_ =	shalt  }
0x59: {  	_ =	shalt  }
0x5a: {  	_ =	shalt  }
0x5b: {  	_ =	shalt  }
0x5c: {  	_ =	shalt  }
0x5d: {  	_ =	shalt  }
0x5e: {  	_ =	shalt  }
0x5f: {  	_ =	shalt  }
0x60: {  	_ =	shalt  }
0x61: {  	_ =	shalt  }
0x62: {  	_ =	shalt  }
0x63: {  	_ =	shalt  }
0x64: {  	_ =	shalt  }
0x65: {  	_ =	shalt  }
0x66: {  	_ =	shalt  }
0x67: {  	_ =	shalt  }
0x68: {  	_ =	shalt  }
0x69: {  	_ =	shalt  }
0x6a: {  	_ =	shalt  }
0x6b: {  	_ =	shalt  }
0x6c: {  	_ =	shalt  }
0x6d: {  	_ =	shalt  }
0x6e: {  	_ =	shalt  }
0x6f: {  	_ =	shalt  }
0x70: {  	_ =	shalt  }
0x71: {  	_ =	shalt  }
0x72: {  	_ =	shalt  }
0x73: {  	_ =	shalt  }
0x74: {  	_ =	shalt  }
0x75: {  	_ =	shalt  }
0x76: {  	_ =	shalt  }
0x77: {  	_ =	shalt  }
0x78: {  	_ =	shalt  }
0x79: {  	_ =	shalt  }
0x7a: {  	_ =	shalt  }
0x7b: {  	_ =	shalt  }
0x7c: {  	_ =	shalt  }
0x7d: {  	_ =	shalt  }
0x7e: {  	_ =	shalt  }
0x7f: {  	_ =	shalt  }
0x80: {  	_ =	shalt  }
0x81: {  	_ =	shalt  }
0x82: {  	_ =	shalt  }
0x83: {  	_ =	shalt  }
0x84: {  	_ =	shalt  }
0x85: {  	_ =	shalt  }
0x86: {  	_ =	shalt  }
0x87: {  	_ =	shalt  }
.Lfunc_end0:
.L_simem_size_0:
called_computation_lowered:
.L_overlay_start_0:
0x88: {  	s2 =	sld [smem:$0x3FD9]  }
0x89: {  	s3 =	sld [smem:$0x3FFE];
	_ =	sdelay $0x1  }
0x8a: {  	s1 =	srdreg.scid  }
0x8b: {  	s0 =	sand.u32 $0x1, s1  }
0x8c: {  	s17 =	sshll.u32 s0, $0xA;
	s2 =	sadd.s32 s3, s2  }
0x8d: {  	s2 =	sadd.s32 s2, s17  }
0x8e: {  	[smem:$0x3FBF] =	sst s2  }
0x8f: {  	_ = 	snop  }
0x90: {  	s2 =	sld [smem:$0x3FD0];
	(tm) =	ssettm $0x1  }
0x91: {  	s18 =	sld [smem:$0x3FFB];
	_ =	sdelay $0x3  }
0x92: {  	_ =	strace s18  }
0x93: {  	s3 =	sld [smem:$0x3FFC];
	_ =	sdelay $0x3  }
0x94: {  	_ =	strace s3  }
0x95: {  	s3 =	sld [smem:$0x3FFD];
	_ =	sdelay $0x3  }
0x96: {  	_ =	strace s3  }
0x97: {  	_ =	strace $0x8FFFFFFF  }
0x98: {  	s19 =	sld [smem:$0x3FDB];
	_ =	sdelay $0x1  }
0x99: {  	s4 =	simm.s32 $_scs_section_size  }
0x9a: {  	s5 =	simm.s32 $_size__tile_overlayer_lowered;
	s6 =	simm.s32 $_tile_overlayer_lowered  }
0x9b: {  	s22 =	simm.s32 $0x1BFF;
	s21 =	sshll.u32 s6, $0x1;
	s3 =	sadd.s32 s4, s19  }
0x9c: {  	s7 =	simm.s32 $0x0;
	s20 =	sshll.u32 s5, $0x1;
	s5 =	sadd.s32 s21, s3  }
0x9d: {  	[timem:s7], [sflag:s22] =	dma.local [hbm:s5], s20  }
0x9e: {  	_ =	swait.ge [sflag:s22], s20  }
0x9f: {  	s4 =	ssub.s32 $0x0, s20;
	[sflag:s22] =	ssyncset.done $0x0  }
0xa0: {  	[sflag:s22] =	ssyncadd.s32 s4;
	_ =	sdelay $0x1  }
0xa1: {  	s23 =	simm.s32 $0x1B8B  }
0xa2: {  	_ =	swait.ge [sflag:s23], $0x1  }
0xa3: {  	[sflag:s23] =	ssyncset.done $0x0  }
0xa4: {  	s25 =	simm.s32 $0x1B8E;
	s24 =	sld [smem:$0x3FFE];
	[sflag:s23] =	ssyncadd.s32 $0xFFFFFFFF  }
0xa5: {  	s26 =	simm.s32 $execute0_lowered;
	[smem:$0x3FD2] =	sst s25  }
0xa6: {  	s5 =	sshll.u32 s26, $0x1;
	_ =	strace $0x80000046;
	[dreg:$0x1] =	wrdreg $0xFFFFFFFF  }
0xa7: {  	s28 =	simm.s32 $_size_execute0_lowered;
	s3 =	sadd.s32 s3, s5;
	[dreg:$0x0] =	wrdreg $0x0  }
0xa8: {  	s5 =	sshll.u32 s28, $0x1;
	[dreg:$0x2] =	wrdreg s3  }
0xa9: {  	[dreg:$0x3] =	wrdreg s5  }
0xaa: {  	[dreg:$0x4] =	wrdreg $0xC0  }
0xab: {  	_ =	task [dreg:s7], $0x5FFFF  }
0xac: {  	[dreg:$0x1] =	wrdreg $0xFFFFFFFF  }
0xad: {  	[dreg:$0x0] =	wrdreg $0x60  }
0xae: {  	[dreg:$0x2] =	wrdreg s24  }
0xaf: {  	[dreg:$0x3] =	wrdreg s2  }
0xb0: {  	[dreg:$0x4] =	wrdreg $0x9  }
0xb1: {  	_ =	task.clear_ibuf [dreg:s7], $0x5FFFF;
	_ =	strace $0x90000046  }
0xb2: {  	s29 =	simm.s32 $0x9;
	_ =	strace $0x80000048  }
0xb3: {  	_ =	swait.ge [sflag:s29], $0x1  }
0xb4: {  	[sflag:s29] =	ssyncadd.s32 $0xFFFFFFFF  }
0xb5: {  	_ =	strace $0x90000048  }
0xb6: {  	_ =	sfence  }
0xb7: {  	s30 =	sld [smem:$0x0];
	_ =	sdelay $0x2  }
0xb8: {  	s31 =	sshll.u32 s1, $0xD;
	s1 =	sshrl.u32 s1, $0x2  }
0xb9: {  	s3 =	sand.u32 $0x4000, s31;
	s1 =	sadd.s32 s1, s30  }
0xba: {  	s0 =	sor.u32 s3, s0;
	s1 =	sshll.u32 s1, $0x11  }
0xbb: {  	s0 =	sor.u32 s1, s0  }
0xbc: {  	s0 =	sadd.s32 $0x8F2B, s0  }
0xbd: {  	[sflag:s0] =	ssyncadd.remote.s32 $0x1  }
0xbe: {  	_ =	sfence.sel $0xFFFF  }
0xbf: {  	[dreg:$0x0] =	wrdreg $0xFFFFFFFF;
	(pc) =	sbr.abs _section_cstart, $3  }
0xc0: {  	[dreg:$0x1] =	wrdreg $0xFFFFFFFF  }
0xc1: {  	_ =	task.clear_ibuf [dreg:s7], $0x2FFFF;
	_ =	strace $0x9FFFFFFF  }
0xc2: {  	(tm) =	ssettm $0x7FFFFFFF  }
0xc3: {  	_ =	shalt  }
tec
execute0_lowered:
.L_overlay_start_1:
0x0: {  	(tag) =	ssettag $0x1  }
0x1: {  	s3 =	rddreg [dreg:$0x0]  }
0x2: {  	s4 =	rddreg [dreg:$0x1]  }
0x3: {  	s0 =	rddreg [dreg:$0x2]  }
0x4: {  	s2 =	simm.s32 $0x0;
	s5 =	srdreg.scid;
	s1 =	stileid.u32  }
0x5: {  	[smem:$0x7FF] =	sst s2;
	s5 =	sand.u32 $0x1, s5;
	s6 =	smul.u32 $0x5000, s1  }
0x6: {  	s8 =	sshrl.u32 s1, $0x2;
	s9 =	sshll.u32 s1, $0x8;
	s7 =	smul.u32 $0x2800, s5  }
0x7: {  	s8 =	smul.u32 $0x14000, s8;
	s10 =	sshll.u32 s5, $0x7;
	s9 =	sand.u32 $0x300, s9  }
0x8: {  	_ =	strace $0x80000047;
	s5 =	ssub.s32 $0x2, s5;
	s30 =	sor.u32 s10, s9  }
0x9: {  	s31 =	sshrl.u32 s5, $0x1;
	s9 =	simm.s32 $0x400;
	s10 =	simm.s32 $0x0  }
0xa: {  	s6 =	sadd.s32 s7, s6;
	s7 =	sor.u32 s8, s30;
	s5 =	ssub.s32 s5, s31  }
0xb: {  	s8 =	simm.s32 $0x80;
	s6 =	sshrl.u32 s6, $0x3;
	s7 =	sshrl.u32 s7, $0x3  }
0xc: {  	s5 =	smax.u32 s5, $0x1;
	s3 =	sadd.s32 s6, s3;
	s4 =	sadd.s32 s4, s7  }
0xd: {  	v0 =	vimm.f32 $0.0e+00;
	v1 =	vimm.f32 $1.000000000e+00;
	s6 =	simm.s32 $0x1;
	s7 =	simm.s32 $0x2800;
	s3 =	sadd.s32 $0x2200, s3  }
.LBB2_1:
0xe: {  	[tilespmem:s2], [sflag:$0x1] =	stream.linear.gather [hbm4b:s3+s2], $0x2800, $0x38;
	[tilespmem:$0x5000] =	vst v63  }
0xf: {  	_ =	swait.ge [sflag:s6], $0x2800  }
0x10: {  	[sflag:s6] =	ssyncset.done $0x0  }
0x11: {  	s11 =	simm.s32 $0x0;
	[sflag:s6] =	ssyncadd.s32 $0xFFFFD800  }
.LBB2_2:
0x12: {  	p0 =	sne.s32 s11, $0x9FC0  }
.Ltmp0:
0x13: {  	_ = 	snop;
	(pc) =	sbr.rel @p0 .LBB2_2-.Ltmp0, $3  }
0x14: {  	_ =	sdelay $0x1  }
0x15: {  	s12 =	sshra.s32 s11, $0x2  }
0x16: {  	s11 =	sadd.s32 $0x40, s11;
	[tilespmem:s12+$0x2800] =	vst v0  }
0x17: {  	s11 =	simm.s32 $0x1C0  }
.LBB2_4:
0x18: {  	s12 =	sshra.s32 s11, $0x2  }
0x19: {  	v2 =	vld [tilespmem:s12+$0xFFFFFF90];
	_ =	sdelay $0x7  }
0x1a: {  	[tilespmem:v2+s7+$0x0] =	vst.idx.add.f32.msk $0xffff, v1  }
0x1b: {  	v2 =	vld [tilespmem:s12+$0xFFFFFFA0];
	_ =	sdelay $0x7  }
0x1c: {  	[tilespmem:v2+s7+$0x0] =	vst.idx.add.f32.msk $0xffff, v1  }
0x1d: {  	v2 =	vld [tilespmem:s12+$0xFFFFFFB0];
	_ =	sdelay $0x7  }
0x1e: {  	[tilespmem:v2+s7+$0x0] =	vst.idx.add.f32.msk $0xffff, v1  }
0x1f: {  	v2 =	vld [tilespmem:s12+$0xFFFFFFC0];
	_ =	sdelay $0x7  }
0x20: {  	[tilespmem:v2+s7+$0x0] =	vst.idx.add.f32.msk $0xffff, v1  }
0x21: {  	v2 =	vld [tilespmem:s12+$0xFFFFFFD0];
	_ =	sdelay $0x7  }
0x22: {  	[tilespmem:v2+s7+$0x0] =	vst.idx.add.f32.msk $0xffff, v1  }
0x23: {  	v2 =	vld [tilespmem:s12+$0xFFFFFFE0];
	_ =	sdelay $0x7  }
0x24: {  	[tilespmem:v2+s7+$0x0] =	vst.idx.add.f32.msk $0xffff, v1  }
0x25: {  	v2 =	vld [tilespmem:s12+$0xFFFFFFF0];
	_ =	sdelay $0x7  }
0x26: {  	[tilespmem:v2+s7+$0x0] =	vst.idx.add.f32.msk $0xffff, v1  }
0x27: {  	v2 =	vld [tilespmem:s12+$0x0];
	_ =	sdelay $0x2  }
0x28: {  	p0 =	sne.s32 s11, $0x9FC0  }
.Ltmp1:
0x29: {  	_ = 	snop;
	(pc) =	sbr.rel @p0 .LBB2_4-.Ltmp1, $2  }
0x2a: {  	_ =	sdelay $0x2  }
0x2b: {  	s11 =	sadd.s32 $0x200, s11;
	[tilespmem:v2+s7+$0x0] =	vst.idx.add.f32.msk $0xffff, v1  }
0x2c: {  	s10 =	sadd.s32 $0x1, s10  }
0x2d: {  	p0 =	sne.s32 s10, s5  }
.Ltmp2:
0x2e: {  	_ = 	snop;
	(pc) =	sbr.rel @p0 .LBB2_1-.Ltmp2, $4  }
0x2f: {  	[hbm4b:s4+s8] =	stream.strided.scatter [tilespmem:s7], [sflag:$0x1], $0x2800, s9, s8, $0x38;
	[tilespmem:$0x5000] =	vst v63  }
0x30: {  	_ =	swait.ge [sflag:s6], $0x2800  }
0x31: {  	[sflag:s6] =	ssyncset.done $0x0  }
0x32: {  	[sflag:s6] =	ssyncadd.s32 $0xFFFFD800  }
0x33: {  	_ =	sfence.sel $0x180000  }
0x34: {  	[bflag:$0x0] =	sbarrier.arrive $0xFFFF  }
0x35: {  	p0 =	sne.s32 s1, $0x0;
	_ =	strace $0x90000047  }
0x36: {  	s0 =	sadd.s32 @!p0 $0x100000, s0;
	[bflag:$0x2] =	sbarrier.arrive $0xFFFF  }
0x37: {  	[sflag:s0] =	ssyncadd.tile.s32 @!p0 $0x1;
	_ =	shalt  }
.Lfunc_end2:
_tile_overlayer_lowered:
.L_overlay_start_2:
0x38: {  	(tag) =	ssettag $0x2  }
0x39: {  	s0 =	rddreg [dreg:$0x0];
	s2 =	stileid.u32  }
0x3a: {  	s1 =	rddreg [dreg:$0x1];
	p0 =	sne.s32 s2, $0x0  }
0x3b: {  	s3 =	rddreg [dreg:$0x2];
	[bflag:$0x3] =	sbarrier.arrive $0xFFFF;
	s2 =	simm.s32 @!p0 $0x1C01  }
0x3c: {  	[timem:s3], [sflag:s2] =	dma.local @!p0 [hbm:s0], s1  }
0x3d: {  	s0 =	simm.s32 @!p0 $0x1  }
0x3e: {  	_ =	swait.ge @!p0 [sflag:s0], s1  }
0x3f: {  	s1 =	ssub.s32 @!p0 $0x0, s1;
	[sflag:s0] =	ssyncset.done @!p0 $0x0  }
0x40: {  	[sflag:s0] =	ssyncadd.s32 @!p0 s1  }
0x41: {  	[bflag:$0x3] =	sbarrier.arrive $0xFFFF  }
0x42: {  	_ =	shalt  }

</sc_bundles>
